<compile_context>
chip_gen: v7x
topology: tpu7x:2x2x1
jax: 0.10.2.dev20260603
libtpu: 0.0.44.dev20260713+nightly
codegen_flags: <defaults>
</compile_context>

<pallas_src>
import functools
import jax
import jax.numpy as jnp
from jax import lax
from jax.experimental import pallas as pl
from jax.experimental.pallas import tpu as pltpu
from jax.experimental.pallas import tpu_sc as plsc

N = 10000
E = 320000
H = 128
HEADS = 4
BLK = 1000
GRID = N // BLK

NC = 2
NS = 16
NW = NC * NS
EPT = E // NW
CH = 80
NCHUNK = EPT // CH
RPT = 624
ZROWS = 80
TAIL0 = N - NS * RPT
CP = pltpu.CompilerParams(needs_layout_passes=False)


def _mesh():
    return plsc.VectorSubcoreMesh(core_axis_name="c", subcore_axis_name="s",
                                  num_cores=NC, num_subcores=NS)


def _zero_buf(buf, nrows, width):
    def zrow(i, _):
        for j in range(width // 16):
            buf[i, 16 * j:16 * (j + 1)] = jnp.zeros((16,), jnp.float32)
        return 0
    lax.fori_loop(0, nrows, zrow, 0)


def _zero_acc(s, zbuf, acc, rpc):
    n_full, rem = RPT // rpc, RPT % rpc

    def zcopy(k, _):
        r0 = pl.multiple_of(s * RPT + k * rpc, 8)
        pltpu.sync_copy(zbuf.at[pl.ds(0, rpc), :], acc.at[pl.ds(r0, rpc), :])
        return 0
    lax.fori_loop(0, n_full, zcopy, 0)
    if rem:
        rr = pl.multiple_of(s * RPT + n_full * rpc, 8)
        pltpu.sync_copy(zbuf.at[pl.ds(0, rem), :], acc.at[pl.ds(rr, rem), :])

    @pl.when(s == 0)
    def _():
        pltpu.sync_copy(zbuf.at[pl.ds(0, TAIL0), :],
                        acc.at[pl.ds(NS * RPT, TAIL0), :])


def _write_acc(c, s, acc, out_hbm, rpc):
    n_full, rem = RPT // rpc, RPT % rpc

    def wcopy(k, _):
        r0 = pl.multiple_of(s * RPT + k * rpc, 8)
        pltpu.sync_copy(acc.at[pl.ds(r0, rpc), :],
                        out_hbm.at[c, pl.ds(r0, rpc), :])
        return 0
    lax.fori_loop(0, n_full, wcopy, 0)
    if rem:
        rr = pl.multiple_of(s * RPT + n_full * rpc, 8)
        pltpu.sync_copy(acc.at[pl.ds(rr, rem), :],
                        out_hbm.at[c, pl.ds(rr, rem), :])

    @pl.when(s == 0)
    def _():
        pltpu.sync_copy(acc.at[pl.ds(NS * RPT, TAIL0), :],
                        out_hbm.at[c, pl.ds(NS * RPT, TAIL0), :])


def _sc_agg_body(y_hbm, src3_hbm, dst3_hbm, ew2_hbm, out_hbm,
                 srcb2, dstb2, ewb, rows, acc, sem):
    c = lax.axis_index("c")
    s = lax.axis_index("s")
    wid = c * NS + s

    _zero_buf(rows, CH, H)
    _zero_acc(s, rows, acc, CH)
    pltpu.sync_copy(src3_hbm.at[wid], srcb2)
    pltpu.sync_copy(dst3_hbm.at[wid], dstb2)
    plsc.subcore_barrier()

    def chunk(ci, _):
        b = pl.multiple_of(wid * EPT + ci * CH, 8)
        pltpu.sync_copy(ew2_hbm.at[pl.ds(b, CH)], ewb)
        pltpu.async_copy(y_hbm.at[srcb2.at[ci]], rows, sem).wait()

        def edge(i, _):
            w = plsc.load_gather(ewb, [jnp.full((16,), i, jnp.int32)])
            for j in range(H // 16):
                sl = pl.ds(16 * j, 16)
                rows[i, sl] = rows[i, sl] * w
            return 0
        lax.fori_loop(0, CH, edge, 0)
        pltpu.sync_copy(rows, acc.at[dstb2.at[ci]], add=True)
        return 0
    lax.fori_loop(0, NCHUNK, chunk, 0)

    plsc.subcore_barrier()
    _write_acc(c, s, acc, out_hbm, CH)


def _sc_agg(y, src, dst, ew):
    fn = pl.kernel(
        _sc_agg_body,
        out_type=jax.ShapeDtypeStruct((NC, N, H), jnp.float32),
        mesh=_mesh(), compiler_params=CP,
        scratch_types=[
            pltpu.VMEM((NCHUNK, CH), jnp.int32),
            pltpu.VMEM((NCHUNK, CH), jnp.int32),
            pltpu.VMEM((CH,), jnp.float32),
            pltpu.VMEM((CH, H), jnp.float32),
            pltpu.VMEM_SHARED((N, H), jnp.float32),
            pltpu.SemaphoreType.DMA,
        ],
    )
    return fn(y, src.reshape(NW, NCHUNK, CH), dst.reshape(NW, NCHUNK, CH),
              ew)


def _sc_gat_u_body(asn_hbm, adn_hbm, src_hbm, dst_hbm, cg_hbm, u_hbm,
                   asn_t, adn_t, cgb, srcb, dstb, ub):
    c = lax.axis_index("c")
    s = lax.axis_index("s")
    base = (c * NS + s) * EPT

    pltpu.sync_copy(asn_hbm, asn_t)
    pltpu.sync_copy(adn_hbm, adn_t)
    pltpu.sync_copy(cg_hbm, cgb)

    lane = jnp.arange(16, dtype=jnp.int32)
    eoff = lane // 4
    hoff = lane - eoff * 4
    cgv = cgb[...]

    def chunk(ci, _):
        b = pl.multiple_of(base + ci * CHA, 8)
        pltpu.sync_copy(src_hbm.at[pl.ds(b, CHA)], srcb)
        pltpu.sync_copy(dst_hbm.at[pl.ds(b, CHA)], dstb)

        def group(g, _):
            eidx = g * 4 + eoff
            srcv = plsc.load_gather(srcb, [eidx])
            dstv = plsc.load_gather(dstb, [eidx])
            av = plsc.load_gather(asn_t, [srcv * 4 + hoff])
            dv = plsc.load_gather(adn_t, [dstv * 4 + hoff])
            tt = av + dv
            uu = jnp.exp(jnp.maximum(tt, 0.2 * tt) - cgv)
            ub[pl.ds(pl.multiple_of(g * 16, 8), 16)] = uu
            return 0
        lax.fori_loop(0, CHA // 4, group, 0)
        b4 = pl.multiple_of((base + ci * CHA) * 4, 8)
        pltpu.sync_copy(ub, u_hbm.at[pl.ds(b4, CHA * 4)])
        return 0
    lax.fori_loop(0, EPT // CHA, chunk, 0)


def _sc_gat_u(asn, adn, src, dst, cg):
    fn = pl.kernel(
        _sc_gat_u_body,
        out_type=jax.ShapeDtypeStruct((E * 4,), jnp.float32),
        mesh=_mesh(), compiler_params=CP,
        scratch_types=[
            pltpu.VMEM((N * 4,), jnp.float32),
            pltpu.VMEM((N * 4,), jnp.float32),
            pltpu.VMEM((16,), jnp.float32),
            pltpu.VMEM((CHA,), jnp.int32),
            pltpu.VMEM((CHA,), jnp.int32),
            pltpu.VMEM((CHA * 4,), jnp.float32),
        ],
    )
    return fn(asn, adn, src, dst, cg)


def _sc_dsum_body(u_hbm, dst_hbm, out_hbm, dstb, ub, rows, acc):
    c = lax.axis_index("c")
    s = lax.axis_index("s")
    base = (c * NS + s) * EPT

    _zero_buf(rows, CH, H)
    _zero_acc(s, rows, acc, CH)
    plsc.subcore_barrier()

    lane = jnp.arange(16, dtype=jnp.int32)
    lane4 = jnp.minimum(lane, 3)
    mask4 = (lane < 4).astype(jnp.float32)

    def chunk(ci, _):
        b = pl.multiple_of(base + ci * CH, 8)
        pltpu.sync_copy(dst_hbm.at[pl.ds(b, CH)], dstb)
        b4 = pl.multiple_of((base + ci * CH) * 4, 8)
        pltpu.sync_copy(u_hbm.at[pl.ds(b4, CH * 4)], ub)

        def edge(i, _):
            u16 = plsc.load_gather(ub, [i * 4 + lane4])
            rows[i, 0:16] = u16 * mask4
            return 0
        lax.fori_loop(0, CH, edge, 0)
        pltpu.sync_copy(rows, acc.at[dstb], add=True)
        return 0
    lax.fori_loop(0, NCHUNK, chunk, 0)

    plsc.subcore_barrier()
    _write_acc(c, s, acc, out_hbm, CH)


def _sc_dsum(u, dst):
    fn = pl.kernel(
        _sc_dsum_body,
        out_type=jax.ShapeDtypeStruct((NC, N, H), jnp.float32),
        mesh=_mesh(), compiler_params=CP,
        scratch_types=[
            pltpu.VMEM((CH,), jnp.int32),
            pltpu.VMEM((CH * 4,), jnp.float32),
            pltpu.VMEM((CH, H), jnp.float32),
            pltpu.VMEM_SHARED((N, H), jnp.float32),
        ],
    )
    return fn(u, dst)


CHA = 400


def _sc_att_body(u_hbm, dst_hbm, invd_hbm, att_hbm, invd_t, dstb, ub):
    c = lax.axis_index("c")
    s = lax.axis_index("s")
    base = (c * NS + s) * EPT

    pltpu.sync_copy(invd_hbm, invd_t)
    lane = jnp.arange(16, dtype=jnp.int32)
    eoff = lane // 4
    hoff = lane - eoff * 4

    def chunk(ci, _):
        b = pl.multiple_of(base + ci * CHA, 8)
        pltpu.sync_copy(dst_hbm.at[pl.ds(b, CHA)], dstb)
        b4 = pl.multiple_of((base + ci * CHA) * 4, 8)
        pltpu.sync_copy(u_hbm.at[pl.ds(b4, CHA * 4)], ub)

        def group(g, _):
            eidx = g * 4 + eoff
            dstv = plsc.load_gather(dstb, [eidx])
            iv = plsc.load_gather(invd_t, [dstv * 4 + hoff])
            off = pl.multiple_of(g * 16, 8)
            ub[pl.ds(off, 16)] = ub[pl.ds(off, 16)] * iv
            return 0
        lax.fori_loop(0, CHA // 4, group, 0)
        pltpu.sync_copy(ub, att_hbm.at[pl.ds(b4, CHA * 4)])
        return 0
    lax.fori_loop(0, EPT // CHA, chunk, 0)


def _sc_att(u, dst, invd):
    fn = pl.kernel(
        _sc_att_body,
        out_type=jax.ShapeDtypeStruct((E * 4,), jnp.float32),
        mesh=_mesh(), compiler_params=CP,
        scratch_types=[
            pltpu.VMEM((N * 4,), jnp.float32),
            pltpu.VMEM((CHA,), jnp.int32),
            pltpu.VMEM((CHA * 4,), jnp.float32),
        ],
    )
    return fn(u, dst, invd)


CHV = 40


def _sc_gat_value_body(xwg_hbm, src_hbm, dst_hbm, att_hbm, out_hbm,
                       srcb, dstb, attb, rows, combo, acc, sem):
    c = lax.axis_index("c")
    s = lax.axis_index("s")
    base = (c * NS + s) * EPT

    _zero_buf(combo, CHV, H)
    _zero_acc(s, combo, acc, CHV)
    plsc.subcore_barrier()

    def chunk(ci, _):
        b = pl.multiple_of(base + ci * CHV, 8)
        pltpu.sync_copy(src_hbm.at[pl.ds(b, CHV)], srcb)
        pltpu.sync_copy(dst_hbm.at[pl.ds(b, CHV)], dstb)
        b4 = pl.multiple_of((base + ci * CHV) * 4, 8)
        pltpu.sync_copy(att_hbm.at[pl.ds(b4, CHV * 4)], attb)
        pltpu.async_copy(xwg_hbm.at[srcb], rows, sem).wait()

        def edge(i, _):
            a = [plsc.load_gather(attb, [jnp.full((16,), i * 4 + h, jnp.int32)])
                 for h in range(HEADS)]
            for j in range(H // 16):
                acc16 = a[0] * rows[i, pl.ds(16 * j, 16)]
                for h in range(1, HEADS):
                    acc16 = acc16 + a[h] * rows[i, pl.ds(h * H + 16 * j, 16)]
                combo[i, pl.ds(16 * j, 16)] = acc16
            return 0
        lax.fori_loop(0, CHV, edge, 0)
        pltpu.sync_copy(combo, acc.at[dstb], add=True)
        return 0
    lax.fori_loop(0, EPT // CHV, chunk, 0)

    plsc.subcore_barrier()
    _write_acc(c, s, acc, out_hbm, CHV)


def _sc_gat_value(xwg, src, dst, att):
    fn = pl.kernel(
        _sc_gat_value_body,
        out_type=jax.ShapeDtypeStruct((NC, N, H), jnp.float32),
        mesh=_mesh(), compiler_params=CP,
        scratch_types=[
            pltpu.VMEM((CHV,), jnp.int32),
            pltpu.VMEM((CHV,), jnp.int32),
            pltpu.VMEM((CHV * 4,), jnp.float32),
            pltpu.VMEM((CHV, HEADS * H), jnp.float32),
            pltpu.VMEM((CHV, H), jnp.float32),
            pltpu.VMEM_SHARED((N, H), jnp.float32),
            pltpu.SemaphoreType.DMA,
        ],
    )
    return fn(xwg, src, dst, att)


def _mm_kernel(x_ref, w_ref, b_ref, o_ref, *, act):
    r = jnp.dot(x_ref[...], w_ref[...], preferred_element_type=jnp.float32)
    r = r + b_ref[...]
    o_ref[...] = act(r)


def _mm(x, w, b, act=lambda v: v):
    dout = w.shape[1]
    return pl.pallas_call(
        functools.partial(_mm_kernel, act=act),
        grid=(GRID,),
        in_specs=[
            pl.BlockSpec((BLK, x.shape[1]), lambda i: (i, 0)),
            pl.BlockSpec((w.shape[0], dout), lambda i: (0, 0)),
            pl.BlockSpec((1, dout), lambda i: (0, 0)),
        ],
        out_specs=pl.BlockSpec((BLK, dout), lambda i: (i, 0)),
        out_shape=jax.ShapeDtypeStruct((N, dout), jnp.float32),
    )(x, w, b.reshape(1, dout))


def _mm_scale_kernel(x_ref, w_ref, s_ref, o_ref):
    r = jnp.dot(x_ref[...], w_ref[...], preferred_element_type=jnp.float32)
    o_ref[...] = r * s_ref[...]


def _mm_scale(x, w, s):
    dout = w.shape[1]
    return pl.pallas_call(
        _mm_scale_kernel,
        grid=(GRID,),
        in_specs=[
            pl.BlockSpec((BLK, x.shape[1]), lambda i: (i, 0)),
            pl.BlockSpec((w.shape[0], dout), lambda i: (0, 0)),
            pl.BlockSpec((BLK, 1), lambda i: (i, 0)),
        ],
        out_specs=pl.BlockSpec((BLK, dout), lambda i: (i, 0)),
        out_shape=jax.ShapeDtypeStruct((N, dout), jnp.float32),
    )(x, w, s.reshape(N, 1))


def _gcn_post_kernel(a0_ref, a1_ref, y_ref, s_ref, b_ref, hp_ref, o_ref,
                     *, relu_res):
    r = (a0_ref[0] + a1_ref[0] + y_ref[...]) * s_ref[...] + b_ref[...]
    if relu_res:
        r = jnp.maximum(r, 0.0) + hp_ref[...]
    o_ref[...] = r


def _gcn_post(parts, y, dinv, b, h_prev, relu_res):
    return pl.pallas_call(
        functools.partial(_gcn_post_kernel, relu_res=relu_res),
        grid=(GRID,),
        in_specs=[
            pl.BlockSpec((1, BLK, H), lambda i: (0, i, 0)),
            pl.BlockSpec((1, BLK, H), lambda i: (1, i, 0)),
            pl.BlockSpec((BLK, H), lambda i: (i, 0)),
            pl.BlockSpec((BLK, 1), lambda i: (i, 0)),
            pl.BlockSpec((1, H), lambda i: (0, 0)),
            pl.BlockSpec((BLK, H), lambda i: (i, 0)),
        ],
        out_specs=pl.BlockSpec((BLK, H), lambda i: (i, 0)),
        out_shape=jax.ShapeDtypeStruct((N, H), jnp.float32),
    )(parts, parts, y, dinv.reshape(N, 1), b.reshape(1, H), h_prev)


def _gat_dense_kernel(x_ref, w_ref, as_ref, ad_ref, xw_ref, asn_ref, adn_ref):
    xw = jnp.dot(x_ref[...], w_ref[...], preferred_element_type=jnp.float32)
    xw_ref[...] = xw
    asn_ref[...] = jnp.dot(xw, as_ref[...], preferred_element_type=jnp.float32)
    adn_ref[...] = jnp.dot(xw, ad_ref[...], preferred_element_type=jnp.float32)


def _gat_dense(h3, W_gat, As, Ad):
    return pl.pallas_call(
        _gat_dense_kernel,
        grid=(GRID,),
        in_specs=[
            pl.BlockSpec((BLK, H), lambda i: (i, 0)),
            pl.BlockSpec((H, HEADS * H), lambda i: (0, 0)),
            pl.BlockSpec((HEADS * H, HEADS), lambda i: (0, 0)),
            pl.BlockSpec((HEADS * H, HEADS), lambda i: (0, 0)),
        ],
        out_specs=[
            pl.BlockSpec((BLK, HEADS * H), lambda i: (i, 0)),
            pl.BlockSpec((BLK, HEADS), lambda i: (i, 0)),
            pl.BlockSpec((BLK, HEADS), lambda i: (i, 0)),
        ],
        out_shape=[
            jax.ShapeDtypeStruct((N, HEADS * H), jnp.float32),
            jax.ShapeDtypeStruct((N, HEADS), jnp.float32),
            jax.ShapeDtypeStruct((N, HEADS), jnp.float32),
        ],
    )(h3, W_gat, As, Ad)


def _gat_mid_kernel(d0_ref, d1_ref, asn_ref, adn_ref, cg_ref, xw_ref,
                    invd_ref, st_ref):
    t = asn_ref[...] + adn_ref[...]
    u_self = jnp.exp(jnp.maximum(t, 0.2 * t) - cg_ref[...])
    den = d0_ref[0][:, :HEADS] + d1_ref[0][:, :HEADS] + u_self
    invd = 1.0 / den
    invd_ref[...] = invd
    w = u_self * invd
    xw = xw_ref[...]
    st = w[:, 0:1] * xw[:, 0:H]
    for h in range(1, HEADS):
        st = st + w[:, h:h + 1] * xw[:, h * H:(h + 1) * H]
    st_ref[...] = st


def _gat_mid(dparts, asn, adn, cg, xwg):
    return pl.pallas_call(
        _gat_mid_kernel,
        grid=(GRID,),
        in_specs=[
            pl.BlockSpec((1, BLK, H), lambda i: (0, i, 0)),
            pl.BlockSpec((1, BLK, H), lambda i: (1, i, 0)),
            pl.BlockSpec((BLK, HEADS), lambda i: (i, 0)),
            pl.BlockSpec((BLK, HEADS), lambda i: (i, 0)),
            pl.BlockSpec((1, HEADS), lambda i: (0, 0)),
            pl.BlockSpec((BLK, HEADS * H), lambda i: (i, 0)),
        ],
        out_specs=[
            pl.BlockSpec((BLK, HEADS), lambda i: (i, 0)),
            pl.BlockSpec((BLK, H), lambda i: (i, 0)),
        ],
        out_shape=[
            jax.ShapeDtypeStruct((N, HEADS), jnp.float32),
            jax.ShapeDtypeStruct((N, H), jnp.float32),
        ],
    )(dparts, dparts, asn, adn, cg.reshape(1, HEADS), xwg)


def _gat_final_kernel(h3_ref, p0_ref, p1_ref, st_ref, b_ref, wo_ref, bo_ref,
                      o_ref):
    h_att = ((p0_ref[0] + p1_ref[0] + st_ref[...]) * (1.0 / HEADS)
             + b_ref[...])
    hf = h3_ref[...] + h_att
    o_ref[...] = (jnp.dot(hf, wo_ref[...], preferred_element_type=jnp.float32)
                  + bo_ref[...])


def _gat_final(h3, vparts, st, b_gat, W_out, b_out):
    return pl.pallas_call(
        _gat_final_kernel,
        grid=(GRID,),
        in_specs=[
            pl.BlockSpec((BLK, H), lambda i: (i, 0)),
            pl.BlockSpec((1, BLK, H), lambda i: (0, i, 0)),
            pl.BlockSpec((1, BLK, H), lambda i: (1, i, 0)),
            pl.BlockSpec((BLK, H), lambda i: (i, 0)),
            pl.BlockSpec((1, H), lambda i: (0, 0)),
            pl.BlockSpec((H, 1), lambda i: (0, 0)),
            pl.BlockSpec((1, 1), lambda i: (0, 0)),
        ],
        out_specs=pl.BlockSpec((BLK, 1), lambda i: (i, 0)),
        out_shape=jax.ShapeDtypeStruct((N, 1), jnp.float32),
    )(h3, vparts, vparts, st, b_gat.reshape(1, H), W_out,
      b_out.reshape(1, 1))


def kernel(x, edge_index, edge_weight, W_in, b_in, W_g1, b_g1, W_g2, b_g2,
           W_g3, b_g3, W_gat, att_src, att_dst, b_gat, W_out, b_out):
    src = edge_index[0]
    dst = edge_index[1]
    ew = edge_weight

    ones = jnp.ones((N, H), jnp.float32)
    deg_parts = _sc_agg(ones, src, dst, ew)
    deg = deg_parts[0, :, 0] + deg_parts[1, :, 0] + 1.0
    dinv = lax.rsqrt(deg)

    h0 = _mm(x, W_in, b_in, act=lambda v: jnp.maximum(v, 0.0))

    def gcn(h, W, b, h_prev, relu_res):
        y = _mm_scale(h, W, dinv)
        parts = _sc_agg(y, src, dst, ew)
        return _gcn_post(parts, y, dinv, b, h_prev, relu_res)

    h1 = gcn(h0, W_g1, b_g1, h0, True)
    h2 = gcn(h1, W_g2, b_g2, h1, True)
    h3 = gcn(h2, W_g3, b_g3, h2, False)

    As = (jnp.eye(HEADS, dtype=jnp.float32)[:, None, :]
          * att_src[:, :, None]).reshape(HEADS * H, HEADS)
    Ad = (jnp.eye(HEADS, dtype=jnp.float32)[:, None, :]
          * att_dst[:, :, None]).reshape(HEADS * H, HEADS)
    xwg, asn, adn = _gat_dense(h3, W_gat, As, Ad)

    cg = jax.nn.leaky_relu(jnp.max(asn, axis=0) + jnp.max(adn, axis=0), 0.2)
    cg16 = jnp.tile(cg, 4)

    u = _sc_gat_u(asn.reshape(N * HEADS), adn.reshape(N * HEADS),
                  src, dst, cg16)
    dparts = _sc_dsum(u, dst)
    invd, st = _gat_mid(dparts, asn, adn, cg, xwg)
    att = _sc_att(u, dst, invd.reshape(N * HEADS))
    vparts = _sc_gat_value(xwg, src, dst, att)

    return _gat_final(h3, vparts, st, b_gat, W_out, b_out)

# --- scband reference (transcript-rebuilt; emitter-appended) ---
"""Pipeline reference for scband-graph-dynamics-engine-23656679867700 (READ-ONLY COPY).

The authoritative reference and input builder live on the scoring server;
editing this copy changes nothing except your own understanding.
"""

import jax, jax.numpy as jnp
import numpy as np

N = 10000
E = 320000
D_IN = 128
H = 128
HEADS = 4


def setup_inputs(seed: int = 0) -> dict:
    key = jax.random.key(seed)
    ks = jax.random.split(key, 20)
    s = 0.05
    inp = {}
    inp["x"] = jax.random.normal(ks[0], (N, D_IN), dtype=jnp.float32)
    inp["edge_index"] = jax.random.randint(ks[1], (2, E), 0, N, dtype=jnp.int32)
    inp["edge_weight"] = jax.random.uniform(ks[2], (E,), dtype=jnp.float32)
    inp["W_in"] = jax.random.normal(ks[3], (D_IN, H), dtype=jnp.float32) * s
    inp["b_in"] = jnp.zeros((H,), dtype=jnp.float32)
    inp["W_g1"] = jax.random.normal(ks[4], (H, H), dtype=jnp.float32) * s
    inp["b_g1"] = jnp.zeros((H,), dtype=jnp.float32)
    inp["W_g2"] = jax.random.normal(ks[5], (H, H), dtype=jnp.float32) * s
    inp["b_g2"] = jnp.zeros((H,), dtype=jnp.float32)
    inp["W_g3"] = jax.random.normal(ks[6], (H, H), dtype=jnp.float32) * s
    inp["b_g3"] = jnp.zeros((H,), dtype=jnp.float32)
    inp["W_gat"] = jax.random.normal(ks[7], (H, HEADS * H), dtype=jnp.float32) * s
    inp["att_src"] = jax.random.normal(ks[8], (HEADS, H), dtype=jnp.float32) * s
    inp["att_dst"] = jax.random.normal(ks[9], (HEADS, H), dtype=jnp.float32) * s
    inp["b_gat"] = jnp.zeros((H,), dtype=jnp.float32)
    inp["W_out"] = jax.random.normal(ks[10], (H, 1), dtype=jnp.float32) * s
    inp["b_out"] = jnp.zeros((1,), dtype=jnp.float32)
    return inp


def _gcn_conv(x, src, dst, ew, W, b):
    # PyG GCNConv with add_self_loops=True, symmetric gcn_norm
    xw = x @ W
    loop = jnp.arange(N, dtype=src.dtype)
    s2 = jnp.concatenate([src, loop])
    d2 = jnp.concatenate([dst, loop])
    ew2 = jnp.concatenate([ew, jnp.ones((N,), dtype=x.dtype)])
    deg = jax.ops.segment_sum(ew2, d2, num_segments=N)
    dinv = jnp.where(deg > 0, 1.0 / jnp.sqrt(deg), 0.0)
    norm = dinv[s2] * ew2 * dinv[d2]
    out = jax.ops.segment_sum(xw[s2] * norm[:, None], d2, num_segments=N)
    return out + b


def _gat_conv(x, src, dst, Wg, a_src, a_dst, b):
    # PyG GATConv, heads=HEADS, concat=False (mean over heads), add_self_loops=True
    xw = (x @ Wg).reshape(N, HEADS, H)
    asn = jnp.sum(xw * a_src[None, :, :], axis=-1)  # [N, HEADS]
    adn = jnp.sum(xw * a_dst[None, :, :], axis=-1)
    loop = jnp.arange(N, dtype=src.dtype)
    s2 = jnp.concatenate([src, loop])
    d2 = jnp.concatenate([dst, loop])
    alpha = asn[s2] + adn[d2]  # [E2, HEADS]
    alpha = jax.nn.leaky_relu(alpha, 0.2)
    amax = jax.ops.segment_max(alpha, d2, num_segments=N)
    alpha = jnp.exp(alpha - amax[d2])
    denom = jax.ops.segment_sum(alpha, d2, num_segments=N)
    att = alpha / denom[d2]
    out = jax.ops.segment_sum(xw[s2] * att[:, :, None], d2, num_segments=N)
    return out.mean(axis=1) + b


def reference(x, edge_index, edge_weight, W_in, b_in, W_g1, b_g1, W_g2, b_g2, W_g3, b_g3, W_gat, att_src, att_dst, b_gat, W_out, b_out):
    src = edge_index[0]
    dst = edge_index[1]
    h = jax.nn.relu(x @ W_in + b_in)
    # dropout is identity in eval mode
    for (W, b) in ((W_g1, b_g1), (W_g2, b_g2)):
        h_prev = h
        h = jax.nn.relu(_gcn_conv(h, src, dst, edge_weight, W, b))
        h = h + h_prev
    h = _gcn_conv(h, src, dst, edge_weight, W_g3, b_g3)
    h_att = _gat_conv(h, src, dst, W_gat, att_src, att_dst, b_gat)
    h = h + h_att
    return h @ W_out + b_out

if __name__ == "__main__":
    import jax
    _d = setup_inputs()
    print(jax.jit(kernel)(*tuple(_d.values())))

</pallas_src>

<mosaic_0001>
#map = affine_map<(d0, d1) -> (0, 0)>
#map1 = affine_map<(d0, d1) -> (0, 0, 0)>
#map2 = affine_map<(d0, d1) -> (0)>
module attributes {stable_mosaic.version = 14 : i64} {
  func.func @_sc_agg_body(%arg0: i32, %arg1: i32, %arg2: memref<10000x128xf32, #tpu.memory_space<hbm>>, %arg3: memref<32x125x80xi32, #tpu.memory_space<hbm>>, %arg4: memref<32x125x80xi32, #tpu.memory_space<hbm>>, %arg5: memref<320000xf32, #tpu.memory_space<hbm>>, %arg6: memref<2x10000x128xf32, #tpu.memory_space<hbm>>, %arg7: memref<125x80xi32, #tpu.memory_space<vmem>>, %arg8: memref<125x80xi32, #tpu.memory_space<vmem>>, %arg9: memref<80xf32, #tpu.memory_space<vmem>>, %arg10: memref<80x128xf32, #tpu.memory_space<vmem>>, %arg11: memref<10000x128xf32, #tpu.memory_space<vmem_shared>>, %arg12: memref<!tpu.dma_semaphore, #tpu.memory_space<semaphore_mem>>) attributes {dimension_semantics = [#tpu.dimension_semantics<core_parallel>, #tpu.dimension_semantics<subcore_parallel>], iteration_bounds = array<i64: 2, 16>, scalar_prefetch = 0 : i64, scratch_operands = 6 : i64, tpu.core_type = #tpu.core_type<sc_vector_subcore>, window_params = [{transform_indices = #map}, {transform_indices = #map1}, {transform_indices = #map1}, {transform_indices = #map2}, {transform_indices = #map1}]} {
    %mul3A = arith.constant 16 : i32
    %mul3A_0 = arith.muli %arg0, %mul3A : i32
    %add3A = arith.addi %mul3A_0, %arg1 : i32
    %scan3A = arith.constant 0 : i32
    %scan3A_1 = arith.constant 0 : i32
    %scan3A_2 = arith.constant 80 : i32
    %scan3A_3 = arith.addi %scan3A_1, %scan3A_2 : i32
    %scan3A_4 = arith.constant 1 : i32
    %scan3A_5 = scf.for %scan3A_45 = %scan3A_1 to %scan3A_3 step %scan3A_4 iter_args(%scan3A_46 = %scan3A) -> (i32)  : i32 {
      %broadcast_in_dim3A = arith.constant 0.000000e+00 : f32
      %broadcast_in_dim3A_47 = vector.broadcast %broadcast_in_dim3A : f32 to vector<16xf32>
      %swap3A = arith.index_cast %scan3A_45 : i32 to index
      %swap3A_48 = arith.constant 0 : index
      %swap3A_49 = tpu.vector_load %arg10[%swap3A, %swap3A_48] {strides = array<i32>} : memref<80x128xf32, #tpu.memory_space<vmem>>, vector<16xf32>,
      tpu.vector_store %arg10[%swap3A, %swap3A_48], %broadcast_in_dim3A_47 {strides = array<i32>} : memref<80x128xf32, #tpu.memory_space<vmem>>, vector<16xf32>,
      %broadcast_in_dim3A_50 = arith.constant 0.000000e+00 : f32
      %broadcast_in_dim3A_51 = vector.broadcast %broadcast_in_dim3A_50 : f32 to vector<16xf32>
      %swap3A_52 = arith.index_cast %scan3A_45 : i32 to index
      %swap3A_53 = arith.constant 16 : index
      %swap3A_54 = tpu.vector_load %arg10[%swap3A_52, %swap3A_53] {strides = array<i32>} : memref<80x128xf32, #tpu.memory_space<vmem>>, vector<16xf32>,
      tpu.vector_store %arg10[%swap3A_52, %swap3A_53], %broadcast_in_dim3A_51 {strides = array<i32>} : memref<80x128xf32, #tpu.memory_space<vmem>>, vector<16xf32>,
      %broadcast_in_dim3A_55 = arith.constant 0.000000e+00 : f32
      %broadcast_in_dim3A_56 = vector.broadcast %broadcast_in_dim3A_55 : f32 to vector<16xf32>
      %swap3A_57 = arith.index_cast %scan3A_45 : i32 to index
      %swap3A_58 = arith.constant 32 : index
      %swap3A_59 = tpu.vector_load %arg10[%swap3A_57, %swap3A_58] {strides = array<i32>} : memref<80x128xf32, #tpu.memory_space<vmem>>, vector<16xf32>,
      tpu.vector_store %arg10[%swap3A_57, %swap3A_58], %broadcast_in_dim3A_56 {strides = array<i32>} : memref<80x128xf32, #tpu.memory_space<vmem>>, vector<16xf32>,
      %broadcast_in_dim3A_60 = arith.constant 0.000000e+00 : f32
      %broadcast_in_dim3A_61 = vector.broadcast %broadcast_in_dim3A_60 : f32 to vector<16xf32>
      %swap3A_62 = arith.index_cast %scan3A_45 : i32 to index
      %swap3A_63 = arith.constant 48 : index
      %swap3A_64 = tpu.vector_load %arg10[%swap3A_62, %swap3A_63] {strides = array<i32>} : memref<80x128xf32, #tpu.memory_space<vmem>>, vector<16xf32>,
      tpu.vector_store %arg10[%swap3A_62, %swap3A_63], %broadcast_in_dim3A_61 {strides = array<i32>} : memref<80x128xf32, #tpu.memory_space<vmem>>, vector<16xf32>,
      %broadcast_in_dim3A_65 = arith.constant 0.000000e+00 : f32
      %broadcast_in_dim3A_66 = vector.broadcast %broadcast_in_dim3A_65 : f32 to vector<16xf32>
      %swap3A_67 = arith.index_cast %scan3A_45 : i32 to index
      %swap3A_68 = arith.constant 64 : index
      %swap3A_69 = tpu.vector_load %arg10[%swap3A_67, %swap3A_68] {strides = array<i32>} : memref<80x128xf32, #tpu.memory_space<vmem>>, vector<16xf32>,
      tpu.vector_store %arg10[%swap3A_67, %swap3A_68], %broadcast_in_dim3A_66 {strides = array<i32>} : memref<80x128xf32, #tpu.memory_space<vmem>>, vector<16xf32>,
      %broadcast_in_dim3A_70 = arith.constant 0.000000e+00 : f32
      %broadcast_in_dim3A_71 = vector.broadcast %broadcast_in_dim3A_70 : f32 to vector<16xf32>
      %swap3A_72 = arith.index_cast %scan3A_45 : i32 to index
      %swap3A_73 = arith.constant 80 : index
      %swap3A_74 = tpu.vector_load %arg10[%swap3A_72, %swap3A_73] {strides = array<i32>} : memref<80x128xf32, #tpu.memory_space<vmem>>, vector<16xf32>,
      tpu.vector_store %arg10[%swap3A_72, %swap3A_73], %broadcast_in_dim3A_71 {strides = array<i32>} : memref<80x128xf32, #tpu.memory_space<vmem>>, vector<16xf32>,
      %broadcast_in_dim3A_75 = arith.constant 0.000000e+00 : f32
      %broadcast_in_dim3A_76 = vector.broadcast %broadcast_in_dim3A_75 : f32 to vector<16xf32>
      %swap3A_77 = arith.index_cast %scan3A_45 : i32 to index
      %swap3A_78 = arith.constant 96 : index
      %swap3A_79 = tpu.vector_load %arg10[%swap3A_77, %swap3A_78] {strides = array<i32>} : memref<80x128xf32, #tpu.memory_space<vmem>>, vector<16xf32>,
      tpu.vector_store %arg10[%swap3A_77, %swap3A_78], %broadcast_in_dim3A_76 {strides = array<i32>} : memref<80x128xf32, #tpu.memory_space<vmem>>, vector<16xf32>,
      %broadcast_in_dim3A_80 = arith.constant 0.000000e+00 : f32
      %broadcast_in_dim3A_81 = vector.broadcast %broadcast_in_dim3A_80 : f32 to vector<16xf32>
      %swap3A_82 = arith.index_cast %scan3A_45 : i32 to index
      %swap3A_83 = arith.constant 112 : index
      %swap3A_84 = tpu.vector_load %arg10[%swap3A_82, %swap3A_83] {strides = array<i32>} : memref<80x128xf32, #tpu.memory_space<vmem>>, vector<16xf32>,
      tpu.vector_store %arg10[%swap3A_82, %swap3A_83], %broadcast_in_dim3A_81 {strides = array<i32>} : memref<80x128xf32, #tpu.memory_space<vmem>>, vector<16xf32>,
      %scan3A_85 = arith.constant 0 : i32
      scf.yield %scan3A_85 : i32
    }
    %scan3A_6 = arith.constant 80 : i32
    %scan3A_7 = arith.constant 0 : i32
    %scan3A_8 = arith.constant 0 : i32
    %scan3A_9 = arith.constant 7 : i32
    %scan3A_10 = arith.addi %scan3A_8, %scan3A_9 : i32
    %scan3A_11 = arith.constant 1 : i32
    %scan3A_12 = scf.for %scan3A_45 = %scan3A_8 to %scan3A_10 step %scan3A_11 iter_args(%scan3A_46 = %scan3A_7) -> (i32)  : i32 {
      %mul3A_47 = arith.constant 624 : i32
      %mul3A_48 = arith.muli %arg1, %mul3A_47 : i32
      %mul3A_49 = arith.constant 80 : i32
      %mul3A_50 = arith.muli %scan3A_45, %mul3A_49 : i32
      %add3A_51 = arith.addi %mul3A_48, %mul3A_50 : i32
      %multiple_of3A_52 = tpu.assume_multiple %add3A_51, 8 : i32
      "tpu.region"() ({
        %run_scoped3A = tpu.sem_alloc : memref<!tpu.dma_semaphore, #tpu.memory_space<semaphore_mem>>
        %dma_start3A = arith.constant 0 : i32
        %dma_start3A_54 = arith.constant 0 : i32
        %dma_start3A_55 = tpu.memref_slice %arg10[%dma_start3A, %dma_start3A_54] : memref<80x128xf32, #tpu.memory_space<vmem>> -> memref<80x128xf32, #tpu.memory_space<vmem>>
        %dma_start3A_56 = arith.constant 0 : i32
        %dma_start3A_57 = tpu.memref_slice %arg11[%multiple_of3A_52, %dma_start3A_56] : memref<10000x128xf32, #tpu.memory_space<vmem_shared>> -> memref<80x128xf32, #tpu.memory_space<vmem_shared>>
        %dma_start3A_58 = arith.constant 0 : i32
        %dma_start3A_59 = tpu.memref_slice %arg11[%multiple_of3A_52, %dma_start3A_58] : memref<10000x128xf32, #tpu.memory_space<vmem_shared>> -> memref<80x128xf32, #tpu.memory_space<vmem_shared>>
        %dma_start3A_60 = arith.constant 0 : i32
        %dma_start3A_61 = arith.constant 0 : i32
        %dma_start3A_62 = tpu.memref_slice %arg10[%dma_start3A_60, %dma_start3A_61] : memref<80x128xf32, #tpu.memory_space<vmem>> -> memref<80x128xf32, #tpu.memory_space<vmem>>
        tpu.enqueue_dma source(%dma_start3A_62 : memref<80x128xf32, #tpu.memory_space<vmem>>) target(%dma_start3A_59 : memref<80x128xf32, #tpu.memory_space<vmem_shared>>) target_semaphore(%run_scoped3A : memref<!tpu.dma_semaphore, #tpu.memory_space<semaphore_mem>>)
        %dma_wait3A = arith.constant 0 : i32
        %dma_wait3A_63 = arith.constant 0 : i32
        %dma_wait3A_64 = tpu.memref_slice %arg10[%dma_wait3A, %dma_wait3A_63] : memref<80x128xf32, #tpu.memory_space<vmem>> -> memref<80x128xf32, #tpu.memory_space<vmem>>
        %dma_wait3A_65 = arith.constant 0 : i32
        %dma_wait3A_66 = tpu.memref_slice %arg11[%multiple_of3A_52, %dma_wait3A_65] : memref<10000x128xf32, #tpu.memory_space<vmem_shared>> -> memref<80x128xf32, #tpu.memory_space<vmem_shared>>
        %dma_wait3A_67 = arith.constant 0 : i32
        %dma_wait3A_68 = tpu.memref_slice %arg11[%multiple_of3A_52, %dma_wait3A_67] : memref<10000x128xf32, #tpu.memory_space<vmem_shared>> -> memref<80x128xf32, #tpu.memory_space<vmem_shared>>
        %dma_wait3A_69 = arith.constant 0 : i32
        %dma_wait3A_70 = arith.constant 0 : i32
        %dma_wait3A_71 = tpu.memref_slice %arg10[%dma_wait3A_69, %dma_wait3A_70] : memref<80x128xf32, #tpu.memory_space<vmem>> -> memref<80x128xf32, #tpu.memory_space<vmem>>
        tpu.wait_dma2 semaphore(%run_scoped3A : memref<!tpu.dma_semaphore, #tpu.memory_space<semaphore_mem>>) src(%dma_wait3A_71 : memref<80x128xf32, #tpu.memory_space<vmem>>) dst(%dma_wait3A_68 : memref<80x128xf32, #tpu.memory_space<vmem_shared>>)
        tpu.yield
      }) : () -> ()
      %scan3A_53 = arith.constant 0 : i32
      scf.yield %scan3A_53 : i32
    }
    %scan3A_13 = arith.constant 7 : i32
    %mul3A_14 = arith.constant 624 : i32
    %mul3A_15 = arith.muli %arg1, %mul3A_14 : i32
    %add3A_16 = arith.constant 560 : i32
    %add3A_17 = arith.addi %mul3A_15, %add3A_16 : i32
    %multiple_of3A = tpu.assume_multiple %add3A_17, 8 : i32
    "tpu.region"() ({
      %run_scoped3A = tpu.sem_alloc : memref<!tpu.dma_semaphore, #tpu.memory_space<semaphore_mem>>
      %dma_start3A = arith.constant 0 : i32
      %dma_start3A_45 = arith.constant 0 : i32
      %dma_start3A_46 = tpu.memref_slice %arg10[%dma_start3A, %dma_start3A_45] : memref<80x128xf32, #tpu.memory_space<vmem>> -> memref<64x128xf32, #tpu.memory_space<vmem>>
      %dma_start3A_47 = arith.constant 0 : i32
      %dma_start3A_48 = tpu.memref_slice %arg11[%multiple_of3A, %dma_start3A_47] : memref<10000x128xf32, #tpu.memory_space<vmem_shared>> -> memref<64x128xf32, #tpu.memory_space<vmem_shared>>
      %dma_start3A_49 = arith.constant 0 : i32
      %dma_start3A_50 = tpu.memref_slice %arg11[%multiple_of3A, %dma_start3A_49] : memref<10000x128xf32, #tpu.memory_space<vmem_shared>> -> memref<64x128xf32, #tpu.memory_space<vmem_shared>>
      %dma_start3A_51 = arith.constant 0 : i32
      %dma_start3A_52 = arith.constant 0 : i32
      %dma_start3A_53 = tpu.memref_slice %arg10[%dma_start3A_51, %dma_start3A_52] : memref<80x128xf32, #tpu.memory_space<vmem>> -> memref<64x128xf32, #tpu.memory_space<vmem>>
      tpu.enqueue_dma source(%dma_start3A_53 : memref<64x128xf32, #tpu.memory_space<vmem>>) target(%dma_start3A_50 : memref<64x128xf32, #tpu.memory_space<vmem_shared>>) target_semaphore(%run_scoped3A : memref<!tpu.dma_semaphore, #tpu.memory_space<semaphore_mem>>)
      %dma_wait3A = arith.constant 0 : i32
      %dma_wait3A_54 = arith.constant 0 : i32
      %dma_wait3A_55 = tpu.memref_slice %arg10[%dma_wait3A, %dma_wait3A_54] : memref<80x128xf32, #tpu.memory_space<vmem>> -> memref<64x128xf32, #tpu.memory_space<vmem>>
      %dma_wait3A_56 = arith.constant 0 : i32
      %dma_wait3A_57 = tpu.memref_slice %arg11[%multiple_of3A, %dma_wait3A_56] : memref<10000x128xf32, #tpu.memory_space<vmem_shared>> -> memref<64x128xf32, #tpu.memory_space<vmem_shared>>
      %dma_wait3A_58 = arith.constant 0 : i32
      %dma_wait3A_59 = tpu.memref_slice %arg11[%multiple_of3A, %dma_wait3A_58] : memref<10000x128xf32, #tpu.memory_space<vmem_shared>> -> memref<64x128xf32, #tpu.memory_space<vmem_shared>>
      %dma_wait3A_60 = arith.constant 0 : i32
      %dma_wait3A_61 = arith.constant 0 : i32
      %dma_wait3A_62 = tpu.memref_slice %arg10[%dma_wait3A_60, %dma_wait3A_61] : memref<80x128xf32, #tpu.memory_space<vmem>> -> memref<64x128xf32, #tpu.memory_space<vmem>>
      tpu.wait_dma2 semaphore(%run_scoped3A : memref<!tpu.dma_semaphore, #tpu.memory_space<semaphore_mem>>) src(%dma_wait3A_62 : memref<64x128xf32, #tpu.memory_space<vmem>>) dst(%dma_wait3A_59 : memref<64x128xf32, #tpu.memory_space<vmem_shared>>)
      tpu.yield
    }) : () -> ()
    %eq3A = arith.constant 0 : i32
    %eq3A_18 = arith.cmpi eq, %arg1, %eq3A : i32
    %convert_element_type3A = arith.extui %eq3A_18 : i1 to i32
    %cond3A = arith.constant 0 : i32
    %cond3A_19 = arith.cmpi ne, %convert_element_type3A, %cond3A : i32
    scf.if %cond3A_19 {
      "tpu.region"() ({
        %run_scoped3A = tpu.sem_alloc : memref<!tpu.dma_semaphore, #tpu.memory_space<semaphore_mem>>
        %dma_start3A = arith.constant 0 : i32
        %dma_start3A_45 = arith.constant 0 : i32
        %dma_start3A_46 = tpu.memref_slice %arg10[%dma_start3A, %dma_start3A_45] : memref<80x128xf32, #tpu.memory_space<vmem>> -> memref<16x128xf32, #tpu.memory_space<vmem>>
        %dma_start3A_47 = arith.constant 9984 : i32
        %dma_start3A_48 = arith.constant 0 : i32
        %dma_start3A_49 = tpu.memref_slice %arg11[%dma_start3A_47, %dma_start3A_48] : memref<10000x128xf32, #tpu.memory_space<vmem_shared>> -> memref<16x128xf32, #tpu.memory_space<vmem_shared>>
        %dma_start3A_50 = arith.constant 9984 : i32
        %dma_start3A_51 = arith.constant 0 : i32
        %dma_start3A_52 = tpu.memref_slice %arg11[%dma_start3A_50, %dma_start3A_51] : memref<10000x128xf32, #tpu.memory_space<vmem_shared>> -> memref<16x128xf32, #tpu.memory_space<vmem_shared>>
        %dma_start3A_53 = arith.constant 0 : i32
        %dma_start3A_54 = arith.constant 0 : i32
        %dma_start3A_55 = tpu.memref_slice %arg10[%dma_start3A_53, %dma_start3A_54] : memref<80x128xf32, #tpu.memory_space<vmem>> -> memref<16x128xf32, #tpu.memory_space<vmem>>
        tpu.enqueue_dma source(%dma_start3A_55 : memref<16x128xf32, #tpu.memory_space<vmem>>) target(%dma_start3A_52 : memref<16x128xf32, #tpu.memory_space<vmem_shared>>) target_semaphore(%run_scoped3A : memref<!tpu.dma_semaphore, #tpu.memory_space<semaphore_mem>>)
        %dma_wait3A = arith.constant 0 : i32
        %dma_wait3A_56 = arith.constant 0 : i32
        %dma_wait3A_57 = tpu.memref_slice %arg10[%dma_wait3A, %dma_wait3A_56] : memref<80x128xf32, #tpu.memory_space<vmem>> -> memref<16x128xf32, #tpu.memory_space<vmem>>
        %dma_wait3A_58 = arith.constant 9984 : i32
        %dma_wait3A_59 = arith.constant 0 : i32
        %dma_wait3A_60 = tpu.memref_slice %arg11[%dma_wait3A_58, %dma_wait3A_59] : memref<10000x128xf32, #tpu.memory_space<vmem_shared>> -> memref<16x128xf32, #tpu.memory_space<vmem_shared>>
        %dma_wait3A_61 = arith.constant 9984 : i32
        %dma_wait3A_62 = arith.constant 0 : i32
        %dma_wait3A_63 = tpu.memref_slice %arg11[%dma_wait3A_61, %dma_wait3A_62] : memref<10000x128xf32, #tpu.memory_space<vmem_shared>> -> memref<16x128xf32, #tpu.memory_space<vmem_shared>>
        %dma_wait3A_64 = arith.constant 0 : i32
        %dma_wait3A_65 = arith.constant 0 : i32
        %dma_wait3A_66 = tpu.memref_slice %arg10[%dma_wait3A_64, %dma_wait3A_65] : memref<80x128xf32, #tpu.memory_space<vmem>> -> memref<16x128xf32, #tpu.memory_space<vmem>>
        tpu.wait_dma2 semaphore(%run_scoped3A : memref<!tpu.dma_semaphore, #tpu.memory_space<semaphore_mem>>) src(%dma_wait3A_66 : memref<16x128xf32, #tpu.memory_space<vmem>>) dst(%dma_wait3A_63 : memref<16x128xf32, #tpu.memory_space<vmem_shared>>)
        tpu.yield
      }) : () -> ()
    } else {
    }
    "tpu.region"() ({
      %run_scoped3A = tpu.sem_alloc : memref<!tpu.dma_semaphore, #tpu.memory_space<semaphore_mem>>
      %dma_start3A = arith.constant 0 : i32
      %dma_start3A_45 = arith.constant 0 : i32
      %dma_start3A_46 = tpu.memref_slice %arg3[%add3A, %dma_start3A, %dma_start3A_45] : memref<32x125x80xi32, #tpu.memory_space<hbm>> -> memref<1x125x80xi32, #tpu.memory_space<hbm>>
      %dma_start3A_47 = tpu.memref_squeeze %dma_start3A_46 : memref<1x125x80xi32, #tpu.memory_space<hbm>> -> memref<125x80xi32, #tpu.memory_space<hbm>>
      %dma_start3A_48 = arith.constant 0 : i32
      %dma_start3A_49 = arith.constant 0 : i32
      %dma_start3A_50 = tpu.memref_slice %arg3[%add3A, %dma_start3A_48, %dma_start3A_49] : memref<32x125x80xi32, #tpu.memory_space<hbm>> -> memref<1x125x80xi32, #tpu.memory_space<hbm>>
      %dma_start3A_51 = tpu.memref_squeeze %dma_start3A_50 : memref<1x125x80xi32, #tpu.memory_space<hbm>> -> memref<125x80xi32, #tpu.memory_space<hbm>>
      tpu.enqueue_dma source(%dma_start3A_51 : memref<125x80xi32, #tpu.memory_space<hbm>>) target(%arg7 : memref<125x80xi32, #tpu.memory_space<vmem>>) target_semaphore(%run_scoped3A : memref<!tpu.dma_semaphore, #tpu.memory_space<semaphore_mem>>)
      %dma_wait3A = arith.constant 0 : i32
      %dma_wait3A_52 = arith.constant 0 : i32
      %dma_wait3A_53 = tpu.memref_slice %arg3[%add3A, %dma_wait3A, %dma_wait3A_52] : memref<32x125x80xi32, #tpu.memory_space<hbm>> -> memref<1x125x80xi32, #tpu.memory_space<hbm>>
      %dma_wait3A_54 = tpu.memref_squeeze %dma_wait3A_53 : memref<1x125x80xi32, #tpu.memory_space<hbm>> -> memref<125x80xi32, #tpu.memory_space<hbm>>
      %dma_wait3A_55 = arith.constant 0 : i32
      %dma_wait3A_56 = arith.constant 0 : i32
      %dma_wait3A_57 = tpu.memref_slice %arg3[%add3A, %dma_wait3A_55, %dma_wait3A_56] : memref<32x125x80xi32, #tpu.memory_space<hbm>> -> memref<1x125x80xi32, #tpu.memory_space<hbm>>
      %dma_wait3A_58 = tpu.memref_squeeze %dma_wait3A_57 : memref<1x125x80xi32, #tpu.memory_space<hbm>> -> memref<125x80xi32, #tpu.memory_space<hbm>>
      tpu.wait_dma2 semaphore(%run_scoped3A : memref<!tpu.dma_semaphore, #tpu.memory_space<semaphore_mem>>) src(%dma_wait3A_58 : memref<125x80xi32, #tpu.memory_space<hbm>>) dst(%arg7 : memref<125x80xi32, #tpu.memory_space<vmem>>)
      tpu.yield
    }) : () -> ()
    "tpu.region"() ({
      %run_scoped3A = tpu.sem_alloc : memref<!tpu.dma_semaphore, #tpu.memory_space<semaphore_mem>>
      %dma_start3A = arith.constant 0 : i32
      %dma_start3A_45 = arith.constant 0 : i32
      %dma_start3A_46 = tpu.memref_slice %arg4[%add3A, %dma_start3A, %dma_start3A_45] : memref<32x125x80xi32, #tpu.memory_space<hbm>> -> memref<1x125x80xi32, #tpu.memory_space<hbm>>
      %dma_start3A_47 = tpu.memref_squeeze %dma_start3A_46 : memref<1x125x80xi32, #tpu.memory_space<hbm>> -> memref<125x80xi32, #tpu.memory_space<hbm>>
      %dma_start3A_48 = arith.constant 0 : i32
      %dma_start3A_49 = arith.constant 0 : i32
      %dma_start3A_50 = tpu.memref_slice %arg4[%add3A, %dma_start3A_48, %dma_start3A_49] : memref<32x125x80xi32, #tpu.memory_space<hbm>> -> memref<1x125x80xi32, #tpu.memory_space<hbm>>
      %dma_start3A_51 = tpu.memref_squeeze %dma_start3A_50 : memref<1x125x80xi32, #tpu.memory_space<hbm>> -> memref<125x80xi32, #tpu.memory_space<hbm>>
      tpu.enqueue_dma source(%dma_start3A_51 : memref<125x80xi32, #tpu.memory_space<hbm>>) target(%arg8 : memref<125x80xi32, #tpu.memory_space<vmem>>) target_semaphore(%run_scoped3A : memref<!tpu.dma_semaphore, #tpu.memory_space<semaphore_mem>>)
      %dma_wait3A = arith.constant 0 : i32
      %dma_wait3A_52 = arith.constant 0 : i32
      %dma_wait3A_53 = tpu.memref_slice %arg4[%add3A, %dma_wait3A, %dma_wait3A_52] : memref<32x125x80xi32, #tpu.memory_space<hbm>> -> memref<1x125x80xi32, #tpu.memory_space<hbm>>
      %dma_wait3A_54 = tpu.memref_squeeze %dma_wait3A_53 : memref<1x125x80xi32, #tpu.memory_space<hbm>> -> memref<125x80xi32, #tpu.memory_space<hbm>>
      %dma_wait3A_55 = arith.constant 0 : i32
      %dma_wait3A_56 = arith.constant 0 : i32
      %dma_wait3A_57 = tpu.memref_slice %arg4[%add3A, %dma_wait3A_55, %dma_wait3A_56] : memref<32x125x80xi32, #tpu.memory_space<hbm>> -> memref<1x125x80xi32, #tpu.memory_space<hbm>>
      %dma_wait3A_58 = tpu.memref_squeeze %dma_wait3A_57 : memref<1x125x80xi32, #tpu.memory_space<hbm>> -> memref<125x80xi32, #tpu.memory_space<hbm>>
      tpu.wait_dma2 semaphore(%run_scoped3A : memref<!tpu.dma_semaphore, #tpu.memory_space<semaphore_mem>>) src(%dma_wait3A_58 : memref<125x80xi32, #tpu.memory_space<hbm>>) dst(%arg8 : memref<125x80xi32, #tpu.memory_space<vmem>>)
      tpu.yield
    }) : () -> ()
    %barrier3A = arith.constant 0 : index
    tpu.barrier barrier_id(%barrier3A)
    %scan3A_20 = arith.constant 0 : i32
    %scan3A_21 = arith.constant 0 : i32
    %scan3A_22 = arith.constant 125 : i32
    %scan3A_23 = arith.addi %scan3A_21, %scan3A_22 : i32
    %scan3A_24 = arith.constant 1 : i32
    %scan3A_25 = scf.for %scan3A_45 = %scan3A_21 to %scan3A_23 step %scan3A_24 iter_args(%scan3A_46 = %scan3A_20) -> (i32)  : i32 {
      %mul3A_47 = arith.constant 10000 : i32
      %mul3A_48 = arith.muli %add3A, %mul3A_47 : i32
      %mul3A_49 = arith.constant 80 : i32
      %mul3A_50 = arith.muli %scan3A_45, %mul3A_49 : i32
      %add3A_51 = arith.addi %mul3A_48, %mul3A_50 : i32
      %multiple_of3A_52 = tpu.assume_multiple %add3A_51, 8 : i32
      "tpu.region"() ({
        %run_scoped3A = tpu.sem_alloc : memref<!tpu.dma_semaphore, #tpu.memory_space<semaphore_mem>>
        %dma_start3A_71 = tpu.memref_slice %arg5[%multiple_of3A_52] : memref<320000xf32, #tpu.memory_space<hbm>> -> memref<80xf32, #tpu.memory_space<hbm>>
        %dma_start3A_72 = tpu.memref_slice %arg5[%multiple_of3A_52] : memref<320000xf32, #tpu.memory_space<hbm>> -> memref<80xf32, #tpu.memory_space<hbm>>
        tpu.enqueue_dma source(%dma_start3A_72 : memref<80xf32, #tpu.memory_space<hbm>>) target(%arg9 : memref<80xf32, #tpu.memory_space<vmem>>) target_semaphore(%run_scoped3A : memref<!tpu.dma_semaphore, #tpu.memory_space<semaphore_mem>>)
        %dma_wait3A_73 = tpu.memref_slice %arg5[%multiple_of3A_52] : memref<320000xf32, #tpu.memory_space<hbm>> -> memref<80xf32, #tpu.memory_space<hbm>>
        %dma_wait3A_74 = tpu.memref_slice %arg5[%multiple_of3A_52] : memref<320000xf32, #tpu.memory_space<hbm>> -> memref<80xf32, #tpu.memory_space<hbm>>
        tpu.wait_dma2 semaphore(%run_scoped3A : memref<!tpu.dma_semaphore, #tpu.memory_space<semaphore_mem>>) src(%dma_wait3A_74 : memref<80xf32, #tpu.memory_space<hbm>>) dst(%arg9 : memref<80xf32, #tpu.memory_space<vmem>>)
        tpu.yield
      }) : () -> ()
      %dma_start3A = arith.constant 0 : i32
      %dma_start3A_53 = tpu.memref_slice %arg7[%scan3A_45, %dma_start3A] : memref<125x80xi32, #tpu.memory_space<vmem>> -> memref<1x80xi32, #tpu.memory_space<vmem>>
      %dma_start3A_54 = tpu.memref_squeeze %dma_start3A_53 : memref<1x80xi32, #tpu.memory_space<vmem>> -> memref<80xi32, #tpu.memory_space<vmem>>
      %dma_start3A_55 = arith.constant 0 : i32
      %dma_start3A_56 = arith.constant 0 : i32
      %dma_start3A_57 = tpu.memref_slice %arg2[%dma_start3A_55, %dma_start3A_56] : memref<10000x128xf32, #tpu.memory_space<hbm>> -> memref<10000x128xf32, #tpu.memory_space<hbm>>
      tpu.enqueue_indirect_dma source(%dma_start3A_57 : memref<10000x128xf32, #tpu.memory_space<hbm>>) target(%arg10 : memref<80x128xf32, #tpu.memory_space<vmem>>) offsets(%dma_start3A_54 : memref<80xi32, #tpu.memory_space<vmem>>) semaphore(%arg12 : memref<!tpu.dma_semaphore, #tpu.memory_space<semaphore_mem>>)
      %dma_wait3A = arith.constant 0 : i32
      %dma_wait3A_58 = tpu.memref_slice %arg7[%scan3A_45, %dma_wait3A] : memref<125x80xi32, #tpu.memory_space<vmem>> -> memref<1x80xi32, #tpu.memory_space<vmem>>
      %dma_wait3A_59 = tpu.memref_squeeze %dma_wait3A_58 : memref<1x80xi32, #tpu.memory_space<vmem>> -> memref<80xi32, #tpu.memory_space<vmem>>
      %dma_wait3A_60 = arith.constant 0 : i32
      %dma_wait3A_61 = arith.constant 0 : i32
      %dma_wait3A_62 = tpu.memref_slice %arg2[%dma_wait3A_60, %dma_wait3A_61] : memref<10000x128xf32, #tpu.memory_space<hbm>> -> memref<10000x128xf32, #tpu.memory_space<hbm>>
      tpu.wait_indirect_dma semaphore(%arg12 : memref<!tpu.dma_semaphore, #tpu.memory_space<semaphore_mem>>) src(%dma_wait3A_62 : memref<10000x128xf32, #tpu.memory_space<hbm>>) dst(%arg10 : memref<80x128xf32, #tpu.memory_space<vmem>>)
      %scan3A_63 = arith.constant 0 : i32
      %scan3A_64 = arith.constant 0 : i32
      %scan3A_65 = arith.constant 80 : i32
      %scan3A_66 = arith.addi %scan3A_64, %scan3A_65 : i32
      %scan3A_67 = arith.constant 1 : i32
      %scan3A_68 = scf.for %scan3A_71 = %scan3A_64 to %scan3A_66 step %scan3A_67 iter_args(%scan3A_72 = %scan3A_63) -> (i32)  : i32 {
        %broadcast_in_dim3A = vector.broadcast %scan3A_71 : i32 to vector<16xi32>
        %gather3A = tpu.vector_load_idx %arg9[%broadcast_in_dim3A] : memref<80xf32, #tpu.memory_space<vmem>>[vector<16xi32>], vector<16xf32>,
        %get3A = arith.index_cast %scan3A_71 : i32 to index
        %get3A_73 = arith.constant 0 : index
        %get3A_74 = tpu.vector_load %arg10[%get3A, %get3A_73] {strides = array<i32>} : memref<80x128xf32, #tpu.memory_space<vmem>>, vector<16xf32>,
        %mul3A_75 = arith.mulf %get3A_74, %gather3A : vector<16xf32>
        %swap3A = arith.index_cast %scan3A_71 : i32 to index
        %swap3A_76 = arith.constant 0 : index
        %swap3A_77 = tpu.vector_load %arg10[%swap3A, %swap3A_76] {strides = array<i32>} : memref<80x128xf32, #tpu.memory_space<vmem>>, vector<16xf32>,
        tpu.vector_store %arg10[%swap3A, %swap3A_76], %mul3A_75 {strides = array<i32>} : memref<80x128xf32, #tpu.memory_space<vmem>>, vector<16xf32>,
        %get3A_78 = arith.index_cast %scan3A_71 : i32 to index
        %get3A_79 = arith.constant 16 : index
        %get3A_80 = tpu.vector_load %arg10[%get3A_78, %get3A_79] {strides = array<i32>} : memref<80x128xf32, #tpu.memory_space<vmem>>, vector<16xf32>,
        %mul3A_81 = arith.mulf %get3A_80, %gather3A : vector<16xf32>
        %swap3A_82 = arith.index_cast %scan3A_71 : i32 to index
        %swap3A_83 = arith.constant 16 : index
        %swap3A_84 = tpu.vector_load %arg10[%swap3A_82, %swap3A_83] {strides = array<i32>} : memref<80x128xf32, #tpu.memory_space<vmem>>, vector<16xf32>,
        tpu.vector_store %arg10[%swap3A_82, %swap3A_83], %mul3A_81 {strides = array<i32>} : memref<80x128xf32, #tpu.memory_space<vmem>>, vector<16xf32>,
        %get3A_85 = arith.index_cast %scan3A_71 : i32 to index
        %get3A_86 = arith.constant 32 : index
        %get3A_87 = tpu.vector_load %arg10[%get3A_85, %get3A_86] {strides = array<i32>} : memref<80x128xf32, #tpu.memory_space<vmem>>, vector<16xf32>,
        %mul3A_88 = arith.mulf %get3A_87, %gather3A : vector<16xf32>
        %swap3A_89 = arith.index_cast %scan3A_71 : i32 to index
        %swap3A_90 = arith.constant 32 : index
        %swap3A_91 = tpu.vector_load %arg10[%swap3A_89, %swap3A_90] {strides = array<i32>} : memref<80x128xf32, #tpu.memory_space<vmem>>, vector<16xf32>,
        tpu.vector_store %arg10[%swap3A_89, %swap3A_90], %mul3A_88 {strides = array<i32>} : memref<80x128xf32, #tpu.memory_space<vmem>>, vector<16xf32>,
        %get3A_92 = arith.index_cast %scan3A_71 : i32 to index
        %get3A_93 = arith.constant 48 : index
        %get3A_94 = tpu.vector_load %arg10[%get3A_92, %get3A_93] {strides = array<i32>} : memref<80x128xf32, #tpu.memory_space<vmem>>, vector<16xf32>,
        %mul3A_95 = arith.mulf %get3A_94, %gather3A : vector<16xf32>
        %swap3A_96 = arith.index_cast %scan3A_71 : i32 to index
        %swap3A_97 = arith.constant 48 : index
        %swap3A_98 = tpu.vector_load %arg10[%swap3A_96, %swap3A_97] {strides = array<i32>} : memref<80x128xf32, #tpu.memory_space<vmem>>, vector<16xf32>,
        tpu.vector_store %arg10[%swap3A_96, %swap3A_97], %mul3A_95 {strides = array<i32>} : memref<80x128xf32, #tpu.memory_space<vmem>>, vector<16xf32>,
        %get3A_99 = arith.index_cast %scan3A_71 : i32 to index
        %get3A_100 = arith.constant 64 : index
        %get3A_101 = tpu.vector_load %arg10[%get3A_99, %get3A_100] {strides = array<i32>} : memref<80x128xf32, #tpu.memory_space<vmem>>, vector<16xf32>,
        %mul3A_102 = arith.mulf %get3A_101, %gather3A : vector<16xf32>
        %swap3A_103 = arith.index_cast %scan3A_71 : i32 to index
        %swap3A_104 = arith.constant 64 : index
        %swap3A_105 = tpu.vector_load %arg10[%swap3A_103, %swap3A_104] {strides = array<i32>} : memref<80x128xf32, #tpu.memory_space<vmem>>, vector<16xf32>,
        tpu.vector_store %arg10[%swap3A_103, %swap3A_104], %mul3A_102 {strides = array<i32>} : memref<80x128xf32, #tpu.memory_space<vmem>>, vector<16xf32>,
        %get3A_106 = arith.index_cast %scan3A_71 : i32 to index
        %get3A_107 = arith.constant 80 : index
        %get3A_108 = tpu.vector_load %arg10[%get3A_106, %get3A_107] {strides = array<i32>} : memref<80x128xf32, #tpu.memory_space<vmem>>, vector<16xf32>,
        %mul3A_109 = arith.mulf %get3A_108, %gather3A : vector<16xf32>
        %swap3A_110 = arith.index_cast %scan3A_71 : i32 to index
        %swap3A_111 = arith.constant 80 : index
        %swap3A_112 = tpu.vector_load %arg10[%swap3A_110, %swap3A_111] {strides = array<i32>} : memref<80x128xf32, #tpu.memory_space<vmem>>, vector<16xf32>,
        tpu.vector_store %arg10[%swap3A_110, %swap3A_111], %mul3A_109 {strides = array<i32>} : memref<80x128xf32, #tpu.memory_space<vmem>>, vector<16xf32>,
        %get3A_113 = arith.index_cast %scan3A_71 : i32 to index
        %get3A_114 = arith.constant 96 : index
        %get3A_115 = tpu.vector_load %arg10[%get3A_113, %get3A_114] {strides = array<i32>} : memref<80x128xf32, #tpu.memory_space<vmem>>, vector<16xf32>,
        %mul3A_116 = arith.mulf %get3A_115, %gather3A : vector<16xf32>
        %swap3A_117 = arith.index_cast %scan3A_71 : i32 to index
        %swap3A_118 = arith.constant 96 : index
        %swap3A_119 = tpu.vector_load %arg10[%swap3A_117, %swap3A_118] {strides = array<i32>} : memref<80x128xf32, #tpu.memory_space<vmem>>, vector<16xf32>,
        tpu.vector_store %arg10[%swap3A_117, %swap3A_118], %mul3A_116 {strides = array<i32>} : memref<80x128xf32, #tpu.memory_space<vmem>>, vector<16xf32>,
        %get3A_120 = arith.index_cast %scan3A_71 : i32 to index
        %get3A_121 = arith.constant 112 : index
        %get3A_122 = tpu.vector_load %arg10[%get3A_120, %get3A_121] {strides = array<i32>} : memref<80x128xf32, #tpu.memory_space<vmem>>, vector<16xf32>,
        %mul3A_123 = arith.mulf %get3A_122, %gather3A : vector<16xf32>
        %swap3A_124 = arith.index_cast %scan3A_71 : i32 to index
        %swap3A_125 = arith.constant 112 : index
        %swap3A_126 = tpu.vector_load %arg10[%swap3A_124, %swap3A_125] {strides = array<i32>} : memref<80x128xf32, #tpu.memory_space<vmem>>, vector<16xf32>,
        tpu.vector_store %arg10[%swap3A_124, %swap3A_125], %mul3A_123 {strides = array<i32>} : memref<80x128xf32, #tpu.memory_space<vmem>>, vector<16xf32>,
        %scan3A_127 = arith.constant 0 : i32
        scf.yield %scan3A_127 : i32
      }
      %scan3A_69 = arith.constant 80 : i32
      "tpu.region"() ({
        %run_scoped3A = tpu.sem_alloc : memref<!tpu.dma_semaphore, #tpu.memory_space<semaphore_mem>>
        %dma_start3A_71 = arith.constant 0 : i32
        %dma_start3A_72 = tpu.memref_slice %arg8[%scan3A_45, %dma_start3A_71] : memref<125x80xi32, #tpu.memory_space<vmem>> -> memref<1x80xi32, #tpu.memory_space<vmem>>
        %dma_start3A_73 = tpu.memref_squeeze %dma_start3A_72 : memref<1x80xi32, #tpu.memory_space<vmem>> -> memref<80xi32, #tpu.memory_space<vmem>>
        %dma_start3A_74 = arith.constant 0 : i32
        %dma_start3A_75 = arith.constant 0 : i32
        %dma_start3A_76 = tpu.memref_slice %arg11[%dma_start3A_74, %dma_start3A_75] : memref<10000x128xf32, #tpu.memory_space<vmem_shared>> -> memref<10000x128xf32, #tpu.memory_space<vmem_shared>>
        tpu.enqueue_indirect_dma source(%arg10 : memref<80x128xf32, #tpu.memory_space<vmem>>) target(%dma_start3A_76 : memref<10000x128xf32, #tpu.memory_space<vmem_shared>>) offsets(%dma_start3A_73 : memref<80xi32, #tpu.memory_space<vmem>>) semaphore(%run_scoped3A : memref<!tpu.dma_semaphore, #tpu.memory_space<semaphore_mem>>) {add = true}
        %dma_wait3A_77 = arith.constant 0 : i32
        %dma_wait3A_78 = tpu.memref_slice %arg8[%scan3A_45, %dma_wait3A_77] : memref<125x80xi32, #tpu.memory_space<vmem>> -> memref<1x80xi32, #tpu.memory_space<vmem>>
        %dma_wait3A_79 = tpu.memref_squeeze %dma_wait3A_78 : memref<1x80xi32, #tpu.memory_space<vmem>> -> memref<80xi32, #tpu.memory_space<vmem>>
        %dma_wait3A_80 = arith.constant 0 : i32
        %dma_wait3A_81 = arith.constant 0 : i32
        %dma_wait3A_82 = tpu.memref_slice %arg11[%dma_wait3A_80, %dma_wait3A_81] : memref<10000x128xf32, #tpu.memory_space<vmem_shared>> -> memref<10000x128xf32, #tpu.memory_space<vmem_shared>>
        tpu.wait_indirect_dma semaphore(%run_scoped3A : memref<!tpu.dma_semaphore, #tpu.memory_space<semaphore_mem>>) src(%arg10 : memref<80x128xf32, #tpu.memory_space<vmem>>) dst(%dma_wait3A_82 : memref<10000x128xf32, #tpu.memory_space<vmem_shared>>)
        tpu.yield
      }) : () -> ()
      %scan3A_70 = arith.constant 0 : i32
      scf.yield %scan3A_70 : i32
    }
    %scan3A_26 = arith.constant 125 : i32
    %barrier3A_27 = arith.constant 0 : index
    tpu.barrier barrier_id(%barrier3A_27)
    %scan3A_28 = arith.constant 0 : i32
    %scan3A_29 = arith.constant 0 : i32
    %scan3A_30 = arith.constant 7 : i32
    %scan3A_31 = arith.addi %scan3A_29, %scan3A_30 : i32
    %scan3A_32 = arith.constant 1 : i32
    %scan3A_33 = scf.for %scan3A_45 = %scan3A_29 to %scan3A_31 step %scan3A_32 iter_args(%scan3A_46 = %scan3A_28) -> (i32)  : i32 {
      %mul3A_47 = arith.constant 624 : i32
      %mul3A_48 = arith.muli %arg1, %mul3A_47 : i32
      %mul3A_49 = arith.constant 80 : i32
      %mul3A_50 = arith.muli %scan3A_45, %mul3A_49 : i32
      %add3A_51 = arith.addi %mul3A_48, %mul3A_50 : i32
      %multiple_of3A_52 = tpu.assume_multiple %add3A_51, 8 : i32
      "tpu.region"() ({
        %run_scoped3A = tpu.sem_alloc : memref<!tpu.dma_semaphore, #tpu.memory_space<semaphore_mem>>
        %dma_start3A = arith.constant 0 : i32
        %dma_start3A_54 = tpu.memref_slice %arg6[%arg0, %multiple_of3A_52, %dma_start3A] : memref<2x10000x128xf32, #tpu.memory_space<hbm>> -> memref<1x80x128xf32, #tpu.memory_space<hbm>>
        %dma_start3A_55 = tpu.memref_squeeze %dma_start3A_54 : memref<1x80x128xf32, #tpu.memory_space<hbm>> -> memref<80x128xf32, #tpu.memory_space<hbm>>
        %dma_start3A_56 = arith.constant 0 : i32
        %dma_start3A_57 = tpu.memref_slice %arg11[%multiple_of3A_52, %dma_start3A_56] : memref<10000x128xf32, #tpu.memory_space<vmem_shared>> -> memref<80x128xf32, #tpu.memory_space<vmem_shared>>
        tpu.enqueue_dma source(%dma_start3A_57 : memref<80x128xf32, #tpu.memory_space<vmem_shared>>) target(%dma_start3A_55 : memref<80x128xf32, #tpu.memory_space<hbm>>) target_semaphore(%run_scoped3A : memref<!tpu.dma_semaphore, #tpu.memory_space<semaphore_mem>>)
        %dma_wait3A = arith.constant 0 : i32
        %dma_wait3A_58 = tpu.memref_slice %arg6[%arg0, %multiple_of3A_52, %dma_wait3A] : memref<2x10000x128xf32, #tpu.memory_space<hbm>> -> memref<1x80x128xf32, #tpu.memory_space<hbm>>
        %dma_wait3A_59 = tpu.memref_squeeze %dma_wait3A_58 : memref<1x80x128xf32, #tpu.memory_space<hbm>> -> memref<80x128xf32, #tpu.memory_space<hbm>>
        %dma_wait3A_60 = arith.constant 0 : i32
        %dma_wait3A_61 = tpu.memref_slice %arg11[%multiple_of3A_52, %dma_wait3A_60] : memref<10000x128xf32, #tpu.memory_space<vmem_shared>> -> memref<80x128xf32, #tpu.memory_space<vmem_shared>>
        tpu.wait_dma2 semaphore(%run_scoped3A : memref<!tpu.dma_semaphore, #tpu.memory_space<semaphore_mem>>) src(%dma_wait3A_61 : memref<80x128xf32, #tpu.memory_space<vmem_shared>>) dst(%dma_wait3A_59 : memref<80x128xf32, #tpu.memory_space<hbm>>)
        tpu.yield
      }) : () -> ()
      %scan3A_53 = arith.constant 0 : i32
      scf.yield %scan3A_53 : i32
    }
    %scan3A_34 = arith.constant 7 : i32
    %mul3A_35 = arith.constant 624 : i32
    %mul3A_36 = arith.muli %arg1, %mul3A_35 : i32
    %add3A_37 = arith.constant 560 : i32
    %add3A_38 = arith.addi %mul3A_36, %add3A_37 : i32
    %multiple_of3A_39 = tpu.assume_multiple %add3A_38, 8 : i32
    "tpu.region"() ({
      %run_scoped3A = tpu.sem_alloc : memref<!tpu.dma_semaphore, #tpu.memory_space<semaphore_mem>>
      %dma_start3A = arith.constant 0 : i32
      %dma_start3A_45 = tpu.memref_slice %arg6[%arg0, %multiple_of3A_39, %dma_start3A] : memref<2x10000x128xf32, #tpu.memory_space<hbm>> -> memref<1x64x128xf32, #tpu.memory_space<hbm>>
      %dma_start3A_46 = tpu.memref_squeeze %dma_start3A_45 : memref<1x64x128xf32, #tpu.memory_space<hbm>> -> memref<64x128xf32, #tpu.memory_space<hbm>>
      %dma_start3A_47 = arith.constant 0 : i32
      %dma_start3A_48 = tpu.memref_slice %arg11[%multiple_of3A_39, %dma_start3A_47] : memref<10000x128xf32, #tpu.memory_space<vmem_shared>> -> memref<64x128xf32, #tpu.memory_space<vmem_shared>>
      tpu.enqueue_dma source(%dma_start3A_48 : memref<64x128xf32, #tpu.memory_space<vmem_shared>>) target(%dma_start3A_46 : memref<64x128xf32, #tpu.memory_space<hbm>>) target_semaphore(%run_scoped3A : memref<!tpu.dma_semaphore, #tpu.memory_space<semaphore_mem>>)
      %dma_wait3A = arith.constant 0 : i32
      %dma_wait3A_49 = tpu.memref_slice %arg6[%arg0, %multiple_of3A_39, %dma_wait3A] : memref<2x10000x128xf32, #tpu.memory_space<hbm>> -> memref<1x64x128xf32, #tpu.memory_space<hbm>>
      %dma_wait3A_50 = tpu.memref_squeeze %dma_wait3A_49 : memref<1x64x128xf32, #tpu.memory_space<hbm>> -> memref<64x128xf32, #tpu.memory_space<hbm>>
      %dma_wait3A_51 = arith.constant 0 : i32
      %dma_wait3A_52 = tpu.memref_slice %arg11[%multiple_of3A_39, %dma_wait3A_51] : memref<10000x128xf32, #tpu.memory_space<vmem_shared>> -> memref<64x128xf32, #tpu.memory_space<vmem_shared>>
      tpu.wait_dma2 semaphore(%run_scoped3A : memref<!tpu.dma_semaphore, #tpu.memory_space<semaphore_mem>>) src(%dma_wait3A_52 : memref<64x128xf32, #tpu.memory_space<vmem_shared>>) dst(%dma_wait3A_50 : memref<64x128xf32, #tpu.memory_space<hbm>>)
      tpu.yield
    }) : () -> ()
    %eq3A_40 = arith.constant 0 : i32
    %eq3A_41 = arith.cmpi eq, %arg1, %eq3A_40 : i32
    %convert_element_type3A_42 = arith.extui %eq3A_41 : i1 to i32
    %cond3A_43 = arith.constant 0 : i32
    %cond3A_44 = arith.cmpi ne, %convert_element_type3A_42, %cond3A_43 : i32
    scf.if %cond3A_44 {
      "tpu.region"() ({
        %run_scoped3A = tpu.sem_alloc : memref<!tpu.dma_semaphore, #tpu.memory_space<semaphore_mem>>
        %dma_start3A = arith.constant 9984 : i32
        %dma_start3A_45 = arith.constant 0 : i32
        %dma_start3A_46 = tpu.memref_slice %arg6[%arg0, %dma_start3A, %dma_start3A_45] : memref<2x10000x128xf32, #tpu.memory_space<hbm>> -> memref<1x16x128xf32, #tpu.memory_space<hbm>>
        %dma_start3A_47 = tpu.memref_squeeze %dma_start3A_46 : memref<1x16x128xf32, #tpu.memory_space<hbm>> -> memref<16x128xf32, #tpu.memory_space<hbm>>
        %dma_start3A_48 = arith.constant 9984 : i32
        %dma_start3A_49 = arith.constant 0 : i32
        %dma_start3A_50 = tpu.memref_slice %arg11[%dma_start3A_48, %dma_start3A_49] : memref<10000x128xf32, #tpu.memory_space<vmem_shared>> -> memref<16x128xf32, #tpu.memory_space<vmem_shared>>
        tpu.enqueue_dma source(%dma_start3A_50 : memref<16x128xf32, #tpu.memory_space<vmem_shared>>) target(%dma_start3A_47 : memref<16x128xf32, #tpu.memory_space<hbm>>) target_semaphore(%run_scoped3A : memref<!tpu.dma_semaphore, #tpu.memory_space<semaphore_mem>>)
        %dma_wait3A = arith.constant 9984 : i32
        %dma_wait3A_51 = arith.constant 0 : i32
        %dma_wait3A_52 = tpu.memref_slice %arg6[%arg0, %dma_wait3A, %dma_wait3A_51] : memref<2x10000x128xf32, #tpu.memory_space<hbm>> -> memref<1x16x128xf32, #tpu.memory_space<hbm>>
        %dma_wait3A_53 = tpu.memref_squeeze %dma_wait3A_52 : memref<1x16x128xf32, #tpu.memory_space<hbm>> -> memref<16x128xf32, #tpu.memory_space<hbm>>
        %dma_wait3A_54 = arith.constant 9984 : i32
        %dma_wait3A_55 = arith.constant 0 : i32
        %dma_wait3A_56 = tpu.memref_slice %arg11[%dma_wait3A_54, %dma_wait3A_55] : memref<10000x128xf32, #tpu.memory_space<vmem_shared>> -> memref<16x128xf32, #tpu.memory_space<vmem_shared>>
        tpu.wait_dma2 semaphore(%run_scoped3A : memref<!tpu.dma_semaphore, #tpu.memory_space<semaphore_mem>>) src(%dma_wait3A_56 : memref<16x128xf32, #tpu.memory_space<vmem_shared>>) dst(%dma_wait3A_53 : memref<16x128xf32, #tpu.memory_space<hbm>>)
        tpu.yield
      }) : () -> ()
    } else {
    }
    return
  }
}

#map = affine_map<(d0, d1) -> (0, 0)>
#map1 = affine_map<(d0, d1) -> (0, 0, 0)>
#map2 = affine_map<(d0, d1) -> (0)>
module attributes {stable_mosaic.version = 14 : i64} {
  func.func @_sc_agg_body(%arg0: i32, %arg1: i32, %arg2: memref<10000x128xf32, #tpu.memory_space<hbm>>, %arg3: memref<32x125x80xi32, #tpu.memory_space<hbm>>, %arg4: memref<32x125x80xi32, #tpu.memory_space<hbm>>, %arg5: memref<320000xf32, #tpu.memory_space<hbm>>, %arg6: memref<2x10000x128xf32, #tpu.memory_space<hbm>>, %arg7: memref<125x80xi32, #tpu.memory_space<vmem>>, %arg8: memref<125x80xi32, #tpu.memory_space<vmem>>, %arg9: memref<80xf32, #tpu.memory_space<vmem>>, %arg10: memref<80x128xf32, #tpu.memory_space<vmem>>, %arg11: memref<10000x128xf32, #tpu.memory_space<vmem_shared>>, %arg12: memref<!tpu.dma_semaphore, #tpu.memory_space<semaphore_mem>>) attributes {dimension_semantics = [#tpu.dimension_semantics<core_parallel>, #tpu.dimension_semantics<subcore_parallel>], iteration_bounds = array<i64: 2, 16>, scalar_prefetch = 0 : i64, scratch_operands = 6 : i64, tpu.core_type = #tpu.core_type<sc_vector_subcore>, window_params = [{transform_indices = #map}, {transform_indices = #map1}, {transform_indices = #map1}, {transform_indices = #map2}, {transform_indices = #map1}]} {
    %mul3A = arith.constant 16 : i32
    %mul3A_0 = arith.muli %arg0, %mul3A : i32
    %add3A = arith.addi %mul3A_0, %arg1 : i32
    %scan3A = arith.constant 0 : i32
    %scan3A_1 = arith.constant 0 : i32
    %scan3A_2 = arith.constant 80 : i32
    %scan3A_3 = arith.addi %scan3A_1, %scan3A_2 : i32
    %scan3A_4 = arith.constant 1 : i32
    %scan3A_5 = scf.for %scan3A_45 = %scan3A_1 to %scan3A_3 step %scan3A_4 iter_args(%scan3A_46 = %scan3A) -> (i32)  : i32 {
      %broadcast_in_dim3A = arith.constant 0.000000e+00 : f32
      %broadcast_in_dim3A_47 = vector.broadcast %broadcast_in_dim3A : f32 to vector<16xf32>
      %swap3A = arith.index_cast %scan3A_45 : i32 to index
      %swap3A_48 = arith.constant 0 : index
      %swap3A_49 = tpu.vector_load %arg10[%swap3A, %swap3A_48] {strides = array<i32>} : memref<80x128xf32, #tpu.memory_space<vmem>>, vector<16xf32>,
      tpu.vector_store %arg10[%swap3A, %swap3A_48], %broadcast_in_dim3A_47 {strides = array<i32>} : memref<80x128xf32, #tpu.memory_space<vmem>>, vector<16xf32>,
      %broadcast_in_dim3A_50 = arith.constant 0.000000e+00 : f32
      %broadcast_in_dim3A_51 = vector.broadcast %broadcast_in_dim3A_50 : f32 to vector<16xf32>
      %swap3A_52 = arith.index_cast %scan3A_45 : i32 to index
      %swap3A_53 = arith.constant 16 : index
      %swap3A_54 = tpu.vector_load %arg10[%swap3A_52, %swap3A_53] {strides = array<i32>} : memref<80x128xf32, #tpu.memory_space<vmem>>, vector<16xf32>,
      tpu.vector_store %arg10[%swap3A_52, %swap3A_53], %broadcast_in_dim3A_51 {strides = array<i32>} : memref<80x128xf32, #tpu.memory_space<vmem>>, vector<16xf32>,
      %broadcast_in_dim3A_55 = arith.constant 0.000000e+00 : f32
      %broadcast_in_dim3A_56 = vector.broadcast %broadcast_in_dim3A_55 : f32 to vector<16xf32>
      %swap3A_57 = arith.index_cast %scan3A_45 : i32 to index
      %swap3A_58 = arith.constant 32 : index
      %swap3A_59 = tpu.vector_load %arg10[%swap3A_57, %swap3A_58] {strides = array<i32>} : memref<80x128xf32, #tpu.memory_space<vmem>>, vector<16xf32>,
      tpu.vector_store %arg10[%swap3A_57, %swap3A_58], %broadcast_in_dim3A_56 {strides = array<i32>} : memref<80x128xf32, #tpu.memory_space<vmem>>, vector<16xf32>,
      %broadcast_in_dim3A_60 = arith.constant 0.000000e+00 : f32
      %broadcast_in_dim3A_61 = vector.broadcast %broadcast_in_dim3A_60 : f32 to vector<16xf32>
      %swap3A_62 = arith.index_cast %scan3A_45 : i32 to index
      %swap3A_63 = arith.constant 48 : index
      %swap3A_64 = tpu.vector_load %arg10[%swap3A_62, %swap3A_63] {strides = array<i32>} : memref<80x128xf32, #tpu.memory_space<vmem>>, vector<16xf32>,
      tpu.vector_store %arg10[%swap3A_62, %swap3A_63], %broadcast_in_dim3A_61 {strides = array<i32>} : memref<80x128xf32, #tpu.memory_space<vmem>>, vector<16xf32>,
      %broadcast_in_dim3A_65 = arith.constant 0.000000e+00 : f32
      %broadcast_in_dim3A_66 = vector.broadcast %broadcast_in_dim3A_65 : f32 to vector<16xf32>
      %swap3A_67 = arith.index_cast %scan3A_45 : i32 to index
      %swap3A_68 = arith.constant 64 : index
      %swap3A_69 = tpu.vector_load %arg10[%swap3A_67, %swap3A_68] {strides = array<i32>} : memref<80x128xf32, #tpu.memory_space<vmem>>, vector<16xf32>,
      tpu.vector_store %arg10[%swap3A_67, %swap3A_68], %broadcast_in_dim3A_66 {strides = array<i32>} : memref<80x128xf32, #tpu.memory_space<vmem>>, vector<16xf32>,
      %broadcast_in_dim3A_70 = arith.constant 0.000000e+00 : f32
      %broadcast_in_dim3A_71 = vector.broadcast %broadcast_in_dim3A_70 : f32 to vector<16xf32>
      %swap3A_72 = arith.index_cast %scan3A_45 : i32 to index
      %swap3A_73 = arith.constant 80 : index
      %swap3A_74 = tpu.vector_load %arg10[%swap3A_72, %swap3A_73] {strides = array<i32>} : memref<80x128xf32, #tpu.memory_space<vmem>>, vector<16xf32>,
      tpu.vector_store %arg10[%swap3A_72, %swap3A_73], %broadcast_in_dim3A_71 {strides = array<i32>} : memref<80x128xf32, #tpu.memory_space<vmem>>, vector<16xf32>,
      %broadcast_in_dim3A_75 = arith.constant 0.000000e+00 : f32
      %broadcast_in_dim3A_76 = vector.broadcast %broadcast_in_dim3A_75 : f32 to vector<16xf32>
      %swap3A_77 = arith.index_cast %scan3A_45 : i32 to index
      %swap3A_78 = arith.constant 96 : index
      %swap3A_79 = tpu.vector_load %arg10[%swap3A_77, %swap3A_78] {strides = array<i32>} : memref<80x128xf32, #tpu.memory_space<vmem>>, vector<16xf32>,
      tpu.vector_store %arg10[%swap3A_77, %swap3A_78], %broadcast_in_dim3A_76 {strides = array<i32>} : memref<80x128xf32, #tpu.memory_space<vmem>>, vector<16xf32>,
      %broadcast_in_dim3A_80 = arith.constant 0.000000e+00 : f32
      %broadcast_in_dim3A_81 = vector.broadcast %broadcast_in_dim3A_80 : f32 to vector<16xf32>
      %swap3A_82 = arith.index_cast %scan3A_45 : i32 to index
      %swap3A_83 = arith.constant 112 : index
      %swap3A_84 = tpu.vector_load %arg10[%swap3A_82, %swap3A_83] {strides = array<i32>} : memref<80x128xf32, #tpu.memory_space<vmem>>, vector<16xf32>,
      tpu.vector_store %arg10[%swap3A_82, %swap3A_83], %broadcast_in_dim3A_81 {strides = array<i32>} : memref<80x128xf32, #tpu.memory_space<vmem>>, vector<16xf32>,
      %scan3A_85 = arith.constant 0 : i32
      scf.yield %scan3A_85 : i32
    }
    %scan3A_6 = arith.constant 80 : i32
    %scan3A_7 = arith.constant 0 : i32
    %scan3A_8 = arith.constant 0 : i32
    %scan3A_9 = arith.constant 7 : i32
    %scan3A_10 = arith.addi %scan3A_8, %scan3A_9 : i32
    %scan3A_11 = arith.constant 1 : i32
    %scan3A_12 = scf.for %scan3A_45 = %scan3A_8 to %scan3A_10 step %scan3A_11 iter_args(%scan3A_46 = %scan3A_7) -> (i32)  : i32 {
      %mul3A_47 = arith.constant 624 : i32
      %mul3A_48 = arith.muli %arg1, %mul3A_47 : i32
      %mul3A_49 = arith.constant 80 : i32
      %mul3A_50 = arith.muli %scan3A_45, %mul3A_49 : i32
      %add3A_51 = arith.addi %mul3A_48, %mul3A_50 : i32
      %multiple_of3A_52 = tpu.assume_multiple %add3A_51, 8 : i32
      "tpu.region"() ({
        %run_scoped3A = tpu.sem_alloc : memref<!tpu.dma_semaphore, #tpu.memory_space<semaphore_mem>>
        %dma_start3A = arith.constant 0 : i32
        %dma_start3A_54 = arith.constant 0 : i32
        %dma_start3A_55 = tpu.memref_slice %arg10[%dma_start3A, %dma_start3A_54] : memref<80x128xf32, #tpu.memory_space<vmem>> -> memref<80x128xf32, #tpu.memory_space<vmem>>
        %dma_start3A_56 = arith.constant 0 : i32
        %dma_start3A_57 = tpu.memref_slice %arg11[%multiple_of3A_52, %dma_start3A_56] : memref<10000x128xf32, #tpu.memory_space<vmem_shared>> -> memref<80x128xf32, #tpu.memory_space<vmem_shared>>
        %dma_start3A_58 = arith.constant 0 : i32
        %dma_start3A_59 = tpu.memref_slice %arg11[%multiple_of3A_52, %dma_start3A_58] : memref<10000x128xf32, #tpu.memory_space<vmem_shared>> -> memref<80x128xf32, #tpu.memory_space<vmem_shared>>
        %dma_start3A_60 = arith.constant 0 : i32
        %dma_start3A_61 = arith.constant 0 : i32
        %dma_start3A_62 = tpu.memref_slice %arg10[%dma_start3A_60, %dma_start3A_61] : memref<80x128xf32, #tpu.memory_space<vmem>> -> memref<80x128xf32, #tpu.memory_space<vmem>>
        tpu.enqueue_dma source(%dma_start3A_62 : memref<80x128xf32, #tpu.memory_space<vmem>>) target(%dma_start3A_59 : memref<80x128xf32, #tpu.memory_space<vmem_shared>>) target_semaphore(%run_scoped3A : memref<!tpu.dma_semaphore, #tpu.memory_space<semaphore_mem>>)
        %dma_wait3A = arith.constant 0 : i32
        %dma_wait3A_63 = arith.constant 0 : i32
        %dma_wait3A_64 = tpu.memref_slice %arg10[%dma_wait3A, %dma_wait3A_63] : memref<80x128xf32, #tpu.memory_space<vmem>> -> memref<80x128xf32, #tpu.memory_space<vmem>>
        %dma_wait3A_65 = arith.constant 0 : i32
        %dma_wait3A_66 = tpu.memref_slice %arg11[%multiple_of3A_52, %dma_wait3A_65] : memref<10000x128xf32, #tpu.memory_space<vmem_shared>> -> memref<80x128xf32, #tpu.memory_space<vmem_shared>>
        %dma_wait3A_67 = arith.constant 0 : i32
        %dma_wait3A_68 = tpu.memref_slice %arg11[%multiple_of3A_52, %dma_wait3A_67] : memref<10000x128xf32, #tpu.memory_space<vmem_shared>> -> memref<80x128xf32, #tpu.memory_space<vmem_shared>>
        %dma_wait3A_69 = arith.constant 0 : i32
        %dma_wait3A_70 = arith.constant 0 : i32
        %dma_wait3A_71 = tpu.memref_slice %arg10[%dma_wait3A_69, %dma_wait3A_70] : memref<80x128xf32, #tpu.memory_space<vmem>> -> memref<80x128xf32, #tpu.memory_space<vmem>>
        tpu.wait_dma2 semaphore(%run_scoped3A : memref<!tpu.dma_semaphore, #tpu.memory_space<semaphore_mem>>) src(%dma_wait3A_71 : memref<80x128xf32, #tpu.memory_space<vmem>>) dst(%dma_wait3A_68 : memref<80x128xf32, #tpu.memory_space<vmem_shared>>)
        tpu.yield
      }) : () -> ()
      %scan3A_53 = arith.constant 0 : i32
      scf.yield %scan3A_53 : i32
    }
    %scan3A_13 = arith.constant 7 : i32
    %mul3A_14 = arith.constant 624 : i32
    %mul3A_15 = arith.muli %arg1, %mul3A_14 : i32
    %add3A_16 = arith.constant 560 : i32
    %add3A_17 = arith.addi %mul3A_15, %add3A_16 : i32
    %multiple_of3A = tpu.assume_multiple %add3A_17, 8 : i32
    "tpu.region"() ({
      %run_scoped3A = tpu.sem_alloc : memref<!tpu.dma_semaphore, #tpu.memory_space<semaphore_mem>>
      %dma_start3A = arith.constant 0 : i32
      %dma_start3A_45 = arith.constant 0 : i32
      %dma_start3A_46 = tpu.memref_slice %arg10[%dma_start3A, %dma_start3A_45] : memref<80x128xf32, #tpu.memory_space<vmem>> -> memref<64x128xf32, #tpu.memory_space<vmem>>
      %dma_start3A_47 = arith.constant 0 : i32
      %dma_start3A_48 = tpu.memref_slice %arg11[%multiple_of3A, %dma_start3A_47] : memref<10000x128xf32, #tpu.memory_space<vmem_shared>> -> memref<64x128xf32, #tpu.memory_space<vmem_shared>>
      %dma_start3A_49 = arith.constant 0 : i32
      %dma_start3A_50 = tpu.memref_slice %arg11[%multiple_of3A, %dma_start3A_49] : memref<10000x128xf32, #tpu.memory_space<vmem_shared>> -> memref<64x128xf32, #tpu.memory_space<vmem_shared>>
      %dma_start3A_51 = arith.constant 0 : i32
      %dma_start3A_52 = arith.constant 0 : i32
      %dma_start3A_53 = tpu.memref_slice %arg10[%dma_start3A_51, %dma_start3A_52] : memref<80x128xf32, #tpu.memory_space<vmem>> -> memref<64x128xf32, #tpu.memory_space<vmem>>
      tpu.enqueue_dma source(%dma_start3A_53 : memref<64x128xf32, #tpu.memory_space<vmem>>) target(%dma_start3A_50 : memref<64x128xf32, #tpu.memory_space<vmem_shared>>) target_semaphore(%run_scoped3A : memref<!tpu.dma_semaphore, #tpu.memory_space<semaphore_mem>>)
      %dma_wait3A = arith.constant 0 : i32
      %dma_wait3A_54 = arith.constant 0 : i32
      %dma_wait3A_55 = tpu.memref_slice %arg10[%dma_wait3A, %dma_wait3A_54] : memref<80x128xf32, #tpu.memory_space<vmem>> -> memref<64x128xf32, #tpu.memory_space<vmem>>
      %dma_wait3A_56 = arith.constant 0 : i32
      %dma_wait3A_57 = tpu.memref_slice %arg11[%multiple_of3A, %dma_wait3A_56] : memref<10000x128xf32, #tpu.memory_space<vmem_shared>> -> memref<64x128xf32, #tpu.memory_space<vmem_shared>>
      %dma_wait3A_58 = arith.constant 0 : i32
      %dma_wait3A_59 = tpu.memref_slice %arg11[%multiple_of3A, %dma_wait3A_58] : memref<10000x128xf32, #tpu.memory_space<vmem_shared>> -> memref<64x128xf32, #tpu.memory_space<vmem_shared>>
      %dma_wait3A_60 = arith.constant 0 : i32
      %dma_wait3A_61 = arith.constant 0 : i32
      %dma_wait3A_62 = tpu.memref_slice %arg10[%dma_wait3A_60, %dma_wait3A_61] : memref<80x128xf32, #tpu.memory_space<vmem>> -> memref<64x128xf32, #tpu.memory_space<vmem>>
      tpu.wait_dma2 semaphore(%run_scoped3A : memref<!tpu.dma_semaphore, #tpu.memory_space<semaphore_mem>>) src(%dma_wait3A_62 : memref<64x128xf32, #tpu.memory_space<vmem>>) dst(%dma_wait3A_59 : memref<64x128xf32, #tpu.memory_space<vmem_shared>>)
      tpu.yield
    }) : () -> ()
    %eq3A = arith.constant 0 : i32
    %eq3A_18 = arith.cmpi eq, %arg1, %eq3A : i32
    %convert_element_type3A = arith.extui %eq3A_18 : i1 to i32
    %cond3A = arith.constant 0 : i32
    %cond3A_19 = arith.cmpi ne, %convert_element_type3A, %cond3A : i32
    scf.if %cond3A_19 {
      "tpu.region"() ({
        %run_scoped3A = tpu.sem_alloc : memref<!tpu.dma_semaphore, #tpu.memory_space<semaphore_mem>>
        %dma_start3A = arith.constant 0 : i32
        %dma_start3A_45 = arith.constant 0 : i32
        %dma_start3A_46 = tpu.memref_slice %arg10[%dma_start3A, %dma_start3A_45] : memref<80x128xf32, #tpu.memory_space<vmem>> -> memref<16x128xf32, #tpu.memory_space<vmem>>
        %dma_start3A_47 = arith.constant 9984 : i32
        %dma_start3A_48 = arith.constant 0 : i32
        %dma_start3A_49 = tpu.memref_slice %arg11[%dma_start3A_47, %dma_start3A_48] : memref<10000x128xf32, #tpu.memory_space<vmem_shared>> -> memref<16x128xf32, #tpu.memory_space<vmem_shared>>
        %dma_start3A_50 = arith.constant 9984 : i32
        %dma_start3A_51 = arith.constant 0 : i32
        %dma_start3A_52 = tpu.memref_slice %arg11[%dma_start3A_50, %dma_start3A_51] : memref<10000x128xf32, #tpu.memory_space<vmem_shared>> -> memref<16x128xf32, #tpu.memory_space<vmem_shared>>
        %dma_start3A_53 = arith.constant 0 : i32
        %dma_start3A_54 = arith.constant 0 : i32
        %dma_start3A_55 = tpu.memref_slice %arg10[%dma_start3A_53, %dma_start3A_54] : memref<80x128xf32, #tpu.memory_space<vmem>> -> memref<16x128xf32, #tpu.memory_space<vmem>>
        tpu.enqueue_dma source(%dma_start3A_55 : memref<16x128xf32, #tpu.memory_space<vmem>>) target(%dma_start3A_52 : memref<16x128xf32, #tpu.memory_space<vmem_shared>>) target_semaphore(%run_scoped3A : memref<!tpu.dma_semaphore, #tpu.memory_space<semaphore_mem>>)
        %dma_wait3A = arith.constant 0 : i32
        %dma_wait3A_56 = arith.constant 0 : i32
        %dma_wait3A_57 = tpu.memref_slice %arg10[%dma_wait3A, %dma_wait3A_56] : memref<80x128xf32, #tpu.memory_space<vmem>> -> memref<16x128xf32, #tpu.memory_space<vmem>>
        %dma_wait3A_58 = arith.constant 9984 : i32
        %dma_wait3A_59 = arith.constant 0 : i32
        %dma_wait3A_60 = tpu.memref_slice %arg11[%dma_wait3A_58, %dma_wait3A_59] : memref<10000x128xf32, #tpu.memory_space<vmem_shared>> -> memref<16x128xf32, #tpu.memory_space<vmem_shared>>
        %dma_wait3A_61 = arith.constant 9984 : i32
        %dma_wait3A_62 = arith.constant 0 : i32
        %dma_wait3A_63 = tpu.memref_slice %arg11[%dma_wait3A_61, %dma_wait3A_62] : memref<10000x128xf32, #tpu.memory_space<vmem_shared>> -> memref<16x128xf32, #tpu.memory_space<vmem_shared>>
        %dma_wait3A_64 = arith.constant 0 : i32
        %dma_wait3A_65 = arith.constant 0 : i32
        %dma_wait3A_66 = tpu.memref_slice %arg10[%dma_wait3A_64, %dma_wait3A_65] : memref<80x128xf32, #tpu.memory_space<vmem>> -> memref<16x128xf32, #tpu.memory_space<vmem>>
        tpu.wait_dma2 semaphore(%run_scoped3A : memref<!tpu.dma_semaphore, #tpu.memory_space<semaphore_mem>>) src(%dma_wait3A_66 : memref<16x128xf32, #tpu.memory_space<vmem>>) dst(%dma_wait3A_63 : memref<16x128xf32, #tpu.memory_space<vmem_shared>>)
        tpu.yield
      }) : () -> ()
    } else {
    }
    "tpu.region"() ({
      %run_scoped3A = tpu.sem_alloc : memref<!tpu.dma_semaphore, #tpu.memory_space<semaphore_mem>>
      %dma_start3A = arith.constant 0 : i32
      %dma_start3A_45 = arith.constant 0 : i32
      %dma_start3A_46 = tpu.memref_slice %arg3[%add3A, %dma_start3A, %dma_start3A_45] : memref<32x125x80xi32, #tpu.memory_space<hbm>> -> memref<1x125x80xi32, #tpu.memory_space<hbm>>
      %dma_start3A_47 = tpu.memref_squeeze %dma_start3A_46 : memref<1x125x80xi32, #tpu.memory_space<hbm>> -> memref<125x80xi32, #tpu.memory_space<hbm>>
      %dma_start3A_48 = arith.constant 0 : i32
      %dma_start3A_49 = arith.constant 0 : i32
      %dma_start3A_50 = tpu.memref_slice %arg3[%add3A, %dma_start3A_48, %dma_start3A_49] : memref<32x125x80xi32, #tpu.memory_space<hbm>> -> memref<1x125x80xi32, #tpu.memory_space<hbm>>
      %dma_start3A_51 = tpu.memref_squeeze %dma_start3A_50 : memref<1x125x80xi32, #tpu.memory_space<hbm>> -> memref<125x80xi32, #tpu.memory_space<hbm>>
      tpu.enqueue_dma source(%dma_start3A_51 : memref<125x80xi32, #tpu.memory_space<hbm>>) target(%arg7 : memref<125x80xi32, #tpu.memory_space<vmem>>) target_semaphore(%run_scoped3A : memref<!tpu.dma_semaphore, #tpu.memory_space<semaphore_mem>>)
      %dma_wait3A = arith.constant 0 : i32
      %dma_wait3A_52 = arith.constant 0 : i32
      %dma_wait3A_53 = tpu.memref_slice %arg3[%add3A, %dma_wait3A, %dma_wait3A_52] : memref<32x125x80xi32, #tpu.memory_space<hbm>> -> memref<1x125x80xi32, #tpu.memory_space<hbm>>
      %dma_wait3A_54 = tpu.memref_squeeze %dma_wait3A_53 : memref<1x125x80xi32, #tpu.memory_space<hbm>> -> memref<125x80xi32, #tpu.memory_space<hbm>>
      %dma_wait3A_55 = arith.constant 0 : i32
      %dma_wait3A_56 = arith.constant 0 : i32
      %dma_wait3A_57 = tpu.memref_slice %arg3[%add3A, %dma_wait3A_55, %dma_wait3A_56] : memref<32x125x80xi32, #tpu.memory_space<hbm>> -> memref<1x125x80xi32, #tpu.memory_space<hbm>>
      %dma_wait3A_58 = tpu.memref_squeeze %dma_wait3A_57 : memref<1x125x80xi32, #tpu.memory_space<hbm>> -> memref<125x80xi32, #tpu.memory_space<hbm>>
      tpu.wait_dma2 semaphore(%run_scoped3A : memref<!tpu.dma_semaphore, #tpu.memory_space<semaphore_mem>>) src(%dma_wait3A_58 : memref<125x80xi32, #tpu.memory_space<hbm>>) dst(%arg7 : memref<125x80xi32, #tpu.memory_space<vmem>>)
      tpu.yield
    }) : () -> ()
    "tpu.region"() ({
      %run_scoped3A = tpu.sem_alloc : memref<!tpu.dma_semaphore, #tpu.memory_space<semaphore_mem>>
      %dma_start3A = arith.constant 0 : i32
      %dma_start3A_45 = arith.constant 0 : i32
      %dma_start3A_46 = tpu.memref_slice %arg4[%add3A, %dma_start3A, %dma_start3A_45] : memref<32x125x80xi32, #tpu.memory_space<hbm>> -> memref<1x125x80xi32, #tpu.memory_space<hbm>>
      %dma_start3A_47 = tpu.memref_squeeze %dma_start3A_46 : memref<1x125x80xi32, #tpu.memory_space<hbm>> -> memref<125x80xi32, #tpu.memory_space<hbm>>
      %dma_start3A_48 = arith.constant 0 : i32
      %dma_start3A_49 = arith.constant 0 : i32
      %dma_start3A_50 = tpu.memref_slice %arg4[%add3A, %dma_start3A_48, %dma_start3A_49] : memref<32x125x80xi32, #tpu.memory_space<hbm>> -> memref<1x125x80xi32, #tpu.memory_space<hbm>>
      %dma_start3A_51 = tpu.memref_squeeze %dma_start3A_50 : memref<1x125x80xi32, #tpu.memory_space<hbm>> -> memref<125x80xi32, #tpu.memory_space<hbm>>
      tpu.enqueue_dma source(%dma_start3A_51 : memref<125x80xi32, #tpu.memory_space<hbm>>) target(%arg8 : memref<125x80xi32, #tpu.memory_space<vmem>>) target_semaphore(%run_scoped3A : memref<!tpu.dma_semaphore, #tpu.memory_space<semaphore_mem>>)
      %dma_wait3A = arith.constant 0 : i32
      %dma_wait3A_52 = arith.constant 0 : i32
      %dma_wait3A_53 = tpu.memref_slice %arg4[%add3A, %dma_wait3A, %dma_wait3A_52] : memref<32x125x80xi32, #tpu.memory_space<hbm>> -> memref<1x125x80xi32, #tpu.memory_space<hbm>>
      %dma_wait3A_54 = tpu.memref_squeeze %dma_wait3A_53 : memref<1x125x80xi32, #tpu.memory_space<hbm>> -> memref<125x80xi32, #tpu.memory_space<hbm>>
      %dma_wait3A_55 = arith.constant 0 : i32
      %dma_wait3A_56 = arith.constant 0 : i32
      %dma_wait3A_57 = tpu.memref_slice %arg4[%add3A, %dma_wait3A_55, %dma_wait3A_56] : memref<32x125x80xi32, #tpu.memory_space<hbm>> -> memref<1x125x80xi32, #tpu.memory_space<hbm>>
      %dma_wait3A_58 = tpu.memref_squeeze %dma_wait3A_57 : memref<1x125x80xi32, #tpu.memory_space<hbm>> -> memref<125x80xi32, #tpu.memory_space<hbm>>
      tpu.wait_dma2 semaphore(%run_scoped3A : memref<!tpu.dma_semaphore, #tpu.memory_space<semaphore_mem>>) src(%dma_wait3A_58 : memref<125x80xi32, #tpu.memory_space<hbm>>) dst(%arg8 : memref<125x80xi32, #tpu.memory_space<vmem>>)
      tpu.yield
    }) : () -> ()
    %barrier3A = arith.constant 0 : index
    tpu.barrier barrier_id(%barrier3A)
    %scan3A_20 = arith.constant 0 : i32
    %scan3A_21 = arith.constant 0 : i32
    %scan3A_22 = arith.constant 125 : i32
    %scan3A_23 = arith.addi %scan3A_21, %scan3A_22 : i32
    %scan3A_24 = arith.constant 1 : i32
    %scan3A_25 = scf.for %scan3A_45 = %scan3A_21 to %scan3A_23 step %scan3A_24 iter_args(%scan3A_46 = %scan3A_20) -> (i32)  : i32 {
      %mul3A_47 = arith.constant 10000 : i32
      %mul3A_48 = arith.muli %add3A, %mul3A_47 : i32
      %mul3A_49 = arith.constant 80 : i32
      %mul3A_50 = arith.muli %scan3A_45, %mul3A_49 : i32
      %add3A_51 = arith.addi %mul3A_48, %mul3A_50 : i32
      %multiple_of3A_52 = tpu.assume_multiple %add3A_51, 8 : i32
      "tpu.region"() ({
        %run_scoped3A = tpu.sem_alloc : memref<!tpu.dma_semaphore, #tpu.memory_space<semaphore_mem>>
        %dma_start3A_71 = tpu.memref_slice %arg5[%multiple_of3A_52] : memref<320000xf32, #tpu.memory_space<hbm>> -> memref<80xf32, #tpu.memory_space<hbm>>
        %dma_start3A_72 = tpu.memref_slice %arg5[%multiple_of3A_52] : memref<320000xf32, #tpu.memory_space<hbm>> -> memref<80xf32, #tpu.memory_space<hbm>>
        tpu.enqueue_dma source(%dma_start3A_72 : memref<80xf32, #tpu.memory_space<hbm>>) target(%arg9 : memref<80xf32, #tpu.memory_space<vmem>>) target_semaphore(%run_scoped3A : memref<!tpu.dma_semaphore, #tpu.memory_space<semaphore_mem>>)
        %dma_wait3A_73 = tpu.memref_slice %arg5[%multiple_of3A_52] : memref<320000xf32, #tpu.memory_space<hbm>> -> memref<80xf32, #tpu.memory_space<hbm>>
        %dma_wait3A_74 = tpu.memref_slice %arg5[%multiple_of3A_52] : memref<320000xf32, #tpu.memory_space<hbm>> -> memref<80xf32, #tpu.memory_space<hbm>>
        tpu.wait_dma2 semaphore(%run_scoped3A : memref<!tpu.dma_semaphore, #tpu.memory_space<semaphore_mem>>) src(%dma_wait3A_74 : memref<80xf32, #tpu.memory_space<hbm>>) dst(%arg9 : memref<80xf32, #tpu.memory_space<vmem>>)
        tpu.yield
      }) : () -> ()
      %dma_start3A = arith.constant 0 : i32
      %dma_start3A_53 = tpu.memref_slice %arg7[%scan3A_45, %dma_start3A] : memref<125x80xi32, #tpu.memory_space<vmem>> -> memref<1x80xi32, #tpu.memory_space<vmem>>
      %dma_start3A_54 = tpu.memref_squeeze %dma_start3A_53 : memref<1x80xi32, #tpu.memory_space<vmem>> -> memref<80xi32, #tpu.memory_space<vmem>>
      %dma_start3A_55 = arith.constant 0 : i32
      %dma_start3A_56 = arith.constant 0 : i32
      %dma_start3A_57 = tpu.memref_slice %arg2[%dma_start3A_55, %dma_start3A_56] : memref<10000x128xf32, #tpu.memory_space<hbm>> -> memref<10000x128xf32, #tpu.memory_space<hbm>>
      tpu.enqueue_indirect_dma source(%dma_start3A_57 : memref<10000x128xf32, #tpu.memory_space<hbm>>) target(%arg10 : memref<80x128xf32, #tpu.memory_space<vmem>>) offsets(%dma_start3A_54 : memref<80xi32, #tpu.memory_space<vmem>>) semaphore(%arg12 : memref<!tpu.dma_semaphore, #tpu.memory_space<semaphore_mem>>)
      %dma_wait3A = arith.constant 0 : i32
      %dma_wait3A_58 = tpu.memref_slice %arg7[%scan3A_45, %dma_wait3A] : memref<125x80xi32, #tpu.memory_space<vmem>> -> memref<1x80xi32, #tpu.memory_space<vmem>>
      %dma_wait3A_59 = tpu.memref_squeeze %dma_wait3A_58 : memref<1x80xi32, #tpu.memory_space<vmem>> -> memref<80xi32, #tpu.memory_space<vmem>>
      %dma_wait3A_60 = arith.constant 0 : i32
      %dma_wait3A_61 = arith.constant 0 : i32
      %dma_wait3A_62 = tpu.memref_slice %arg2[%dma_wait3A_60, %dma_wait3A_61] : memref<10000x128xf32, #tpu.memory_space<hbm>> -> memref<10000x128xf32, #tpu.memory_space<hbm>>
      tpu.wait_indirect_dma semaphore(%arg12 : memref<!tpu.dma_semaphore, #tpu.memory_space<semaphore_mem>>) src(%dma_wait3A_62 : memref<10000x128xf32, #tpu.memory_space<hbm>>) dst(%arg10 : memref<80x128xf32, #tpu.memory_space<vmem>>)
      %scan3A_63 = arith.constant 0 : i32
      %scan3A_64 = arith.constant 0 : i32
      %scan3A_65 = arith.constant 80 : i32
      %scan3A_66 = arith.addi %scan3A_64, %scan3A_65 : i32
      %scan3A_67 = arith.constant 1 : i32
      %scan3A_68 = scf.for %scan3A_71 = %scan3A_64 to %scan3A_66 step %scan3A_67 iter_args(%scan3A_72 = %scan3A_63) -> (i32)  : i32 {
        %broadcast_in_dim3A = vector.broadcast %scan3A_71 : i32 to vector<16xi32>
        %gather3A = tpu.vector_load_idx %arg9[%broadcast_in_dim3A] : memref<80xf32, #tpu.memory_space<vmem>>[vector<16xi32>], vector<16xf32>,
        %get3A = arith.index_cast %scan3A_71 : i32 to index
        %get3A_73 = arith.constant 0 : index
        %get3A_74 = tpu.vector_load %arg10[%get3A, %get3A_73] {strides = array<i32>} : memref<80x128xf32, #tpu.memory_space<vmem>>, vector<16xf32>,
        %mul3A_75 = arith.mulf %get3A_74, %gather3A : vector<16xf32>
        %swap3A = arith.index_cast %scan3A_71 : i32 to index
        %swap3A_76 = arith.constant 0 : index
        %swap3A_77 = tpu.vector_load %arg10[%swap3A, %swap3A_76] {strides = array<i32>} : memref<80x128xf32, #tpu.memory_space<vmem>>, vector<16xf32>,
        tpu.vector_store %arg10[%swap3A, %swap3A_76], %mul3A_75 {strides = array<i32>} : memref<80x128xf32, #tpu.memory_space<vmem>>, vector<16xf32>,
        %get3A_78 = arith.index_cast %scan3A_71 : i32 to index
        %get3A_79 = arith.constant 16 : index
        %get3A_80 = tpu.vector_load %arg10[%get3A_78, %get3A_79] {strides = array<i32>} : memref<80x128xf32, #tpu.memory_space<vmem>>, vector<16xf32>,
        %mul3A_81 = arith.mulf %get3A_80, %gather3A : vector<16xf32>
        %swap3A_82 = arith.index_cast %scan3A_71 : i32 to index
        %swap3A_83 = arith.constant 16 : index
        %swap3A_84 = tpu.vector_load %arg10[%swap3A_82, %swap3A_83] {strides = array<i32>} : memref<80x128xf32, #tpu.memory_space<vmem>>, vector<16xf32>,
        tpu.vector_store %arg10[%swap3A_82, %swap3A_83], %mul3A_81 {strides = array<i32>} : memref<80x128xf32, #tpu.memory_space<vmem>>, vector<16xf32>,
        %get3A_85 = arith.index_cast %scan3A_71 : i32 to index
        %get3A_86 = arith.constant 32 : index
        %get3A_87 = tpu.vector_load %arg10[%get3A_85, %get3A_86] {strides = array<i32>} : memref<80x128xf32, #tpu.memory_space<vmem>>, vector<16xf32>,
        %mul3A_88 = arith.mulf %get3A_87, %gather3A : vector<16xf32>
        %swap3A_89 = arith.index_cast %scan3A_71 : i32 to index
        %swap3A_90 = arith.constant 32 : index
        %swap3A_91 = tpu.vector_load %arg10[%swap3A_89, %swap3A_90] {strides = array<i32>} : memref<80x128xf32, #tpu.memory_space<vmem>>, vector<16xf32>,
        tpu.vector_store %arg10[%swap3A_89, %swap3A_90], %mul3A_88 {strides = array<i32>} : memref<80x128xf32, #tpu.memory_space<vmem>>, vector<16xf32>,
        %get3A_92 = arith.index_cast %scan3A_71 : i32 to index
        %get3A_93 = arith.constant 48 : index
        %get3A_94 = tpu.vector_load %arg10[%get3A_92, %get3A_93] {strides = array<i32>} : memref<80x128xf32, #tpu.memory_space<vmem>>, vector<16xf32>,
        %mul3A_95 = arith.mulf %get3A_94, %gather3A : vector<16xf32>
        %swap3A_96 = arith.index_cast %scan3A_71 : i32 to index
        %swap3A_97 = arith.constant 48 : index
        %swap3A_98 = tpu.vector_load %arg10[%swap3A_96, %swap3A_97] {strides = array<i32>} : memref<80x128xf32, #tpu.memory_space<vmem>>, vector<16xf32>,
        tpu.vector_store %arg10[%swap3A_96, %swap3A_97], %mul3A_95 {strides = array<i32>} : memref<80x128xf32, #tpu.memory_space<vmem>>, vector<16xf32>,
        %get3A_99 = arith.index_cast %scan3A_71 : i32 to index
        %get3A_100 = arith.constant 64 : index
        %get3A_101 = tpu.vector_load %arg10[%get3A_99, %get3A_100] {strides = array<i32>} : memref<80x128xf32, #tpu.memory_space<vmem>>, vector<16xf32>,
        %mul3A_102 = arith.mulf %get3A_101, %gather3A : vector<16xf32>
        %swap3A_103 = arith.index_cast %scan3A_71 : i32 to index
        %swap3A_104 = arith.constant 64 : index
        %swap3A_105 = tpu.vector_load %arg10[%swap3A_103, %swap3A_104] {strides = array<i32>} : memref<80x128xf32, #tpu.memory_space<vmem>>, vector<16xf32>,
        tpu.vector_store %arg10[%swap3A_103, %swap3A_104], %mul3A_102 {strides = array<i32>} : memref<80x128xf32, #tpu.memory_space<vmem>>, vector<16xf32>,
        %get3A_106 = arith.index_cast %scan3A_71 : i32 to index
        %get3A_107 = arith.constant 80 : index
        %get3A_108 = tpu.vector_load %arg10[%get3A_106, %get3A_107] {strides = array<i32>} : memref<80x128xf32, #tpu.memory_space<vmem>>, vector<16xf32>,
        %mul3A_109 = arith.mulf %get3A_108, %gather3A : vector<16xf32>
        %swap3A_110 = arith.index_cast %scan3A_71 : i32 to index
        %swap3A_111 = arith.constant 80 : index
        %swap3A_112 = tpu.vector_load %arg10[%swap3A_110, %swap3A_111] {strides = array<i32>} : memref<80x128xf32, #tpu.memory_space<vmem>>, vector<16xf32>,
        tpu.vector_store %arg10[%swap3A_110, %swap3A_111], %mul3A_109 {strides = array<i32>} : memref<80x128xf32, #tpu.memory_space<vmem>>, vector<16xf32>,
        %get3A_113 = arith.index_cast %scan3A_71 : i32 to index
        %get3A_114 = arith.constant 96 : index
        %get3A_115 = tpu.vector_load %arg10[%get3A_113, %get3A_114] {strides = array<i32>} : memref<80x128xf32, #tpu.memory_space<vmem>>, vector<16xf32>,
        %mul3A_116 = arith.mulf %get3A_115, %gather3A : vector<16xf32>
        %swap3A_117 = arith.index_cast %scan3A_71 : i32 to index
        %swap3A_118 = arith.constant 96 : index
        %swap3A_119 = tpu.vector_load %arg10[%swap3A_117, %swap3A_118] {strides = array<i32>} : memref<80x128xf32, #tpu.memory_space<vmem>>, vector<16xf32>,
        tpu.vector_store %arg10[%swap3A_117, %swap3A_118], %mul3A_116 {strides = array<i32>} : memref<80x128xf32, #tpu.memory_space<vmem>>, vector<16xf32>,
        %get3A_120 = arith.index_cast %scan3A_71 : i32 to index
        %get3A_121 = arith.constant 112 : index
        %get3A_122 = tpu.vector_load %arg10[%get3A_120, %get3A_121] {strides = array<i32>} : memref<80x128xf32, #tpu.memory_space<vmem>>, vector<16xf32>,
        %mul3A_123 = arith.mulf %get3A_122, %gather3A : vector<16xf32>
        %swap3A_124 = arith.index_cast %scan3A_71 : i32 to index
        %swap3A_125 = arith.constant 112 : index
        %swap3A_126 = tpu.vector_load %arg10[%swap3A_124, %swap3A_125] {strides = array<i32>} : memref<80x128xf32, #tpu.memory_space<vmem>>, vector<16xf32>,
        tpu.vector_store %arg10[%swap3A_124, %swap3A_125], %mul3A_123 {strides = array<i32>} : memref<80x128xf32, #tpu.memory_space<vmem>>, vector<16xf32>,
        %scan3A_127 = arith.constant 0 : i32
        scf.yield %scan3A_127 : i32
      }
      %scan3A_69 = arith.constant 80 : i32
      "tpu.region"() ({
        %run_scoped3A = tpu.sem_alloc : memref<!tpu.dma_semaphore, #tpu.memory_space<semaphore_mem>>
        %dma_start3A_71 = arith.constant 0 : i32
        %dma_start3A_72 = tpu.memref_slice %arg8[%scan3A_45, %dma_start3A_71] : memref<125x80xi32, #tpu.memory_space<vmem>> -> memref<1x80xi32, #tpu.memory_space<vmem>>
        %dma_start3A_73 = tpu.memref_squeeze %dma_start3A_72 : memref<1x80xi32, #tpu.memory_space<vmem>> -> memref<80xi32, #tpu.memory_space<vmem>>
        %dma_start3A_74 = arith.constant 0 : i32
        %dma_start3A_75 = arith.constant 0 : i32
        %dma_start3A_76 = tpu.memref_slice %arg11[%dma_start3A_74, %dma_start3A_75] : memref<10000x128xf32, #tpu.memory_space<vmem_shared>> -> memref<10000x128xf32, #tpu.memory_space<vmem_shared>>
        tpu.enqueue_indirect_dma source(%arg10 : memref<80x128xf32, #tpu.memory_space<vmem>>) target(%dma_start3A_76 : memref<10000x128xf32, #tpu.memory_space<vmem_shared>>) offsets(%dma_start3A_73 : memref<80xi32, #tpu.memory_space<vmem>>) semaphore(%run_scoped3A : memref<!tpu.dma_semaphore, #tpu.memory_space<semaphore_mem>>) {add = true}
        %dma_wait3A_77 = arith.constant 0 : i32
        %dma_wait3A_78 = tpu.memref_slice %arg8[%scan3A_45, %dma_wait3A_77] : memref<125x80xi32, #tpu.memory_space<vmem>> -> memref<1x80xi32, #tpu.memory_space<vmem>>
        %dma_wait3A_79 = tpu.memref_squeeze %dma_wait3A_78 : memref<1x80xi32, #tpu.memory_space<vmem>> -> memref<80xi32, #tpu.memory_space<vmem>>
        %dma_wait3A_80 = arith.constant 0 : i32
        %dma_wait3A_81 = arith.constant 0 : i32
        %dma_wait3A_82 = tpu.memref_slice %arg11[%dma_wait3A_80, %dma_wait3A_81] : memref<10000x128xf32, #tpu.memory_space<vmem_shared>> -> memref<10000x128xf32, #tpu.memory_space<vmem_shared>>
        tpu.wait_indirect_dma semaphore(%run_scoped3A : memref<!tpu.dma_semaphore, #tpu.memory_space<semaphore_mem>>) src(%arg10 : memref<80x128xf32, #tpu.memory_space<vmem>>) dst(%dma_wait3A_82 : memref<10000x128xf32, #tpu.memory_space<vmem_shared>>)
        tpu.yield
      }) : () -> ()
      %scan3A_70 = arith.constant 0 : i32
      scf.yield %scan3A_70 : i32
    }
    %scan3A_26 = arith.constant 125 : i32
    %barrier3A_27 = arith.constant 0 : index
    tpu.barrier barrier_id(%barrier3A_27)
    %scan3A_28 = arith.constant 0 : i32
    %scan3A_29 = arith.constant 0 : i32
    %scan3A_30 = arith.constant 7 : i32
    %scan3A_31 = arith.addi %scan3A_29, %scan3A_30 : i32
    %scan3A_32 = arith.constant 1 : i32
    %scan3A_33 = scf.for %scan3A_45 = %scan3A_29 to %scan3A_31 step %scan3A_32 iter_args(%scan3A_46 = %scan3A_28) -> (i32)  : i32 {
      %mul3A_47 = arith.constant 624 : i32
      %mul3A_48 = arith.muli %arg1, %mul3A_47 : i32
      %mul3A_49 = arith.constant 80 : i32
      %mul3A_50 = arith.muli %scan3A_45, %mul3A_49 : i32
      %add3A_51 = arith.addi %mul3A_48, %mul3A_50 : i32
      %multiple_of3A_52 = tpu.assume_multiple %add3A_51, 8 : i32
      "tpu.region"() ({
        %run_scoped3A = tpu.sem_alloc : memref<!tpu.dma_semaphore, #tpu.memory_space<semaphore_mem>>
        %dma_start3A = arith.constant 0 : i32
        %dma_start3A_54 = tpu.memref_slice %arg6[%arg0, %multiple_of3A_52, %dma_start3A] : memref<2x10000x128xf32, #tpu.memory_space<hbm>> -> memref<1x80x128xf32, #tpu.memory_space<hbm>>
        %dma_start3A_55 = tpu.memref_squeeze %dma_start3A_54 : memref<1x80x128xf32, #tpu.memory_space<hbm>> -> memref<80x128xf32, #tpu.memory_space<hbm>>
        %dma_start3A_56 = arith.constant 0 : i32
        %dma_start3A_57 = tpu.memref_slice %arg11[%multiple_of3A_52, %dma_start3A_56] : memref<10000x128xf32, #tpu.memory_space<vmem_shared>> -> memref<80x128xf32, #tpu.memory_space<vmem_shared>>
        tpu.enqueue_dma source(%dma_start3A_57 : memref<80x128xf32, #tpu.memory_space<vmem_shared>>) target(%dma_start3A_55 : memref<80x128xf32, #tpu.memory_space<hbm>>) target_semaphore(%run_scoped3A : memref<!tpu.dma_semaphore, #tpu.memory_space<semaphore_mem>>)
        %dma_wait3A = arith.constant 0 : i32
        %dma_wait3A_58 = tpu.memref_slice %arg6[%arg0, %multiple_of3A_52, %dma_wait3A] : memref<2x10000x128xf32, #tpu.memory_space<hbm>> -> memref<1x80x128xf32, #tpu.memory_space<hbm>>
        %dma_wait3A_59 = tpu.memref_squeeze %dma_wait3A_58 : memref<1x80x128xf32, #tpu.memory_space<hbm>> -> memref<80x128xf32, #tpu.memory_space<hbm>>
        %dma_wait3A_60 = arith.constant 0 : i32
        %dma_wait3A_61 = tpu.memref_slice %arg11[%multiple_of3A_52, %dma_wait3A_60] : memref<10000x128xf32, #tpu.memory_space<vmem_shared>> -> memref<80x128xf32, #tpu.memory_space<vmem_shared>>
        tpu.wait_dma2 semaphore(%run_scoped3A : memref<!tpu.dma_semaphore, #tpu.memory_space<semaphore_mem>>) src(%dma_wait3A_61 : memref<80x128xf32, #tpu.memory_space<vmem_shared>>) dst(%dma_wait3A_59 : memref<80x128xf32, #tpu.memory_space<hbm>>)
        tpu.yield
      }) : () -> ()
      %scan3A_53 = arith.constant 0 : i32
      scf.yield %scan3A_53 : i32
    }
    %scan3A_34 = arith.constant 7 : i32
    %mul3A_35 = arith.constant 624 : i32
    %mul3A_36 = arith.muli %arg1, %mul3A_35 : i32
    %add3A_37 = arith.constant 560 : i32
    %add3A_38 = arith.addi %mul3A_36, %add3A_37 : i32
    %multiple_of3A_39 = tpu.assume_multiple %add3A_38, 8 : i32
    "tpu.region"() ({
      %run_scoped3A = tpu.sem_alloc : memref<!tpu.dma_semaphore, #tpu.memory_space<semaphore_mem>>
      %dma_start3A = arith.constant 0 : i32
      %dma_start3A_45 = tpu.memref_slice %arg6[%arg0, %multiple_of3A_39, %dma_start3A] : memref<2x10000x128xf32, #tpu.memory_space<hbm>> -> memref<1x64x128xf32, #tpu.memory_space<hbm>>
      %dma_start3A_46 = tpu.memref_squeeze %dma_start3A_45 : memref<1x64x128xf32, #tpu.memory_space<hbm>> -> memref<64x128xf32, #tpu.memory_space<hbm>>
      %dma_start3A_47 = arith.constant 0 : i32
      %dma_start3A_48 = tpu.memref_slice %arg11[%multiple_of3A_39, %dma_start3A_47] : memref<10000x128xf32, #tpu.memory_space<vmem_shared>> -> memref<64x128xf32, #tpu.memory_space<vmem_shared>>
      tpu.enqueue_dma source(%dma_start3A_48 : memref<64x128xf32, #tpu.memory_space<vmem_shared>>) target(%dma_start3A_46 : memref<64x128xf32, #tpu.memory_space<hbm>>) target_semaphore(%run_scoped3A : memref<!tpu.dma_semaphore, #tpu.memory_space<semaphore_mem>>)
      %dma_wait3A = arith.constant 0 : i32
      %dma_wait3A_49 = tpu.memref_slice %arg6[%arg0, %multiple_of3A_39, %dma_wait3A] : memref<2x10000x128xf32, #tpu.memory_space<hbm>> -> memref<1x64x128xf32, #tpu.memory_space<hbm>>
      %dma_wait3A_50 = tpu.memref_squeeze %dma_wait3A_49 : memref<1x64x128xf32, #tpu.memory_space<hbm>> -> memref<64x128xf32, #tpu.memory_space<hbm>>
      %dma_wait3A_51 = arith.constant 0 : i32
      %dma_wait3A_52 = tpu.memref_slice %arg11[%multiple_of3A_39, %dma_wait3A_51] : memref<10000x128xf32, #tpu.memory_space<vmem_shared>> -> memref<64x128xf32, #tpu.memory_space<vmem_shared>>
      tpu.wait_dma2 semaphore(%run_scoped3A : memref<!tpu.dma_semaphore, #tpu.memory_space<semaphore_mem>>) src(%dma_wait3A_52 : memref<64x128xf32, #tpu.memory_space<vmem_shared>>) dst(%dma_wait3A_50 : memref<64x128xf32, #tpu.memory_space<hbm>>)
      tpu.yield
    }) : () -> ()
    %eq3A_40 = arith.constant 0 : i32
    %eq3A_41 = arith.cmpi eq, %arg1, %eq3A_40 : i32
    %convert_element_type3A_42 = arith.extui %eq3A_41 : i1 to i32
    %cond3A_43 = arith.constant 0 : i32
    %cond3A_44 = arith.cmpi ne, %convert_element_type3A_42, %cond3A_43 : i32
    scf.if %cond3A_44 {
      "tpu.region"() ({
        %run_scoped3A = tpu.sem_alloc : memref<!tpu.dma_semaphore, #tpu.memory_space<semaphore_mem>>
        %dma_start3A = arith.constant 9984 : i32
        %dma_start3A_45 = arith.constant 0 : i32
        %dma_start3A_46 = tpu.memref_slice %arg6[%arg0, %dma_start3A, %dma_start3A_45] : memref<2x10000x128xf32, #tpu.memory_space<hbm>> -> memref<1x16x128xf32, #tpu.memory_space<hbm>>
        %dma_start3A_47 = tpu.memref_squeeze %dma_start3A_46 : memref<1x16x128xf32, #tpu.memory_space<hbm>> -> memref<16x128xf32, #tpu.memory_space<hbm>>
        %dma_start3A_48 = arith.constant 9984 : i32
        %dma_start3A_49 = arith.constant 0 : i32
        %dma_start3A_50 = tpu.memref_slice %arg11[%dma_start3A_48, %dma_start3A_49] : memref<10000x128xf32, #tpu.memory_space<vmem_shared>> -> memref<16x128xf32, #tpu.memory_space<vmem_shared>>
        tpu.enqueue_dma source(%dma_start3A_50 : memref<16x128xf32, #tpu.memory_space<vmem_shared>>) target(%dma_start3A_47 : memref<16x128xf32, #tpu.memory_space<hbm>>) target_semaphore(%run_scoped3A : memref<!tpu.dma_semaphore, #tpu.memory_space<semaphore_mem>>)
        %dma_wait3A = arith.constant 9984 : i32
        %dma_wait3A_51 = arith.constant 0 : i32
        %dma_wait3A_52 = tpu.memref_slice %arg6[%arg0, %dma_wait3A, %dma_wait3A_51] : memref<2x10000x128xf32, #tpu.memory_space<hbm>> -> memref<1x16x128xf32, #tpu.memory_space<hbm>>
        %dma_wait3A_53 = tpu.memref_squeeze %dma_wait3A_52 : memref<1x16x128xf32, #tpu.memory_space<hbm>> -> memref<16x128xf32, #tpu.memory_space<hbm>>
        %dma_wait3A_54 = arith.constant 9984 : i32
        %dma_wait3A_55 = arith.constant 0 : i32
        %dma_wait3A_56 = tpu.memref_slice %arg11[%dma_wait3A_54, %dma_wait3A_55] : memref<10000x128xf32, #tpu.memory_space<vmem_shared>> -> memref<16x128xf32, #tpu.memory_space<vmem_shared>>
        tpu.wait_dma2 semaphore(%run_scoped3A : memref<!tpu.dma_semaphore, #tpu.memory_space<semaphore_mem>>) src(%dma_wait3A_56 : memref<16x128xf32, #tpu.memory_space<vmem_shared>>) dst(%dma_wait3A_53 : memref<16x128xf32, #tpu.memory_space<hbm>>)
        tpu.yield
      }) : () -> ()
    } else {
    }
    return
  }
}

#map = affine_map<(d0, d1) -> (0, 0)>
#map1 = affine_map<(d0, d1) -> (0, 0, 0)>
#map2 = affine_map<(d0, d1) -> (0)>
module attributes {stable_mosaic.version = 14 : i64} {
  func.func @_sc_agg_body(%arg0: i32, %arg1: i32, %arg2: memref<10000x128xf32, #tpu.memory_space<hbm>>, %arg3: memref<32x125x80xi32, #tpu.memory_space<hbm>>, %arg4: memref<32x125x80xi32, #tpu.memory_space<hbm>>, %arg5: memref<320000xf32, #tpu.memory_space<hbm>>, %arg6: memref<2x10000x128xf32, #tpu.memory_space<hbm>>, %arg7: memref<125x80xi32, #tpu.memory_space<vmem>>, %arg8: memref<125x80xi32, #tpu.memory_space<vmem>>, %arg9: memref<80xf32, #tpu.memory_space<vmem>>, %arg10: memref<80x128xf32, #tpu.memory_space<vmem>>, %arg11: memref<10000x128xf32, #tpu.memory_space<vmem_shared>>, %arg12: memref<!tpu.dma_semaphore, #tpu.memory_space<semaphore_mem>>) attributes {dimension_semantics = [#tpu.dimension_semantics<core_parallel>, #tpu.dimension_semantics<subcore_parallel>], iteration_bounds = array<i64: 2, 16>, scalar_prefetch = 0 : i64, scratch_operands = 6 : i64, tpu.core_type = #tpu.core_type<sc_vector_subcore>, window_params = [{transform_indices = #map}, {transform_indices = #map1}, {transform_indices = #map1}, {transform_indices = #map2}, {transform_indices = #map1}]} {
    %mul3A = arith.constant 16 : i32
    %mul3A_0 = arith.muli %arg0, %mul3A : i32
    %add3A = arith.addi %mul3A_0, %arg1 : i32
    %scan3A = arith.constant 0 : i32
    %scan3A_1 = arith.constant 0 : i32
    %scan3A_2 = arith.constant 80 : i32
    %scan3A_3 = arith.addi %scan3A_1, %scan3A_2 : i32
    %scan3A_4 = arith.constant 1 : i32
    %scan3A_5 = scf.for %scan3A_45 = %scan3A_1 to %scan3A_3 step %scan3A_4 iter_args(%scan3A_46 = %scan3A) -> (i32)  : i32 {
      %broadcast_in_dim3A = arith.constant 0.000000e+00 : f32
      %broadcast_in_dim3A_47 = vector.broadcast %broadcast_in_dim3A : f32 to vector<16xf32>
      %swap3A = arith.index_cast %scan3A_45 : i32 to index
      %swap3A_48 = arith.constant 0 : index
      %swap3A_49 = tpu.vector_load %arg10[%swap3A, %swap3A_48] {strides = array<i32>} : memref<80x128xf32, #tpu.memory_space<vmem>>, vector<16xf32>,
      tpu.vector_store %arg10[%swap3A, %swap3A_48], %broadcast_in_dim3A_47 {strides = array<i32>} : memref<80x128xf32, #tpu.memory_space<vmem>>, vector<16xf32>,
      %broadcast_in_dim3A_50 = arith.constant 0.000000e+00 : f32
      %broadcast_in_dim3A_51 = vector.broadcast %broadcast_in_dim3A_50 : f32 to vector<16xf32>
      %swap3A_52 = arith.index_cast %scan3A_45 : i32 to index
      %swap3A_53 = arith.constant 16 : index
      %swap3A_54 = tpu.vector_load %arg10[%swap3A_52, %swap3A_53] {strides = array<i32>} : memref<80x128xf32, #tpu.memory_space<vmem>>, vector<16xf32>,
      tpu.vector_store %arg10[%swap3A_52, %swap3A_53], %broadcast_in_dim3A_51 {strides = array<i32>} : memref<80x128xf32, #tpu.memory_space<vmem>>, vector<16xf32>,
      %broadcast_in_dim3A_55 = arith.constant 0.000000e+00 : f32
      %broadcast_in_dim3A_56 = vector.broadcast %broadcast_in_dim3A_55 : f32 to vector<16xf32>
      %swap3A_57 = arith.index_cast %scan3A_45 : i32 to index
      %swap3A_58 = arith.constant 32 : index
      %swap3A_59 = tpu.vector_load %arg10[%swap3A_57, %swap3A_58] {strides = array<i32>} : memref<80x128xf32, #tpu.memory_space<vmem>>, vector<16xf32>,
      tpu.vector_store %arg10[%swap3A_57, %swap3A_58], %broadcast_in_dim3A_56 {strides = array<i32>} : memref<80x128xf32, #tpu.memory_space<vmem>>, vector<16xf32>,
      %broadcast_in_dim3A_60 = arith.constant 0.000000e+00 : f32
      %broadcast_in_dim3A_61 = vector.broadcast %broadcast_in_dim3A_60 : f32 to vector<16xf32>
      %swap3A_62 = arith.index_cast %scan3A_45 : i32 to index
      %swap3A_63 = arith.constant 48 : index
      %swap3A_64 = tpu.vector_load %arg10[%swap3A_62, %swap3A_63] {strides = array<i32>} : memref<80x128xf32, #tpu.memory_space<vmem>>, vector<16xf32>,
      tpu.vector_store %arg10[%swap3A_62, %swap3A_63], %broadcast_in_dim3A_61 {strides = array<i32>} : memref<80x128xf32, #tpu.memory_space<vmem>>, vector<16xf32>,
      %broadcast_in_dim3A_65 = arith.constant 0.000000e+00 : f32
      %broadcast_in_dim3A_66 = vector.broadcast %broadcast_in_dim3A_65 : f32 to vector<16xf32>
      %swap3A_67 = arith.index_cast %scan3A_45 : i32 to index
      %swap3A_68 = arith.constant 64 : index
      %swap3A_69 = tpu.vector_load %arg10[%swap3A_67, %swap3A_68] {strides = array<i32>} : memref<80x128xf32, #tpu.memory_space<vmem>>, vector<16xf32>,
      tpu.vector_store %arg10[%swap3A_67, %swap3A_68], %broadcast_in_dim3A_66 {strides = array<i32>} : memref<80x128xf32, #tpu.memory_space<vmem>>, vector<16xf32>,
      %broadcast_in_dim3A_70 = arith.constant 0.000000e+00 : f32
      %broadcast_in_dim3A_71 = vector.broadcast %broadcast_in_dim3A_70 : f32 to vector<16xf32>
      %swap3A_72 = arith.index_cast %scan3A_45 : i32 to index
      %swap3A_73 = arith.constant 80 : index
      %swap3A_74 = tpu.vector_load %arg10[%swap3A_72, %swap3A_73] {strides = array<i32>} : memref<80x128xf32, #tpu.memory_space<vmem>>, vector<16xf32>,
      tpu.vector_store %arg10[%swap3A_72, %swap3A_73], %broadcast_in_dim3A_71 {strides = array<i32>} : memref<80x128xf32, #tpu.memory_space<vmem>>, vector<16xf32>,
      %broadcast_in_dim3A_75 = arith.constant 0.000000e+00 : f32
      %broadcast_in_dim3A_76 = vector.broadcast %broadcast_in_dim3A_75 : f32 to vector<16xf32>
      %swap3A_77 = arith.index_cast %scan3A_45 : i32 to index
      %swap3A_78 = arith.constant 96 : index
      %swap3A_79 = tpu.vector_load %arg10[%swap3A_77, %swap3A_78] {strides = array<i32>} : memref<80x128xf32, #tpu.memory_space<vmem>>, vector<16xf32>,
      tpu.vector_store %arg10[%swap3A_77, %swap3A_78], %broadcast_in_dim3A_76 {strides = array<i32>} : memref<80x128xf32, #tpu.memory_space<vmem>>, vector<16xf32>,
      %broadcast_in_dim3A_80 = arith.constant 0.000000e+00 : f32
      %broadcast_in_dim3A_81 = vector.broadcast %broadcast_in_dim3A_80 : f32 to vector<16xf32>
      %swap3A_82 = arith.index_cast %scan3A_45 : i32 to index
      %swap3A_83 = arith.constant 112 : index
      %swap3A_84 = tpu.vector_load %arg10[%swap3A_82, %swap3A_83] {strides = array<i32>} : memref<80x128xf32, #tpu.memory_space<vmem>>, vector<16xf32>,
      tpu.vector_store %arg10[%swap3A_82, %swap3A_83], %broadcast_in_dim3A_81 {strides = array<i32>} : memref<80x128xf32, #tpu.memory_space<vmem>>, vector<16xf32>,
      %scan3A_85 = arith.constant 0 : i32
      scf.yield %scan3A_85 : i32
    }
    %scan3A_6 = arith.constant 80 : i32
    %scan3A_7 = arith.constant 0 : i32
    %scan3A_8 = arith.constant 0 : i32
    %scan3A_9 = arith.constant 7 : i32
    %scan3A_10 = arith.addi %scan3A_8, %scan3A_9 : i32
    %scan3A_11 = arith.constant 1 : i32
    %scan3A_12 = scf.for %scan3A_45 = %scan3A_8 to %scan3A_10 step %scan3A_11 iter_args(%scan3A_46 = %scan3A_7) -> (i32)  : i32 {
      %mul3A_47 = arith.constant 624 : i32
      %mul3A_48 = arith.muli %arg1, %mul3A_47 : i32
      %mul3A_49 = arith.constant 80 : i32
      %mul3A_50 = arith.muli %scan3A_45, %mul3A_49 : i32
      %add3A_51 = arith.addi %mul3A_48, %mul3A_50 : i32
      %multiple_of3A_52 = tpu.assume_multiple %add3A_51, 8 : i32
      "tpu.region"() ({
        %run_scoped3A = tpu.sem_alloc : memref<!tpu.dma_semaphore, #tpu.memory_space<semaphore_mem>>
        %dma_start3A = arith.constant 0 : i32
        %dma_start3A_54 = arith.constant 0 : i32
        %dma_start3A_55 = tpu.memref_slice %arg10[%dma_start3A, %dma_start3A_54] : memref<80x128xf32, #tpu.memory_space<vmem>> -> memref<80x128xf32, #tpu.memory_space<vmem>>
        %dma_start3A_56 = arith.constant 0 : i32
        %dma_start3A_57 = tpu.memref_slice %arg11[%multiple_of3A_52, %dma_start3A_56] : memref<10000x128xf32, #tpu.memory_space<vmem_shared>> -> memref<80x128xf32, #tpu.memory_space<vmem_shared>>
        %dma_start3A_58 = arith.constant 0 : i32
        %dma_start3A_59 = tpu.memref_slice %arg11[%multiple_of3A_52, %dma_start3A_58] : memref<10000x128xf32, #tpu.memory_space<vmem_shared>> -> memref<80x128xf32, #tpu.memory_space<vmem_shared>>
        %dma_start3A_60 = arith.constant 0 : i32
        %dma_start3A_61 = arith.constant 0 : i32
        %dma_start3A_62 = tpu.memref_slice %arg10[%dma_start3A_60, %dma_start3A_61] : memref<80x128xf32, #tpu.memory_space<vmem>> -> memref<80x128xf32, #tpu.memory_space<vmem>>
        tpu.enqueue_dma source(%dma_start3A_62 : memref<80x128xf32, #tpu.memory_space<vmem>>) target(%dma_start3A_59 : memref<80x128xf32, #tpu.memory_space<vmem_shared>>) target_semaphore(%run_scoped3A : memref<!tpu.dma_semaphore, #tpu.memory_space<semaphore_mem>>)
        %dma_wait3A = arith.constant 0 : i32
        %dma_wait3A_63 = arith.constant 0 : i32
        %dma_wait3A_64 = tpu.memref_slice %arg10[%dma_wait3A, %dma_wait3A_63] : memref<80x128xf32, #tpu.memory_space<vmem>> -> memref<80x128xf32, #tpu.memory_space<vmem>>
        %dma_wait3A_65 = arith.constant 0 : i32
        %dma_wait3A_66 = tpu.memref_slice %arg11[%multiple_of3A_52, %dma_wait3A_65] : memref<10000x128xf32, #tpu.memory_space<vmem_shared>> -> memref<80x128xf32, #tpu.memory_space<vmem_shared>>
        %dma_wait3A_67 = arith.constant 0 : i32
        %dma_wait3A_68 = tpu.memref_slice %arg11[%multiple_of3A_52, %dma_wait3A_67] : memref<10000x128xf32, #tpu.memory_space<vmem_shared>> -> memref<80x128xf32, #tpu.memory_space<vmem_shared>>
        %dma_wait3A_69 = arith.constant 0 : i32
        %dma_wait3A_70 = arith.constant 0 : i32
        %dma_wait3A_71 = tpu.memref_slice %arg10[%dma_wait3A_69, %dma_wait3A_70] : memref<80x128xf32, #tpu.memory_space<vmem>> -> memref<80x128xf32, #tpu.memory_space<vmem>>
        tpu.wait_dma2 semaphore(%run_scoped3A : memref<!tpu.dma_semaphore, #tpu.memory_space<semaphore_mem>>) src(%dma_wait3A_71 : memref<80x128xf32, #tpu.memory_space<vmem>>) dst(%dma_wait3A_68 : memref<80x128xf32, #tpu.memory_space<vmem_shared>>)
        tpu.yield
      }) : () -> ()
      %scan3A_53 = arith.constant 0 : i32
      scf.yield %scan3A_53 : i32
    }
    %scan3A_13 = arith.constant 7 : i32
    %mul3A_14 = arith.constant 624 : i32
    %mul3A_15 = arith.muli %arg1, %mul3A_14 : i32
    %add3A_16 = arith.constant 560 : i32
    %add3A_17 = arith.addi %mul3A_15, %add3A_16 : i32
    %multiple_of3A = tpu.assume_multiple %add3A_17, 8 : i32
    "tpu.region"() ({
      %run_scoped3A = tpu.sem_alloc : memref<!tpu.dma_semaphore, #tpu.memory_space<semaphore_mem>>
      %dma_start3A = arith.constant 0 : i32
      %dma_start3A_45 = arith.constant 0 : i32
      %dma_start3A_46 = tpu.memref_slice %arg10[%dma_start3A, %dma_start3A_45] : memref<80x128xf32, #tpu.memory_space<vmem>> -> memref<64x128xf32, #tpu.memory_space<vmem>>
      %dma_start3A_47 = arith.constant 0 : i32
      %dma_start3A_48 = tpu.memref_slice %arg11[%multiple_of3A, %dma_start3A_47] : memref<10000x128xf32, #tpu.memory_space<vmem_shared>> -> memref<64x128xf32, #tpu.memory_space<vmem_shared>>
      %dma_start3A_49 = arith.constant 0 : i32
      %dma_start3A_50 = tpu.memref_slice %arg11[%multiple_of3A, %dma_start3A_49] : memref<10000x128xf32, #tpu.memory_space<vmem_shared>> -> memref<64x128xf32, #tpu.memory_space<vmem_shared>>
      %dma_start3A_51 = arith.constant 0 : i32
      %dma_start3A_52 = arith.constant 0 : i32
      %dma_start3A_53 = tpu.memref_slice %arg10[%dma_start3A_51, %dma_start3A_52] : memref<80x128xf32, #tpu.memory_space<vmem>> -> memref<64x128xf32, #tpu.memory_space<vmem>>
      tpu.enqueue_dma source(%dma_start3A_53 : memref<64x128xf32, #tpu.memory_space<vmem>>) target(%dma_start3A_50 : memref<64x128xf32, #tpu.memory_space<vmem_shared>>) target_semaphore(%run_scoped3A : memref<!tpu.dma_semaphore, #tpu.memory_space<semaphore_mem>>)
      %dma_wait3A = arith.constant 0 : i32
      %dma_wait3A_54 = arith.constant 0 : i32
      %dma_wait3A_55 = tpu.memref_slice %arg10[%dma_wait3A, %dma_wait3A_54] : memref<80x128xf32, #tpu.memory_space<vmem>> -> memref<64x128xf32, #tpu.memory_space<vmem>>
      %dma_wait3A_56 = arith.constant 0 : i32
      %dma_wait3A_57 = tpu.memref_slice %arg11[%multiple_of3A, %dma_wait3A_56] : memref<10000x128xf32, #tpu.memory_space<vmem_shared>> -> memref<64x128xf32, #tpu.memory_space<vmem_shared>>
      %dma_wait3A_58 = arith.constant 0 : i32
      %dma_wait3A_59 = tpu.memref_slice %arg11[%multiple_of3A, %dma_wait3A_58] : memref<10000x128xf32, #tpu.memory_space<vmem_shared>> -> memref<64x128xf32, #tpu.memory_space<vmem_shared>>
      %dma_wait3A_60 = arith.constant 0 : i32
      %dma_wait3A_61 = arith.constant 0 : i32
      %dma_wait3A_62 = tpu.memref_slice %arg10[%dma_wait3A_60, %dma_wait3A_61] : memref<80x128xf32, #tpu.memory_space<vmem>> -> memref<64x128xf32, #tpu.memory_space<vmem>>
      tpu.wait_dma2 semaphore(%run_scoped3A : memref<!tpu.dma_semaphore, #tpu.memory_space<semaphore_mem>>) src(%dma_wait3A_62 : memref<64x128xf32, #tpu.memory_space<vmem>>) dst(%dma_wait3A_59 : memref<64x128xf32, #tpu.memory_space<vmem_shared>>)
      tpu.yield
    }) : () -> ()
    %eq3A = arith.constant 0 : i32
    %eq3A_18 = arith.cmpi eq, %arg1, %eq3A : i32
    %convert_element_type3A = arith.extui %eq3A_18 : i1 to i32
    %cond3A = arith.constant 0 : i32
    %cond3A_19 = arith.cmpi ne, %convert_element_type3A, %cond3A : i32
    scf.if %cond3A_19 {
      "tpu.region"() ({
        %run_scoped3A = tpu.sem_alloc : memref<!tpu.dma_semaphore, #tpu.memory_space<semaphore_mem>>
        %dma_start3A = arith.constant 0 : i32
        %dma_start3A_45 = arith.constant 0 : i32
        %dma_start3A_46 = tpu.memref_slice %arg10[%dma_start3A, %dma_start3A_45] : memref<80x128xf32, #tpu.memory_space<vmem>> -> memref<16x128xf32, #tpu.memory_space<vmem>>
        %dma_start3A_47 = arith.constant 9984 : i32
        %dma_start3A_48 = arith.constant 0 : i32
        %dma_start3A_49 = tpu.memref_slice %arg11[%dma_start3A_47, %dma_start3A_48] : memref<10000x128xf32, #tpu.memory_space<vmem_shared>> -> memref<16x128xf32, #tpu.memory_space<vmem_shared>>
        %dma_start3A_50 = arith.constant 9984 : i32
        %dma_start3A_51 = arith.constant 0 : i32
        %dma_start3A_52 = tpu.memref_slice %arg11[%dma_start3A_50, %dma_start3A_51] : memref<10000x128xf32, #tpu.memory_space<vmem_shared>> -> memref<16x128xf32, #tpu.memory_space<vmem_shared>>
        %dma_start3A_53 = arith.constant 0 : i32
        %dma_start3A_54 = arith.constant 0 : i32
        %dma_start3A_55 = tpu.memref_slice %arg10[%dma_start3A_53, %dma_start3A_54] : memref<80x128xf32, #tpu.memory_space<vmem>> -> memref<16x128xf32, #tpu.memory_space<vmem>>
        tpu.enqueue_dma source(%dma_start3A_55 : memref<16x128xf32, #tpu.memory_space<vmem>>) target(%dma_start3A_52 : memref<16x128xf32, #tpu.memory_space<vmem_shared>>) target_semaphore(%run_scoped3A : memref<!tpu.dma_semaphore, #tpu.memory_space<semaphore_mem>>)
        %dma_wait3A = arith.constant 0 : i32
        %dma_wait3A_56 = arith.constant 0 : i32
        %dma_wait3A_57 = tpu.memref_slice %arg10[%dma_wait3A, %dma_wait3A_56] : memref<80x128xf32, #tpu.memory_space<vmem>> -> memref<16x128xf32, #tpu.memory_space<vmem>>
        %dma_wait3A_58 = arith.constant 9984 : i32
        %dma_wait3A_59 = arith.constant 0 : i32
        %dma_wait3A_60 = tpu.memref_slice %arg11[%dma_wait3A_58, %dma_wait3A_59] : memref<10000x128xf32, #tpu.memory_space<vmem_shared>> -> memref<16x128xf32, #tpu.memory_space<vmem_shared>>
        %dma_wait3A_61 = arith.constant 9984 : i32
        %dma_wait3A_62 = arith.constant 0 : i32
        %dma_wait3A_63 = tpu.memref_slice %arg11[%dma_wait3A_61, %dma_wait3A_62] : memref<10000x128xf32, #tpu.memory_space<vmem_shared>> -> memref<16x128xf32, #tpu.memory_space<vmem_shared>>
        %dma_wait3A_64 = arith.constant 0 : i32
        %dma_wait3A_65 = arith.constant 0 : i32
        %dma_wait3A_66 = tpu.memref_slice %arg10[%dma_wait3A_64, %dma_wait3A_65] : memref<80x128xf32, #tpu.memory_space<vmem>> -> memref<16x128xf32, #tpu.memory_space<vmem>>
        tpu.wait_dma2 semaphore(%run_scoped3A : memref<!tpu.dma_semaphore, #tpu.memory_space<semaphore_mem>>) src(%dma_wait3A_66 : memref<16x128xf32, #tpu.memory_space<vmem>>) dst(%dma_wait3A_63 : memref<16x128xf32, #tpu.memory_space<vmem_shared>>)
        tpu.yield
      }) : () -> ()
    } else {
    }
    "tpu.region"() ({
      %run_scoped3A = tpu.sem_alloc : memref<!tpu.dma_semaphore, #tpu.memory_space<semaphore_mem>>
      %dma_start3A = arith.constant 0 : i32
      %dma_start3A_45 = arith.constant 0 : i32
      %dma_start3A_46 = tpu.memref_slice %arg3[%add3A, %dma_start3A, %dma_start3A_45] : memref<32x125x80xi32, #tpu.memory_space<hbm>> -> memref<1x125x80xi32, #tpu.memory_space<hbm>>
      %dma_start3A_47 = tpu.memref_squeeze %dma_start3A_46 : memref<1x125x80xi32, #tpu.memory_space<hbm>> -> memref<125x80xi32, #tpu.memory_space<hbm>>
      %dma_start3A_48 = arith.constant 0 : i32
      %dma_start3A_49 = arith.constant 0 : i32
      %dma_start3A_50 = tpu.memref_slice %arg3[%add3A, %dma_start3A_48, %dma_start3A_49] : memref<32x125x80xi32, #tpu.memory_space<hbm>> -> memref<1x125x80xi32, #tpu.memory_space<hbm>>
      %dma_start3A_51 = tpu.memref_squeeze %dma_start3A_50 : memref<1x125x80xi32, #tpu.memory_space<hbm>> -> memref<125x80xi32, #tpu.memory_space<hbm>>
      tpu.enqueue_dma source(%dma_start3A_51 : memref<125x80xi32, #tpu.memory_space<hbm>>) target(%arg7 : memref<125x80xi32, #tpu.memory_space<vmem>>) target_semaphore(%run_scoped3A : memref<!tpu.dma_semaphore, #tpu.memory_space<semaphore_mem>>)
      %dma_wait3A = arith.constant 0 : i32
      %dma_wait3A_52 = arith.constant 0 : i32
      %dma_wait3A_53 = tpu.memref_slice %arg3[%add3A, %dma_wait3A, %dma_wait3A_52] : memref<32x125x80xi32, #tpu.memory_space<hbm>> -> memref<1x125x80xi32, #tpu.memory_space<hbm>>
      %dma_wait3A_54 = tpu.memref_squeeze %dma_wait3A_53 : memref<1x125x80xi32, #tpu.memory_space<hbm>> -> memref<125x80xi32, #tpu.memory_space<hbm>>
      %dma_wait3A_55 = arith.constant 0 : i32
      %dma_wait3A_56 = arith.constant 0 : i32
      %dma_wait3A_57 = tpu.memref_slice %arg3[%add3A, %dma_wait3A_55, %dma_wait3A_56] : memref<32x125x80xi32, #tpu.memory_space<hbm>> -> memref<1x125x80xi32, #tpu.memory_space<hbm>>
      %dma_wait3A_58 = tpu.memref_squeeze %dma_wait3A_57 : memref<1x125x80xi32, #tpu.memory_space<hbm>> -> memref<125x80xi32, #tpu.memory_space<hbm>>
      tpu.wait_dma2 semaphore(%run_scoped3A : memref<!tpu.dma_semaphore, #tpu.memory_space<semaphore_mem>>) src(%dma_wait3A_58 : memref<125x80xi32, #tpu.memory_space<hbm>>) dst(%arg7 : memref<125x80xi32, #tpu.memory_space<vmem>>)
      tpu.yield
    }) : () -> ()
    "tpu.region"() ({
      %run_scoped3A = tpu.sem_alloc : memref<!tpu.dma_semaphore, #tpu.memory_space<semaphore_mem>>
      %dma_start3A = arith.constant 0 : i32
      %dma_start3A_45 = arith.constant 0 : i32
      %dma_start3A_46 = tpu.memref_slice %arg4[%add3A, %dma_start3A, %dma_start3A_45] : memref<32x125x80xi32, #tpu.memory_space<hbm>> -> memref<1x125x80xi32, #tpu.memory_space<hbm>>
      %dma_start3A_47 = tpu.memref_squeeze %dma_start3A_46 : memref<1x125x80xi32, #tpu.memory_space<hbm>> -> memref<125x80xi32, #tpu.memory_space<hbm>>
      %dma_start3A_48 = arith.constant 0 : i32
      %dma_start3A_49 = arith.constant 0 : i32
      %dma_start3A_50 = tpu.memref_slice %arg4[%add3A, %dma_start3A_48, %dma_start3A_49] : memref<32x125x80xi32, #tpu.memory_space<hbm>> -> memref<1x125x80xi32, #tpu.memory_space<hbm>>
      %dma_start3A_51 = tpu.memref_squeeze %dma_start3A_50 : memref<1x125x80xi32, #tpu.memory_space<hbm>> -> memref<125x80xi32, #tpu.memory_space<hbm>>
      tpu.enqueue_dma source(%dma_start3A_51 : memref<125x80xi32, #tpu.memory_space<hbm>>) target(%arg8 : memref<125x80xi32, #tpu.memory_space<vmem>>) target_semaphore(%run_scoped3A : memref<!tpu.dma_semaphore, #tpu.memory_space<semaphore_mem>>)
      %dma_wait3A = arith.constant 0 : i32
      %dma_wait3A_52 = arith.constant 0 : i32
      %dma_wait3A_53 = tpu.memref_slice %arg4[%add3A, %dma_wait3A, %dma_wait3A_52] : memref<32x125x80xi32, #tpu.memory_space<hbm>> -> memref<1x125x80xi32, #tpu.memory_space<hbm>>
      %dma_wait3A_54 = tpu.memref_squeeze %dma_wait3A_53 : memref<1x125x80xi32, #tpu.memory_space<hbm>> -> memref<125x80xi32, #tpu.memory_space<hbm>>
      %dma_wait3A_55 = arith.constant 0 : i32
      %dma_wait3A_56 = arith.constant 0 : i32
      %dma_wait3A_57 = tpu.memref_slice %arg4[%add3A, %dma_wait3A_55, %dma_wait3A_56] : memref<32x125x80xi32, #tpu.memory_space<hbm>> -> memref<1x125x80xi32, #tpu.memory_space<hbm>>
      %dma_wait3A_58 = tpu.memref_squeeze %dma_wait3A_57 : memref<1x125x80xi32, #tpu.memory_space<hbm>> -> memref<125x80xi32, #tpu.memory_space<hbm>>
      tpu.wait_dma2 semaphore(%run_scoped3A : memref<!tpu.dma_semaphore, #tpu.memory_space<semaphore_mem>>) src(%dma_wait3A_58 : memref<125x80xi32, #tpu.memory_space<hbm>>) dst(%arg8 : memref<125x80xi32, #tpu.memory_space<vmem>>)
      tpu.yield
    }) : () -> ()
    %barrier3A = arith.constant 0 : index
    tpu.barrier barrier_id(%barrier3A)
    %scan3A_20 = arith.constant 0 : i32
    %scan3A_21 = arith.constant 0 : i32
    %scan3A_22 = arith.constant 125 : i32
    %scan3A_23 = arith.addi %scan3A_21, %scan3A_22 : i32
    %scan3A_24 = arith.constant 1 : i32
    %scan3A_25 = scf.for %scan3A_45 = %scan3A_21 to %scan3A_23 step %scan3A_24 iter_args(%scan3A_46 = %scan3A_20) -> (i32)  : i32 {
      %mul3A_47 = arith.constant 10000 : i32
      %mul3A_48 = arith.muli %add3A, %mul3A_47 : i32
      %mul3A_49 = arith.constant 80 : i32
      %mul3A_50 = arith.muli %scan3A_45, %mul3A_49 : i32
      %add3A_51 = arith.addi %mul3A_48, %mul3A_50 : i32
      %multiple_of3A_52 = tpu.assume_multiple %add3A_51, 8 : i32
      "tpu.region"() ({
        %run_scoped3A = tpu.sem_alloc : memref<!tpu.dma_semaphore, #tpu.memory_space<semaphore_mem>>
        %dma_start3A_71 = tpu.memref_slice %arg5[%multiple_of3A_52] : memref<320000xf32, #tpu.memory_space<hbm>> -> memref<80xf32, #tpu.memory_space<hbm>>
        %dma_start3A_72 = tpu.memref_slice %arg5[%multiple_of3A_52] : memref<320000xf32, #tpu.memory_space<hbm>> -> memref<80xf32, #tpu.memory_space<hbm>>
        tpu.enqueue_dma source(%dma_start3A_72 : memref<80xf32, #tpu.memory_space<hbm>>) target(%arg9 : memref<80xf32, #tpu.memory_space<vmem>>) target_semaphore(%run_scoped3A : memref<!tpu.dma_semaphore, #tpu.memory_space<semaphore_mem>>)
        %dma_wait3A_73 = tpu.memref_slice %arg5[%multiple_of3A_52] : memref<320000xf32, #tpu.memory_space<hbm>> -> memref<80xf32, #tpu.memory_space<hbm>>
        %dma_wait3A_74 = tpu.memref_slice %arg5[%multiple_of3A_52] : memref<320000xf32, #tpu.memory_space<hbm>> -> memref<80xf32, #tpu.memory_space<hbm>>
        tpu.wait_dma2 semaphore(%run_scoped3A : memref<!tpu.dma_semaphore, #tpu.memory_space<semaphore_mem>>) src(%dma_wait3A_74 : memref<80xf32, #tpu.memory_space<hbm>>) dst(%arg9 : memref<80xf32, #tpu.memory_space<vmem>>)
        tpu.yield
      }) : () -> ()
      %dma_start3A = arith.constant 0 : i32
      %dma_start3A_53 = tpu.memref_slice %arg7[%scan3A_45, %dma_start3A] : memref<125x80xi32, #tpu.memory_space<vmem>> -> memref<1x80xi32, #tpu.memory_space<vmem>>
      %dma_start3A_54 = tpu.memref_squeeze %dma_start3A_53 : memref<1x80xi32, #tpu.memory_space<vmem>> -> memref<80xi32, #tpu.memory_space<vmem>>
      %dma_start3A_55 = arith.constant 0 : i32
      %dma_start3A_56 = arith.constant 0 : i32
      %dma_start3A_57 = tpu.memref_slice %arg2[%dma_start3A_55, %dma_start3A_56] : memref<10000x128xf32, #tpu.memory_space<hbm>> -> memref<10000x128xf32, #tpu.memory_space<hbm>>
      tpu.enqueue_indirect_dma source(%dma_start3A_57 : memref<10000x128xf32, #tpu.memory_space<hbm>>) target(%arg10 : memref<80x128xf32, #tpu.memory_space<vmem>>) offsets(%dma_start3A_54 : memref<80xi32, #tpu.memory_space<vmem>>) semaphore(%arg12 : memref<!tpu.dma_semaphore, #tpu.memory_space<semaphore_mem>>)
      %dma_wait3A = arith.constant 0 : i32
      %dma_wait3A_58 = tpu.memref_slice %arg7[%scan3A_45, %dma_wait3A] : memref<125x80xi32, #tpu.memory_space<vmem>> -> memref<1x80xi32, #tpu.memory_space<vmem>>
      %dma_wait3A_59 = tpu.memref_squeeze %dma_wait3A_58 : memref<1x80xi32, #tpu.memory_space<vmem>> -> memref<80xi32, #tpu.memory_space<vmem>>
      %dma_wait3A_60 = arith.constant 0 : i32
      %dma_wait3A_61 = arith.constant 0 : i32
      %dma_wait3A_62 = tpu.memref_slice %arg2[%dma_wait3A_60, %dma_wait3A_61] : memref<10000x128xf32, #tpu.memory_space<hbm>> -> memref<10000x128xf32, #tpu.memory_space<hbm>>
      tpu.wait_indirect_dma semaphore(%arg12 : memref<!tpu.dma_semaphore, #tpu.memory_space<semaphore_mem>>) src(%dma_wait3A_62 : memref<10000x128xf32, #tpu.memory_space<hbm>>) dst(%arg10 : memref<80x128xf32, #tpu.memory_space<vmem>>)
      %scan3A_63 = arith.constant 0 : i32
      %scan3A_64 = arith.constant 0 : i32
      %scan3A_65 = arith.constant 80 : i32
      %scan3A_66 = arith.addi %scan3A_64, %scan3A_65 : i32
      %scan3A_67 = arith.constant 1 : i32
      %scan3A_68 = scf.for %scan3A_71 = %scan3A_64 to %scan3A_66 step %scan3A_67 iter_args(%scan3A_72 = %scan3A_63) -> (i32)  : i32 {
        %broadcast_in_dim3A = vector.broadcast %scan3A_71 : i32 to vector<16xi32>
        %gather3A = tpu.vector_load_idx %arg9[%broadcast_in_dim3A] : memref<80xf32, #tpu.memory_space<vmem>>[vector<16xi32>], vector<16xf32>,
        %get3A = arith.index_cast %scan3A_71 : i32 to index
        %get3A_73 = arith.constant 0 : index
        %get3A_74 = tpu.vector_load %arg10[%get3A, %get3A_73] {strides = array<i32>} : memref<80x128xf32, #tpu.memory_space<vmem>>, vector<16xf32>,
        %mul3A_75 = arith.mulf %get3A_74, %gather3A : vector<16xf32>
        %swap3A = arith.index_cast %scan3A_71 : i32 to index
        %swap3A_76 = arith.constant 0 : index
        %swap3A_77 = tpu.vector_load %arg10[%swap3A, %swap3A_76] {strides = array<i32>} : memref<80x128xf32, #tpu.memory_space<vmem>>, vector<16xf32>,
        tpu.vector_store %arg10[%swap3A, %swap3A_76], %mul3A_75 {strides = array<i32>} : memref<80x128xf32, #tpu.memory_space<vmem>>, vector<16xf32>,
        %get3A_78 = arith.index_cast %scan3A_71 : i32 to index
        %get3A_79 = arith.constant 16 : index
        %get3A_80 = tpu.vector_load %arg10[%get3A_78, %get3A_79] {strides = array<i32>} : memref<80x128xf32, #tpu.memory_space<vmem>>, vector<16xf32>,
        %mul3A_81 = arith.mulf %get3A_80, %gather3A : vector<16xf32>
        %swap3A_82 = arith.index_cast %scan3A_71 : i32 to index
        %swap3A_83 = arith.constant 16 : index
        %swap3A_84 = tpu.vector_load %arg10[%swap3A_82, %swap3A_83] {strides = array<i32>} : memref<80x128xf32, #tpu.memory_space<vmem>>, vector<16xf32>,
        tpu.vector_store %arg10[%swap3A_82, %swap3A_83], %mul3A_81 {strides = array<i32>} : memref<80x128xf32, #tpu.memory_space<vmem>>, vector<16xf32>,
        %get3A_85 = arith.index_cast %scan3A_71 : i32 to index
        %get3A_86 = arith.constant 32 : index
        %get3A_87 = tpu.vector_load %arg10[%get3A_85, %get3A_86] {strides = array<i32>} : memref<80x128xf32, #tpu.memory_space<vmem>>, vector<16xf32>,
        %mul3A_88 = arith.mulf %get3A_87, %gather3A : vector<16xf32>
        %swap3A_89 = arith.index_cast %scan3A_71 : i32 to index
        %swap3A_90 = arith.constant 32 : index
        %swap3A_91 = tpu.vector_load %arg10[%swap3A_89, %swap3A_90] {strides = array<i32>} : memref<80x128xf32, #tpu.memory_space<vmem>>, vector<16xf32>,
        tpu.vector_store %arg10[%swap3A_89, %swap3A_90], %mul3A_88 {strides = array<i32>} : memref<80x128xf32, #tpu.memory_space<vmem>>, vector<16xf32>,
        %get3A_92 = arith.index_cast %scan3A_71 : i32 to index
        %get3A_93 = arith.constant 48 : index
        %get3A_94 = tpu.vector_load %arg10[%get3A_92, %get3A_93] {strides = array<i32>} : memref<80x128xf32, #tpu.memory_space<vmem>>, vector<16xf32>,
        %mul3A_95 = arith.mulf %get3A_94, %gather3A : vector<16xf32>
        %swap3A_96 = arith.index_cast %scan3A_71 : i32 to index
        %swap3A_97 = arith.constant 48 : index
        %swap3A_98 = tpu.vector_load %arg10[%swap3A_96, %swap3A_97] {strides = array<i32>} : memref<80x128xf32, #tpu.memory_space<vmem>>, vector<16xf32>,
        tpu.vector_store %arg10[%swap3A_96, %swap3A_97], %mul3A_95 {strides = array<i32>} : memref<80x128xf32, #tpu.memory_space<vmem>>, vector<16xf32>,
        %get3A_99 = arith.index_cast %scan3A_71 : i32 to index
        %get3A_100 = arith.constant 64 : index
        %get3A_101 = tpu.vector_load %arg10[%get3A_99, %get3A_100] {strides = array<i32>} : memref<80x128xf32, #tpu.memory_space<vmem>>, vector<16xf32>,
        %mul3A_102 = arith.mulf %get3A_101, %gather3A : vector<16xf32>
        %swap3A_103 = arith.index_cast %scan3A_71 : i32 to index
        %swap3A_104 = arith.constant 64 : index
        %swap3A_105 = tpu.vector_load %arg10[%swap3A_103, %swap3A_104] {strides = array<i32>} : memref<80x128xf32, #tpu.memory_space<vmem>>, vector<16xf32>,
        tpu.vector_store %arg10[%swap3A_103, %swap3A_104], %mul3A_102 {strides = array<i32>} : memref<80x128xf32, #tpu.memory_space<vmem>>, vector<16xf32>,
        %get3A_106 = arith.index_cast %scan3A_71 : i32 to index
        %get3A_107 = arith.constant 80 : index
        %get3A_108 = tpu.vector_load %arg10[%get3A_106, %get3A_107] {strides = array<i32>} : memref<80x128xf32, #tpu.memory_space<vmem>>, vector<16xf32>,
        %mul3A_109 = arith.mulf %get3A_108, %gather3A : vector<16xf32>
        %swap3A_110 = arith.index_cast %scan3A_71 : i32 to index
        %swap3A_111 = arith.constant 80 : index
        %swap3A_112 = tpu.vector_load %arg10[%swap3A_110, %swap3A_111] {strides = array<i32>} : memref<80x128xf32, #tpu.memory_space<vmem>>, vector<16xf32>,
        tpu.vector_store %arg10[%swap3A_110, %swap3A_111], %mul3A_109 {strides = array<i32>} : memref<80x128xf32, #tpu.memory_space<vmem>>, vector<16xf32>,
        %get3A_113 = arith.index_cast %scan3A_71 : i32 to index
        %get3A_114 = arith.constant 96 : index
        %get3A_115 = tpu.vector_load %arg10[%get3A_113, %get3A_114] {strides = array<i32>} : memref<80x128xf32, #tpu.memory_space<vmem>>, vector<16xf32>,
        %mul3A_116 = arith.mulf %get3A_115, %gather3A : vector<16xf32>
        %swap3A_117 = arith.index_cast %scan3A_71 : i32 to index
        %swap3A_118 = arith.constant 96 : index
        %swap3A_119 = tpu.vector_load %arg10[%swap3A_117, %swap3A_118] {strides = array<i32>} : memref<80x128xf32, #tpu.memory_space<vmem>>, vector<16xf32>,
        tpu.vector_store %arg10[%swap3A_117, %swap3A_118], %mul3A_116 {strides = array<i32>} : memref<80x128xf32, #tpu.memory_space<vmem>>, vector<16xf32>,
        %get3A_120 = arith.index_cast %scan3A_71 : i32 to index
        %get3A_121 = arith.constant 112 : index
        %get3A_122 = tpu.vector_load %arg10[%get3A_120, %get3A_121] {strides = array<i32>} : memref<80x128xf32, #tpu.memory_space<vmem>>, vector<16xf32>,
        %mul3A_123 = arith.mulf %get3A_122, %gather3A : vector<16xf32>
        %swap3A_124 = arith.index_cast %scan3A_71 : i32 to index
        %swap3A_125 = arith.constant 112 : index
        %swap3A_126 = tpu.vector_load %arg10[%swap3A_124, %swap3A_125] {strides = array<i32>} : memref<80x128xf32, #tpu.memory_space<vmem>>, vector<16xf32>,
        tpu.vector_store %arg10[%swap3A_124, %swap3A_125], %mul3A_123 {strides = array<i32>} : memref<80x128xf32, #tpu.memory_space<vmem>>, vector<16xf32>,
        %scan3A_127 = arith.constant 0 : i32
        scf.yield %scan3A_127 : i32
      }
      %scan3A_69 = arith.constant 80 : i32
      "tpu.region"() ({
        %run_scoped3A = tpu.sem_alloc : memref<!tpu.dma_semaphore, #tpu.memory_space<semaphore_mem>>
        %dma_start3A_71 = arith.constant 0 : i32
        %dma_start3A_72 = tpu.memref_slice %arg8[%scan3A_45, %dma_start3A_71] : memref<125x80xi32, #tpu.memory_space<vmem>> -> memref<1x80xi32, #tpu.memory_space<vmem>>
        %dma_start3A_73 = tpu.memref_squeeze %dma_start3A_72 : memref<1x80xi32, #tpu.memory_space<vmem>> -> memref<80xi32, #tpu.memory_space<vmem>>
        %dma_start3A_74 = arith.constant 0 : i32
        %dma_start3A_75 = arith.constant 0 : i32
        %dma_start3A_76 = tpu.memref_slice %arg11[%dma_start3A_74, %dma_start3A_75] : memref<10000x128xf32, #tpu.memory_space<vmem_shared>> -> memref<10000x128xf32, #tpu.memory_space<vmem_shared>>
        tpu.enqueue_indirect_dma source(%arg10 : memref<80x128xf32, #tpu.memory_space<vmem>>) target(%dma_start3A_76 : memref<10000x128xf32, #tpu.memory_space<vmem_shared>>) offsets(%dma_start3A_73 : memref<80xi32, #tpu.memory_space<vmem>>) semaphore(%run_scoped3A : memref<!tpu.dma_semaphore, #tpu.memory_space<semaphore_mem>>) {add = true}
        %dma_wait3A_77 = arith.constant 0 : i32
        %dma_wait3A_78 = tpu.memref_slice %arg8[%scan3A_45, %dma_wait3A_77] : memref<125x80xi32, #tpu.memory_space<vmem>> -> memref<1x80xi32, #tpu.memory_space<vmem>>
        %dma_wait3A_79 = tpu.memref_squeeze %dma_wait3A_78 : memref<1x80xi32, #tpu.memory_space<vmem>> -> memref<80xi32, #tpu.memory_space<vmem>>
        %dma_wait3A_80 = arith.constant 0 : i32
        %dma_wait3A_81 = arith.constant 0 : i32
        %dma_wait3A_82 = tpu.memref_slice %arg11[%dma_wait3A_80, %dma_wait3A_81] : memref<10000x128xf32, #tpu.memory_space<vmem_shared>> -> memref<10000x128xf32, #tpu.memory_space<vmem_shared>>
        tpu.wait_indirect_dma semaphore(%run_scoped3A : memref<!tpu.dma_semaphore, #tpu.memory_space<semaphore_mem>>) src(%arg10 : memref<80x128xf32, #tpu.memory_space<vmem>>) dst(%dma_wait3A_82 : memref<10000x128xf32, #tpu.memory_space<vmem_shared>>)
        tpu.yield
      }) : () -> ()
      %scan3A_70 = arith.constant 0 : i32
      scf.yield %scan3A_70 : i32
    }
    %scan3A_26 = arith.constant 125 : i32
    %barrier3A_27 = arith.constant 0 : index
    tpu.barrier barrier_id(%barrier3A_27)
    %scan3A_28 = arith.constant 0 : i32
    %scan3A_29 = arith.constant 0 : i32
    %scan3A_30 = arith.constant 7 : i32
    %scan3A_31 = arith.addi %scan3A_29, %scan3A_30 : i32
    %scan3A_32 = arith.constant 1 : i32
    %scan3A_33 = scf.for %scan3A_45 = %scan3A_29 to %scan3A_31 step %scan3A_32 iter_args(%scan3A_46 = %scan3A_28) -> (i32)  : i32 {
      %mul3A_47 = arith.constant 624 : i32
      %mul3A_48 = arith.muli %arg1, %mul3A_47 : i32
      %mul3A_49 = arith.constant 80 : i32
      %mul3A_50 = arith.muli %scan3A_45, %mul3A_49 : i32
      %add3A_51 = arith.addi %mul3A_48, %mul3A_50 : i32
      %multiple_of3A_52 = tpu.assume_multiple %add3A_51, 8 : i32
      "tpu.region"() ({
        %run_scoped3A = tpu.sem_alloc : memref<!tpu.dma_semaphore, #tpu.memory_space<semaphore_mem>>
        %dma_start3A = arith.constant 0 : i32
        %dma_start3A_54 = tpu.memref_slice %arg6[%arg0, %multiple_of3A_52, %dma_start3A] : memref<2x10000x128xf32, #tpu.memory_space<hbm>> -> memref<1x80x128xf32, #tpu.memory_space<hbm>>
        %dma_start3A_55 = tpu.memref_squeeze %dma_start3A_54 : memref<1x80x128xf32, #tpu.memory_space<hbm>> -> memref<80x128xf32, #tpu.memory_space<hbm>>
        %dma_start3A_56 = arith.constant 0 : i32
        %dma_start3A_57 = tpu.memref_slice %arg11[%multiple_of3A_52, %dma_start3A_56] : memref<10000x128xf32, #tpu.memory_space<vmem_shared>> -> memref<80x128xf32, #tpu.memory_space<vmem_shared>>
        tpu.enqueue_dma source(%dma_start3A_57 : memref<80x128xf32, #tpu.memory_space<vmem_shared>>) target(%dma_start3A_55 : memref<80x128xf32, #tpu.memory_space<hbm>>) target_semaphore(%run_scoped3A : memref<!tpu.dma_semaphore, #tpu.memory_space<semaphore_mem>>)
        %dma_wait3A = arith.constant 0 : i32
        %dma_wait3A_58 = tpu.memref_slice %arg6[%arg0, %multiple_of3A_52, %dma_wait3A] : memref<2x10000x128xf32, #tpu.memory_space<hbm>> -> memref<1x80x128xf32, #tpu.memory_space<hbm>>
        %dma_wait3A_59 = tpu.memref_squeeze %dma_wait3A_58 : memref<1x80x128xf32, #tpu.memory_space<hbm>> -> memref<80x128xf32, #tpu.memory_space<hbm>>
        %dma_wait3A_60 = arith.constant 0 : i32
        %dma_wait3A_61 = tpu.memref_slice %arg11[%multiple_of3A_52, %dma_wait3A_60] : memref<10000x128xf32, #tpu.memory_space<vmem_shared>> -> memref<80x128xf32, #tpu.memory_space<vmem_shared>>
        tpu.wait_dma2 semaphore(%run_scoped3A : memref<!tpu.dma_semaphore, #tpu.memory_space<semaphore_mem>>) src(%dma_wait3A_61 : memref<80x128xf32, #tpu.memory_space<vmem_shared>>) dst(%dma_wait3A_59 : memref<80x128xf32, #tpu.memory_space<hbm>>)
        tpu.yield
      }) : () -> ()
      %scan3A_53 = arith.constant 0 : i32
      scf.yield %scan3A_53 : i32
    }
    %scan3A_34 = arith.constant 7 : i32
    %mul3A_35 = arith.constant 624 : i32
    %mul3A_36 = arith.muli %arg1, %mul3A_35 : i32
    %add3A_37 = arith.constant 560 : i32
    %add3A_38 = arith.addi %mul3A_36, %add3A_37 : i32
    %multiple_of3A_39 = tpu.assume_multiple %add3A_38, 8 : i32
    "tpu.region"() ({
      %run_scoped3A = tpu.sem_alloc : memref<!tpu.dma_semaphore, #tpu.memory_space<semaphore_mem>>
      %dma_start3A = arith.constant 0 : i32
      %dma_start3A_45 = tpu.memref_slice %arg6[%arg0, %multiple_of3A_39, %dma_start3A] : memref<2x10000x128xf32, #tpu.memory_space<hbm>> -> memref<1x64x128xf32, #tpu.memory_space<hbm>>
      %dma_start3A_46 = tpu.memref_squeeze %dma_start3A_45 : memref<1x64x128xf32, #tpu.memory_space<hbm>> -> memref<64x128xf32, #tpu.memory_space<hbm>>
      %dma_start3A_47 = arith.constant 0 : i32
      %dma_start3A_48 = tpu.memref_slice %arg11[%multiple_of3A_39, %dma_start3A_47] : memref<10000x128xf32, #tpu.memory_space<vmem_shared>> -> memref<64x128xf32, #tpu.memory_space<vmem_shared>>
      tpu.enqueue_dma source(%dma_start3A_48 : memref<64x128xf32, #tpu.memory_space<vmem_shared>>) target(%dma_start3A_46 : memref<64x128xf32, #tpu.memory_space<hbm>>) target_semaphore(%run_scoped3A : memref<!tpu.dma_semaphore, #tpu.memory_space<semaphore_mem>>)
      %dma_wait3A = arith.constant 0 : i32
      %dma_wait3A_49 = tpu.memref_slice %arg6[%arg0, %multiple_of3A_39, %dma_wait3A] : memref<2x10000x128xf32, #tpu.memory_space<hbm>> -> memref<1x64x128xf32, #tpu.memory_space<hbm>>
      %dma_wait3A_50 = tpu.memref_squeeze %dma_wait3A_49 : memref<1x64x128xf32, #tpu.memory_space<hbm>> -> memref<64x128xf32, #tpu.memory_space<hbm>>
      %dma_wait3A_51 = arith.constant 0 : i32
      %dma_wait3A_52 = tpu.memref_slice %arg11[%multiple_of3A_39, %dma_wait3A_51] : memref<10000x128xf32, #tpu.memory_space<vmem_shared>> -> memref<64x128xf32, #tpu.memory_space<vmem_shared>>
      tpu.wait_dma2 semaphore(%run_scoped3A : memref<!tpu.dma_semaphore, #tpu.memory_space<semaphore_mem>>) src(%dma_wait3A_52 : memref<64x128xf32, #tpu.memory_space<vmem_shared>>) dst(%dma_wait3A_50 : memref<64x128xf32, #tpu.memory_space<hbm>>)
      tpu.yield
    }) : () -> ()
    %eq3A_40 = arith.constant 0 : i32
    %eq3A_41 = arith.cmpi eq, %arg1, %eq3A_40 : i32
    %convert_element_type3A_42 = arith.extui %eq3A_41 : i1 to i32
    %cond3A_43 = arith.constant 0 : i32
    %cond3A_44 = arith.cmpi ne, %convert_element_type3A_42, %cond3A_43 : i32
    scf.if %cond3A_44 {
      "tpu.region"() ({
        %run_scoped3A = tpu.sem_alloc : memref<!tpu.dma_semaphore, #tpu.memory_space<semaphore_mem>>
        %dma_start3A = arith.constant 9984 : i32
        %dma_start3A_45 = arith.constant 0 : i32
        %dma_start3A_46 = tpu.memref_slice %arg6[%arg0, %dma_start3A, %dma_start3A_45] : memref<2x10000x128xf32, #tpu.memory_space<hbm>> -> memref<1x16x128xf32, #tpu.memory_space<hbm>>
        %dma_start3A_47 = tpu.memref_squeeze %dma_start3A_46 : memref<1x16x128xf32, #tpu.memory_space<hbm>> -> memref<16x128xf32, #tpu.memory_space<hbm>>
        %dma_start3A_48 = arith.constant 9984 : i32
        %dma_start3A_49 = arith.constant 0 : i32
        %dma_start3A_50 = tpu.memref_slice %arg11[%dma_start3A_48, %dma_start3A_49] : memref<10000x128xf32, #tpu.memory_space<vmem_shared>> -> memref<16x128xf32, #tpu.memory_space<vmem_shared>>
        tpu.enqueue_dma source(%dma_start3A_50 : memref<16x128xf32, #tpu.memory_space<vmem_shared>>) target(%dma_start3A_47 : memref<16x128xf32, #tpu.memory_space<hbm>>) target_semaphore(%run_scoped3A : memref<!tpu.dma_semaphore, #tpu.memory_space<semaphore_mem>>)
        %dma_wait3A = arith.constant 9984 : i32
        %dma_wait3A_51 = arith.constant 0 : i32
        %dma_wait3A_52 = tpu.memref_slice %arg6[%arg0, %dma_wait3A, %dma_wait3A_51] : memref<2x10000x128xf32, #tpu.memory_space<hbm>> -> memref<1x16x128xf32, #tpu.memory_space<hbm>>
        %dma_wait3A_53 = tpu.memref_squeeze %dma_wait3A_52 : memref<1x16x128xf32, #tpu.memory_space<hbm>> -> memref<16x128xf32, #tpu.memory_space<hbm>>
        %dma_wait3A_54 = arith.constant 9984 : i32
        %dma_wait3A_55 = arith.constant 0 : i32
        %dma_wait3A_56 = tpu.memref_slice %arg11[%dma_wait3A_54, %dma_wait3A_55] : memref<10000x128xf32, #tpu.memory_space<vmem_shared>> -> memref<16x128xf32, #tpu.memory_space<vmem_shared>>
        tpu.wait_dma2 semaphore(%run_scoped3A : memref<!tpu.dma_semaphore, #tpu.memory_space<semaphore_mem>>) src(%dma_wait3A_56 : memref<16x128xf32, #tpu.memory_space<vmem_shared>>) dst(%dma_wait3A_53 : memref<16x128xf32, #tpu.memory_space<hbm>>)
        tpu.yield
      }) : () -> ()
    } else {
    }
    return
  }
}

#map = affine_map<(d0, d1) -> (0, 0)>
#map1 = affine_map<(d0, d1) -> (0, 0, 0)>
#map2 = affine_map<(d0, d1) -> (0)>
module attributes {stable_mosaic.version = 14 : i64} {
  func.func @_sc_agg_body(%arg0: i32, %arg1: i32, %arg2: memref<10000x128xf32, #tpu.memory_space<hbm>>, %arg3: memref<32x125x80xi32, #tpu.memory_space<hbm>>, %arg4: memref<32x125x80xi32, #tpu.memory_space<hbm>>, %arg5: memref<320000xf32, #tpu.memory_space<hbm>>, %arg6: memref<2x10000x128xf32, #tpu.memory_space<hbm>>, %arg7: memref<125x80xi32, #tpu.memory_space<vmem>>, %arg8: memref<125x80xi32, #tpu.memory_space<vmem>>, %arg9: memref<80xf32, #tpu.memory_space<vmem>>, %arg10: memref<80x128xf32, #tpu.memory_space<vmem>>, %arg11: memref<10000x128xf32, #tpu.memory_space<vmem_shared>>, %arg12: memref<!tpu.dma_semaphore, #tpu.memory_space<semaphore_mem>>) attributes {dimension_semantics = [#tpu.dimension_semantics<core_parallel>, #tpu.dimension_semantics<subcore_parallel>], iteration_bounds = array<i64: 2, 16>, scalar_prefetch = 0 : i64, scratch_operands = 6 : i64, tpu.core_type = #tpu.core_type<sc_vector_subcore>, window_params = [{transform_indices = #map}, {transform_indices = #map1}, {transform_indices = #map1}, {transform_indices = #map2}, {transform_indices = #map1}]} {
    %mul3A = arith.constant 16 : i32
    %mul3A_0 = arith.muli %arg0, %mul3A : i32
    %add3A = arith.addi %mul3A_0, %arg1 : i32
    %scan3A = arith.constant 0 : i32
    %scan3A_1 = arith.constant 0 : i32
    %scan3A_2 = arith.constant 80 : i32
    %scan3A_3 = arith.addi %scan3A_1, %scan3A_2 : i32
    %scan3A_4 = arith.constant 1 : i32
    %scan3A_5 = scf.for %scan3A_45 = %scan3A_1 to %scan3A_3 step %scan3A_4 iter_args(%scan3A_46 = %scan3A) -> (i32)  : i32 {
      %broadcast_in_dim3A = arith.constant 0.000000e+00 : f32
      %broadcast_in_dim3A_47 = vector.broadcast %broadcast_in_dim3A : f32 to vector<16xf32>
      %swap3A = arith.index_cast %scan3A_45 : i32 to index
      %swap3A_48 = arith.constant 0 : index
      %swap3A_49 = tpu.vector_load %arg10[%swap3A, %swap3A_48] {strides = array<i32>} : memref<80x128xf32, #tpu.memory_space<vmem>>, vector<16xf32>,
      tpu.vector_store %arg10[%swap3A, %swap3A_48], %broadcast_in_dim3A_47 {strides = array<i32>} : memref<80x128xf32, #tpu.memory_space<vmem>>, vector<16xf32>,
      %broadcast_in_dim3A_50 = arith.constant 0.000000e+00 : f32
      %broadcast_in_dim3A_51 = vector.broadcast %broadcast_in_dim3A_50 : f32 to vector<16xf32>
      %swap3A_52 = arith.index_cast %scan3A_45 : i32 to index
      %swap3A_53 = arith.constant 16 : index
      %swap3A_54 = tpu.vector_load %arg10[%swap3A_52, %swap3A_53] {strides = array<i32>} : memref<80x128xf32, #tpu.memory_space<vmem>>, vector<16xf32>,
      tpu.vector_store %arg10[%swap3A_52, %swap3A_53], %broadcast_in_dim3A_51 {strides = array<i32>} : memref<80x128xf32, #tpu.memory_space<vmem>>, vector<16xf32>,
      %broadcast_in_dim3A_55 = arith.constant 0.000000e+00 : f32
      %broadcast_in_dim3A_56 = vector.broadcast %broadcast_in_dim3A_55 : f32 to vector<16xf32>
      %swap3A_57 = arith.index_cast %scan3A_45 : i32 to index
      %swap3A_58 = arith.constant 32 : index
      %swap3A_59 = tpu.vector_load %arg10[%swap3A_57, %swap3A_58] {strides = array<i32>} : memref<80x128xf32, #tpu.memory_space<vmem>>, vector<16xf32>,
      tpu.vector_store %arg10[%swap3A_57, %swap3A_58], %broadcast_in_dim3A_56 {strides = array<i32>} : memref<80x128xf32, #tpu.memory_space<vmem>>, vector<16xf32>,
      %broadcast_in_dim3A_60 = arith.constant 0.000000e+00 : f32
      %broadcast_in_dim3A_61 = vector.broadcast %broadcast_in_dim3A_60 : f32 to vector<16xf32>
      %swap3A_62 = arith.index_cast %scan3A_45 : i32 to index
      %swap3A_63 = arith.constant 48 : index
      %swap3A_64 = tpu.vector_load %arg10[%swap3A_62, %swap3A_63] {strides = array<i32>} : memref<80x128xf32, #tpu.memory_space<vmem>>, vector<16xf32>,
      tpu.vector_store %arg10[%swap3A_62, %swap3A_63], %broadcast_in_dim3A_61 {strides = array<i32>} : memref<80x128xf32, #tpu.memory_space<vmem>>, vector<16xf32>,
      %broadcast_in_dim3A_65 = arith.constant 0.000000e+00 : f32
      %broadcast_in_dim3A_66 = vector.broadcast %broadcast_in_dim3A_65 : f32 to vector<16xf32>
      %swap3A_67 = arith.index_cast %scan3A_45 : i32 to index
      %swap3A_68 = arith.constant 64 : index
      %swap3A_69 = tpu.vector_load %arg10[%swap3A_67, %swap3A_68] {strides = array<i32>} : memref<80x128xf32, #tpu.memory_space<vmem>>, vector<16xf32>,
      tpu.vector_store %arg10[%swap3A_67, %swap3A_68], %broadcast_in_dim3A_66 {strides = array<i32>} : memref<80x128xf32, #tpu.memory_space<vmem>>, vector<16xf32>,
      %broadcast_in_dim3A_70 = arith.constant 0.000000e+00 : f32
      %broadcast_in_dim3A_71 = vector.broadcast %broadcast_in_dim3A_70 : f32 to vector<16xf32>
      %swap3A_72 = arith.index_cast %scan3A_45 : i32 to index
      %swap3A_73 = arith.constant 80 : index
      %swap3A_74 = tpu.vector_load %arg10[%swap3A_72, %swap3A_73] {strides = array<i32>} : memref<80x128xf32, #tpu.memory_space<vmem>>, vector<16xf32>,
      tpu.vector_store %arg10[%swap3A_72, %swap3A_73], %broadcast_in_dim3A_71 {strides = array<i32>} : memref<80x128xf32, #tpu.memory_space<vmem>>, vector<16xf32>,
      %broadcast_in_dim3A_75 = arith.constant 0.000000e+00 : f32
      %broadcast_in_dim3A_76 = vector.broadcast %broadcast_in_dim3A_75 : f32 to vector<16xf32>
      %swap3A_77 = arith.index_cast %scan3A_45 : i32 to index
      %swap3A_78 = arith.constant 96 : index
      %swap3A_79 = tpu.vector_load %arg10[%swap3A_77, %swap3A_78] {strides = array<i32>} : memref<80x128xf32, #tpu.memory_space<vmem>>, vector<16xf32>,
      tpu.vector_store %arg10[%swap3A_77, %swap3A_78], %broadcast_in_dim3A_76 {strides = array<i32>} : memref<80x128xf32, #tpu.memory_space<vmem>>, vector<16xf32>,
      %broadcast_in_dim3A_80 = arith.constant 0.000000e+00 : f32
      %broadcast_in_dim3A_81 = vector.broadcast %broadcast_in_dim3A_80 : f32 to vector<16xf32>
      %swap3A_82 = arith.index_cast %scan3A_45 : i32 to index
      %swap3A_83 = arith.constant 112 : index
      %swap3A_84 = tpu.vector_load %arg10[%swap3A_82, %swap3A_83] {strides = array<i32>} : memref<80x128xf32, #tpu.memory_space<vmem>>, vector<16xf32>,
      tpu.vector_store %arg10[%swap3A_82, %swap3A_83], %broadcast_in_dim3A_81 {strides = array<i32>} : memref<80x128xf32, #tpu.memory_space<vmem>>, vector<16xf32>,
      %scan3A_85 = arith.constant 0 : i32
      scf.yield %scan3A_85 : i32
    }
    %scan3A_6 = arith.constant 80 : i32
    %scan3A_7 = arith.constant 0 : i32
    %scan3A_8 = arith.constant 0 : i32
    %scan3A_9 = arith.constant 7 : i32
    %scan3A_10 = arith.addi %scan3A_8, %scan3A_9 : i32
    %scan3A_11 = arith.constant 1 : i32
    %scan3A_12 = scf.for %scan3A_45 = %scan3A_8 to %scan3A_10 step %scan3A_11 iter_args(%scan3A_46 = %scan3A_7) -> (i32)  : i32 {
      %mul3A_47 = arith.constant 624 : i32
      %mul3A_48 = arith.muli %arg1, %mul3A_47 : i32
      %mul3A_49 = arith.constant 80 : i32
      %mul3A_50 = arith.muli %scan3A_45, %mul3A_49 : i32
      %add3A_51 = arith.addi %mul3A_48, %mul3A_50 : i32
      %multiple_of3A_52 = tpu.assume_multiple %add3A_51, 8 : i32
      "tpu.region"() ({
        %run_scoped3A = tpu.sem_alloc : memref<!tpu.dma_semaphore, #tpu.memory_space<semaphore_mem>>
        %dma_start3A = arith.constant 0 : i32
        %dma_start3A_54 = arith.constant 0 : i32
        %dma_start3A_55 = tpu.memref_slice %arg10[%dma_start3A, %dma_start3A_54] : memref<80x128xf32, #tpu.memory_space<vmem>> -> memref<80x128xf32, #tpu.memory_space<vmem>>
        %dma_start3A_56 = arith.constant 0 : i32
        %dma_start3A_57 = tpu.memref_slice %arg11[%multiple_of3A_52, %dma_start3A_56] : memref<10000x128xf32, #tpu.memory_space<vmem_shared>> -> memref<80x128xf32, #tpu.memory_space<vmem_shared>>
        %dma_start3A_58 = arith.constant 0 : i32
        %dma_start3A_59 = tpu.memref_slice %arg11[%multiple_of3A_52, %dma_start3A_58] : memref<10000x128xf32, #tpu.memory_space<vmem_shared>> -> memref<80x128xf32, #tpu.memory_space<vmem_shared>>
        %dma_start3A_60 = arith.constant 0 : i32
        %dma_start3A_61 = arith.constant 0 : i32
        %dma_start3A_62 = tpu.memref_slice %arg10[%dma_start3A_60, %dma_start3A_61] : memref<80x128xf32, #tpu.memory_space<vmem>> -> memref<80x128xf32, #tpu.memory_space<vmem>>
        tpu.enqueue_dma source(%dma_start3A_62 : memref<80x128xf32, #tpu.memory_space<vmem>>) target(%dma_start3A_59 : memref<80x128xf32, #tpu.memory_space<vmem_shared>>) target_semaphore(%run_scoped3A : memref<!tpu.dma_semaphore, #tpu.memory_space<semaphore_mem>>)
        %dma_wait3A = arith.constant 0 : i32
        %dma_wait3A_63 = arith.constant 0 : i32
        %dma_wait3A_64 = tpu.memref_slice %arg10[%dma_wait3A, %dma_wait3A_63] : memref<80x128xf32, #tpu.memory_space<vmem>> -> memref<80x128xf32, #tpu.memory_space<vmem>>
        %dma_wait3A_65 = arith.constant 0 : i32
        %dma_wait3A_66 = tpu.memref_slice %arg11[%multiple_of3A_52, %dma_wait3A_65] : memref<10000x128xf32, #tpu.memory_space<vmem_shared>> -> memref<80x128xf32, #tpu.memory_space<vmem_shared>>
        %dma_wait3A_67 = arith.constant 0 : i32
        %dma_wait3A_68 = tpu.memref_slice %arg11[%multiple_of3A_52, %dma_wait3A_67] : memref<10000x128xf32, #tpu.memory_space<vmem_shared>> -> memref<80x128xf32, #tpu.memory_space<vmem_shared>>
        %dma_wait3A_69 = arith.constant 0 : i32
        %dma_wait3A_70 = arith.constant 0 : i32
        %dma_wait3A_71 = tpu.memref_slice %arg10[%dma_wait3A_69, %dma_wait3A_70] : memref<80x128xf32, #tpu.memory_space<vmem>> -> memref<80x128xf32, #tpu.memory_space<vmem>>
        tpu.wait_dma2 semaphore(%run_scoped3A : memref<!tpu.dma_semaphore, #tpu.memory_space<semaphore_mem>>) src(%dma_wait3A_71 : memref<80x128xf32, #tpu.memory_space<vmem>>) dst(%dma_wait3A_68 : memref<80x128xf32, #tpu.memory_space<vmem_shared>>)
        tpu.yield
      }) : () -> ()
      %scan3A_53 = arith.constant 0 : i32
      scf.yield %scan3A_53 : i32
    }
    %scan3A_13 = arith.constant 7 : i32
    %mul3A_14 = arith.constant 624 : i32
    %mul3A_15 = arith.muli %arg1, %mul3A_14 : i32
    %add3A_16 = arith.constant 560 : i32
    %add3A_17 = arith.addi %mul3A_15, %add3A_16 : i32
    %multiple_of3A = tpu.assume_multiple %add3A_17, 8 : i32
    "tpu.region"() ({
      %run_scoped3A = tpu.sem_alloc : memref<!tpu.dma_semaphore, #tpu.memory_space<semaphore_mem>>
      %dma_start3A = arith.constant 0 : i32
      %dma_start3A_45 = arith.constant 0 : i32
      %dma_start3A_46 = tpu.memref_slice %arg10[%dma_start3A, %dma_start3A_45] : memref<80x128xf32, #tpu.memory_space<vmem>> -> memref<64x128xf32, #tpu.memory_space<vmem>>
      %dma_start3A_47 = arith.constant 0 : i32
      %dma_start3A_48 = tpu.memref_slice %arg11[%multiple_of3A, %dma_start3A_47] : memref<10000x128xf32, #tpu.memory_space<vmem_shared>> -> memref<64x128xf32, #tpu.memory_space<vmem_shared>>
      %dma_start3A_49 = arith.constant 0 : i32
      %dma_start3A_50 = tpu.memref_slice %arg11[%multiple_of3A, %dma_start3A_49] : memref<10000x128xf32, #tpu.memory_space<vmem_shared>> -> memref<64x128xf32, #tpu.memory_space<vmem_shared>>
      %dma_start3A_51 = arith.constant 0 : i32
      %dma_start3A_52 = arith.constant 0 : i32
      %dma_start3A_53 = tpu.memref_slice %arg10[%dma_start3A_51, %dma_start3A_52] : memref<80x128xf32, #tpu.memory_space<vmem>> -> memref<64x128xf32, #tpu.memory_space<vmem>>
      tpu.enqueue_dma source(%dma_start3A_53 : memref<64x128xf32, #tpu.memory_space<vmem>>) target(%dma_start3A_50 : memref<64x128xf32, #tpu.memory_space<vmem_shared>>) target_semaphore(%run_scoped3A : memref<!tpu.dma_semaphore, #tpu.memory_space<semaphore_mem>>)
      %dma_wait3A = arith.constant 0 : i32
      %dma_wait3A_54 = arith.constant 0 : i32
      %dma_wait3A_55 = tpu.memref_slice %arg10[%dma_wait3A, %dma_wait3A_54] : memref<80x128xf32, #tpu.memory_space<vmem>> -> memref<64x128xf32, #tpu.memory_space<vmem>>
      %dma_wait3A_56 = arith.constant 0 : i32
      %dma_wait3A_57 = tpu.memref_slice %arg11[%multiple_of3A, %dma_wait3A_56] : memref<10000x128xf32, #tpu.memory_space<vmem_shared>> -> memref<64x128xf32, #tpu.memory_space<vmem_shared>>
      %dma_wait3A_58 = arith.constant 0 : i32
      %dma_wait3A_59 = tpu.memref_slice %arg11[%multiple_of3A, %dma_wait3A_58] : memref<10000x128xf32, #tpu.memory_space<vmem_shared>> -> memref<64x128xf32, #tpu.memory_space<vmem_shared>>
      %dma_wait3A_60 = arith.constant 0 : i32
      %dma_wait3A_61 = arith.constant 0 : i32
      %dma_wait3A_62 = tpu.memref_slice %arg10[%dma_wait3A_60, %dma_wait3A_61] : memref<80x128xf32, #tpu.memory_space<vmem>> -> memref<64x128xf32, #tpu.memory_space<vmem>>
      tpu.wait_dma2 semaphore(%run_scoped3A : memref<!tpu.dma_semaphore, #tpu.memory_space<semaphore_mem>>) src(%dma_wait3A_62 : memref<64x128xf32, #tpu.memory_space<vmem>>) dst(%dma_wait3A_59 : memref<64x128xf32, #tpu.memory_space<vmem_shared>>)
      tpu.yield
    }) : () -> ()
    %eq3A = arith.constant 0 : i32
    %eq3A_18 = arith.cmpi eq, %arg1, %eq3A : i32
    %convert_element_type3A = arith.extui %eq3A_18 : i1 to i32
    %cond3A = arith.constant 0 : i32
    %cond3A_19 = arith.cmpi ne, %convert_element_type3A, %cond3A : i32
    scf.if %cond3A_19 {
      "tpu.region"() ({
        %run_scoped3A = tpu.sem_alloc : memref<!tpu.dma_semaphore, #tpu.memory_space<semaphore_mem>>
        %dma_start3A = arith.constant 0 : i32
        %dma_start3A_45 = arith.constant 0 : i32
        %dma_start3A_46 = tpu.memref_slice %arg10[%dma_start3A, %dma_start3A_45] : memref<80x128xf32, #tpu.memory_space<vmem>> -> memref<16x128xf32, #tpu.memory_space<vmem>>
        %dma_start3A_47 = arith.constant 9984 : i32
        %dma_start3A_48 = arith.constant 0 : i32
        %dma_start3A_49 = tpu.memref_slice %arg11[%dma_start3A_47, %dma_start3A_48] : memref<10000x128xf32, #tpu.memory_space<vmem_shared>> -> memref<16x128xf32, #tpu.memory_space<vmem_shared>>
        %dma_start3A_50 = arith.constant 9984 : i32
        %dma_start3A_51 = arith.constant 0 : i32
        %dma_start3A_52 = tpu.memref_slice %arg11[%dma_start3A_50, %dma_start3A_51] : memref<10000x128xf32, #tpu.memory_space<vmem_shared>> -> memref<16x128xf32, #tpu.memory_space<vmem_shared>>
        %dma_start3A_53 = arith.constant 0 : i32
        %dma_start3A_54 = arith.constant 0 : i32
        %dma_start3A_55 = tpu.memref_slice %arg10[%dma_start3A_53, %dma_start3A_54] : memref<80x128xf32, #tpu.memory_space<vmem>> -> memref<16x128xf32, #tpu.memory_space<vmem>>
        tpu.enqueue_dma source(%dma_start3A_55 : memref<16x128xf32, #tpu.memory_space<vmem>>) target(%dma_start3A_52 : memref<16x128xf32, #tpu.memory_space<vmem_shared>>) target_semaphore(%run_scoped3A : memref<!tpu.dma_semaphore, #tpu.memory_space<semaphore_mem>>)
        %dma_wait3A = arith.constant 0 : i32
        %dma_wait3A_56 = arith.constant 0 : i32
        %dma_wait3A_57 = tpu.memref_slice %arg10[%dma_wait3A, %dma_wait3A_56] : memref<80x128xf32, #tpu.memory_space<vmem>> -> memref<16x128xf32, #tpu.memory_space<vmem>>
        %dma_wait3A_58 = arith.constant 9984 : i32
        %dma_wait3A_59 = arith.constant 0 : i32
        %dma_wait3A_60 = tpu.memref_slice %arg11[%dma_wait3A_58, %dma_wait3A_59] : memref<10000x128xf32, #tpu.memory_space<vmem_shared>> -> memref<16x128xf32, #tpu.memory_space<vmem_shared>>
        %dma_wait3A_61 = arith.constant 9984 : i32
        %dma_wait3A_62 = arith.constant 0 : i32
        %dma_wait3A_63 = tpu.memref_slice %arg11[%dma_wait3A_61, %dma_wait3A_62] : memref<10000x128xf32, #tpu.memory_space<vmem_shared>> -> memref<16x128xf32, #tpu.memory_space<vmem_shared>>
        %dma_wait3A_64 = arith.constant 0 : i32
        %dma_wait3A_65 = arith.constant 0 : i32
        %dma_wait3A_66 = tpu.memref_slice %arg10[%dma_wait3A_64, %dma_wait3A_65] : memref<80x128xf32, #tpu.memory_space<vmem>> -> memref<16x128xf32, #tpu.memory_space<vmem>>
        tpu.wait_dma2 semaphore(%run_scoped3A : memref<!tpu.dma_semaphore, #tpu.memory_space<semaphore_mem>>) src(%dma_wait3A_66 : memref<16x128xf32, #tpu.memory_space<vmem>>) dst(%dma_wait3A_63 : memref<16x128xf32, #tpu.memory_space<vmem_shared>>)
        tpu.yield
      }) : () -> ()
    } else {
    }
    "tpu.region"() ({
      %run_scoped3A = tpu.sem_alloc : memref<!tpu.dma_semaphore, #tpu.memory_space<semaphore_mem>>
      %dma_start3A = arith.constant 0 : i32
      %dma_start3A_45 = arith.constant 0 : i32
      %dma_start3A_46 = tpu.memref_slice %arg3[%add3A, %dma_start3A, %dma_start3A_45] : memref<32x125x80xi32, #tpu.memory_space<hbm>> -> memref<1x125x80xi32, #tpu.memory_space<hbm>>
      %dma_start3A_47 = tpu.memref_squeeze %dma_start3A_46 : memref<1x125x80xi32, #tpu.memory_space<hbm>> -> memref<125x80xi32, #tpu.memory_space<hbm>>
      %dma_start3A_48 = arith.constant 0 : i32
      %dma_start3A_49 = arith.constant 0 : i32
      %dma_start3A_50 = tpu.memref_slice %arg3[%add3A, %dma_start3A_48, %dma_start3A_49] : memref<32x125x80xi32, #tpu.memory_space<hbm>> -> memref<1x125x80xi32, #tpu.memory_space<hbm>>
      %dma_start3A_51 = tpu.memref_squeeze %dma_start3A_50 : memref<1x125x80xi32, #tpu.memory_space<hbm>> -> memref<125x80xi32, #tpu.memory_space<hbm>>
      tpu.enqueue_dma source(%dma_start3A_51 : memref<125x80xi32, #tpu.memory_space<hbm>>) target(%arg7 : memref<125x80xi32, #tpu.memory_space<vmem>>) target_semaphore(%run_scoped3A : memref<!tpu.dma_semaphore, #tpu.memory_space<semaphore_mem>>)
      %dma_wait3A = arith.constant 0 : i32
      %dma_wait3A_52 = arith.constant 0 : i32
      %dma_wait3A_53 = tpu.memref_slice %arg3[%add3A, %dma_wait3A, %dma_wait3A_52] : memref<32x125x80xi32, #tpu.memory_space<hbm>> -> memref<1x125x80xi32, #tpu.memory_space<hbm>>
      %dma_wait3A_54 = tpu.memref_squeeze %dma_wait3A_53 : memref<1x125x80xi32, #tpu.memory_space<hbm>> -> memref<125x80xi32, #tpu.memory_space<hbm>>
      %dma_wait3A_55 = arith.constant 0 : i32
      %dma_wait3A_56 = arith.constant 0 : i32
      %dma_wait3A_57 = tpu.memref_slice %arg3[%add3A, %dma_wait3A_55, %dma_wait3A_56] : memref<32x125x80xi32, #tpu.memory_space<hbm>> -> memref<1x125x80xi32, #tpu.memory_space<hbm>>
      %dma_wait3A_58 = tpu.memref_squeeze %dma_wait3A_57 : memref<1x125x80xi32, #tpu.memory_space<hbm>> -> memref<125x80xi32, #tpu.memory_space<hbm>>
      tpu.wait_dma2 semaphore(%run_scoped3A : memref<!tpu.dma_semaphore, #tpu.memory_space<semaphore_mem>>) src(%dma_wait3A_58 : memref<125x80xi32, #tpu.memory_space<hbm>>) dst(%arg7 : memref<125x80xi32, #tpu.memory_space<vmem>>)
      tpu.yield
    }) : () -> ()
    "tpu.region"() ({
      %run_scoped3A = tpu.sem_alloc : memref<!tpu.dma_semaphore, #tpu.memory_space<semaphore_mem>>
      %dma_start3A = arith.constant 0 : i32
      %dma_start3A_45 = arith.constant 0 : i32
      %dma_start3A_46 = tpu.memref_slice %arg4[%add3A, %dma_start3A, %dma_start3A_45] : memref<32x125x80xi32, #tpu.memory_space<hbm>> -> memref<1x125x80xi32, #tpu.memory_space<hbm>>
      %dma_start3A_47 = tpu.memref_squeeze %dma_start3A_46 : memref<1x125x80xi32, #tpu.memory_space<hbm>> -> memref<125x80xi32, #tpu.memory_space<hbm>>
      %dma_start3A_48 = arith.constant 0 : i32
      %dma_start3A_49 = arith.constant 0 : i32
      %dma_start3A_50 = tpu.memref_slice %arg4[%add3A, %dma_start3A_48, %dma_start3A_49] : memref<32x125x80xi32, #tpu.memory_space<hbm>> -> memref<1x125x80xi32, #tpu.memory_space<hbm>>
      %dma_start3A_51 = tpu.memref_squeeze %dma_start3A_50 : memref<1x125x80xi32, #tpu.memory_space<hbm>> -> memref<125x80xi32, #tpu.memory_space<hbm>>
      tpu.enqueue_dma source(%dma_start3A_51 : memref<125x80xi32, #tpu.memory_space<hbm>>) target(%arg8 : memref<125x80xi32, #tpu.memory_space<vmem>>) target_semaphore(%run_scoped3A : memref<!tpu.dma_semaphore, #tpu.memory_space<semaphore_mem>>)
      %dma_wait3A = arith.constant 0 : i32
      %dma_wait3A_52 = arith.constant 0 : i32
      %dma_wait3A_53 = tpu.memref_slice %arg4[%add3A, %dma_wait3A, %dma_wait3A_52] : memref<32x125x80xi32, #tpu.memory_space<hbm>> -> memref<1x125x80xi32, #tpu.memory_space<hbm>>
      %dma_wait3A_54 = tpu.memref_squeeze %dma_wait3A_53 : memref<1x125x80xi32, #tpu.memory_space<hbm>> -> memref<125x80xi32, #tpu.memory_space<hbm>>
      %dma_wait3A_55 = arith.constant 0 : i32
      %dma_wait3A_56 = arith.constant 0 : i32
      %dma_wait3A_57 = tpu.memref_slice %arg4[%add3A, %dma_wait3A_55, %dma_wait3A_56] : memref<32x125x80xi32, #tpu.memory_space<hbm>> -> memref<1x125x80xi32, #tpu.memory_space<hbm>>
      %dma_wait3A_58 = tpu.memref_squeeze %dma_wait3A_57 : memref<1x125x80xi32, #tpu.memory_space<hbm>> -> memref<125x80xi32, #tpu.memory_space<hbm>>
      tpu.wait_dma2 semaphore(%run_scoped3A : memref<!tpu.dma_semaphore, #tpu.memory_space<semaphore_mem>>) src(%dma_wait3A_58 : memref<125x80xi32, #tpu.memory_space<hbm>>) dst(%arg8 : memref<125x80xi32, #tpu.memory_space<vmem>>)
      tpu.yield
    }) : () -> ()
    %barrier3A = arith.constant 0 : index
    tpu.barrier barrier_id(%barrier3A)
    %scan3A_20 = arith.constant 0 : i32
    %scan3A_21 = arith.constant 0 : i32
    %scan3A_22 = arith.constant 125 : i32
    %scan3A_23 = arith.addi %scan3A_21, %scan3A_22 : i32
    %scan3A_24 = arith.constant 1 : i32
    %scan3A_25 = scf.for %scan3A_45 = %scan3A_21 to %scan3A_23 step %scan3A_24 iter_args(%scan3A_46 = %scan3A_20) -> (i32)  : i32 {
      %mul3A_47 = arith.constant 10000 : i32
      %mul3A_48 = arith.muli %add3A, %mul3A_47 : i32
      %mul3A_49 = arith.constant 80 : i32
      %mul3A_50 = arith.muli %scan3A_45, %mul3A_49 : i32
      %add3A_51 = arith.addi %mul3A_48, %mul3A_50 : i32
      %multiple_of3A_52 = tpu.assume_multiple %add3A_51, 8 : i32
      "tpu.region"() ({
        %run_scoped3A = tpu.sem_alloc : memref<!tpu.dma_semaphore, #tpu.memory_space<semaphore_mem>>
        %dma_start3A_71 = tpu.memref_slice %arg5[%multiple_of3A_52] : memref<320000xf32, #tpu.memory_space<hbm>> -> memref<80xf32, #tpu.memory_space<hbm>>
        %dma_start3A_72 = tpu.memref_slice %arg5[%multiple_of3A_52] : memref<320000xf32, #tpu.memory_space<hbm>> -> memref<80xf32, #tpu.memory_space<hbm>>
        tpu.enqueue_dma source(%dma_start3A_72 : memref<80xf32, #tpu.memory_space<hbm>>) target(%arg9 : memref<80xf32, #tpu.memory_space<vmem>>) target_semaphore(%run_scoped3A : memref<!tpu.dma_semaphore, #tpu.memory_space<semaphore_mem>>)
        %dma_wait3A_73 = tpu.memref_slice %arg5[%multiple_of3A_52] : memref<320000xf32, #tpu.memory_space<hbm>> -> memref<80xf32, #tpu.memory_space<hbm>>
        %dma_wait3A_74 = tpu.memref_slice %arg5[%multiple_of3A_52] : memref<320000xf32, #tpu.memory_space<hbm>> -> memref<80xf32, #tpu.memory_space<hbm>>
        tpu.wait_dma2 semaphore(%run_scoped3A : memref<!tpu.dma_semaphore, #tpu.memory_space<semaphore_mem>>) src(%dma_wait3A_74 : memref<80xf32, #tpu.memory_space<hbm>>) dst(%arg9 : memref<80xf32, #tpu.memory_space<vmem>>)
        tpu.yield
      }) : () -> ()
      %dma_start3A = arith.constant 0 : i32
      %dma_start3A_53 = tpu.memref_slice %arg7[%scan3A_45, %dma_start3A] : memref<125x80xi32, #tpu.memory_space<vmem>> -> memref<1x80xi32, #tpu.memory_space<vmem>>
      %dma_start3A_54 = tpu.memref_squeeze %dma_start3A_53 : memref<1x80xi32, #tpu.memory_space<vmem>> -> memref<80xi32, #tpu.memory_space<vmem>>
      %dma_start3A_55 = arith.constant 0 : i32
      %dma_start3A_56 = arith.constant 0 : i32
      %dma_start3A_57 = tpu.memref_slice %arg2[%dma_start3A_55, %dma_start3A_56] : memref<10000x128xf32, #tpu.memory_space<hbm>> -> memref<10000x128xf32, #tpu.memory_space<hbm>>
      tpu.enqueue_indirect_dma source(%dma_start3A_57 : memref<10000x128xf32, #tpu.memory_space<hbm>>) target(%arg10 : memref<80x128xf32, #tpu.memory_space<vmem>>) offsets(%dma_start3A_54 : memref<80xi32, #tpu.memory_space<vmem>>) semaphore(%arg12 : memref<!tpu.dma_semaphore, #tpu.memory_space<semaphore_mem>>)
      %dma_wait3A = arith.constant 0 : i32
      %dma_wait3A_58 = tpu.memref_slice %arg7[%scan3A_45, %dma_wait3A] : memref<125x80xi32, #tpu.memory_space<vmem>> -> memref<1x80xi32, #tpu.memory_space<vmem>>
      %dma_wait3A_59 = tpu.memref_squeeze %dma_wait3A_58 : memref<1x80xi32, #tpu.memory_space<vmem>> -> memref<80xi32, #tpu.memory_space<vmem>>
      %dma_wait3A_60 = arith.constant 0 : i32
      %dma_wait3A_61 = arith.constant 0 : i32
      %dma_wait3A_62 = tpu.memref_slice %arg2[%dma_wait3A_60, %dma_wait3A_61] : memref<10000x128xf32, #tpu.memory_space<hbm>> -> memref<10000x128xf32, #tpu.memory_space<hbm>>
      tpu.wait_indirect_dma semaphore(%arg12 : memref<!tpu.dma_semaphore, #tpu.memory_space<semaphore_mem>>) src(%dma_wait3A_62 : memref<10000x128xf32, #tpu.memory_space<hbm>>) dst(%arg10 : memref<80x128xf32, #tpu.memory_space<vmem>>)
      %scan3A_63 = arith.constant 0 : i32
      %scan3A_64 = arith.constant 0 : i32
      %scan3A_65 = arith.constant 80 : i32
      %scan3A_66 = arith.addi %scan3A_64, %scan3A_65 : i32
      %scan3A_67 = arith.constant 1 : i32
      %scan3A_68 = scf.for %scan3A_71 = %scan3A_64 to %scan3A_66 step %scan3A_67 iter_args(%scan3A_72 = %scan3A_63) -> (i32)  : i32 {
        %broadcast_in_dim3A = vector.broadcast %scan3A_71 : i32 to vector<16xi32>
        %gather3A = tpu.vector_load_idx %arg9[%broadcast_in_dim3A] : memref<80xf32, #tpu.memory_space<vmem>>[vector<16xi32>], vector<16xf32>,
        %get3A = arith.index_cast %scan3A_71 : i32 to index
        %get3A_73 = arith.constant 0 : index
        %get3A_74 = tpu.vector_load %arg10[%get3A, %get3A_73] {strides = array<i32>} : memref<80x128xf32, #tpu.memory_space<vmem>>, vector<16xf32>,
        %mul3A_75 = arith.mulf %get3A_74, %gather3A : vector<16xf32>
        %swap3A = arith.index_cast %scan3A_71 : i32 to index
        %swap3A_76 = arith.constant 0 : index
        %swap3A_77 = tpu.vector_load %arg10[%swap3A, %swap3A_76] {strides = array<i32>} : memref<80x128xf32, #tpu.memory_space<vmem>>, vector<16xf32>,
        tpu.vector_store %arg10[%swap3A, %swap3A_76], %mul3A_75 {strides = array<i32>} : memref<80x128xf32, #tpu.memory_space<vmem>>, vector<16xf32>,
        %get3A_78 = arith.index_cast %scan3A_71 : i32 to index
        %get3A_79 = arith.constant 16 : index
        %get3A_80 = tpu.vector_load %arg10[%get3A_78, %get3A_79] {strides = array<i32>} : memref<80x128xf32, #tpu.memory_space<vmem>>, vector<16xf32>,
        %mul3A_81 = arith.mulf %get3A_80, %gather3A : vector<16xf32>
        %swap3A_82 = arith.index_cast %scan3A_71 : i32 to index
        %swap3A_83 = arith.constant 16 : index
        %swap3A_84 = tpu.vector_load %arg10[%swap3A_82, %swap3A_83] {strides = array<i32>} : memref<80x128xf32, #tpu.memory_space<vmem>>, vector<16xf32>,
        tpu.vector_store %arg10[%swap3A_82, %swap3A_83], %mul3A_81 {strides = array<i32>} : memref<80x128xf32, #tpu.memory_space<vmem>>, vector<16xf32>,
        %get3A_85 = arith.index_cast %scan3A_71 : i32 to index
        %get3A_86 = arith.constant 32 : index
        %get3A_87 = tpu.vector_load %arg10[%get3A_85, %get3A_86] {strides = array<i32>} : memref<80x128xf32, #tpu.memory_space<vmem>>, vector<16xf32>,
        %mul3A_88 = arith.mulf %get3A_87, %gather3A : vector<16xf32>
        %swap3A_89 = arith.index_cast %scan3A_71 : i32 to index
        %swap3A_90 = arith.constant 32 : index
        %swap3A_91 = tpu.vector_load %arg10[%swap3A_89, %swap3A_90] {strides = array<i32>} : memref<80x128xf32, #tpu.memory_space<vmem>>, vector<16xf32>,
        tpu.vector_store %arg10[%swap3A_89, %swap3A_90], %mul3A_88 {strides = array<i32>} : memref<80x128xf32, #tpu.memory_space<vmem>>, vector<16xf32>,
        %get3A_92 = arith.index_cast %scan3A_71 : i32 to index
        %get3A_93 = arith.constant 48 : index
        %get3A_94 = tpu.vector_load %arg10[%get3A_92, %get3A_93] {strides = array<i32>} : memref<80x128xf32, #tpu.memory_space<vmem>>, vector<16xf32>,
        %mul3A_95 = arith.mulf %get3A_94, %gather3A : vector<16xf32>
        %swap3A_96 = arith.index_cast %scan3A_71 : i32 to index
        %swap3A_97 = arith.constant 48 : index
        %swap3A_98 = tpu.vector_load %arg10[%swap3A_96, %swap3A_97] {strides = array<i32>} : memref<80x128xf32, #tpu.memory_space<vmem>>, vector<16xf32>,
        tpu.vector_store %arg10[%swap3A_96, %swap3A_97], %mul3A_95 {strides = array<i32>} : memref<80x128xf32, #tpu.memory_space<vmem>>, vector<16xf32>,
        %get3A_99 = arith.index_cast %scan3A_71 : i32 to index
        %get3A_100 = arith.constant 64 : index
        %get3A_101 = tpu.vector_load %arg10[%get3A_99, %get3A_100] {strides = array<i32>} : memref<80x128xf32, #tpu.memory_space<vmem>>, vector<16xf32>,
        %mul3A_102 = arith.mulf %get3A_101, %gather3A : vector<16xf32>
        %swap3A_103 = arith.index_cast %scan3A_71 : i32 to index
        %swap3A_104 = arith.constant 64 : index
        %swap3A_105 = tpu.vector_load %arg10[%swap3A_103, %swap3A_104] {strides = array<i32>} : memref<80x128xf32, #tpu.memory_space<vmem>>, vector<16xf32>,
        tpu.vector_store %arg10[%swap3A_103, %swap3A_104], %mul3A_102 {strides = array<i32>} : memref<80x128xf32, #tpu.memory_space<vmem>>, vector<16xf32>,
        %get3A_106 = arith.index_cast %scan3A_71 : i32 to index
        %get3A_107 = arith.constant 80 : index
        %get3A_108 = tpu.vector_load %arg10[%get3A_106, %get3A_107] {strides = array<i32>} : memref<80x128xf32, #tpu.memory_space<vmem>>, vector<16xf32>,
        %mul3A_109 = arith.mulf %get3A_108, %gather3A : vector<16xf32>
        %swap3A_110 = arith.index_cast %scan3A_71 : i32 to index
        %swap3A_111 = arith.constant 80 : index
        %swap3A_112 = tpu.vector_load %arg10[%swap3A_110, %swap3A_111] {strides = array<i32>} : memref<80x128xf32, #tpu.memory_space<vmem>>, vector<16xf32>,
        tpu.vector_store %arg10[%swap3A_110, %swap3A_111], %mul3A_109 {strides = array<i32>} : memref<80x128xf32, #tpu.memory_space<vmem>>, vector<16xf32>,
        %get3A_113 = arith.index_cast %scan3A_71 : i32 to index
        %get3A_114 = arith.constant 96 : index
        %get3A_115 = tpu.vector_load %arg10[%get3A_113, %get3A_114] {strides = array<i32>} : memref<80x128xf32, #tpu.memory_space<vmem>>, vector<16xf32>,
        %mul3A_116 = arith.mulf %get3A_115, %gather3A : vector<16xf32>
        %swap3A_117 = arith.index_cast %scan3A_71 : i32 to index
        %swap3A_118 = arith.constant 96 : index
        %swap3A_119 = tpu.vector_load %arg10[%swap3A_117, %swap3A_118] {strides = array<i32>} : memref<80x128xf32, #tpu.memory_space<vmem>>, vector<16xf32>,
        tpu.vector_store %arg10[%swap3A_117, %swap3A_118], %mul3A_116 {strides = array<i32>} : memref<80x128xf32, #tpu.memory_space<vmem>>, vector<16xf32>,
        %get3A_120 = arith.index_cast %scan3A_71 : i32 to index
        %get3A_121 = arith.constant 112 : index
        %get3A_122 = tpu.vector_load %arg10[%get3A_120, %get3A_121] {strides = array<i32>} : memref<80x128xf32, #tpu.memory_space<vmem>>, vector<16xf32>,
        %mul3A_123 = arith.mulf %get3A_122, %gather3A : vector<16xf32>
        %swap3A_124 = arith.index_cast %scan3A_71 : i32 to index
        %swap3A_125 = arith.constant 112 : index
        %swap3A_126 = tpu.vector_load %arg10[%swap3A_124, %swap3A_125] {strides = array<i32>} : memref<80x128xf32, #tpu.memory_space<vmem>>, vector<16xf32>,
        tpu.vector_store %arg10[%swap3A_124, %swap3A_125], %mul3A_123 {strides = array<i32>} : memref<80x128xf32, #tpu.memory_space<vmem>>, vector<16xf32>,
        %scan3A_127 = arith.constant 0 : i32
        scf.yield %scan3A_127 : i32
      }
      %scan3A_69 = arith.constant 80 : i32
      "tpu.region"() ({
        %run_scoped3A = tpu.sem_alloc : memref<!tpu.dma_semaphore, #tpu.memory_space<semaphore_mem>>
        %dma_start3A_71 = arith.constant 0 : i32
        %dma_start3A_72 = tpu.memref_slice %arg8[%scan3A_45, %dma_start3A_71] : memref<125x80xi32, #tpu.memory_space<vmem>> -> memref<1x80xi32, #tpu.memory_space<vmem>>
        %dma_start3A_73 = tpu.memref_squeeze %dma_start3A_72 : memref<1x80xi32, #tpu.memory_space<vmem>> -> memref<80xi32, #tpu.memory_space<vmem>>
        %dma_start3A_74 = arith.constant 0 : i32
        %dma_start3A_75 = arith.constant 0 : i32
        %dma_start3A_76 = tpu.memref_slice %arg11[%dma_start3A_74, %dma_start3A_75] : memref<10000x128xf32, #tpu.memory_space<vmem_shared>> -> memref<10000x128xf32, #tpu.memory_space<vmem_shared>>
        tpu.enqueue_indirect_dma source(%arg10 : memref<80x128xf32, #tpu.memory_space<vmem>>) target(%dma_start3A_76 : memref<10000x128xf32, #tpu.memory_space<vmem_shared>>) offsets(%dma_start3A_73 : memref<80xi32, #tpu.memory_space<vmem>>) semaphore(%run_scoped3A : memref<!tpu.dma_semaphore, #tpu.memory_space<semaphore_mem>>) {add = true}
        %dma_wait3A_77 = arith.constant 0 : i32
        %dma_wait3A_78 = tpu.memref_slice %arg8[%scan3A_45, %dma_wait3A_77] : memref<125x80xi32, #tpu.memory_space<vmem>> -> memref<1x80xi32, #tpu.memory_space<vmem>>
        %dma_wait3A_79 = tpu.memref_squeeze %dma_wait3A_78 : memref<1x80xi32, #tpu.memory_space<vmem>> -> memref<80xi32, #tpu.memory_space<vmem>>
        %dma_wait3A_80 = arith.constant 0 : i32
        %dma_wait3A_81 = arith.constant 0 : i32
        %dma_wait3A_82 = tpu.memref_slice %arg11[%dma_wait3A_80, %dma_wait3A_81] : memref<10000x128xf32, #tpu.memory_space<vmem_shared>> -> memref<10000x128xf32, #tpu.memory_space<vmem_shared>>
        tpu.wait_indirect_dma semaphore(%run_scoped3A : memref<!tpu.dma_semaphore, #tpu.memory_space<semaphore_mem>>) src(%arg10 : memref<80x128xf32, #tpu.memory_space<vmem>>) dst(%dma_wait3A_82 : memref<10000x128xf32, #tpu.memory_space<vmem_shared>>)
        tpu.yield
      }) : () -> ()
      %scan3A_70 = arith.constant 0 : i32
      scf.yield %scan3A_70 : i32
    }
    %scan3A_26 = arith.constant 125 : i32
    %barrier3A_27 = arith.constant 0 : index
    tpu.barrier barrier_id(%barrier3A_27)
    %scan3A_28 = arith.constant 0 : i32
    %scan3A_29 = arith.constant 0 : i32
    %scan3A_30 = arith.constant 7 : i32
    %scan3A_31 = arith.addi %scan3A_29, %scan3A_30 : i32
    %scan3A_32 = arith.constant 1 : i32
    %scan3A_33 = scf.for %scan3A_45 = %scan3A_29 to %scan3A_31 step %scan3A_32 iter_args(%scan3A_46 = %scan3A_28) -> (i32)  : i32 {
      %mul3A_47 = arith.constant 624 : i32
      %mul3A_48 = arith.muli %arg1, %mul3A_47 : i32
      %mul3A_49 = arith.constant 80 : i32
      %mul3A_50 = arith.muli %scan3A_45, %mul3A_49 : i32
      %add3A_51 = arith.addi %mul3A_48, %mul3A_50 : i32
      %multiple_of3A_52 = tpu.assume_multiple %add3A_51, 8 : i32
      "tpu.region"() ({
        %run_scoped3A = tpu.sem_alloc : memref<!tpu.dma_semaphore, #tpu.memory_space<semaphore_mem>>
        %dma_start3A = arith.constant 0 : i32
        %dma_start3A_54 = tpu.memref_slice %arg6[%arg0, %multiple_of3A_52, %dma_start3A] : memref<2x10000x128xf32, #tpu.memory_space<hbm>> -> memref<1x80x128xf32, #tpu.memory_space<hbm>>
        %dma_start3A_55 = tpu.memref_squeeze %dma_start3A_54 : memref<1x80x128xf32, #tpu.memory_space<hbm>> -> memref<80x128xf32, #tpu.memory_space<hbm>>
        %dma_start3A_56 = arith.constant 0 : i32
        %dma_start3A_57 = tpu.memref_slice %arg11[%multiple_of3A_52, %dma_start3A_56] : memref<10000x128xf32, #tpu.memory_space<vmem_shared>> -> memref<80x128xf32, #tpu.memory_space<vmem_shared>>
        tpu.enqueue_dma source(%dma_start3A_57 : memref<80x128xf32, #tpu.memory_space<vmem_shared>>) target(%dma_start3A_55 : memref<80x128xf32, #tpu.memory_space<hbm>>) target_semaphore(%run_scoped3A : memref<!tpu.dma_semaphore, #tpu.memory_space<semaphore_mem>>)
        %dma_wait3A = arith.constant 0 : i32
        %dma_wait3A_58 = tpu.memref_slice %arg6[%arg0, %multiple_of3A_52, %dma_wait3A] : memref<2x10000x128xf32, #tpu.memory_space<hbm>> -> memref<1x80x128xf32, #tpu.memory_space<hbm>>
        %dma_wait3A_59 = tpu.memref_squeeze %dma_wait3A_58 : memref<1x80x128xf32, #tpu.memory_space<hbm>> -> memref<80x128xf32, #tpu.memory_space<hbm>>
        %dma_wait3A_60 = arith.constant 0 : i32
        %dma_wait3A_61 = tpu.memref_slice %arg11[%multiple_of3A_52, %dma_wait3A_60] : memref<10000x128xf32, #tpu.memory_space<vmem_shared>> -> memref<80x128xf32, #tpu.memory_space<vmem_shared>>
        tpu.wait_dma2 semaphore(%run_scoped3A : memref<!tpu.dma_semaphore, #tpu.memory_space<semaphore_mem>>) src(%dma_wait3A_61 : memref<80x128xf32, #tpu.memory_space<vmem_shared>>) dst(%dma_wait3A_59 : memref<80x128xf32, #tpu.memory_space<hbm>>)
        tpu.yield
      }) : () -> ()
      %scan3A_53 = arith.constant 0 : i32
      scf.yield %scan3A_53 : i32
    }
    %scan3A_34 = arith.constant 7 : i32
    %mul3A_35 = arith.constant 624 : i32
    %mul3A_36 = arith.muli %arg1, %mul3A_35 : i32
    %add3A_37 = arith.constant 560 : i32
    %add3A_38 = arith.addi %mul3A_36, %add3A_37 : i32
    %multiple_of3A_39 = tpu.assume_multiple %add3A_38, 8 : i32
    "tpu.region"() ({
      %run_scoped3A = tpu.sem_alloc : memref<!tpu.dma_semaphore, #tpu.memory_space<semaphore_mem>>
      %dma_start3A = arith.constant 0 : i32
      %dma_start3A_45 = tpu.memref_slice %arg6[%arg0, %multiple_of3A_39, %dma_start3A] : memref<2x10000x128xf32, #tpu.memory_space<hbm>> -> memref<1x64x128xf32, #tpu.memory_space<hbm>>
      %dma_start3A_46 = tpu.memref_squeeze %dma_start3A_45 : memref<1x64x128xf32, #tpu.memory_space<hbm>> -> memref<64x128xf32, #tpu.memory_space<hbm>>
      %dma_start3A_47 = arith.constant 0 : i32
      %dma_start3A_48 = tpu.memref_slice %arg11[%multiple_of3A_39, %dma_start3A_47] : memref<10000x128xf32, #tpu.memory_space<vmem_shared>> -> memref<64x128xf32, #tpu.memory_space<vmem_shared>>
      tpu.enqueue_dma source(%dma_start3A_48 : memref<64x128xf32, #tpu.memory_space<vmem_shared>>) target(%dma_start3A_46 : memref<64x128xf32, #tpu.memory_space<hbm>>) target_semaphore(%run_scoped3A : memref<!tpu.dma_semaphore, #tpu.memory_space<semaphore_mem>>)
      %dma_wait3A = arith.constant 0 : i32
      %dma_wait3A_49 = tpu.memref_slice %arg6[%arg0, %multiple_of3A_39, %dma_wait3A] : memref<2x10000x128xf32, #tpu.memory_space<hbm>> -> memref<1x64x128xf32, #tpu.memory_space<hbm>>
      %dma_wait3A_50 = tpu.memref_squeeze %dma_wait3A_49 : memref<1x64x128xf32, #tpu.memory_space<hbm>> -> memref<64x128xf32, #tpu.memory_space<hbm>>
      %dma_wait3A_51 = arith.constant 0 : i32
      %dma_wait3A_52 = tpu.memref_slice %arg11[%multiple_of3A_39, %dma_wait3A_51] : memref<10000x128xf32, #tpu.memory_space<vmem_shared>> -> memref<64x128xf32, #tpu.memory_space<vmem_shared>>
      tpu.wait_dma2 semaphore(%run_scoped3A : memref<!tpu.dma_semaphore, #tpu.memory_space<semaphore_mem>>) src(%dma_wait3A_52 : memref<64x128xf32, #tpu.memory_space<vmem_shared>>) dst(%dma_wait3A_50 : memref<64x128xf32, #tpu.memory_space<hbm>>)
      tpu.yield
    }) : () -> ()
    %eq3A_40 = arith.constant 0 : i32
    %eq3A_41 = arith.cmpi eq, %arg1, %eq3A_40 : i32
    %convert_element_type3A_42 = arith.extui %eq3A_41 : i1 to i32
    %cond3A_43 = arith.constant 0 : i32
    %cond3A_44 = arith.cmpi ne, %convert_element_type3A_42, %cond3A_43 : i32
    scf.if %cond3A_44 {
      "tpu.region"() ({
        %run_scoped3A = tpu.sem_alloc : memref<!tpu.dma_semaphore, #tpu.memory_space<semaphore_mem>>
        %dma_start3A = arith.constant 9984 : i32
        %dma_start3A_45 = arith.constant 0 : i32
        %dma_start3A_46 = tpu.memref_slice %arg6[%arg0, %dma_start3A, %dma_start3A_45] : memref<2x10000x128xf32, #tpu.memory_space<hbm>> -> memref<1x16x128xf32, #tpu.memory_space<hbm>>
        %dma_start3A_47 = tpu.memref_squeeze %dma_start3A_46 : memref<1x16x128xf32, #tpu.memory_space<hbm>> -> memref<16x128xf32, #tpu.memory_space<hbm>>
        %dma_start3A_48 = arith.constant 9984 : i32
        %dma_start3A_49 = arith.constant 0 : i32
        %dma_start3A_50 = tpu.memref_slice %arg11[%dma_start3A_48, %dma_start3A_49] : memref<10000x128xf32, #tpu.memory_space<vmem_shared>> -> memref<16x128xf32, #tpu.memory_space<vmem_shared>>
        tpu.enqueue_dma source(%dma_start3A_50 : memref<16x128xf32, #tpu.memory_space<vmem_shared>>) target(%dma_start3A_47 : memref<16x128xf32, #tpu.memory_space<hbm>>) target_semaphore(%run_scoped3A : memref<!tpu.dma_semaphore, #tpu.memory_space<semaphore_mem>>)
        %dma_wait3A = arith.constant 9984 : i32
        %dma_wait3A_51 = arith.constant 0 : i32
        %dma_wait3A_52 = tpu.memref_slice %arg6[%arg0, %dma_wait3A, %dma_wait3A_51] : memref<2x10000x128xf32, #tpu.memory_space<hbm>> -> memref<1x16x128xf32, #tpu.memory_space<hbm>>
        %dma_wait3A_53 = tpu.memref_squeeze %dma_wait3A_52 : memref<1x16x128xf32, #tpu.memory_space<hbm>> -> memref<16x128xf32, #tpu.memory_space<hbm>>
        %dma_wait3A_54 = arith.constant 9984 : i32
        %dma_wait3A_55 = arith.constant 0 : i32
        %dma_wait3A_56 = tpu.memref_slice %arg11[%dma_wait3A_54, %dma_wait3A_55] : memref<10000x128xf32, #tpu.memory_space<vmem_shared>> -> memref<16x128xf32, #tpu.memory_space<vmem_shared>>
        tpu.wait_dma2 semaphore(%run_scoped3A : memref<!tpu.dma_semaphore, #tpu.memory_space<semaphore_mem>>) src(%dma_wait3A_56 : memref<16x128xf32, #tpu.memory_space<vmem_shared>>) dst(%dma_wait3A_53 : memref<16x128xf32, #tpu.memory_space<hbm>>)
        tpu.yield
      }) : () -> ()
    } else {
    }
    return
  }
}

#map = affine_map<(d0, d1) -> (0)>
module attributes {stable_mosaic.version = 14 : i64} {
  func.func @_sc_gat_u_body(%arg0: i32, %arg1: i32, %arg2: memref<40000xf32, #tpu.memory_space<hbm>>, %arg3: memref<40000xf32, #tpu.memory_space<hbm>>, %arg4: memref<320000xi32, #tpu.memory_space<hbm>>, %arg5: memref<320000xi32, #tpu.memory_space<hbm>>, %arg6: memref<16xf32, #tpu.memory_space<hbm>>, %arg7: memref<1280000xf32, #tpu.memory_space<hbm>>, %arg8: memref<40000xf32, #tpu.memory_space<vmem>>, %arg9: memref<40000xf32, #tpu.memory_space<vmem>>, %arg10: memref<16xf32, #tpu.memory_space<vmem>>, %arg11: memref<400xi32, #tpu.memory_space<vmem>>, %arg12: memref<400xi32, #tpu.memory_space<vmem>>, %arg13: memref<1600xf32, #tpu.memory_space<vmem>>) attributes {dimension_semantics = [#tpu.dimension_semantics<core_parallel>, #tpu.dimension_semantics<subcore_parallel>], iteration_bounds = array<i64: 2, 16>, scalar_prefetch = 0 : i64, scratch_operands = 6 : i64, tpu.core_type = #tpu.core_type<sc_vector_subcore>, window_params = [{transform_indices = #map}, {transform_indices = #map}, {transform_indices = #map}, {transform_indices = #map}, {transform_indices = #map}, {transform_indices = #map}]} {
    %mul3A = arith.constant 16 : i32
    %mul3A_0 = arith.muli %arg0, %mul3A : i32
    %add3A = arith.addi %mul3A_0, %arg1 : i32
    %mul3A_1 = arith.constant 10000 : i32
    %mul3A_2 = arith.muli %add3A, %mul3A_1 : i32
    "tpu.region"() ({
      %run_scoped3A = tpu.sem_alloc : memref<!tpu.dma_semaphore, #tpu.memory_space<semaphore_mem>>
      tpu.enqueue_dma source(%arg2 : memref<40000xf32, #tpu.memory_space<hbm>>) target(%arg8 : memref<40000xf32, #tpu.memory_space<vmem>>) target_semaphore(%run_scoped3A : memref<!tpu.dma_semaphore, #tpu.memory_space<semaphore_mem>>)
      tpu.wait_dma2 semaphore(%run_scoped3A : memref<!tpu.dma_semaphore, #tpu.memory_space<semaphore_mem>>) src(%arg2 : memref<40000xf32, #tpu.memory_space<hbm>>) dst(%arg8 : memref<40000xf32, #tpu.memory_space<vmem>>)
      tpu.yield
    }) : () -> ()
    "tpu.region"() ({
      %run_scoped3A = tpu.sem_alloc : memref<!tpu.dma_semaphore, #tpu.memory_space<semaphore_mem>>
      tpu.enqueue_dma source(%arg3 : memref<40000xf32, #tpu.memory_space<hbm>>) target(%arg9 : memref<40000xf32, #tpu.memory_space<vmem>>) target_semaphore(%run_scoped3A : memref<!tpu.dma_semaphore, #tpu.memory_space<semaphore_mem>>)
      tpu.wait_dma2 semaphore(%run_scoped3A : memref<!tpu.dma_semaphore, #tpu.memory_space<semaphore_mem>>) src(%arg3 : memref<40000xf32, #tpu.memory_space<hbm>>) dst(%arg9 : memref<40000xf32, #tpu.memory_space<vmem>>)
      tpu.yield
    }) : () -> ()
    "tpu.region"() ({
      %run_scoped3A = tpu.sem_alloc : memref<!tpu.dma_semaphore, #tpu.memory_space<semaphore_mem>>
      tpu.enqueue_dma source(%arg6 : memref<16xf32, #tpu.memory_space<hbm>>) target(%arg10 : memref<16xf32, #tpu.memory_space<vmem>>) target_semaphore(%run_scoped3A : memref<!tpu.dma_semaphore, #tpu.memory_space<semaphore_mem>>)
      tpu.wait_dma2 semaphore(%run_scoped3A : memref<!tpu.dma_semaphore, #tpu.memory_space<semaphore_mem>>) src(%arg6 : memref<16xf32, #tpu.memory_space<hbm>>) dst(%arg10 : memref<16xf32, #tpu.memory_space<vmem>>)
      tpu.yield
    }) : () -> ()
    %iota3A = tpu.iota {dimensions = array<i32: 0>} : vector<16xi32>
    %jit3A = arith.constant 4 : i32
    %div3A = vector.broadcast %jit3A : i32 to vector<16xi32>
    %div3A_3 = arith.divsi %iota3A, %div3A : vector<16xi32>
    %sign3A = arith.constant 0 : i32
    %sign3A_4 = vector.broadcast %sign3A : i32 to vector<16xi32>
    %sign3A_5 = arith.cmpi sgt, %iota3A, %sign3A_4 : vector<16xi32>
    %sign3A_6 = arith.extui %sign3A_5 : vector<16xi1> to vector<16xi32>
    %sign3A_7 = arith.constant 0 : i32
    %sign3A_8 = vector.broadcast %sign3A_7 : i32 to vector<16xi32>
    %sign3A_9 = arith.cmpi slt, %iota3A, %sign3A_8 : vector<16xi32>
    %sign3A_10 = arith.extui %sign3A_9 : vector<16xi1> to vector<16xi32>
    %sign3A_11 = arith.subi %sign3A_6, %sign3A_10 : vector<16xi32>
    %sign3A_12 = arith.constant 0 : i32
    %sign3A_13 = arith.cmpi sgt, %jit3A, %sign3A_12 : i32
    %sign3A_14 = arith.extui %sign3A_13 : i1 to i32
    %sign3A_15 = arith.constant 0 : i32
    %sign3A_16 = arith.cmpi slt, %jit3A, %sign3A_15 : i32
    %sign3A_17 = arith.extui %sign3A_16 : i1 to i32
    %sign3A_18 = arith.subi %sign3A_14, %sign3A_17 : i32
    %ne3A = vector.broadcast %sign3A_18 : i32 to vector<16xi32>
    %ne3A_19 = arith.cmpi ne, %sign3A_11, %ne3A : vector<16xi32>
    %rem3A = vector.broadcast %jit3A : i32 to vector<16xi32>
    %rem3A_20 = arith.remsi %iota3A, %rem3A : vector<16xi32>
    %ne3A_21 = arith.constant 0 : i32
    %ne3A_22 = vector.broadcast %ne3A_21 : i32 to vector<16xi32>
    %ne3A_23 = arith.cmpi ne, %rem3A_20, %ne3A_22 : vector<16xi32>
    %and3A = arith.andi %ne3A_19, %ne3A_23 : vector<16xi1>
    %sub3A = arith.constant 1 : i32
    %sub3A_24 = vector.broadcast %sub3A : i32 to vector<16xi32>
    %sub3A_25 = arith.subi %div3A_3, %sub3A_24 : vector<16xi32>
    %select_n3A = arith.select %and3A, %sub3A_25, %div3A_3 : vector<16xi1>, vector<16xi32>
    %mul3A_26 = arith.constant 4 : i32
    %mul3A_27 = vector.broadcast %mul3A_26 : i32 to vector<16xi32>
    %mul3A_28 = arith.muli %select_n3A, %mul3A_27 : vector<16xi32>
    %sub3A_29 = arith.subi %iota3A, %mul3A_28 : vector<16xi32>
    %get3A = arith.constant 0 : index
    %get3A_30 = tpu.vector_load %arg10[%get3A] {strides = array<i32>} : memref<16xf32, #tpu.memory_space<vmem>>, vector<16xf32>,
    %scan3A = arith.constant 0 : i32
    %scan3A_31 = arith.constant 0 : i32
    %scan3A_32 = arith.constant 25 : i32
    %scan3A_33 = arith.addi %scan3A_31, %scan3A_32 : i32
    %scan3A_34 = arith.constant 1 : i32
    %scan3A_35 = scf.for %scan3A_37 = %scan3A_31 to %scan3A_33 step %scan3A_34 iter_args(%scan3A_38 = %scan3A) -> (i32)  : i32 {
      %mul3A_39 = arith.constant 400 : i32
      %mul3A_40 = arith.muli %scan3A_37, %mul3A_39 : i32
      %add3A_41 = arith.addi %mul3A_2, %mul3A_40 : i32
      %multiple_of3A = tpu.assume_multiple %add3A_41, 8 : i32
      "tpu.region"() ({
        %run_scoped3A = tpu.sem_alloc : memref<!tpu.dma_semaphore, #tpu.memory_space<semaphore_mem>>
        %dma_start3A = tpu.memref_slice %arg4[%multiple_of3A] : memref<320000xi32, #tpu.memory_space<hbm>> -> memref<400xi32, #tpu.memory_space<hbm>>
        %dma_start3A_56 = tpu.memref_slice %arg4[%multiple_of3A] : memref<320000xi32, #tpu.memory_space<hbm>> -> memref<400xi32, #tpu.memory_space<hbm>>
        tpu.enqueue_dma source(%dma_start3A_56 : memref<400xi32, #tpu.memory_space<hbm>>) target(%arg11 : memref<400xi32, #tpu.memory_space<vmem>>) target_semaphore(%run_scoped3A : memref<!tpu.dma_semaphore, #tpu.memory_space<semaphore_mem>>)
        %dma_wait3A = tpu.memref_slice %arg4[%multiple_of3A] : memref<320000xi32, #tpu.memory_space<hbm>> -> memref<400xi32, #tpu.memory_space<hbm>>
        %dma_wait3A_57 = tpu.memref_slice %arg4[%multiple_of3A] : memref<320000xi32, #tpu.memory_space<hbm>> -> memref<400xi32, #tpu.memory_space<hbm>>
        tpu.wait_dma2 semaphore(%run_scoped3A : memref<!tpu.dma_semaphore, #tpu.memory_space<semaphore_mem>>) src(%dma_wait3A_57 : memref<400xi32, #tpu.memory_space<hbm>>) dst(%arg11 : memref<400xi32, #tpu.memory_space<vmem>>)
        tpu.yield
      }) : () -> ()
      "tpu.region"() ({
        %run_scoped3A = tpu.sem_alloc : memref<!tpu.dma_semaphore, #tpu.memory_space<semaphore_mem>>
        %dma_start3A = tpu.memref_slice %arg5[%multiple_of3A] : memref<320000xi32, #tpu.memory_space<hbm>> -> memref<400xi32, #tpu.memory_space<hbm>>
        %dma_start3A_56 = tpu.memref_slice %arg5[%multiple_of3A] : memref<320000xi32, #tpu.memory_space<hbm>> -> memref<400xi32, #tpu.memory_space<hbm>>
        tpu.enqueue_dma source(%dma_start3A_56 : memref<400xi32, #tpu.memory_space<hbm>>) target(%arg12 : memref<400xi32, #tpu.memory_space<vmem>>) target_semaphore(%run_scoped3A : memref<!tpu.dma_semaphore, #tpu.memory_space<semaphore_mem>>)
        %dma_wait3A = tpu.memref_slice %arg5[%multiple_of3A] : memref<320000xi32, #tpu.memory_space<hbm>> -> memref<400xi32, #tpu.memory_space<hbm>>
        %dma_wait3A_57 = tpu.memref_slice %arg5[%multiple_of3A] : memref<320000xi32, #tpu.memory_space<hbm>> -> memref<400xi32, #tpu.memory_space<hbm>>
        tpu.wait_dma2 semaphore(%run_scoped3A : memref<!tpu.dma_semaphore, #tpu.memory_space<semaphore_mem>>) src(%dma_wait3A_57 : memref<400xi32, #tpu.memory_space<hbm>>) dst(%arg12 : memref<400xi32, #tpu.memory_space<vmem>>)
        tpu.yield
      }) : () -> ()
      %scan3A_42 = arith.constant 0 : i32
      %scan3A_43 = arith.constant 0 : i32
      %scan3A_44 = arith.constant 100 : i32
      %scan3A_45 = arith.addi %scan3A_43, %scan3A_44 : i32
      %scan3A_46 = arith.constant 1 : i32
      %scan3A_47 = scf.for %scan3A_56 = %scan3A_43 to %scan3A_45 step %scan3A_46 iter_args(%scan3A_57 = %scan3A_42) -> (i32)  : i32 {
        %mul3A_58 = arith.constant 4 : i32
        %mul3A_59 = arith.muli %scan3A_56, %mul3A_58 : i32
        %add3A_60 = vector.broadcast %mul3A_59 : i32 to vector<16xi32>
        %add3A_61 = arith.addi %add3A_60, %select_n3A : vector<16xi32>
        %gather3A = tpu.vector_load_idx %arg11[%add3A_61] : memref<400xi32, #tpu.memory_space<vmem>>[vector<16xi32>], vector<16xi32>,
        %gather3A_62 = tpu.vector_load_idx %arg12[%add3A_61] : memref<400xi32, #tpu.memory_space<vmem>>[vector<16xi32>], vector<16xi32>,
        %mul3A_63 = arith.constant 4 : i32
        %mul3A_64 = vector.broadcast %mul3A_63 : i32 to vector<16xi32>
        %mul3A_65 = arith.muli %gather3A, %mul3A_64 : vector<16xi32>
        %add3A_66 = arith.addi %mul3A_65, %sub3A_29 : vector<16xi32>
        %gather3A_67 = tpu.vector_load_idx %arg8[%add3A_66] : memref<40000xf32, #tpu.memory_space<vmem>>[vector<16xi32>], vector<16xf32>,
        %mul3A_68 = arith.constant 4 : i32
        %mul3A_69 = vector.broadcast %mul3A_68 : i32 to vector<16xi32>
        %mul3A_70 = arith.muli %gather3A_62, %mul3A_69 : vector<16xi32>
        %add3A_71 = arith.addi %mul3A_70, %sub3A_29 : vector<16xi32>
        %gather3A_72 = tpu.vector_load_idx %arg9[%add3A_71] : memref<40000xf32, #tpu.memory_space<vmem>>[vector<16xi32>], vector<16xf32>,
        %add3A_73 = arith.addf %gather3A_67, %gather3A_72 : vector<16xf32>
        %mul3A_74 = arith.constant 2.000000e-01 : f32
        %mul3A_75 = vector.broadcast %mul3A_74 : f32 to vector<16xf32>
        %mul3A_76 = arith.mulf %mul3A_75, %add3A_73 : vector<16xf32>
        %max3A = arith.maximumf %add3A_73, %mul3A_76 : vector<16xf32>
        %sub3A_77 = arith.subf %max3A, %get3A_30 : vector<16xf32>
        %exp3A = math.exp %sub3A_77 : vector<16xf32>
        %mul3A_78 = arith.constant 16 : i32
        %mul3A_79 = arith.muli %scan3A_56, %mul3A_78 : i32
        %multiple_of3A_80 = tpu.assume_multiple %mul3A_79, 8 : i32
        %swap3A = arith.index_cast %multiple_of3A_80 : i32 to index
        %swap3A_81 = tpu.vector_load %arg13[%swap3A] {strides = array<i32>} : memref<1600xf32, #tpu.memory_space<vmem>>, vector<16xf32>,
        tpu.vector_store %arg13[%swap3A], %exp3A {strides = array<i32>} : memref<1600xf32, #tpu.memory_space<vmem>>, vector<16xf32>,
        %scan3A_82 = arith.constant 0 : i32
        scf.yield %scan3A_82 : i32
      }
      %scan3A_48 = arith.constant 100 : i32
      %mul3A_49 = arith.constant 400 : i32
      %mul3A_50 = arith.muli %scan3A_37, %mul3A_49 : i32
      %add3A_51 = arith.addi %mul3A_2, %mul3A_50 : i32
      %mul3A_52 = arith.constant 4 : i32
      %mul3A_53 = arith.muli %add3A_51, %mul3A_52 : i32
      %multiple_of3A_54 = tpu.assume_multiple %mul3A_53, 8 : i32
      "tpu.region"() ({
        %run_scoped3A = tpu.sem_alloc : memref<!tpu.dma_semaphore, #tpu.memory_space<semaphore_mem>>
        %dma_start3A = tpu.memref_slice %arg7[%multiple_of3A_54] : memref<1280000xf32, #tpu.memory_space<hbm>> -> memref<1600xf32, #tpu.memory_space<hbm>>
        %dma_start3A_56 = tpu.memref_slice %arg7[%multiple_of3A_54] : memref<1280000xf32, #tpu.memory_space<hbm>> -> memref<1600xf32, #tpu.memory_space<hbm>>
        tpu.enqueue_dma source(%arg13 : memref<1600xf32, #tpu.memory_space<vmem>>) target(%dma_start3A_56 : memref<1600xf32, #tpu.memory_space<hbm>>) target_semaphore(%run_scoped3A : memref<!tpu.dma_semaphore, #tpu.memory_space<semaphore_mem>>)
        %dma_wait3A = tpu.memref_slice %arg7[%multiple_of3A_54] : memref<1280000xf32, #tpu.memory_space<hbm>> -> memref<1600xf32, #tpu.memory_space<hbm>>
        %dma_wait3A_57 = tpu.memref_slice %arg7[%multiple_of3A_54] : memref<1280000xf32, #tpu.memory_space<hbm>> -> memref<1600xf32, #tpu.memory_space<hbm>>
        tpu.wait_dma2 semaphore(%run_scoped3A : memref<!tpu.dma_semaphore, #tpu.memory_space<semaphore_mem>>) src(%arg13 : memref<1600xf32, #tpu.memory_space<vmem>>) dst(%dma_wait3A_57 : memref<1600xf32, #tpu.memory_space<hbm>>)
        tpu.yield
      }) : () -> ()
      %scan3A_55 = arith.constant 0 : i32
      scf.yield %scan3A_55 : i32
    }
    %scan3A_36 = arith.constant 25 : i32
    return
  }
}

#map = affine_map<(d0, d1) -> (0)>
#map1 = affine_map<(d0, d1) -> (0, 0, 0)>
module attributes {stable_mosaic.version = 14 : i64} {
  func.func @_sc_dsum_body(%arg0: i32, %arg1: i32, %arg2: memref<1280000xf32, #tpu.memory_space<hbm>>, %arg3: memref<320000xi32, #tpu.memory_space<hbm>>, %arg4: memref<2x10000x128xf32, #tpu.memory_space<hbm>>, %arg5: memref<80xi32, #tpu.memory_space<vmem>>, %arg6: memref<320xf32, #tpu.memory_space<vmem>>, %arg7: memref<80x128xf32, #tpu.memory_space<vmem>>, %arg8: memref<10000x128xf32, #tpu.memory_space<vmem_shared>>) attributes {dimension_semantics = [#tpu.dimension_semantics<core_parallel>, #tpu.dimension_semantics<subcore_parallel>], iteration_bounds = array<i64: 2, 16>, scalar_prefetch = 0 : i64, scratch_operands = 4 : i64, tpu.core_type = #tpu.core_type<sc_vector_subcore>, window_params = [{transform_indices = #map}, {transform_indices = #map}, {transform_indices = #map1}]} {
    %mul3A = arith.constant 16 : i32
    %mul3A_0 = arith.muli %arg0, %mul3A : i32
    %add3A = arith.addi %mul3A_0, %arg1 : i32
    %mul3A_1 = arith.constant 10000 : i32
    %mul3A_2 = arith.muli %add3A, %mul3A_1 : i32
    %scan3A = arith.constant 0 : i32
    %scan3A_3 = arith.constant 0 : i32
    %scan3A_4 = arith.constant 80 : i32
    %scan3A_5 = arith.addi %scan3A_3, %scan3A_4 : i32
    %scan3A_6 = arith.constant 1 : i32
    %scan3A_7 = scf.for %scan3A_53 = %scan3A_3 to %scan3A_5 step %scan3A_6 iter_args(%scan3A_54 = %scan3A) -> (i32)  : i32 {
      %broadcast_in_dim3A = arith.constant 0.000000e+00 : f32
      %broadcast_in_dim3A_55 = vector.broadcast %broadcast_in_dim3A : f32 to vector<16xf32>
      %swap3A = arith.index_cast %scan3A_53 : i32 to index
      %swap3A_56 = arith.constant 0 : index
      %swap3A_57 = tpu.vector_load %arg7[%swap3A, %swap3A_56] {strides = array<i32>} : memref<80x128xf32, #tpu.memory_space<vmem>>, vector<16xf32>,
      tpu.vector_store %arg7[%swap3A, %swap3A_56], %broadcast_in_dim3A_55 {strides = array<i32>} : memref<80x128xf32, #tpu.memory_space<vmem>>, vector<16xf32>,
      %broadcast_in_dim3A_58 = arith.constant 0.000000e+00 : f32
      %broadcast_in_dim3A_59 = vector.broadcast %broadcast_in_dim3A_58 : f32 to vector<16xf32>
      %swap3A_60 = arith.index_cast %scan3A_53 : i32 to index
      %swap3A_61 = arith.constant 16 : index
      %swap3A_62 = tpu.vector_load %arg7[%swap3A_60, %swap3A_61] {strides = array<i32>} : memref<80x128xf32, #tpu.memory_space<vmem>>, vector<16xf32>,
      tpu.vector_store %arg7[%swap3A_60, %swap3A_61], %broadcast_in_dim3A_59 {strides = array<i32>} : memref<80x128xf32, #tpu.memory_space<vmem>>, vector<16xf32>,
      %broadcast_in_dim3A_63 = arith.constant 0.000000e+00 : f32
      %broadcast_in_dim3A_64 = vector.broadcast %broadcast_in_dim3A_63 : f32 to vector<16xf32>
      %swap3A_65 = arith.index_cast %scan3A_53 : i32 to index
      %swap3A_66 = arith.constant 32 : index
      %swap3A_67 = tpu.vector_load %arg7[%swap3A_65, %swap3A_66] {strides = array<i32>} : memref<80x128xf32, #tpu.memory_space<vmem>>, vector<16xf32>,
      tpu.vector_store %arg7[%swap3A_65, %swap3A_66], %broadcast_in_dim3A_64 {strides = array<i32>} : memref<80x128xf32, #tpu.memory_space<vmem>>, vector<16xf32>,
      %broadcast_in_dim3A_68 = arith.constant 0.000000e+00 : f32
      %broadcast_in_dim3A_69 = vector.broadcast %broadcast_in_dim3A_68 : f32 to vector<16xf32>
      %swap3A_70 = arith.index_cast %scan3A_53 : i32 to index
      %swap3A_71 = arith.constant 48 : index
      %swap3A_72 = tpu.vector_load %arg7[%swap3A_70, %swap3A_71] {strides = array<i32>} : memref<80x128xf32, #tpu.memory_space<vmem>>, vector<16xf32>,
      tpu.vector_store %arg7[%swap3A_70, %swap3A_71], %broadcast_in_dim3A_69 {strides = array<i32>} : memref<80x128xf32, #tpu.memory_space<vmem>>, vector<16xf32>,
      %broadcast_in_dim3A_73 = arith.constant 0.000000e+00 : f32
      %broadcast_in_dim3A_74 = vector.broadcast %broadcast_in_dim3A_73 : f32 to vector<16xf32>
      %swap3A_75 = arith.index_cast %scan3A_53 : i32 to index
      %swap3A_76 = arith.constant 64 : index
      %swap3A_77 = tpu.vector_load %arg7[%swap3A_75, %swap3A_76] {strides = array<i32>} : memref<80x128xf32, #tpu.memory_space<vmem>>, vector<16xf32>,
      tpu.vector_store %arg7[%swap3A_75, %swap3A_76], %broadcast_in_dim3A_74 {strides = array<i32>} : memref<80x128xf32, #tpu.memory_space<vmem>>, vector<16xf32>,
      %broadcast_in_dim3A_78 = arith.constant 0.000000e+00 : f32
      %broadcast_in_dim3A_79 = vector.broadcast %broadcast_in_dim3A_78 : f32 to vector<16xf32>
      %swap3A_80 = arith.index_cast %scan3A_53 : i32 to index
      %swap3A_81 = arith.constant 80 : index
      %swap3A_82 = tpu.vector_load %arg7[%swap3A_80, %swap3A_81] {strides = array<i32>} : memref<80x128xf32, #tpu.memory_space<vmem>>, vector<16xf32>,
      tpu.vector_store %arg7[%swap3A_80, %swap3A_81], %broadcast_in_dim3A_79 {strides = array<i32>} : memref<80x128xf32, #tpu.memory_space<vmem>>, vector<16xf32>,
      %broadcast_in_dim3A_83 = arith.constant 0.000000e+00 : f32
      %broadcast_in_dim3A_84 = vector.broadcast %broadcast_in_dim3A_83 : f32 to vector<16xf32>
      %swap3A_85 = arith.index_cast %scan3A_53 : i32 to index
      %swap3A_86 = arith.constant 96 : index
      %swap3A_87 = tpu.vector_load %arg7[%swap3A_85, %swap3A_86] {strides = array<i32>} : memref<80x128xf32, #tpu.memory_space<vmem>>, vector<16xf32>,
      tpu.vector_store %arg7[%swap3A_85, %swap3A_86], %broadcast_in_dim3A_84 {strides = array<i32>} : memref<80x128xf32, #tpu.memory_space<vmem>>, vector<16xf32>,
      %broadcast_in_dim3A_88 = arith.constant 0.000000e+00 : f32
      %broadcast_in_dim3A_89 = vector.broadcast %broadcast_in_dim3A_88 : f32 to vector<16xf32>
      %swap3A_90 = arith.index_cast %scan3A_53 : i32 to index
      %swap3A_91 = arith.constant 112 : index
      %swap3A_92 = tpu.vector_load %arg7[%swap3A_90, %swap3A_91] {strides = array<i32>} : memref<80x128xf32, #tpu.memory_space<vmem>>, vector<16xf32>,
      tpu.vector_store %arg7[%swap3A_90, %swap3A_91], %broadcast_in_dim3A_89 {strides = array<i32>} : memref<80x128xf32, #tpu.memory_space<vmem>>, vector<16xf32>,
      %scan3A_93 = arith.constant 0 : i32
      scf.yield %scan3A_93 : i32
    }
    %scan3A_8 = arith.constant 80 : i32
    %scan3A_9 = arith.constant 0 : i32
    %scan3A_10 = arith.constant 0 : i32
    %scan3A_11 = arith.constant 7 : i32
    %scan3A_12 = arith.addi %scan3A_10, %scan3A_11 : i32
    %scan3A_13 = arith.constant 1 : i32
    %scan3A_14 = scf.for %scan3A_53 = %scan3A_10 to %scan3A_12 step %scan3A_13 iter_args(%scan3A_54 = %scan3A_9) -> (i32)  : i32 {
      %mul3A_55 = arith.constant 624 : i32
      %mul3A_56 = arith.muli %arg1, %mul3A_55 : i32
      %mul3A_57 = arith.constant 80 : i32
      %mul3A_58 = arith.muli %scan3A_53, %mul3A_57 : i32
      %add3A_59 = arith.addi %mul3A_56, %mul3A_58 : i32
      %multiple_of3A_60 = tpu.assume_multiple %add3A_59, 8 : i32
      "tpu.region"() ({
        %run_scoped3A = tpu.sem_alloc : memref<!tpu.dma_semaphore, #tpu.memory_space<semaphore_mem>>
        %dma_start3A = arith.constant 0 : i32
        %dma_start3A_62 = arith.constant 0 : i32
        %dma_start3A_63 = tpu.memref_slice %arg7[%dma_start3A, %dma_start3A_62] : memref<80x128xf32, #tpu.memory_space<vmem>> -> memref<80x128xf32, #tpu.memory_space<vmem>>
        %dma_start3A_64 = arith.constant 0 : i32
        %dma_start3A_65 = tpu.memref_slice %arg8[%multiple_of3A_60, %dma_start3A_64] : memref<10000x128xf32, #tpu.memory_space<vmem_shared>> -> memref<80x128xf32, #tpu.memory_space<vmem_shared>>
        %dma_start3A_66 = arith.constant 0 : i32
        %dma_start3A_67 = tpu.memref_slice %arg8[%multiple_of3A_60, %dma_start3A_66] : memref<10000x128xf32, #tpu.memory_space<vmem_shared>> -> memref<80x128xf32, #tpu.memory_space<vmem_shared>>
        %dma_start3A_68 = arith.constant 0 : i32
        %dma_start3A_69 = arith.constant 0 : i32
        %dma_start3A_70 = tpu.memref_slice %arg7[%dma_start3A_68, %dma_start3A_69] : memref<80x128xf32, #tpu.memory_space<vmem>> -> memref<80x128xf32, #tpu.memory_space<vmem>>
        tpu.enqueue_dma source(%dma_start3A_70 : memref<80x128xf32, #tpu.memory_space<vmem>>) target(%dma_start3A_67 : memref<80x128xf32, #tpu.memory_space<vmem_shared>>) target_semaphore(%run_scoped3A : memref<!tpu.dma_semaphore, #tpu.memory_space<semaphore_mem>>)
        %dma_wait3A = arith.constant 0 : i32
        %dma_wait3A_71 = arith.constant 0 : i32
        %dma_wait3A_72 = tpu.memref_slice %arg7[%dma_wait3A, %dma_wait3A_71] : memref<80x128xf32, #tpu.memory_space<vmem>> -> memref<80x128xf32, #tpu.memory_space<vmem>>
        %dma_wait3A_73 = arith.constant 0 : i32
        %dma_wait3A_74 = tpu.memref_slice %arg8[%multiple_of3A_60, %dma_wait3A_73] : memref<10000x128xf32, #tpu.memory_space<vmem_shared>> -> memref<80x128xf32, #tpu.memory_space<vmem_shared>>
        %dma_wait3A_75 = arith.constant 0 : i32
        %dma_wait3A_76 = tpu.memref_slice %arg8[%multiple_of3A_60, %dma_wait3A_75] : memref<10000x128xf32, #tpu.memory_space<vmem_shared>> -> memref<80x128xf32, #tpu.memory_space<vmem_shared>>
        %dma_wait3A_77 = arith.constant 0 : i32
        %dma_wait3A_78 = arith.constant 0 : i32
        %dma_wait3A_79 = tpu.memref_slice %arg7[%dma_wait3A_77, %dma_wait3A_78] : memref<80x128xf32, #tpu.memory_space<vmem>> -> memref<80x128xf32, #tpu.memory_space<vmem>>
        tpu.wait_dma2 semaphore(%run_scoped3A : memref<!tpu.dma_semaphore, #tpu.memory_space<semaphore_mem>>) src(%dma_wait3A_79 : memref<80x128xf32, #tpu.memory_space<vmem>>) dst(%dma_wait3A_76 : memref<80x128xf32, #tpu.memory_space<vmem_shared>>)
        tpu.yield
      }) : () -> ()
      %scan3A_61 = arith.constant 0 : i32
      scf.yield %scan3A_61 : i32
    }
    %scan3A_15 = arith.constant 7 : i32
    %mul3A_16 = arith.constant 624 : i32
    %mul3A_17 = arith.muli %arg1, %mul3A_16 : i32
    %add3A_18 = arith.constant 560 : i32
    %add3A_19 = arith.addi %mul3A_17, %add3A_18 : i32
    %multiple_of3A = tpu.assume_multiple %add3A_19, 8 : i32
    "tpu.region"() ({
      %run_scoped3A = tpu.sem_alloc : memref<!tpu.dma_semaphore, #tpu.memory_space<semaphore_mem>>
      %dma_start3A = arith.constant 0 : i32
      %dma_start3A_53 = arith.constant 0 : i32
      %dma_start3A_54 = tpu.memref_slice %arg7[%dma_start3A, %dma_start3A_53] : memref<80x128xf32, #tpu.memory_space<vmem>> -> memref<64x128xf32, #tpu.memory_space<vmem>>
      %dma_start3A_55 = arith.constant 0 : i32
      %dma_start3A_56 = tpu.memref_slice %arg8[%multiple_of3A, %dma_start3A_55] : memref<10000x128xf32, #tpu.memory_space<vmem_shared>> -> memref<64x128xf32, #tpu.memory_space<vmem_shared>>
      %dma_start3A_57 = arith.constant 0 : i32
      %dma_start3A_58 = tpu.memref_slice %arg8[%multiple_of3A, %dma_start3A_57] : memref<10000x128xf32, #tpu.memory_space<vmem_shared>> -> memref<64x128xf32, #tpu.memory_space<vmem_shared>>
      %dma_start3A_59 = arith.constant 0 : i32
      %dma_start3A_60 = arith.constant 0 : i32
      %dma_start3A_61 = tpu.memref_slice %arg7[%dma_start3A_59, %dma_start3A_60] : memref<80x128xf32, #tpu.memory_space<vmem>> -> memref<64x128xf32, #tpu.memory_space<vmem>>
      tpu.enqueue_dma source(%dma_start3A_61 : memref<64x128xf32, #tpu.memory_space<vmem>>) target(%dma_start3A_58 : memref<64x128xf32, #tpu.memory_space<vmem_shared>>) target_semaphore(%run_scoped3A : memref<!tpu.dma_semaphore, #tpu.memory_space<semaphore_mem>>)
      %dma_wait3A = arith.constant 0 : i32
      %dma_wait3A_62 = arith.constant 0 : i32
      %dma_wait3A_63 = tpu.memref_slice %arg7[%dma_wait3A, %dma_wait3A_62] : memref<80x128xf32, #tpu.memory_space<vmem>> -> memref<64x128xf32, #tpu.memory_space<vmem>>
      %dma_wait3A_64 = arith.constant 0 : i32
      %dma_wait3A_65 = tpu.memref_slice %arg8[%multiple_of3A, %dma_wait3A_64] : memref<10000x128xf32, #tpu.memory_space<vmem_shared>> -> memref<64x128xf32, #tpu.memory_space<vmem_shared>>
      %dma_wait3A_66 = arith.constant 0 : i32
      %dma_wait3A_67 = tpu.memref_slice %arg8[%multiple_of3A, %dma_wait3A_66] : memref<10000x128xf32, #tpu.memory_space<vmem_shared>> -> memref<64x128xf32, #tpu.memory_space<vmem_shared>>
      %dma_wait3A_68 = arith.constant 0 : i32
      %dma_wait3A_69 = arith.constant 0 : i32
      %dma_wait3A_70 = tpu.memref_slice %arg7[%dma_wait3A_68, %dma_wait3A_69] : memref<80x128xf32, #tpu.memory_space<vmem>> -> memref<64x128xf32, #tpu.memory_space<vmem>>
      tpu.wait_dma2 semaphore(%run_scoped3A : memref<!tpu.dma_semaphore, #tpu.memory_space<semaphore_mem>>) src(%dma_wait3A_70 : memref<64x128xf32, #tpu.memory_space<vmem>>) dst(%dma_wait3A_67 : memref<64x128xf32, #tpu.memory_space<vmem_shared>>)
      tpu.yield
    }) : () -> ()
    %eq3A = arith.constant 0 : i32
    %eq3A_20 = arith.cmpi eq, %arg1, %eq3A : i32
    %convert_element_type3A = arith.extui %eq3A_20 : i1 to i32
    %cond3A = arith.constant 0 : i32
    %cond3A_21 = arith.cmpi ne, %convert_element_type3A, %cond3A : i32
    scf.if %cond3A_21 {
      "tpu.region"() ({
        %run_scoped3A = tpu.sem_alloc : memref<!tpu.dma_semaphore, #tpu.memory_space<semaphore_mem>>
        %dma_start3A = arith.constant 0 : i32
        %dma_start3A_53 = arith.constant 0 : i32
        %dma_start3A_54 = tpu.memref_slice %arg7[%dma_start3A, %dma_start3A_53] : memref<80x128xf32, #tpu.memory_space<vmem>> -> memref<16x128xf32, #tpu.memory_space<vmem>>
        %dma_start3A_55 = arith.constant 9984 : i32
        %dma_start3A_56 = arith.constant 0 : i32
        %dma_start3A_57 = tpu.memref_slice %arg8[%dma_start3A_55, %dma_start3A_56] : memref<10000x128xf32, #tpu.memory_space<vmem_shared>> -> memref<16x128xf32, #tpu.memory_space<vmem_shared>>
        %dma_start3A_58 = arith.constant 9984 : i32
        %dma_start3A_59 = arith.constant 0 : i32
        %dma_start3A_60 = tpu.memref_slice %arg8[%dma_start3A_58, %dma_start3A_59] : memref<10000x128xf32, #tpu.memory_space<vmem_shared>> -> memref<16x128xf32, #tpu.memory_space<vmem_shared>>
        %dma_start3A_61 = arith.constant 0 : i32
        %dma_start3A_62 = arith.constant 0 : i32
        %dma_start3A_63 = tpu.memref_slice %arg7[%dma_start3A_61, %dma_start3A_62] : memref<80x128xf32, #tpu.memory_space<vmem>> -> memref<16x128xf32, #tpu.memory_space<vmem>>
        tpu.enqueue_dma source(%dma_start3A_63 : memref<16x128xf32, #tpu.memory_space<vmem>>) target(%dma_start3A_60 : memref<16x128xf32, #tpu.memory_space<vmem_shared>>) target_semaphore(%run_scoped3A : memref<!tpu.dma_semaphore, #tpu.memory_space<semaphore_mem>>)
        %dma_wait3A = arith.constant 0 : i32
        %dma_wait3A_64 = arith.constant 0 : i32
        %dma_wait3A_65 = tpu.memref_slice %arg7[%dma_wait3A, %dma_wait3A_64] : memref<80x128xf32, #tpu.memory_space<vmem>> -> memref<16x128xf32, #tpu.memory_space<vmem>>
        %dma_wait3A_66 = arith.constant 9984 : i32
        %dma_wait3A_67 = arith.constant 0 : i32
        %dma_wait3A_68 = tpu.memref_slice %arg8[%dma_wait3A_66, %dma_wait3A_67] : memref<10000x128xf32, #tpu.memory_space<vmem_shared>> -> memref<16x128xf32, #tpu.memory_space<vmem_shared>>
        %dma_wait3A_69 = arith.constant 9984 : i32
        %dma_wait3A_70 = arith.constant 0 : i32
        %dma_wait3A_71 = tpu.memref_slice %arg8[%dma_wait3A_69, %dma_wait3A_70] : memref<10000x128xf32, #tpu.memory_space<vmem_shared>> -> memref<16x128xf32, #tpu.memory_space<vmem_shared>>
        %dma_wait3A_72 = arith.constant 0 : i32
        %dma_wait3A_73 = arith.constant 0 : i32
        %dma_wait3A_74 = tpu.memref_slice %arg7[%dma_wait3A_72, %dma_wait3A_73] : memref<80x128xf32, #tpu.memory_space<vmem>> -> memref<16x128xf32, #tpu.memory_space<vmem>>
        tpu.wait_dma2 semaphore(%run_scoped3A : memref<!tpu.dma_semaphore, #tpu.memory_space<semaphore_mem>>) src(%dma_wait3A_74 : memref<16x128xf32, #tpu.memory_space<vmem>>) dst(%dma_wait3A_71 : memref<16x128xf32, #tpu.memory_space<vmem_shared>>)
        tpu.yield
      }) : () -> ()
    } else {
    }
    %barrier3A = arith.constant 0 : index
    tpu.barrier barrier_id(%barrier3A)
    %iota3A = tpu.iota {dimensions = array<i32: 0>} : vector<16xi32>
    %min3A = arith.constant 3 : i32
    %min3A_22 = vector.broadcast %min3A : i32 to vector<16xi32>
    %min3A_23 = arith.minsi %iota3A, %min3A_22 : vector<16xi32>
    %lt3A = arith.constant 4 : i32
    %lt3A_24 = vector.broadcast %lt3A : i32 to vector<16xi32>
    %lt3A_25 = arith.cmpi slt, %iota3A, %lt3A_24 : vector<16xi32>
    %convert_element_type3A_26 = arith.extui %lt3A_25 : vector<16xi1> to vector<16xi32>
    %convert_element_type3A_27 = arith.sitofp %convert_element_type3A_26 : vector<16xi32> to vector<16xf32>
    %scan3A_28 = arith.constant 0 : i32
    %scan3A_29 = arith.constant 0 : i32
    %scan3A_30 = arith.constant 125 : i32
    %scan3A_31 = arith.addi %scan3A_29, %scan3A_30 : i32
    %scan3A_32 = arith.constant 1 : i32
    %scan3A_33 = scf.for %scan3A_53 = %scan3A_29 to %scan3A_31 step %scan3A_32 iter_args(%scan3A_54 = %scan3A_28) -> (i32)  : i32 {
      %mul3A_55 = arith.constant 80 : i32
      %mul3A_56 = arith.muli %scan3A_53, %mul3A_55 : i32
      %add3A_57 = arith.addi %mul3A_2, %mul3A_56 : i32
      %multiple_of3A_58 = tpu.assume_multiple %add3A_57, 8 : i32
      "tpu.region"() ({
        %run_scoped3A = tpu.sem_alloc : memref<!tpu.dma_semaphore, #tpu.memory_space<semaphore_mem>>
        %dma_start3A = tpu.memref_slice %arg3[%multiple_of3A_58] : memref<320000xi32, #tpu.memory_space<hbm>> -> memref<80xi32, #tpu.memory_space<hbm>>
        %dma_start3A_73 = tpu.memref_slice %arg3[%multiple_of3A_58] : memref<320000xi32, #tpu.memory_space<hbm>> -> memref<80xi32, #tpu.memory_space<hbm>>
        tpu.enqueue_dma source(%dma_start3A_73 : memref<80xi32, #tpu.memory_space<hbm>>) target(%arg5 : memref<80xi32, #tpu.memory_space<vmem>>) target_semaphore(%run_scoped3A : memref<!tpu.dma_semaphore, #tpu.memory_space<semaphore_mem>>)
        %dma_wait3A = tpu.memref_slice %arg3[%multiple_of3A_58] : memref<320000xi32, #tpu.memory_space<hbm>> -> memref<80xi32, #tpu.memory_space<hbm>>
        %dma_wait3A_74 = tpu.memref_slice %arg3[%multiple_of3A_58] : memref<320000xi32, #tpu.memory_space<hbm>> -> memref<80xi32, #tpu.memory_space<hbm>>
        tpu.wait_dma2 semaphore(%run_scoped3A : memref<!tpu.dma_semaphore, #tpu.memory_space<semaphore_mem>>) src(%dma_wait3A_74 : memref<80xi32, #tpu.memory_space<hbm>>) dst(%arg5 : memref<80xi32, #tpu.memory_space<vmem>>)
        tpu.yield
      }) : () -> ()
      %mul3A_59 = arith.constant 80 : i32
      %mul3A_60 = arith.muli %scan3A_53, %mul3A_59 : i32
      %add3A_61 = arith.addi %mul3A_2, %mul3A_60 : i32
      %mul3A_62 = arith.constant 4 : i32
      %mul3A_63 = arith.muli %add3A_61, %mul3A_62 : i32
      %multiple_of3A_64 = tpu.assume_multiple %mul3A_63, 8 : i32
      "tpu.region"() ({
        %run_scoped3A = tpu.sem_alloc : memref<!tpu.dma_semaphore, #tpu.memory_space<semaphore_mem>>
        %dma_start3A = tpu.memref_slice %arg2[%multiple_of3A_64] : memref<1280000xf32, #tpu.memory_space<hbm>> -> memref<320xf32, #tpu.memory_space<hbm>>
        %dma_start3A_73 = tpu.memref_slice %arg2[%multiple_of3A_64] : memref<1280000xf32, #tpu.memory_space<hbm>> -> memref<320xf32, #tpu.memory_space<hbm>>
        tpu.enqueue_dma source(%dma_start3A_73 : memref<320xf32, #tpu.memory_space<hbm>>) target(%arg6 : memref<320xf32, #tpu.memory_space<vmem>>) target_semaphore(%run_scoped3A : memref<!tpu.dma_semaphore, #tpu.memory_space<semaphore_mem>>)
        %dma_wait3A = tpu.memref_slice %arg2[%multiple_of3A_64] : memref<1280000xf32, #tpu.memory_space<hbm>> -> memref<320xf32, #tpu.memory_space<hbm>>
        %dma_wait3A_74 = tpu.memref_slice %arg2[%multiple_of3A_64] : memref<1280000xf32, #tpu.memory_space<hbm>> -> memref<320xf32, #tpu.memory_space<hbm>>
        tpu.wait_dma2 semaphore(%run_scoped3A : memref<!tpu.dma_semaphore, #tpu.memory_space<semaphore_mem>>) src(%dma_wait3A_74 : memref<320xf32, #tpu.memory_space<hbm>>) dst(%arg6 : memref<320xf32, #tpu.memory_space<vmem>>)
        tpu.yield
      }) : () -> ()
      %scan3A_65 = arith.constant 0 : i32
      %scan3A_66 = arith.constant 0 : i32
      %scan3A_67 = arith.constant 80 : i32
      %scan3A_68 = arith.addi %scan3A_66, %scan3A_67 : i32
      %scan3A_69 = arith.constant 1 : i32
      %scan3A_70 = scf.for %scan3A_73 = %scan3A_66 to %scan3A_68 step %scan3A_69 iter_args(%scan3A_74 = %scan3A_65) -> (i32)  : i32 {
        %mul3A_75 = arith.constant 4 : i32
        %mul3A_76 = arith.muli %scan3A_73, %mul3A_75 : i32
        %add3A_77 = vector.broadcast %mul3A_76 : i32 to vector<16xi32>
        %add3A_78 = arith.addi %add3A_77, %min3A_23 : vector<16xi32>
        %gather3A = tpu.vector_load_idx %arg6[%add3A_78] : memref<320xf32, #tpu.memory_space<vmem>>[vector<16xi32>], vector<16xf32>,
        %mul3A_79 = arith.mulf %gather3A, %convert_element_type3A_27 : vector<16xf32>
        %swap3A = arith.index_cast %scan3A_73 : i32 to index
        %swap3A_80 = arith.constant 0 : index
        %swap3A_81 = tpu.vector_load %arg7[%swap3A, %swap3A_80] {strides = array<i32>} : memref<80x128xf32, #tpu.memory_space<vmem>>, vector<16xf32>,
        tpu.vector_store %arg7[%swap3A, %swap3A_80], %mul3A_79 {strides = array<i32>} : memref<80x128xf32, #tpu.memory_space<vmem>>, vector<16xf32>,
        %scan3A_82 = arith.constant 0 : i32
        scf.yield %scan3A_82 : i32
      }
      %scan3A_71 = arith.constant 80 : i32
      "tpu.region"() ({
        %run_scoped3A = tpu.sem_alloc : memref<!tpu.dma_semaphore, #tpu.memory_space<semaphore_mem>>
        %dma_start3A = arith.constant 0 : i32
        %dma_start3A_73 = arith.constant 0 : i32
        %dma_start3A_74 = tpu.memref_slice %arg8[%dma_start3A, %dma_start3A_73] : memref<10000x128xf32, #tpu.memory_space<vmem_shared>> -> memref<10000x128xf32, #tpu.memory_space<vmem_shared>>
        tpu.enqueue_indirect_dma source(%arg7 : memref<80x128xf32, #tpu.memory_space<vmem>>) target(%dma_start3A_74 : memref<10000x128xf32, #tpu.memory_space<vmem_shared>>) offsets(%arg5 : memref<80xi32, #tpu.memory_space<vmem>>) semaphore(%run_scoped3A : memref<!tpu.dma_semaphore, #tpu.memory_space<semaphore_mem>>) {add = true}
        %dma_wait3A = arith.constant 0 : i32
        %dma_wait3A_75 = arith.constant 0 : i32
        %dma_wait3A_76 = tpu.memref_slice %arg8[%dma_wait3A, %dma_wait3A_75] : memref<10000x128xf32, #tpu.memory_space<vmem_shared>> -> memref<10000x128xf32, #tpu.memory_space<vmem_shared>>
        tpu.wait_indirect_dma semaphore(%run_scoped3A : memref<!tpu.dma_semaphore, #tpu.memory_space<semaphore_mem>>) src(%arg7 : memref<80x128xf32, #tpu.memory_space<vmem>>) dst(%dma_wait3A_76 : memref<10000x128xf32, #tpu.memory_space<vmem_shared>>)
        tpu.yield
      }) : () -> ()
      %scan3A_72 = arith.constant 0 : i32
      scf.yield %scan3A_72 : i32
    }
    %scan3A_34 = arith.constant 125 : i32
    %barrier3A_35 = arith.constant 0 : index
    tpu.barrier barrier_id(%barrier3A_35)
    %scan3A_36 = arith.constant 0 : i32
    %scan3A_37 = arith.constant 0 : i32
    %scan3A_38 = arith.constant 7 : i32
    %scan3A_39 = arith.addi %scan3A_37, %scan3A_38 : i32
    %scan3A_40 = arith.constant 1 : i32
    %scan3A_41 = scf.for %scan3A_53 = %scan3A_37 to %scan3A_39 step %scan3A_40 iter_args(%scan3A_54 = %scan3A_36) -> (i32)  : i32 {
      %mul3A_55 = arith.constant 624 : i32
      %mul3A_56 = arith.muli %arg1, %mul3A_55 : i32
      %mul3A_57 = arith.constant 80 : i32
      %mul3A_58 = arith.muli %scan3A_53, %mul3A_57 : i32
      %add3A_59 = arith.addi %mul3A_56, %mul3A_58 : i32
      %multiple_of3A_60 = tpu.assume_multiple %add3A_59, 8 : i32
      "tpu.region"() ({
        %run_scoped3A = tpu.sem_alloc : memref<!tpu.dma_semaphore, #tpu.memory_space<semaphore_mem>>
        %dma_start3A = arith.constant 0 : i32
        %dma_start3A_62 = tpu.memref_slice %arg4[%arg0, %multiple_of3A_60, %dma_start3A] : memref<2x10000x128xf32, #tpu.memory_space<hbm>> -> memref<1x80x128xf32, #tpu.memory_space<hbm>>
        %dma_start3A_63 = tpu.memref_squeeze %dma_start3A_62 : memref<1x80x128xf32, #tpu.memory_space<hbm>> -> memref<80x128xf32, #tpu.memory_space<hbm>>
        %dma_start3A_64 = arith.constant 0 : i32
        %dma_start3A_65 = tpu.memref_slice %arg8[%multiple_of3A_60, %dma_start3A_64] : memref<10000x128xf32, #tpu.memory_space<vmem_shared>> -> memref<80x128xf32, #tpu.memory_space<vmem_shared>>
        tpu.enqueue_dma source(%dma_start3A_65 : memref<80x128xf32, #tpu.memory_space<vmem_shared>>) target(%dma_start3A_63 : memref<80x128xf32, #tpu.memory_space<hbm>>) target_semaphore(%run_scoped3A : memref<!tpu.dma_semaphore, #tpu.memory_space<semaphore_mem>>)
        %dma_wait3A = arith.constant 0 : i32
        %dma_wait3A_66 = tpu.memref_slice %arg4[%arg0, %multiple_of3A_60, %dma_wait3A] : memref<2x10000x128xf32, #tpu.memory_space<hbm>> -> memref<1x80x128xf32, #tpu.memory_space<hbm>>
        %dma_wait3A_67 = tpu.memref_squeeze %dma_wait3A_66 : memref<1x80x128xf32, #tpu.memory_space<hbm>> -> memref<80x128xf32, #tpu.memory_space<hbm>>
        %dma_wait3A_68 = arith.constant 0 : i32
        %dma_wait3A_69 = tpu.memref_slice %arg8[%multiple_of3A_60, %dma_wait3A_68] : memref<10000x128xf32, #tpu.memory_space<vmem_shared>> -> memref<80x128xf32, #tpu.memory_space<vmem_shared>>
        tpu.wait_dma2 semaphore(%run_scoped3A : memref<!tpu.dma_semaphore, #tpu.memory_space<semaphore_mem>>) src(%dma_wait3A_69 : memref<80x128xf32, #tpu.memory_space<vmem_shared>>) dst(%dma_wait3A_67 : memref<80x128xf32, #tpu.memory_space<hbm>>)
        tpu.yield
      }) : () -> ()
      %scan3A_61 = arith.constant 0 : i32
      scf.yield %scan3A_61 : i32
    }
    %scan3A_42 = arith.constant 7 : i32
    %mul3A_43 = arith.constant 624 : i32
    %mul3A_44 = arith.muli %arg1, %mul3A_43 : i32
    %add3A_45 = arith.constant 560 : i32
    %add3A_46 = arith.addi %mul3A_44, %add3A_45 : i32
    %multiple_of3A_47 = tpu.assume_multiple %add3A_46, 8 : i32
    "tpu.region"() ({
      %run_scoped3A = tpu.sem_alloc : memref<!tpu.dma_semaphore, #tpu.memory_space<semaphore_mem>>
      %dma_start3A = arith.constant 0 : i32
      %dma_start3A_53 = tpu.memref_slice %arg4[%arg0, %multiple_of3A_47, %dma_start3A] : memref<2x10000x128xf32, #tpu.memory_space<hbm>> -> memref<1x64x128xf32, #tpu.memory_space<hbm>>
      %dma_start3A_54 = tpu.memref_squeeze %dma_start3A_53 : memref<1x64x128xf32, #tpu.memory_space<hbm>> -> memref<64x128xf32, #tpu.memory_space<hbm>>
      %dma_start3A_55 = arith.constant 0 : i32
      %dma_start3A_56 = tpu.memref_slice %arg8[%multiple_of3A_47, %dma_start3A_55] : memref<10000x128xf32, #tpu.memory_space<vmem_shared>> -> memref<64x128xf32, #tpu.memory_space<vmem_shared>>
      tpu.enqueue_dma source(%dma_start3A_56 : memref<64x128xf32, #tpu.memory_space<vmem_shared>>) target(%dma_start3A_54 : memref<64x128xf32, #tpu.memory_space<hbm>>) target_semaphore(%run_scoped3A : memref<!tpu.dma_semaphore, #tpu.memory_space<semaphore_mem>>)
      %dma_wait3A = arith.constant 0 : i32
      %dma_wait3A_57 = tpu.memref_slice %arg4[%arg0, %multiple_of3A_47, %dma_wait3A] : memref<2x10000x128xf32, #tpu.memory_space<hbm>> -> memref<1x64x128xf32, #tpu.memory_space<hbm>>
      %dma_wait3A_58 = tpu.memref_squeeze %dma_wait3A_57 : memref<1x64x128xf32, #tpu.memory_space<hbm>> -> memref<64x128xf32, #tpu.memory_space<hbm>>
      %dma_wait3A_59 = arith.constant 0 : i32
      %dma_wait3A_60 = tpu.memref_slice %arg8[%multiple_of3A_47, %dma_wait3A_59] : memref<10000x128xf32, #tpu.memory_space<vmem_shared>> -> memref<64x128xf32, #tpu.memory_space<vmem_shared>>
      tpu.wait_dma2 semaphore(%run_scoped3A : memref<!tpu.dma_semaphore, #tpu.memory_space<semaphore_mem>>) src(%dma_wait3A_60 : memref<64x128xf32, #tpu.memory_space<vmem_shared>>) dst(%dma_wait3A_58 : memref<64x128xf32, #tpu.memory_space<hbm>>)
      tpu.yield
    }) : () -> ()
    %eq3A_48 = arith.constant 0 : i32
    %eq3A_49 = arith.cmpi eq, %arg1, %eq3A_48 : i32
    %convert_element_type3A_50 = arith.extui %eq3A_49 : i1 to i32
    %cond3A_51 = arith.constant 0 : i32
    %cond3A_52 = arith.cmpi ne, %convert_element_type3A_50, %cond3A_51 : i32
    scf.if %cond3A_52 {
      "tpu.region"() ({
        %run_scoped3A = tpu.sem_alloc : memref<!tpu.dma_semaphore, #tpu.memory_space<semaphore_mem>>
        %dma_start3A = arith.constant 9984 : i32
        %dma_start3A_53 = arith.constant 0 : i32
        %dma_start3A_54 = tpu.memref_slice %arg4[%arg0, %dma_start3A, %dma_start3A_53] : memref<2x10000x128xf32, #tpu.memory_space<hbm>> -> memref<1x16x128xf32, #tpu.memory_space<hbm>>
        %dma_start3A_55 = tpu.memref_squeeze %dma_start3A_54 : memref<1x16x128xf32, #tpu.memory_space<hbm>> -> memref<16x128xf32, #tpu.memory_space<hbm>>
        %dma_start3A_56 = arith.constant 9984 : i32
        %dma_start3A_57 = arith.constant 0 : i32
        %dma_start3A_58 = tpu.memref_slice %arg8[%dma_start3A_56, %dma_start3A_57] : memref<10000x128xf32, #tpu.memory_space<vmem_shared>> -> memref<16x128xf32, #tpu.memory_space<vmem_shared>>
        tpu.enqueue_dma source(%dma_start3A_58 : memref<16x128xf32, #tpu.memory_space<vmem_shared>>) target(%dma_start3A_55 : memref<16x128xf32, #tpu.memory_space<hbm>>) target_semaphore(%run_scoped3A : memref<!tpu.dma_semaphore, #tpu.memory_space<semaphore_mem>>)
        %dma_wait3A = arith.constant 9984 : i32
        %dma_wait3A_59 = arith.constant 0 : i32
        %dma_wait3A_60 = tpu.memref_slice %arg4[%arg0, %dma_wait3A, %dma_wait3A_59] : memref<2x10000x128xf32, #tpu.memory_space<hbm>> -> memref<1x16x128xf32, #tpu.memory_space<hbm>>
        %dma_wait3A_61 = tpu.memref_squeeze %dma_wait3A_60 : memref<1x16x128xf32, #tpu.memory_space<hbm>> -> memref<16x128xf32, #tpu.memory_space<hbm>>
        %dma_wait3A_62 = arith.constant 9984 : i32
        %dma_wait3A_63 = arith.constant 0 : i32
        %dma_wait3A_64 = tpu.memref_slice %arg8[%dma_wait3A_62, %dma_wait3A_63] : memref<10000x128xf32, #tpu.memory_space<vmem_shared>> -> memref<16x128xf32, #tpu.memory_space<vmem_shared>>
        tpu.wait_dma2 semaphore(%run_scoped3A : memref<!tpu.dma_semaphore, #tpu.memory_space<semaphore_mem>>) src(%dma_wait3A_64 : memref<16x128xf32, #tpu.memory_space<vmem_shared>>) dst(%dma_wait3A_61 : memref<16x128xf32, #tpu.memory_space<hbm>>)
        tpu.yield
      }) : () -> ()
    } else {
    }
    return
  }
}

#map = affine_map<(d0, d1) -> (0)>
module attributes {stable_mosaic.version = 14 : i64} {
  func.func @_sc_att_body(%arg0: i32, %arg1: i32, %arg2: memref<1280000xf32, #tpu.memory_space<hbm>>, %arg3: memref<320000xi32, #tpu.memory_space<hbm>>, %arg4: memref<40000xf32, #tpu.memory_space<hbm>>, %arg5: memref<1280000xf32, #tpu.memory_space<hbm>>, %arg6: memref<40000xf32, #tpu.memory_space<vmem>>, %arg7: memref<400xi32, #tpu.memory_space<vmem>>, %arg8: memref<1600xf32, #tpu.memory_space<vmem>>) attributes {dimension_semantics = [#tpu.dimension_semantics<core_parallel>, #tpu.dimension_semantics<subcore_parallel>], iteration_bounds = array<i64: 2, 16>, scalar_prefetch = 0 : i64, scratch_operands = 3 : i64, tpu.core_type = #tpu.core_type<sc_vector_subcore>, window_params = [{transform_indices = #map}, {transform_indices = #map}, {transform_indices = #map}, {transform_indices = #map}]} {
    %mul3A = arith.constant 16 : i32
    %mul3A_0 = arith.muli %arg0, %mul3A : i32
    %add3A = arith.addi %mul3A_0, %arg1 : i32
    %mul3A_1 = arith.constant 10000 : i32
    %mul3A_2 = arith.muli %add3A, %mul3A_1 : i32
    "tpu.region"() ({
      %run_scoped3A = tpu.sem_alloc : memref<!tpu.dma_semaphore, #tpu.memory_space<semaphore_mem>>
      tpu.enqueue_dma source(%arg4 : memref<40000xf32, #tpu.memory_space<hbm>>) target(%arg6 : memref<40000xf32, #tpu.memory_space<vmem>>) target_semaphore(%run_scoped3A : memref<!tpu.dma_semaphore, #tpu.memory_space<semaphore_mem>>)
      tpu.wait_dma2 semaphore(%run_scoped3A : memref<!tpu.dma_semaphore, #tpu.memory_space<semaphore_mem>>) src(%arg4 : memref<40000xf32, #tpu.memory_space<hbm>>) dst(%arg6 : memref<40000xf32, #tpu.memory_space<vmem>>)
      tpu.yield
    }) : () -> ()
    %iota3A = tpu.iota {dimensions = array<i32: 0>} : vector<16xi32>
    %jit3A = arith.constant 4 : i32
    %div3A = vector.broadcast %jit3A : i32 to vector<16xi32>
    %div3A_3 = arith.divsi %iota3A, %div3A : vector<16xi32>
    %sign3A = arith.constant 0 : i32
    %sign3A_4 = vector.broadcast %sign3A : i32 to vector<16xi32>
    %sign3A_5 = arith.cmpi sgt, %iota3A, %sign3A_4 : vector<16xi32>
    %sign3A_6 = arith.extui %sign3A_5 : vector<16xi1> to vector<16xi32>
    %sign3A_7 = arith.constant 0 : i32
    %sign3A_8 = vector.broadcast %sign3A_7 : i32 to vector<16xi32>
    %sign3A_9 = arith.cmpi slt, %iota3A, %sign3A_8 : vector<16xi32>
    %sign3A_10 = arith.extui %sign3A_9 : vector<16xi1> to vector<16xi32>
    %sign3A_11 = arith.subi %sign3A_6, %sign3A_10 : vector<16xi32>
    %sign3A_12 = arith.constant 0 : i32
    %sign3A_13 = arith.cmpi sgt, %jit3A, %sign3A_12 : i32
    %sign3A_14 = arith.extui %sign3A_13 : i1 to i32
    %sign3A_15 = arith.constant 0 : i32
    %sign3A_16 = arith.cmpi slt, %jit3A, %sign3A_15 : i32
    %sign3A_17 = arith.extui %sign3A_16 : i1 to i32
    %sign3A_18 = arith.subi %sign3A_14, %sign3A_17 : i32
    %ne3A = vector.broadcast %sign3A_18 : i32 to vector<16xi32>
    %ne3A_19 = arith.cmpi ne, %sign3A_11, %ne3A : vector<16xi32>
    %rem3A = vector.broadcast %jit3A : i32 to vector<16xi32>
    %rem3A_20 = arith.remsi %iota3A, %rem3A : vector<16xi32>
    %ne3A_21 = arith.constant 0 : i32
    %ne3A_22 = vector.broadcast %ne3A_21 : i32 to vector<16xi32>
    %ne3A_23 = arith.cmpi ne, %rem3A_20, %ne3A_22 : vector<16xi32>
    %and3A = arith.andi %ne3A_19, %ne3A_23 : vector<16xi1>
    %sub3A = arith.constant 1 : i32
    %sub3A_24 = vector.broadcast %sub3A : i32 to vector<16xi32>
    %sub3A_25 = arith.subi %div3A_3, %sub3A_24 : vector<16xi32>
    %select_n3A = arith.select %and3A, %sub3A_25, %div3A_3 : vector<16xi1>, vector<16xi32>
    %mul3A_26 = arith.constant 4 : i32
    %mul3A_27 = vector.broadcast %mul3A_26 : i32 to vector<16xi32>
    %mul3A_28 = arith.muli %select_n3A, %mul3A_27 : vector<16xi32>
    %sub3A_29 = arith.subi %iota3A, %mul3A_28 : vector<16xi32>
    %scan3A = arith.constant 0 : i32
    %scan3A_30 = arith.constant 0 : i32
    %scan3A_31 = arith.constant 25 : i32
    %scan3A_32 = arith.addi %scan3A_30, %scan3A_31 : i32
    %scan3A_33 = arith.constant 1 : i32
    %scan3A_34 = scf.for %scan3A_36 = %scan3A_30 to %scan3A_32 step %scan3A_33 iter_args(%scan3A_37 = %scan3A) -> (i32)  : i32 {
      %mul3A_38 = arith.constant 400 : i32
      %mul3A_39 = arith.muli %scan3A_36, %mul3A_38 : i32
      %add3A_40 = arith.addi %mul3A_2, %mul3A_39 : i32
      %multiple_of3A = tpu.assume_multiple %add3A_40, 8 : i32
      "tpu.region"() ({
        %run_scoped3A = tpu.sem_alloc : memref<!tpu.dma_semaphore, #tpu.memory_space<semaphore_mem>>
        %dma_start3A = tpu.memref_slice %arg3[%multiple_of3A] : memref<320000xi32, #tpu.memory_space<hbm>> -> memref<400xi32, #tpu.memory_space<hbm>>
        %dma_start3A_55 = tpu.memref_slice %arg3[%multiple_of3A] : memref<320000xi32, #tpu.memory_space<hbm>> -> memref<400xi32, #tpu.memory_space<hbm>>
        tpu.enqueue_dma source(%dma_start3A_55 : memref<400xi32, #tpu.memory_space<hbm>>) target(%arg7 : memref<400xi32, #tpu.memory_space<vmem>>) target_semaphore(%run_scoped3A : memref<!tpu.dma_semaphore, #tpu.memory_space<semaphore_mem>>)
        %dma_wait3A = tpu.memref_slice %arg3[%multiple_of3A] : memref<320000xi32, #tpu.memory_space<hbm>> -> memref<400xi32, #tpu.memory_space<hbm>>
        %dma_wait3A_56 = tpu.memref_slice %arg3[%multiple_of3A] : memref<320000xi32, #tpu.memory_space<hbm>> -> memref<400xi32, #tpu.memory_space<hbm>>
        tpu.wait_dma2 semaphore(%run_scoped3A : memref<!tpu.dma_semaphore, #tpu.memory_space<semaphore_mem>>) src(%dma_wait3A_56 : memref<400xi32, #tpu.memory_space<hbm>>) dst(%arg7 : memref<400xi32, #tpu.memory_space<vmem>>)
        tpu.yield
      }) : () -> ()
      %mul3A_41 = arith.constant 400 : i32
      %mul3A_42 = arith.muli %scan3A_36, %mul3A_41 : i32
      %add3A_43 = arith.addi %mul3A_2, %mul3A_42 : i32
      %mul3A_44 = arith.constant 4 : i32
      %mul3A_45 = arith.muli %add3A_43, %mul3A_44 : i32
      %multiple_of3A_46 = tpu.assume_multiple %mul3A_45, 8 : i32
      "tpu.region"() ({
        %run_scoped3A = tpu.sem_alloc : memref<!tpu.dma_semaphore, #tpu.memory_space<semaphore_mem>>
        %dma_start3A = tpu.memref_slice %arg2[%multiple_of3A_46] : memref<1280000xf32, #tpu.memory_space<hbm>> -> memref<1600xf32, #tpu.memory_space<hbm>>
        %dma_start3A_55 = tpu.memref_slice %arg2[%multiple_of3A_46] : memref<1280000xf32, #tpu.memory_space<hbm>> -> memref<1600xf32, #tpu.memory_space<hbm>>
        tpu.enqueue_dma source(%dma_start3A_55 : memref<1600xf32, #tpu.memory_space<hbm>>) target(%arg8 : memref<1600xf32, #tpu.memory_space<vmem>>) target_semaphore(%run_scoped3A : memref<!tpu.dma_semaphore, #tpu.memory_space<semaphore_mem>>)
        %dma_wait3A = tpu.memref_slice %arg2[%multiple_of3A_46] : memref<1280000xf32, #tpu.memory_space<hbm>> -> memref<1600xf32, #tpu.memory_space<hbm>>
        %dma_wait3A_56 = tpu.memref_slice %arg2[%multiple_of3A_46] : memref<1280000xf32, #tpu.memory_space<hbm>> -> memref<1600xf32, #tpu.memory_space<hbm>>
        tpu.wait_dma2 semaphore(%run_scoped3A : memref<!tpu.dma_semaphore, #tpu.memory_space<semaphore_mem>>) src(%dma_wait3A_56 : memref<1600xf32, #tpu.memory_space<hbm>>) dst(%arg8 : memref<1600xf32, #tpu.memory_space<vmem>>)
        tpu.yield
      }) : () -> ()
      %scan3A_47 = arith.constant 0 : i32
      %scan3A_48 = arith.constant 0 : i32
      %scan3A_49 = arith.constant 100 : i32
      %scan3A_50 = arith.addi %scan3A_48, %scan3A_49 : i32
      %scan3A_51 = arith.constant 1 : i32
      %scan3A_52 = scf.for %scan3A_55 = %scan3A_48 to %scan3A_50 step %scan3A_51 iter_args(%scan3A_56 = %scan3A_47) -> (i32)  : i32 {
        %mul3A_57 = arith.constant 4 : i32
        %mul3A_58 = arith.muli %scan3A_55, %mul3A_57 : i32
        %add3A_59 = vector.broadcast %mul3A_58 : i32 to vector<16xi32>
        %add3A_60 = arith.addi %add3A_59, %select_n3A : vector<16xi32>
        %gather3A = tpu.vector_load_idx %arg7[%add3A_60] : memref<400xi32, #tpu.memory_space<vmem>>[vector<16xi32>], vector<16xi32>,
        %mul3A_61 = arith.constant 4 : i32
        %mul3A_62 = vector.broadcast %mul3A_61 : i32 to vector<16xi32>
        %mul3A_63 = arith.muli %gather3A, %mul3A_62 : vector<16xi32>
        %add3A_64 = arith.addi %mul3A_63, %sub3A_29 : vector<16xi32>
        %gather3A_65 = tpu.vector_load_idx %arg6[%add3A_64] : memref<40000xf32, #tpu.memory_space<vmem>>[vector<16xi32>], vector<16xf32>,
        %mul3A_66 = arith.constant 16 : i32
        %mul3A_67 = arith.muli %scan3A_55, %mul3A_66 : i32
        %multiple_of3A_68 = tpu.assume_multiple %mul3A_67, 8 : i32
        %get3A = arith.index_cast %multiple_of3A_68 : i32 to index
        %get3A_69 = tpu.vector_load %arg8[%get3A] {strides = array<i32>} : memref<1600xf32, #tpu.memory_space<vmem>>, vector<16xf32>,
        %mul3A_70 = arith.mulf %get3A_69, %gather3A_65 : vector<16xf32>
        %swap3A = arith.index_cast %multiple_of3A_68 : i32 to index
        %swap3A_71 = tpu.vector_load %arg8[%swap3A] {strides = array<i32>} : memref<1600xf32, #tpu.memory_space<vmem>>, vector<16xf32>,
        tpu.vector_store %arg8[%swap3A], %mul3A_70 {strides = array<i32>} : memref<1600xf32, #tpu.memory_space<vmem>>, vector<16xf32>,
        %scan3A_72 = arith.constant 0 : i32
        scf.yield %scan3A_72 : i32
      }
      %scan3A_53 = arith.constant 100 : i32
      "tpu.region"() ({
        %run_scoped3A = tpu.sem_alloc : memref<!tpu.dma_semaphore, #tpu.memory_space<semaphore_mem>>
        %dma_start3A = tpu.memref_slice %arg5[%multiple_of3A_46] : memref<1280000xf32, #tpu.memory_space<hbm>> -> memref<1600xf32, #tpu.memory_space<hbm>>
        %dma_start3A_55 = tpu.memref_slice %arg5[%multiple_of3A_46] : memref<1280000xf32, #tpu.memory_space<hbm>> -> memref<1600xf32, #tpu.memory_space<hbm>>
        tpu.enqueue_dma source(%arg8 : memref<1600xf32, #tpu.memory_space<vmem>>) target(%dma_start3A_55 : memref<1600xf32, #tpu.memory_space<hbm>>) target_semaphore(%run_scoped3A : memref<!tpu.dma_semaphore, #tpu.memory_space<semaphore_mem>>)
        %dma_wait3A = tpu.memref_slice %arg5[%multiple_of3A_46] : memref<1280000xf32, #tpu.memory_space<hbm>> -> memref<1600xf32, #tpu.memory_space<hbm>>
        %dma_wait3A_56 = tpu.memref_slice %arg5[%multiple_of3A_46] : memref<1280000xf32, #tpu.memory_space<hbm>> -> memref<1600xf32, #tpu.memory_space<hbm>>
        tpu.wait_dma2 semaphore(%run_scoped3A : memref<!tpu.dma_semaphore, #tpu.memory_space<semaphore_mem>>) src(%arg8 : memref<1600xf32, #tpu.memory_space<vmem>>) dst(%dma_wait3A_56 : memref<1600xf32, #tpu.memory_space<hbm>>)
        tpu.yield
      }) : () -> ()
      %scan3A_54 = arith.constant 0 : i32
      scf.yield %scan3A_54 : i32
    }
    %scan3A_35 = arith.constant 25 : i32
    return
  }
}

#map = affine_map<(d0, d1) -> (0, 0)>
#map1 = affine_map<(d0, d1) -> (0)>
#map2 = affine_map<(d0, d1) -> (0, 0, 0)>
module attributes {stable_mosaic.version = 14 : i64} {
  func.func @_sc_gat_value_body(%arg0: i32, %arg1: i32, %arg2: memref<10000x512xf32, #tpu.memory_space<hbm>>, %arg3: memref<320000xi32, #tpu.memory_space<hbm>>, %arg4: memref<320000xi32, #tpu.memory_space<hbm>>, %arg5: memref<1280000xf32, #tpu.memory_space<hbm>>, %arg6: memref<2x10000x128xf32, #tpu.memory_space<hbm>>, %arg7: memref<40xi32, #tpu.memory_space<vmem>>, %arg8: memref<40xi32, #tpu.memory_space<vmem>>, %arg9: memref<160xf32, #tpu.memory_space<vmem>>, %arg10: memref<40x512xf32, #tpu.memory_space<vmem>>, %arg11: memref<40x128xf32, #tpu.memory_space<vmem>>, %arg12: memref<10000x128xf32, #tpu.memory_space<vmem_shared>>, %arg13: memref<!tpu.dma_semaphore, #tpu.memory_space<semaphore_mem>>) attributes {dimension_semantics = [#tpu.dimension_semantics<core_parallel>, #tpu.dimension_semantics<subcore_parallel>], iteration_bounds = array<i64: 2, 16>, scalar_prefetch = 0 : i64, scratch_operands = 7 : i64, tpu.core_type = #tpu.core_type<sc_vector_subcore>, window_params = [{transform_indices = #map}, {transform_indices = #map1}, {transform_indices = #map1}, {transform_indices = #map1}, {transform_indices = #map2}]} {
    %mul3A = arith.constant 16 : i32
    %mul3A_0 = arith.muli %arg0, %mul3A : i32
    %add3A = arith.addi %mul3A_0, %arg1 : i32
    %mul3A_1 = arith.constant 10000 : i32
    %mul3A_2 = arith.muli %add3A, %mul3A_1 : i32
    %scan3A = arith.constant 0 : i32
    %scan3A_3 = arith.constant 0 : i32
    %scan3A_4 = arith.constant 40 : i32
    %scan3A_5 = arith.addi %scan3A_3, %scan3A_4 : i32
    %scan3A_6 = arith.constant 1 : i32
    %scan3A_7 = scf.for %scan3A_47 = %scan3A_3 to %scan3A_5 step %scan3A_6 iter_args(%scan3A_48 = %scan3A) -> (i32)  : i32 {
      %broadcast_in_dim3A = arith.constant 0.000000e+00 : f32
      %broadcast_in_dim3A_49 = vector.broadcast %broadcast_in_dim3A : f32 to vector<16xf32>
      %swap3A = arith.index_cast %scan3A_47 : i32 to index
      %swap3A_50 = arith.constant 0 : index
      %swap3A_51 = tpu.vector_load %arg11[%swap3A, %swap3A_50] {strides = array<i32>} : memref<40x128xf32, #tpu.memory_space<vmem>>, vector<16xf32>,
      tpu.vector_store %arg11[%swap3A, %swap3A_50], %broadcast_in_dim3A_49 {strides = array<i32>} : memref<40x128xf32, #tpu.memory_space<vmem>>, vector<16xf32>,
      %broadcast_in_dim3A_52 = arith.constant 0.000000e+00 : f32
      %broadcast_in_dim3A_53 = vector.broadcast %broadcast_in_dim3A_52 : f32 to vector<16xf32>
      %swap3A_54 = arith.index_cast %scan3A_47 : i32 to index
      %swap3A_55 = arith.constant 16 : index
      %swap3A_56 = tpu.vector_load %arg11[%swap3A_54, %swap3A_55] {strides = array<i32>} : memref<40x128xf32, #tpu.memory_space<vmem>>, vector<16xf32>,
      tpu.vector_store %arg11[%swap3A_54, %swap3A_55], %broadcast_in_dim3A_53 {strides = array<i32>} : memref<40x128xf32, #tpu.memory_space<vmem>>, vector<16xf32>,
      %broadcast_in_dim3A_57 = arith.constant 0.000000e+00 : f32
      %broadcast_in_dim3A_58 = vector.broadcast %broadcast_in_dim3A_57 : f32 to vector<16xf32>
      %swap3A_59 = arith.index_cast %scan3A_47 : i32 to index
      %swap3A_60 = arith.constant 32 : index
      %swap3A_61 = tpu.vector_load %arg11[%swap3A_59, %swap3A_60] {strides = array<i32>} : memref<40x128xf32, #tpu.memory_space<vmem>>, vector<16xf32>,
      tpu.vector_store %arg11[%swap3A_59, %swap3A_60], %broadcast_in_dim3A_58 {strides = array<i32>} : memref<40x128xf32, #tpu.memory_space<vmem>>, vector<16xf32>,
      %broadcast_in_dim3A_62 = arith.constant 0.000000e+00 : f32
      %broadcast_in_dim3A_63 = vector.broadcast %broadcast_in_dim3A_62 : f32 to vector<16xf32>
      %swap3A_64 = arith.index_cast %scan3A_47 : i32 to index
      %swap3A_65 = arith.constant 48 : index
      %swap3A_66 = tpu.vector_load %arg11[%swap3A_64, %swap3A_65] {strides = array<i32>} : memref<40x128xf32, #tpu.memory_space<vmem>>, vector<16xf32>,
      tpu.vector_store %arg11[%swap3A_64, %swap3A_65], %broadcast_in_dim3A_63 {strides = array<i32>} : memref<40x128xf32, #tpu.memory_space<vmem>>, vector<16xf32>,
      %broadcast_in_dim3A_67 = arith.constant 0.000000e+00 : f32
      %broadcast_in_dim3A_68 = vector.broadcast %broadcast_in_dim3A_67 : f32 to vector<16xf32>
      %swap3A_69 = arith.index_cast %scan3A_47 : i32 to index
      %swap3A_70 = arith.constant 64 : index
      %swap3A_71 = tpu.vector_load %arg11[%swap3A_69, %swap3A_70] {strides = array<i32>} : memref<40x128xf32, #tpu.memory_space<vmem>>, vector<16xf32>,
      tpu.vector_store %arg11[%swap3A_69, %swap3A_70], %broadcast_in_dim3A_68 {strides = array<i32>} : memref<40x128xf32, #tpu.memory_space<vmem>>, vector<16xf32>,
      %broadcast_in_dim3A_72 = arith.constant 0.000000e+00 : f32
      %broadcast_in_dim3A_73 = vector.broadcast %broadcast_in_dim3A_72 : f32 to vector<16xf32>
      %swap3A_74 = arith.index_cast %scan3A_47 : i32 to index
      %swap3A_75 = arith.constant 80 : index
      %swap3A_76 = tpu.vector_load %arg11[%swap3A_74, %swap3A_75] {strides = array<i32>} : memref<40x128xf32, #tpu.memory_space<vmem>>, vector<16xf32>,
      tpu.vector_store %arg11[%swap3A_74, %swap3A_75], %broadcast_in_dim3A_73 {strides = array<i32>} : memref<40x128xf32, #tpu.memory_space<vmem>>, vector<16xf32>,
      %broadcast_in_dim3A_77 = arith.constant 0.000000e+00 : f32
      %broadcast_in_dim3A_78 = vector.broadcast %broadcast_in_dim3A_77 : f32 to vector<16xf32>
      %swap3A_79 = arith.index_cast %scan3A_47 : i32 to index
      %swap3A_80 = arith.constant 96 : index
      %swap3A_81 = tpu.vector_load %arg11[%swap3A_79, %swap3A_80] {strides = array<i32>} : memref<40x128xf32, #tpu.memory_space<vmem>>, vector<16xf32>,
      tpu.vector_store %arg11[%swap3A_79, %swap3A_80], %broadcast_in_dim3A_78 {strides = array<i32>} : memref<40x128xf32, #tpu.memory_space<vmem>>, vector<16xf32>,
      %broadcast_in_dim3A_82 = arith.constant 0.000000e+00 : f32
      %broadcast_in_dim3A_83 = vector.broadcast %broadcast_in_dim3A_82 : f32 to vector<16xf32>
      %swap3A_84 = arith.index_cast %scan3A_47 : i32 to index
      %swap3A_85 = arith.constant 112 : index
      %swap3A_86 = tpu.vector_load %arg11[%swap3A_84, %swap3A_85] {strides = array<i32>} : memref<40x128xf32, #tpu.memory_space<vmem>>, vector<16xf32>,
      tpu.vector_store %arg11[%swap3A_84, %swap3A_85], %broadcast_in_dim3A_83 {strides = array<i32>} : memref<40x128xf32, #tpu.memory_space<vmem>>, vector<16xf32>,
      %scan3A_87 = arith.constant 0 : i32
      scf.yield %scan3A_87 : i32
    }
    %scan3A_8 = arith.constant 40 : i32
    %scan3A_9 = arith.constant 0 : i32
    %scan3A_10 = arith.constant 0 : i32
    %scan3A_11 = arith.constant 15 : i32
    %scan3A_12 = arith.addi %scan3A_10, %scan3A_11 : i32
    %scan3A_13 = arith.constant 1 : i32
    %scan3A_14 = scf.for %scan3A_47 = %scan3A_10 to %scan3A_12 step %scan3A_13 iter_args(%scan3A_48 = %scan3A_9) -> (i32)  : i32 {
      %mul3A_49 = arith.constant 624 : i32
      %mul3A_50 = arith.muli %arg1, %mul3A_49 : i32
      %mul3A_51 = arith.constant 40 : i32
      %mul3A_52 = arith.muli %scan3A_47, %mul3A_51 : i32
      %add3A_53 = arith.addi %mul3A_50, %mul3A_52 : i32
      %multiple_of3A_54 = tpu.assume_multiple %add3A_53, 8 : i32
      "tpu.region"() ({
        %run_scoped3A = tpu.sem_alloc : memref<!tpu.dma_semaphore, #tpu.memory_space<semaphore_mem>>
        %dma_start3A = arith.constant 0 : i32
        %dma_start3A_56 = arith.constant 0 : i32
        %dma_start3A_57 = tpu.memref_slice %arg11[%dma_start3A, %dma_start3A_56] : memref<40x128xf32, #tpu.memory_space<vmem>> -> memref<40x128xf32, #tpu.memory_space<vmem>>
        %dma_start3A_58 = arith.constant 0 : i32
        %dma_start3A_59 = tpu.memref_slice %arg12[%multiple_of3A_54, %dma_start3A_58] : memref<10000x128xf32, #tpu.memory_space<vmem_shared>> -> memref<40x128xf32, #tpu.memory_space<vmem_shared>>
        %dma_start3A_60 = arith.constant 0 : i32
        %dma_start3A_61 = tpu.memref_slice %arg12[%multiple_of3A_54, %dma_start3A_60] : memref<10000x128xf32, #tpu.memory_space<vmem_shared>> -> memref<40x128xf32, #tpu.memory_space<vmem_shared>>
        %dma_start3A_62 = arith.constant 0 : i32
        %dma_start3A_63 = arith.constant 0 : i32
        %dma_start3A_64 = tpu.memref_slice %arg11[%dma_start3A_62, %dma_start3A_63] : memref<40x128xf32, #tpu.memory_space<vmem>> -> memref<40x128xf32, #tpu.memory_space<vmem>>
        tpu.enqueue_dma source(%dma_start3A_64 : memref<40x128xf32, #tpu.memory_space<vmem>>) target(%dma_start3A_61 : memref<40x128xf32, #tpu.memory_space<vmem_shared>>) target_semaphore(%run_scoped3A : memref<!tpu.dma_semaphore, #tpu.memory_space<semaphore_mem>>)
        %dma_wait3A = arith.constant 0 : i32
        %dma_wait3A_65 = arith.constant 0 : i32
        %dma_wait3A_66 = tpu.memref_slice %arg11[%dma_wait3A, %dma_wait3A_65] : memref<40x128xf32, #tpu.memory_space<vmem>> -> memref<40x128xf32, #tpu.memory_space<vmem>>
        %dma_wait3A_67 = arith.constant 0 : i32
        %dma_wait3A_68 = tpu.memref_slice %arg12[%multiple_of3A_54, %dma_wait3A_67] : memref<10000x128xf32, #tpu.memory_space<vmem_shared>> -> memref<40x128xf32, #tpu.memory_space<vmem_shared>>
        %dma_wait3A_69 = arith.constant 0 : i32
        %dma_wait3A_70 = tpu.memref_slice %arg12[%multiple_of3A_54, %dma_wait3A_69] : memref<10000x128xf32, #tpu.memory_space<vmem_shared>> -> memref<40x128xf32, #tpu.memory_space<vmem_shared>>
        %dma_wait3A_71 = arith.constant 0 : i32
        %dma_wait3A_72 = arith.constant 0 : i32
        %dma_wait3A_73 = tpu.memref_slice %arg11[%dma_wait3A_71, %dma_wait3A_72] : memref<40x128xf32, #tpu.memory_space<vmem>> -> memref<40x128xf32, #tpu.memory_space<vmem>>
        tpu.wait_dma2 semaphore(%run_scoped3A : memref<!tpu.dma_semaphore, #tpu.memory_space<semaphore_mem>>) src(%dma_wait3A_73 : memref<40x128xf32, #tpu.memory_space<vmem>>) dst(%dma_wait3A_70 : memref<40x128xf32, #tpu.memory_space<vmem_shared>>)
        tpu.yield
      }) : () -> ()
      %scan3A_55 = arith.constant 0 : i32
      scf.yield %scan3A_55 : i32
    }
    %scan3A_15 = arith.constant 15 : i32
    %mul3A_16 = arith.constant 624 : i32
    %mul3A_17 = arith.muli %arg1, %mul3A_16 : i32
    %add3A_18 = arith.constant 600 : i32
    %add3A_19 = arith.addi %mul3A_17, %add3A_18 : i32
    %multiple_of3A = tpu.assume_multiple %add3A_19, 8 : i32
    "tpu.region"() ({
      %run_scoped3A = tpu.sem_alloc : memref<!tpu.dma_semaphore, #tpu.memory_space<semaphore_mem>>
      %dma_start3A = arith.constant 0 : i32
      %dma_start3A_47 = arith.constant 0 : i32
      %dma_start3A_48 = tpu.memref_slice %arg11[%dma_start3A, %dma_start3A_47] : memref<40x128xf32, #tpu.memory_space<vmem>> -> memref<24x128xf32, #tpu.memory_space<vmem>>
      %dma_start3A_49 = arith.constant 0 : i32
      %dma_start3A_50 = tpu.memref_slice %arg12[%multiple_of3A, %dma_start3A_49] : memref<10000x128xf32, #tpu.memory_space<vmem_shared>> -> memref<24x128xf32, #tpu.memory_space<vmem_shared>>
      %dma_start3A_51 = arith.constant 0 : i32
      %dma_start3A_52 = tpu.memref_slice %arg12[%multiple_of3A, %dma_start3A_51] : memref<10000x128xf32, #tpu.memory_space<vmem_shared>> -> memref<24x128xf32, #tpu.memory_space<vmem_shared>>
      %dma_start3A_53 = arith.constant 0 : i32
      %dma_start3A_54 = arith.constant 0 : i32
      %dma_start3A_55 = tpu.memref_slice %arg11[%dma_start3A_53, %dma_start3A_54] : memref<40x128xf32, #tpu.memory_space<vmem>> -> memref<24x128xf32, #tpu.memory_space<vmem>>
      tpu.enqueue_dma source(%dma_start3A_55 : memref<24x128xf32, #tpu.memory_space<vmem>>) target(%dma_start3A_52 : memref<24x128xf32, #tpu.memory_space<vmem_shared>>) target_semaphore(%run_scoped3A : memref<!tpu.dma_semaphore, #tpu.memory_space<semaphore_mem>>)
      %dma_wait3A = arith.constant 0 : i32
      %dma_wait3A_56 = arith.constant 0 : i32
      %dma_wait3A_57 = tpu.memref_slice %arg11[%dma_wait3A, %dma_wait3A_56] : memref<40x128xf32, #tpu.memory_space<vmem>> -> memref<24x128xf32, #tpu.memory_space<vmem>>
      %dma_wait3A_58 = arith.constant 0 : i32
      %dma_wait3A_59 = tpu.memref_slice %arg12[%multiple_of3A, %dma_wait3A_58] : memref<10000x128xf32, #tpu.memory_space<vmem_shared>> -> memref<24x128xf32, #tpu.memory_space<vmem_shared>>
      %dma_wait3A_60 = arith.constant 0 : i32
      %dma_wait3A_61 = tpu.memref_slice %arg12[%multiple_of3A, %dma_wait3A_60] : memref<10000x128xf32, #tpu.memory_space<vmem_shared>> -> memref<24x128xf32, #tpu.memory_space<vmem_shared>>
      %dma_wait3A_62 = arith.constant 0 : i32
      %dma_wait3A_63 = arith.constant 0 : i32
      %dma_wait3A_64 = tpu.memref_slice %arg11[%dma_wait3A_62, %dma_wait3A_63] : memref<40x128xf32, #tpu.memory_space<vmem>> -> memref<24x128xf32, #tpu.memory_space<vmem>>
      tpu.wait_dma2 semaphore(%run_scoped3A : memref<!tpu.dma_semaphore, #tpu.memory_space<semaphore_mem>>) src(%dma_wait3A_64 : memref<24x128xf32, #tpu.memory_space<vmem>>) dst(%dma_wait3A_61 : memref<24x128xf32, #tpu.memory_space<vmem_shared>>)
      tpu.yield
    }) : () -> ()
    %eq3A = arith.constant 0 : i32
    %eq3A_20 = arith.cmpi eq, %arg1, %eq3A : i32
    %convert_element_type3A = arith.extui %eq3A_20 : i1 to i32
    %cond3A = arith.constant 0 : i32
    %cond3A_21 = arith.cmpi ne, %convert_element_type3A, %cond3A : i32
    scf.if %cond3A_21 {
      "tpu.region"() ({
        %run_scoped3A = tpu.sem_alloc : memref<!tpu.dma_semaphore, #tpu.memory_space<semaphore_mem>>
        %dma_start3A = arith.constant 0 : i32
        %dma_start3A_47 = arith.constant 0 : i32
        %dma_start3A_48 = tpu.memref_slice %arg11[%dma_start3A, %dma_start3A_47] : memref<40x128xf32, #tpu.memory_space<vmem>> -> memref<16x128xf32, #tpu.memory_space<vmem>>
        %dma_start3A_49 = arith.constant 9984 : i32
        %dma_start3A_50 = arith.constant 0 : i32
        %dma_start3A_51 = tpu.memref_slice %arg12[%dma_start3A_49, %dma_start3A_50] : memref<10000x128xf32, #tpu.memory_space<vmem_shared>> -> memref<16x128xf32, #tpu.memory_space<vmem_shared>>
        %dma_start3A_52 = arith.constant 9984 : i32
        %dma_start3A_53 = arith.constant 0 : i32
        %dma_start3A_54 = tpu.memref_slice %arg12[%dma_start3A_52, %dma_start3A_53] : memref<10000x128xf32, #tpu.memory_space<vmem_shared>> -> memref<16x128xf32, #tpu.memory_space<vmem_shared>>
        %dma_start3A_55 = arith.constant 0 : i32
        %dma_start3A_56 = arith.constant 0 : i32
        %dma_start3A_57 = tpu.memref_slice %arg11[%dma_start3A_55, %dma_start3A_56] : memref<40x128xf32, #tpu.memory_space<vmem>> -> memref<16x128xf32, #tpu.memory_space<vmem>>
        tpu.enqueue_dma source(%dma_start3A_57 : memref<16x128xf32, #tpu.memory_space<vmem>>) target(%dma_start3A_54 : memref<16x128xf32, #tpu.memory_space<vmem_shared>>) target_semaphore(%run_scoped3A : memref<!tpu.dma_semaphore, #tpu.memory_space<semaphore_mem>>)
        %dma_wait3A = arith.constant 0 : i32
        %dma_wait3A_58 = arith.constant 0 : i32
        %dma_wait3A_59 = tpu.memref_slice %arg11[%dma_wait3A, %dma_wait3A_58] : memref<40x128xf32, #tpu.memory_space<vmem>> -> memref<16x128xf32, #tpu.memory_space<vmem>>
        %dma_wait3A_60 = arith.constant 9984 : i32
        %dma_wait3A_61 = arith.constant 0 : i32
        %dma_wait3A_62 = tpu.memref_slice %arg12[%dma_wait3A_60, %dma_wait3A_61] : memref<10000x128xf32, #tpu.memory_space<vmem_shared>> -> memref<16x128xf32, #tpu.memory_space<vmem_shared>>
        %dma_wait3A_63 = arith.constant 9984 : i32
        %dma_wait3A_64 = arith.constant 0 : i32
        %dma_wait3A_65 = tpu.memref_slice %arg12[%dma_wait3A_63, %dma_wait3A_64] : memref<10000x128xf32, #tpu.memory_space<vmem_shared>> -> memref<16x128xf32, #tpu.memory_space<vmem_shared>>
        %dma_wait3A_66 = arith.constant 0 : i32
        %dma_wait3A_67 = arith.constant 0 : i32
        %dma_wait3A_68 = tpu.memref_slice %arg11[%dma_wait3A_66, %dma_wait3A_67] : memref<40x128xf32, #tpu.memory_space<vmem>> -> memref<16x128xf32, #tpu.memory_space<vmem>>
        tpu.wait_dma2 semaphore(%run_scoped3A : memref<!tpu.dma_semaphore, #tpu.memory_space<semaphore_mem>>) src(%dma_wait3A_68 : memref<16x128xf32, #tpu.memory_space<vmem>>) dst(%dma_wait3A_65 : memref<16x128xf32, #tpu.memory_space<vmem_shared>>)
        tpu.yield
      }) : () -> ()
    } else {
    }
    %barrier3A = arith.constant 0 : index
    tpu.barrier barrier_id(%barrier3A)
    %scan3A_22 = arith.constant 0 : i32
    %scan3A_23 = arith.constant 0 : i32
    %scan3A_24 = arith.constant 250 : i32
    %scan3A_25 = arith.addi %scan3A_23, %scan3A_24 : i32
    %scan3A_26 = arith.constant 1 : i32
    %scan3A_27 = scf.for %scan3A_47 = %scan3A_23 to %scan3A_25 step %scan3A_26 iter_args(%scan3A_48 = %scan3A_22) -> (i32)  : i32 {
      %mul3A_49 = arith.constant 40 : i32
      %mul3A_50 = arith.muli %scan3A_47, %mul3A_49 : i32
      %add3A_51 = arith.addi %mul3A_2, %mul3A_50 : i32
      %multiple_of3A_52 = tpu.assume_multiple %add3A_51, 8 : i32
      "tpu.region"() ({
        %run_scoped3A = tpu.sem_alloc : memref<!tpu.dma_semaphore, #tpu.memory_space<semaphore_mem>>
        %dma_start3A_71 = tpu.memref_slice %arg3[%multiple_of3A_52] : memref<320000xi32, #tpu.memory_space<hbm>> -> memref<40xi32, #tpu.memory_space<hbm>>
        %dma_start3A_72 = tpu.memref_slice %arg3[%multiple_of3A_52] : memref<320000xi32, #tpu.memory_space<hbm>> -> memref<40xi32, #tpu.memory_space<hbm>>
        tpu.enqueue_dma source(%dma_start3A_72 : memref<40xi32, #tpu.memory_space<hbm>>) target(%arg7 : memref<40xi32, #tpu.memory_space<vmem>>) target_semaphore(%run_scoped3A : memref<!tpu.dma_semaphore, #tpu.memory_space<semaphore_mem>>)
        %dma_wait3A_73 = tpu.memref_slice %arg3[%multiple_of3A_52] : memref<320000xi32, #tpu.memory_space<hbm>> -> memref<40xi32, #tpu.memory_space<hbm>>
        %dma_wait3A_74 = tpu.memref_slice %arg3[%multiple_of3A_52] : memref<320000xi32, #tpu.memory_space<hbm>> -> memref<40xi32, #tpu.memory_space<hbm>>
        tpu.wait_dma2 semaphore(%run_scoped3A : memref<!tpu.dma_semaphore, #tpu.memory_space<semaphore_mem>>) src(%dma_wait3A_74 : memref<40xi32, #tpu.memory_space<hbm>>) dst(%arg7 : memref<40xi32, #tpu.memory_space<vmem>>)
        tpu.yield
      }) : () -> ()
      "tpu.region"() ({
        %run_scoped3A = tpu.sem_alloc : memref<!tpu.dma_semaphore, #tpu.memory_space<semaphore_mem>>
        %dma_start3A_71 = tpu.memref_slice %arg4[%multiple_of3A_52] : memref<320000xi32, #tpu.memory_space<hbm>> -> memref<40xi32, #tpu.memory_space<hbm>>
        %dma_start3A_72 = tpu.memref_slice %arg4[%multiple_of3A_52] : memref<320000xi32, #tpu.memory_space<hbm>> -> memref<40xi32, #tpu.memory_space<hbm>>
        tpu.enqueue_dma source(%dma_start3A_72 : memref<40xi32, #tpu.memory_space<hbm>>) target(%arg8 : memref<40xi32, #tpu.memory_space<vmem>>) target_semaphore(%run_scoped3A : memref<!tpu.dma_semaphore, #tpu.memory_space<semaphore_mem>>)
        %dma_wait3A_73 = tpu.memref_slice %arg4[%multiple_of3A_52] : memref<320000xi32, #tpu.memory_space<hbm>> -> memref<40xi32, #tpu.memory_space<hbm>>
        %dma_wait3A_74 = tpu.memref_slice %arg4[%multiple_of3A_52] : memref<320000xi32, #tpu.memory_space<hbm>> -> memref<40xi32, #tpu.memory_space<hbm>>
        tpu.wait_dma2 semaphore(%run_scoped3A : memref<!tpu.dma_semaphore, #tpu.memory_space<semaphore_mem>>) src(%dma_wait3A_74 : memref<40xi32, #tpu.memory_space<hbm>>) dst(%arg8 : memref<40xi32, #tpu.memory_space<vmem>>)
        tpu.yield
      }) : () -> ()
      %mul3A_53 = arith.constant 40 : i32
      %mul3A_54 = arith.muli %scan3A_47, %mul3A_53 : i32
      %add3A_55 = arith.addi %mul3A_2, %mul3A_54 : i32
      %mul3A_56 = arith.constant 4 : i32
      %mul3A_57 = arith.muli %add3A_55, %mul3A_56 : i32
      %multiple_of3A_58 = tpu.assume_multiple %mul3A_57, 8 : i32
      "tpu.region"() ({
        %run_scoped3A = tpu.sem_alloc : memref<!tpu.dma_semaphore, #tpu.memory_space<semaphore_mem>>
        %dma_start3A_71 = tpu.memref_slice %arg5[%multiple_of3A_58] : memref<1280000xf32, #tpu.memory_space<hbm>> -> memref<160xf32, #tpu.memory_space<hbm>>
        %dma_start3A_72 = tpu.memref_slice %arg5[%multiple_of3A_58] : memref<1280000xf32, #tpu.memory_space<hbm>> -> memref<160xf32, #tpu.memory_space<hbm>>
        tpu.enqueue_dma source(%dma_start3A_72 : memref<160xf32, #tpu.memory_space<hbm>>) target(%arg9 : memref<160xf32, #tpu.memory_space<vmem>>) target_semaphore(%run_scoped3A : memref<!tpu.dma_semaphore, #tpu.memory_space<semaphore_mem>>)
        %dma_wait3A_73 = tpu.memref_slice %arg5[%multiple_of3A_58] : memref<1280000xf32, #tpu.memory_space<hbm>> -> memref<160xf32, #tpu.memory_space<hbm>>
        %dma_wait3A_74 = tpu.memref_slice %arg5[%multiple_of3A_58] : memref<1280000xf32, #tpu.memory_space<hbm>> -> memref<160xf32, #tpu.memory_space<hbm>>
        tpu.wait_dma2 semaphore(%run_scoped3A : memref<!tpu.dma_semaphore, #tpu.memory_space<semaphore_mem>>) src(%dma_wait3A_74 : memref<160xf32, #tpu.memory_space<hbm>>) dst(%arg9 : memref<160xf32, #tpu.memory_space<vmem>>)
        tpu.yield
      }) : () -> ()
      %dma_start3A = arith.constant 0 : i32
      %dma_start3A_59 = arith.constant 0 : i32
      %dma_start3A_60 = tpu.memref_slice %arg2[%dma_start3A, %dma_start3A_59] : memref<10000x512xf32, #tpu.memory_space<hbm>> -> memref<10000x512xf32, #tpu.memory_space<hbm>>
      tpu.enqueue_indirect_dma source(%dma_start3A_60 : memref<10000x512xf32, #tpu.memory_space<hbm>>) target(%arg10 : memref<40x512xf32, #tpu.memory_space<vmem>>) offsets(%arg7 : memref<40xi32, #tpu.memory_space<vmem>>) semaphore(%arg13 : memref<!tpu.dma_semaphore, #tpu.memory_space<semaphore_mem>>)
      %dma_wait3A = arith.constant 0 : i32
      %dma_wait3A_61 = arith.constant 0 : i32
      %dma_wait3A_62 = tpu.memref_slice %arg2[%dma_wait3A, %dma_wait3A_61] : memref<10000x512xf32, #tpu.memory_space<hbm>> -> memref<10000x512xf32, #tpu.memory_space<hbm>>
      tpu.wait_indirect_dma semaphore(%arg13 : memref<!tpu.dma_semaphore, #tpu.memory_space<semaphore_mem>>) src(%dma_wait3A_62 : memref<10000x512xf32, #tpu.memory_space<hbm>>) dst(%arg10 : memref<40x512xf32, #tpu.memory_space<vmem>>)
      %scan3A_63 = arith.constant 0 : i32
      %scan3A_64 = arith.constant 0 : i32
      %scan3A_65 = arith.constant 40 : i32
      %scan3A_66 = arith.addi %scan3A_64, %scan3A_65 : i32
      %scan3A_67 = arith.constant 1 : i32
      %scan3A_68 = scf.for %scan3A_71 = %scan3A_64 to %scan3A_66 step %scan3A_67 iter_args(%scan3A_72 = %scan3A_63) -> (i32)  : i32 {
        %mul3A_73 = arith.constant 4 : i32
        %mul3A_74 = arith.muli %scan3A_71, %mul3A_73 : i32
        %add3A_75 = arith.constant 0 : i32
        %add3A_76 = arith.addi %mul3A_74, %add3A_75 : i32
        %broadcast_in_dim3A = vector.broadcast %add3A_76 : i32 to vector<16xi32>
        %gather3A = tpu.vector_load_idx %arg9[%broadcast_in_dim3A] : memref<160xf32, #tpu.memory_space<vmem>>[vector<16xi32>], vector<16xf32>,
        %mul3A_77 = arith.constant 4 : i32
        %mul3A_78 = arith.muli %scan3A_71, %mul3A_77 : i32
        %add3A_79 = arith.constant 1 : i32
        %add3A_80 = arith.addi %mul3A_78, %add3A_79 : i32
        %broadcast_in_dim3A_81 = vector.broadcast %add3A_80 : i32 to vector<16xi32>
        %gather3A_82 = tpu.vector_load_idx %arg9[%broadcast_in_dim3A_81] : memref<160xf32, #tpu.memory_space<vmem>>[vector<16xi32>], vector<16xf32>,
        %mul3A_83 = arith.constant 4 : i32
        %mul3A_84 = arith.muli %scan3A_71, %mul3A_83 : i32
        %add3A_85 = arith.constant 2 : i32
        %add3A_86 = arith.addi %mul3A_84, %add3A_85 : i32
        %broadcast_in_dim3A_87 = vector.broadcast %add3A_86 : i32 to vector<16xi32>
        %gather3A_88 = tpu.vector_load_idx %arg9[%broadcast_in_dim3A_87] : memref<160xf32, #tpu.memory_space<vmem>>[vector<16xi32>], vector<16xf32>,
        %mul3A_89 = arith.constant 4 : i32
        %mul3A_90 = arith.muli %scan3A_71, %mul3A_89 : i32
        %add3A_91 = arith.constant 3 : i32
        %add3A_92 = arith.addi %mul3A_90, %add3A_91 : i32
        %broadcast_in_dim3A_93 = vector.broadcast %add3A_92 : i32 to vector<16xi32>
        %gather3A_94 = tpu.vector_load_idx %arg9[%broadcast_in_dim3A_93] : memref<160xf32, #tpu.memory_space<vmem>>[vector<16xi32>], vector<16xf32>,
        %get3A = arith.index_cast %scan3A_71 : i32 to index
        %get3A_95 = arith.constant 0 : index
        %get3A_96 = tpu.vector_load %arg10[%get3A, %get3A_95] {strides = array<i32>} : memref<40x512xf32, #tpu.memory_space<vmem>>, vector<16xf32>,
        %mul3A_97 = arith.mulf %gather3A, %get3A_96 : vector<16xf32>
        %get3A_98 = arith.index_cast %scan3A_71 : i32 to index
        %get3A_99 = arith.constant 128 : index
        %get3A_100 = tpu.vector_load %arg10[%get3A_98, %get3A_99] {strides = array<i32>} : memref<40x512xf32, #tpu.memory_space<vmem>>, vector<16xf32>,
        %mul3A_101 = arith.mulf %gather3A_82, %get3A_100 : vector<16xf32>
        %add3A_102 = arith.addf %mul3A_97, %mul3A_101 : vector<16xf32>
        %get3A_103 = arith.index_cast %scan3A_71 : i32 to index
        %get3A_104 = arith.constant 256 : index
        %get3A_105 = tpu.vector_load %arg10[%get3A_103, %get3A_104] {strides = array<i32>} : memref<40x512xf32, #tpu.memory_space<vmem>>, vector<16xf32>,
        %mul3A_106 = arith.mulf %gather3A_88, %get3A_105 : vector<16xf32>
        %add3A_107 = arith.addf %add3A_102, %mul3A_106 : vector<16xf32>
        %get3A_108 = arith.index_cast %scan3A_71 : i32 to index
        %get3A_109 = arith.constant 384 : index
        %get3A_110 = tpu.vector_load %arg10[%get3A_108, %get3A_109] {strides = array<i32>} : memref<40x512xf32, #tpu.memory_space<vmem>>, vector<16xf32>,
        %mul3A_111 = arith.mulf %gather3A_94, %get3A_110 : vector<16xf32>
        %add3A_112 = arith.addf %add3A_107, %mul3A_111 : vector<16xf32>
        %swap3A = arith.index_cast %scan3A_71 : i32 to index
        %swap3A_113 = arith.constant 0 : index
        %swap3A_114 = tpu.vector_load %arg11[%swap3A, %swap3A_113] {strides = array<i32>} : memref<40x128xf32, #tpu.memory_space<vmem>>, vector<16xf32>,
        tpu.vector_store %arg11[%swap3A, %swap3A_113], %add3A_112 {strides = array<i32>} : memref<40x128xf32, #tpu.memory_space<vmem>>, vector<16xf32>,
        %get3A_115 = arith.index_cast %scan3A_71 : i32 to index
        %get3A_116 = arith.constant 16 : index
        %get3A_117 = tpu.vector_load %arg10[%get3A_115, %get3A_116] {strides = array<i32>} : memref<40x512xf32, #tpu.memory_space<vmem>>, vector<16xf32>,
        %mul3A_118 = arith.mulf %gather3A, %get3A_117 : vector<16xf32>
        %get3A_119 = arith.index_cast %scan3A_71 : i32 to index
        %get3A_120 = arith.constant 144 : index
        %get3A_121 = tpu.vector_load %arg10[%get3A_119, %get3A_120] {strides = array<i32>} : memref<40x512xf32, #tpu.memory_space<vmem>>, vector<16xf32>,
        %mul3A_122 = arith.mulf %gather3A_82, %get3A_121 : vector<16xf32>
        %add3A_123 = arith.addf %mul3A_118, %mul3A_122 : vector<16xf32>
        %get3A_124 = arith.index_cast %scan3A_71 : i32 to index
        %get3A_125 = arith.constant 272 : index
        %get3A_126 = tpu.vector_load %arg10[%get3A_124, %get3A_125] {strides = array<i32>} : memref<40x512xf32, #tpu.memory_space<vmem>>, vector<16xf32>,
        %mul3A_127 = arith.mulf %gather3A_88, %get3A_126 : vector<16xf32>
        %add3A_128 = arith.addf %add3A_123, %mul3A_127 : vector<16xf32>
        %get3A_129 = arith.index_cast %scan3A_71 : i32 to index
        %get3A_130 = arith.constant 400 : index
        %get3A_131 = tpu.vector_load %arg10[%get3A_129, %get3A_130] {strides = array<i32>} : memref<40x512xf32, #tpu.memory_space<vmem>>, vector<16xf32>,
        %mul3A_132 = arith.mulf %gather3A_94, %get3A_131 : vector<16xf32>
        %add3A_133 = arith.addf %add3A_128, %mul3A_132 : vector<16xf32>
        %swap3A_134 = arith.index_cast %scan3A_71 : i32 to index
        %swap3A_135 = arith.constant 16 : index
        %swap3A_136 = tpu.vector_load %arg11[%swap3A_134, %swap3A_135] {strides = array<i32>} : memref<40x128xf32, #tpu.memory_space<vmem>>, vector<16xf32>,
        tpu.vector_store %arg11[%swap3A_134, %swap3A_135], %add3A_133 {strides = array<i32>} : memref<40x128xf32, #tpu.memory_space<vmem>>, vector<16xf32>,
        %get3A_137 = arith.index_cast %scan3A_71 : i32 to index
        %get3A_138 = arith.constant 32 : index
        %get3A_139 = tpu.vector_load %arg10[%get3A_137, %get3A_138] {strides = array<i32>} : memref<40x512xf32, #tpu.memory_space<vmem>>, vector<16xf32>,
        %mul3A_140 = arith.mulf %gather3A, %get3A_139 : vector<16xf32>
        %get3A_141 = arith.index_cast %scan3A_71 : i32 to index
        %get3A_142 = arith.constant 160 : index
        %get3A_143 = tpu.vector_load %arg10[%get3A_141, %get3A_142] {strides = array<i32>} : memref<40x512xf32, #tpu.memory_space<vmem>>, vector<16xf32>,
        %mul3A_144 = arith.mulf %gather3A_82, %get3A_143 : vector<16xf32>
        %add3A_145 = arith.addf %mul3A_140, %mul3A_144 : vector<16xf32>
        %get3A_146 = arith.index_cast %scan3A_71 : i32 to index
        %get3A_147 = arith.constant 288 : index
        %get3A_148 = tpu.vector_load %arg10[%get3A_146, %get3A_147] {strides = array<i32>} : memref<40x512xf32, #tpu.memory_space<vmem>>, vector<16xf32>,
        %mul3A_149 = arith.mulf %gather3A_88, %get3A_148 : vector<16xf32>
        %add3A_150 = arith.addf %add3A_145, %mul3A_149 : vector<16xf32>
        %get3A_151 = arith.index_cast %scan3A_71 : i32 to index
        %get3A_152 = arith.constant 416 : index
        %get3A_153 = tpu.vector_load %arg10[%get3A_151, %get3A_152] {strides = array<i32>} : memref<40x512xf32, #tpu.memory_space<vmem>>, vector<16xf32>,
        %mul3A_154 = arith.mulf %gather3A_94, %get3A_153 : vector<16xf32>
        %add3A_155 = arith.addf %add3A_150, %mul3A_154 : vector<16xf32>
        %swap3A_156 = arith.index_cast %scan3A_71 : i32 to index
        %swap3A_157 = arith.constant 32 : index
        %swap3A_158 = tpu.vector_load %arg11[%swap3A_156, %swap3A_157] {strides = array<i32>} : memref<40x128xf32, #tpu.memory_space<vmem>>, vector<16xf32>,
        tpu.vector_store %arg11[%swap3A_156, %swap3A_157], %add3A_155 {strides = array<i32>} : memref<40x128xf32, #tpu.memory_space<vmem>>, vector<16xf32>,
        %get3A_159 = arith.index_cast %scan3A_71 : i32 to index
        %get3A_160 = arith.constant 48 : index
        %get3A_161 = tpu.vector_load %arg10[%get3A_159, %get3A_160] {strides = array<i32>} : memref<40x512xf32, #tpu.memory_space<vmem>>, vector<16xf32>,
        %mul3A_162 = arith.mulf %gather3A, %get3A_161 : vector<16xf32>
        %get3A_163 = arith.index_cast %scan3A_71 : i32 to index
        %get3A_164 = arith.constant 176 : index
        %get3A_165 = tpu.vector_load %arg10[%get3A_163, %get3A_164] {strides = array<i32>} : memref<40x512xf32, #tpu.memory_space<vmem>>, vector<16xf32>,
        %mul3A_166 = arith.mulf %gather3A_82, %get3A_165 : vector<16xf32>
        %add3A_167 = arith.addf %mul3A_162, %mul3A_166 : vector<16xf32>
        %get3A_168 = arith.index_cast %scan3A_71 : i32 to index
        %get3A_169 = arith.constant 304 : index
        %get3A_170 = tpu.vector_load %arg10[%get3A_168, %get3A_169] {strides = array<i32>} : memref<40x512xf32, #tpu.memory_space<vmem>>, vector<16xf32>,
        %mul3A_171 = arith.mulf %gather3A_88, %get3A_170 : vector<16xf32>
        %add3A_172 = arith.addf %add3A_167, %mul3A_171 : vector<16xf32>
        %get3A_173 = arith.index_cast %scan3A_71 : i32 to index
        %get3A_174 = arith.constant 432 : index
        %get3A_175 = tpu.vector_load %arg10[%get3A_173, %get3A_174] {strides = array<i32>} : memref<40x512xf32, #tpu.memory_space<vmem>>, vector<16xf32>,
        %mul3A_176 = arith.mulf %gather3A_94, %get3A_175 : vector<16xf32>
        %add3A_177 = arith.addf %add3A_172, %mul3A_176 : vector<16xf32>
        %swap3A_178 = arith.index_cast %scan3A_71 : i32 to index
        %swap3A_179 = arith.constant 48 : index
        %swap3A_180 = tpu.vector_load %arg11[%swap3A_178, %swap3A_179] {strides = array<i32>} : memref<40x128xf32, #tpu.memory_space<vmem>>, vector<16xf32>,
        tpu.vector_store %arg11[%swap3A_178, %swap3A_179], %add3A_177 {strides = array<i32>} : memref<40x128xf32, #tpu.memory_space<vmem>>, vector<16xf32>,
        %get3A_181 = arith.index_cast %scan3A_71 : i32 to index
        %get3A_182 = arith.constant 64 : index
        %get3A_183 = tpu.vector_load %arg10[%get3A_181, %get3A_182] {strides = array<i32>} : memref<40x512xf32, #tpu.memory_space<vmem>>, vector<16xf32>,
        %mul3A_184 = arith.mulf %gather3A, %get3A_183 : vector<16xf32>
        %get3A_185 = arith.index_cast %scan3A_71 : i32 to index
        %get3A_186 = arith.constant 192 : index
        %get3A_187 = tpu.vector_load %arg10[%get3A_185, %get3A_186] {strides = array<i32>} : memref<40x512xf32, #tpu.memory_space<vmem>>, vector<16xf32>,
        %mul3A_188 = arith.mulf %gather3A_82, %get3A_187 : vector<16xf32>
        %add3A_189 = arith.addf %mul3A_184, %mul3A_188 : vector<16xf32>
        %get3A_190 = arith.index_cast %scan3A_71 : i32 to index
        %get3A_191 = arith.constant 320 : index
        %get3A_192 = tpu.vector_load %arg10[%get3A_190, %get3A_191] {strides = array<i32>} : memref<40x512xf32, #tpu.memory_space<vmem>>, vector<16xf32>,
        %mul3A_193 = arith.mulf %gather3A_88, %get3A_192 : vector<16xf32>
        %add3A_194 = arith.addf %add3A_189, %mul3A_193 : vector<16xf32>
        %get3A_195 = arith.index_cast %scan3A_71 : i32 to index
        %get3A_196 = arith.constant 448 : index
        %get3A_197 = tpu.vector_load %arg10[%get3A_195, %get3A_196] {strides = array<i32>} : memref<40x512xf32, #tpu.memory_space<vmem>>, vector<16xf32>,
        %mul3A_198 = arith.mulf %gather3A_94, %get3A_197 : vector<16xf32>
        %add3A_199 = arith.addf %add3A_194, %mul3A_198 : vector<16xf32>
        %swap3A_200 = arith.index_cast %scan3A_71 : i32 to index
        %swap3A_201 = arith.constant 64 : index
        %swap3A_202 = tpu.vector_load %arg11[%swap3A_200, %swap3A_201] {strides = array<i32>} : memref<40x128xf32, #tpu.memory_space<vmem>>, vector<16xf32>,
        tpu.vector_store %arg11[%swap3A_200, %swap3A_201], %add3A_199 {strides = array<i32>} : memref<40x128xf32, #tpu.memory_space<vmem>>, vector<16xf32>,
        %get3A_203 = arith.index_cast %scan3A_71 : i32 to index
        %get3A_204 = arith.constant 80 : index
        %get3A_205 = tpu.vector_load %arg10[%get3A_203, %get3A_204] {strides = array<i32>} : memref<40x512xf32, #tpu.memory_space<vmem>>, vector<16xf32>,
        %mul3A_206 = arith.mulf %gather3A, %get3A_205 : vector<16xf32>
        %get3A_207 = arith.index_cast %scan3A_71 : i32 to index
        %get3A_208 = arith.constant 208 : index
        %get3A_209 = tpu.vector_load %arg10[%get3A_207, %get3A_208] {strides = array<i32>} : memref<40x512xf32, #tpu.memory_space<vmem>>, vector<16xf32>,
        %mul3A_210 = arith.mulf %gather3A_82, %get3A_209 : vector<16xf32>
        %add3A_211 = arith.addf %mul3A_206, %mul3A_210 : vector<16xf32>
        %get3A_212 = arith.index_cast %scan3A_71 : i32 to index
        %get3A_213 = arith.constant 336 : index
        %get3A_214 = tpu.vector_load %arg10[%get3A_212, %get3A_213] {strides = array<i32>} : memref<40x512xf32, #tpu.memory_space<vmem>>, vector<16xf32>,
        %mul3A_215 = arith.mulf %gather3A_88, %get3A_214 : vector<16xf32>
        %add3A_216 = arith.addf %add3A_211, %mul3A_215 : vector<16xf32>
        %get3A_217 = arith.index_cast %scan3A_71 : i32 to index
        %get3A_218 = arith.constant 464 : index
        %get3A_219 = tpu.vector_load %arg10[%get3A_217, %get3A_218] {strides = array<i32>} : memref<40x512xf32, #tpu.memory_space<vmem>>, vector<16xf32>,
        %mul3A_220 = arith.mulf %gather3A_94, %get3A_219 : vector<16xf32>
        %add3A_221 = arith.addf %add3A_216, %mul3A_220 : vector<16xf32>
        %swap3A_222 = arith.index_cast %scan3A_71 : i32 to index
        %swap3A_223 = arith.constant 80 : index
        %swap3A_224 = tpu.vector_load %arg11[%swap3A_222, %swap3A_223] {strides = array<i32>} : memref<40x128xf32, #tpu.memory_space<vmem>>, vector<16xf32>,
        tpu.vector_store %arg11[%swap3A_222, %swap3A_223], %add3A_221 {strides = array<i32>} : memref<40x128xf32, #tpu.memory_space<vmem>>, vector<16xf32>,
        %get3A_225 = arith.index_cast %scan3A_71 : i32 to index
        %get3A_226 = arith.constant 96 : index
        %get3A_227 = tpu.vector_load %arg10[%get3A_225, %get3A_226] {strides = array<i32>} : memref<40x512xf32, #tpu.memory_space<vmem>>, vector<16xf32>,
        %mul3A_228 = arith.mulf %gather3A, %get3A_227 : vector<16xf32>
        %get3A_229 = arith.index_cast %scan3A_71 : i32 to index
        %get3A_230 = arith.constant 224 : index
        %get3A_231 = tpu.vector_load %arg10[%get3A_229, %get3A_230] {strides = array<i32>} : memref<40x512xf32, #tpu.memory_space<vmem>>, vector<16xf32>,
        %mul3A_232 = arith.mulf %gather3A_82, %get3A_231 : vector<16xf32>
        %add3A_233 = arith.addf %mul3A_228, %mul3A_232 : vector<16xf32>
        %get3A_234 = arith.index_cast %scan3A_71 : i32 to index
        %get3A_235 = arith.constant 352 : index
        %get3A_236 = tpu.vector_load %arg10[%get3A_234, %get3A_235] {strides = array<i32>} : memref<40x512xf32, #tpu.memory_space<vmem>>, vector<16xf32>,
        %mul3A_237 = arith.mulf %gather3A_88, %get3A_236 : vector<16xf32>
        %add3A_238 = arith.addf %add3A_233, %mul3A_237 : vector<16xf32>
        %get3A_239 = arith.index_cast %scan3A_71 : i32 to index
        %get3A_240 = arith.constant 480 : index
        %get3A_241 = tpu.vector_load %arg10[%get3A_239, %get3A_240] {strides = array<i32>} : memref<40x512xf32, #tpu.memory_space<vmem>>, vector<16xf32>,
        %mul3A_242 = arith.mulf %gather3A_94, %get3A_241 : vector<16xf32>
        %add3A_243 = arith.addf %add3A_238, %mul3A_242 : vector<16xf32>
        %swap3A_244 = arith.index_cast %scan3A_71 : i32 to index
        %swap3A_245 = arith.constant 96 : index
        %swap3A_246 = tpu.vector_load %arg11[%swap3A_244, %swap3A_245] {strides = array<i32>} : memref<40x128xf32, #tpu.memory_space<vmem>>, vector<16xf32>,
        tpu.vector_store %arg11[%swap3A_244, %swap3A_245], %add3A_243 {strides = array<i32>} : memref<40x128xf32, #tpu.memory_space<vmem>>, vector<16xf32>,
        %get3A_247 = arith.index_cast %scan3A_71 : i32 to index
        %get3A_248 = arith.constant 112 : index
        %get3A_249 = tpu.vector_load %arg10[%get3A_247, %get3A_248] {strides = array<i32>} : memref<40x512xf32, #tpu.memory_space<vmem>>, vector<16xf32>,
        %mul3A_250 = arith.mulf %gather3A, %get3A_249 : vector<16xf32>
        %get3A_251 = arith.index_cast %scan3A_71 : i32 to index
        %get3A_252 = arith.constant 240 : index
        %get3A_253 = tpu.vector_load %arg10[%get3A_251, %get3A_252] {strides = array<i32>} : memref<40x512xf32, #tpu.memory_space<vmem>>, vector<16xf32>,
        %mul3A_254 = arith.mulf %gather3A_82, %get3A_253 : vector<16xf32>
        %add3A_255 = arith.addf %mul3A_250, %mul3A_254 : vector<16xf32>
        %get3A_256 = arith.index_cast %scan3A_71 : i32 to index
        %get3A_257 = arith.constant 368 : index
        %get3A_258 = tpu.vector_load %arg10[%get3A_256, %get3A_257] {strides = array<i32>} : memref<40x512xf32, #tpu.memory_space<vmem>>, vector<16xf32>,
        %mul3A_259 = arith.mulf %gather3A_88, %get3A_258 : vector<16xf32>
        %add3A_260 = arith.addf %add3A_255, %mul3A_259 : vector<16xf32>
        %get3A_261 = arith.index_cast %scan3A_71 : i32 to index
        %get3A_262 = arith.constant 496 : index
        %get3A_263 = tpu.vector_load %arg10[%get3A_261, %get3A_262] {strides = array<i32>} : memref<40x512xf32, #tpu.memory_space<vmem>>, vector<16xf32>,
        %mul3A_264 = arith.mulf %gather3A_94, %get3A_263 : vector<16xf32>
        %add3A_265 = arith.addf %add3A_260, %mul3A_264 : vector<16xf32>
        %swap3A_266 = arith.index_cast %scan3A_71 : i32 to index
        %swap3A_267 = arith.constant 112 : index
        %swap3A_268 = tpu.vector_load %arg11[%swap3A_266, %swap3A_267] {strides = array<i32>} : memref<40x128xf32, #tpu.memory_space<vmem>>, vector<16xf32>,
        tpu.vector_store %arg11[%swap3A_266, %swap3A_267], %add3A_265 {strides = array<i32>} : memref<40x128xf32, #tpu.memory_space<vmem>>, vector<16xf32>,
        %scan3A_269 = arith.constant 0 : i32
        scf.yield %scan3A_269 : i32
      }
      %scan3A_69 = arith.constant 40 : i32
      "tpu.region"() ({
        %run_scoped3A = tpu.sem_alloc : memref<!tpu.dma_semaphore, #tpu.memory_space<semaphore_mem>>
        %dma_start3A_71 = arith.constant 0 : i32
        %dma_start3A_72 = arith.constant 0 : i32
        %dma_start3A_73 = tpu.memref_slice %arg12[%dma_start3A_71, %dma_start3A_72] : memref<10000x128xf32, #tpu.memory_space<vmem_shared>> -> memref<10000x128xf32, #tpu.memory_space<vmem_shared>>
        tpu.enqueue_indirect_dma source(%arg11 : memref<40x128xf32, #tpu.memory_space<vmem>>) target(%dma_start3A_73 : memref<10000x128xf32, #tpu.memory_space<vmem_shared>>) offsets(%arg8 : memref<40xi32, #tpu.memory_space<vmem>>) semaphore(%run_scoped3A : memref<!tpu.dma_semaphore, #tpu.memory_space<semaphore_mem>>) {add = true}
        %dma_wait3A_74 = arith.constant 0 : i32
        %dma_wait3A_75 = arith.constant 0 : i32
        %dma_wait3A_76 = tpu.memref_slice %arg12[%dma_wait3A_74, %dma_wait3A_75] : memref<10000x128xf32, #tpu.memory_space<vmem_shared>> -> memref<10000x128xf32, #tpu.memory_space<vmem_shared>>
        tpu.wait_indirect_dma semaphore(%run_scoped3A : memref<!tpu.dma_semaphore, #tpu.memory_space<semaphore_mem>>) src(%arg11 : memref<40x128xf32, #tpu.memory_space<vmem>>) dst(%dma_wait3A_76 : memref<10000x128xf32, #tpu.memory_space<vmem_shared>>)
        tpu.yield
      }) : () -> ()
      %scan3A_70 = arith.constant 0 : i32
      scf.yield %scan3A_70 : i32
    }
    %scan3A_28 = arith.constant 250 : i32
    %barrier3A_29 = arith.constant 0 : index
    tpu.barrier barrier_id(%barrier3A_29)
    %scan3A_30 = arith.constant 0 : i32
    %scan3A_31 = arith.constant 0 : i32
    %scan3A_32 = arith.constant 15 : i32
    %scan3A_33 = arith.addi %scan3A_31, %scan3A_32 : i32
    %scan3A_34 = arith.constant 1 : i32
    %scan3A_35 = scf.for %scan3A_47 = %scan3A_31 to %scan3A_33 step %scan3A_34 iter_args(%scan3A_48 = %scan3A_30) -> (i32)  : i32 {
      %mul3A_49 = arith.constant 624 : i32
      %mul3A_50 = arith.muli %arg1, %mul3A_49 : i32
      %mul3A_51 = arith.constant 40 : i32
      %mul3A_52 = arith.muli %scan3A_47, %mul3A_51 : i32
      %add3A_53 = arith.addi %mul3A_50, %mul3A_52 : i32
      %multiple_of3A_54 = tpu.assume_multiple %add3A_53, 8 : i32
      "tpu.region"() ({
        %run_scoped3A = tpu.sem_alloc : memref<!tpu.dma_semaphore, #tpu.memory_space<semaphore_mem>>
        %dma_start3A = arith.constant 0 : i32
        %dma_start3A_56 = tpu.memref_slice %arg6[%arg0, %multiple_of3A_54, %dma_start3A] : memref<2x10000x128xf32, #tpu.memory_space<hbm>> -> memref<1x40x128xf32, #tpu.memory_space<hbm>>
        %dma_start3A_57 = tpu.memref_squeeze %dma_start3A_56 : memref<1x40x128xf32, #tpu.memory_space<hbm>> -> memref<40x128xf32, #tpu.memory_space<hbm>>
        %dma_start3A_58 = arith.constant 0 : i32
        %dma_start3A_59 = tpu.memref_slice %arg12[%multiple_of3A_54, %dma_start3A_58] : memref<10000x128xf32, #tpu.memory_space<vmem_shared>> -> memref<40x128xf32, #tpu.memory_space<vmem_shared>>
        tpu.enqueue_dma source(%dma_start3A_59 : memref<40x128xf32, #tpu.memory_space<vmem_shared>>) target(%dma_start3A_57 : memref<40x128xf32, #tpu.memory_space<hbm>>) target_semaphore(%run_scoped3A : memref<!tpu.dma_semaphore, #tpu.memory_space<semaphore_mem>>)
        %dma_wait3A = arith.constant 0 : i32
        %dma_wait3A_60 = tpu.memref_slice %arg6[%arg0, %multiple_of3A_54, %dma_wait3A] : memref<2x10000x128xf32, #tpu.memory_space<hbm>> -> memref<1x40x128xf32, #tpu.memory_space<hbm>>
        %dma_wait3A_61 = tpu.memref_squeeze %dma_wait3A_60 : memref<1x40x128xf32, #tpu.memory_space<hbm>> -> memref<40x128xf32, #tpu.memory_space<hbm>>
        %dma_wait3A_62 = arith.constant 0 : i32
        %dma_wait3A_63 = tpu.memref_slice %arg12[%multiple_of3A_54, %dma_wait3A_62] : memref<10000x128xf32, #tpu.memory_space<vmem_shared>> -> memref<40x128xf32, #tpu.memory_space<vmem_shared>>
        tpu.wait_dma2 semaphore(%run_scoped3A : memref<!tpu.dma_semaphore, #tpu.memory_space<semaphore_mem>>) src(%dma_wait3A_63 : memref<40x128xf32, #tpu.memory_space<vmem_shared>>) dst(%dma_wait3A_61 : memref<40x128xf32, #tpu.memory_space<hbm>>)
        tpu.yield
      }) : () -> ()
      %scan3A_55 = arith.constant 0 : i32
      scf.yield %scan3A_55 : i32
    }
    %scan3A_36 = arith.constant 15 : i32
    %mul3A_37 = arith.constant 624 : i32
    %mul3A_38 = arith.muli %arg1, %mul3A_37 : i32
    %add3A_39 = arith.constant 600 : i32
    %add3A_40 = arith.addi %mul3A_38, %add3A_39 : i32
    %multiple_of3A_41 = tpu.assume_multiple %add3A_40, 8 : i32
    "tpu.region"() ({
      %run_scoped3A = tpu.sem_alloc : memref<!tpu.dma_semaphore, #tpu.memory_space<semaphore_mem>>
      %dma_start3A = arith.constant 0 : i32
      %dma_start3A_47 = tpu.memref_slice %arg6[%arg0, %multiple_of3A_41, %dma_start3A] : memref<2x10000x128xf32, #tpu.memory_space<hbm>> -> memref<1x24x128xf32, #tpu.memory_space<hbm>>
      %dma_start3A_48 = tpu.memref_squeeze %dma_start3A_47 : memref<1x24x128xf32, #tpu.memory_space<hbm>> -> memref<24x128xf32, #tpu.memory_space<hbm>>
      %dma_start3A_49 = arith.constant 0 : i32
      %dma_start3A_50 = tpu.memref_slice %arg12[%multiple_of3A_41, %dma_start3A_49] : memref<10000x128xf32, #tpu.memory_space<vmem_shared>> -> memref<24x128xf32, #tpu.memory_space<vmem_shared>>
      tpu.enqueue_dma source(%dma_start3A_50 : memref<24x128xf32, #tpu.memory_space<vmem_shared>>) target(%dma_start3A_48 : memref<24x128xf32, #tpu.memory_space<hbm>>) target_semaphore(%run_scoped3A : memref<!tpu.dma_semaphore, #tpu.memory_space<semaphore_mem>>)
      %dma_wait3A = arith.constant 0 : i32
      %dma_wait3A_51 = tpu.memref_slice %arg6[%arg0, %multiple_of3A_41, %dma_wait3A] : memref<2x10000x128xf32, #tpu.memory_space<hbm>> -> memref<1x24x128xf32, #tpu.memory_space<hbm>>
      %dma_wait3A_52 = tpu.memref_squeeze %dma_wait3A_51 : memref<1x24x128xf32, #tpu.memory_space<hbm>> -> memref<24x128xf32, #tpu.memory_space<hbm>>
      %dma_wait3A_53 = arith.constant 0 : i32
      %dma_wait3A_54 = tpu.memref_slice %arg12[%multiple_of3A_41, %dma_wait3A_53] : memref<10000x128xf32, #tpu.memory_space<vmem_shared>> -> memref<24x128xf32, #tpu.memory_space<vmem_shared>>
      tpu.wait_dma2 semaphore(%run_scoped3A : memref<!tpu.dma_semaphore, #tpu.memory_space<semaphore_mem>>) src(%dma_wait3A_54 : memref<24x128xf32, #tpu.memory_space<vmem_shared>>) dst(%dma_wait3A_52 : memref<24x128xf32, #tpu.memory_space<hbm>>)
      tpu.yield
    }) : () -> ()
    %eq3A_42 = arith.constant 0 : i32
    %eq3A_43 = arith.cmpi eq, %arg1, %eq3A_42 : i32
    %convert_element_type3A_44 = arith.extui %eq3A_43 : i1 to i32
    %cond3A_45 = arith.constant 0 : i32
    %cond3A_46 = arith.cmpi ne, %convert_element_type3A_44, %cond3A_45 : i32
    scf.if %cond3A_46 {
      "tpu.region"() ({
        %run_scoped3A = tpu.sem_alloc : memref<!tpu.dma_semaphore, #tpu.memory_space<semaphore_mem>>
        %dma_start3A = arith.constant 9984 : i32
        %dma_start3A_47 = arith.constant 0 : i32
        %dma_start3A_48 = tpu.memref_slice %arg6[%arg0, %dma_start3A, %dma_start3A_47] : memref<2x10000x128xf32, #tpu.memory_space<hbm>> -> memref<1x16x128xf32, #tpu.memory_space<hbm>>
        %dma_start3A_49 = tpu.memref_squeeze %dma_start3A_48 : memref<1x16x128xf32, #tpu.memory_space<hbm>> -> memref<16x128xf32, #tpu.memory_space<hbm>>
        %dma_start3A_50 = arith.constant 9984 : i32
        %dma_start3A_51 = arith.constant 0 : i32
        %dma_start3A_52 = tpu.memref_slice %arg12[%dma_start3A_50, %dma_start3A_51] : memref<10000x128xf32, #tpu.memory_space<vmem_shared>> -> memref<16x128xf32, #tpu.memory_space<vmem_shared>>
        tpu.enqueue_dma source(%dma_start3A_52 : memref<16x128xf32, #tpu.memory_space<vmem_shared>>) target(%dma_start3A_49 : memref<16x128xf32, #tpu.memory_space<hbm>>) target_semaphore(%run_scoped3A : memref<!tpu.dma_semaphore, #tpu.memory_space<semaphore_mem>>)
        %dma_wait3A = arith.constant 9984 : i32
        %dma_wait3A_53 = arith.constant 0 : i32
        %dma_wait3A_54 = tpu.memref_slice %arg6[%arg0, %dma_wait3A, %dma_wait3A_53] : memref<2x10000x128xf32, #tpu.memory_space<hbm>> -> memref<1x16x128xf32, #tpu.memory_space<hbm>>
        %dma_wait3A_55 = tpu.memref_squeeze %dma_wait3A_54 : memref<1x16x128xf32, #tpu.memory_space<hbm>> -> memref<16x128xf32, #tpu.memory_space<hbm>>
        %dma_wait3A_56 = arith.constant 9984 : i32
        %dma_wait3A_57 = arith.constant 0 : i32
        %dma_wait3A_58 = tpu.memref_slice %arg12[%dma_wait3A_56, %dma_wait3A_57] : memref<10000x128xf32, #tpu.memory_space<vmem_shared>> -> memref<16x128xf32, #tpu.memory_space<vmem_shared>>
        tpu.wait_dma2 semaphore(%run_scoped3A : memref<!tpu.dma_semaphore, #tpu.memory_space<semaphore_mem>>) src(%dma_wait3A_58 : memref<16x128xf32, #tpu.memory_space<vmem_shared>>) dst(%dma_wait3A_55 : memref<16x128xf32, #tpu.memory_space<hbm>>)
        tpu.yield
      }) : () -> ()
    } else {
    }
    return
  }
}

module attributes {stable_mosaic.version = 14 : i64} {
  func.func @_mm_kernel(%arg0: i32, %arg1: memref<1000x128xf32, #tpu.memory_space<vmem>>, %arg2: memref<128x128xf32, #tpu.memory_space<vmem>>, %arg3: memref<1x128xf32, #tpu.memory_space<vmem>>, %arg4: memref<1000x128xf32, #tpu.memory_space<vmem>>) attributes {dimension_semantics = [#tpu.dimension_semantics<arbitrary>], iteration_bounds = array<i64: 10>, scalar_prefetch = 0 : i64, scratch_operands = 0 : i64, tpu.core_type = #tpu.core_type<tc>, window_params = [{transform_indices = @transform_0, window_bounds = array<i64: 1000, 128>}, {pipeline_mode = #tpu.pipeline_mode<synchronous>, transform_indices = @transform_1, window_bounds = array<i64: 128, 128>}, {pipeline_mode = #tpu.pipeline_mode<synchronous>, transform_indices = @transform_2, window_bounds = array<i64: 1, 128>}, {transform_indices = @transform_3, window_bounds = array<i64: 1000, 128>}]} {
    %get3A = arith.constant 0 : index
    %get3A_0 = arith.constant 0 : index
    %get3A_1 = vector.load %arg1[%get3A, %get3A_0] : memref<1000x128xf32, #tpu.memory_space<vmem>>, vector<1000x128xf32>
    %get3A_2 = arith.constant 0 : index
    %get3A_3 = arith.constant 0 : index
    %get3A_4 = vector.load %arg2[%get3A_2, %get3A_3] : memref<128x128xf32, #tpu.memory_space<vmem>>, vector<128x128xf32>
    %dot_general3A = arith.constant dense<0.000000e+00> : vector<1000x128xf32>
    %dot_general3A_5 = tpu.matmul %get3A_1, %get3A_4, %dot_general3A {dimension_numbers = #tpu.dot_dimension_numbers<[1], [0], [0], [1], [0, 0, 1, 1], [], []>, transpose_lhs_hint = false} : vector<1000x128xf32>, vector<128x128xf32>, vector<1000x128xf32> -> vector<1000x128xf32>
    %get3A_6 = arith.constant 0 : index
    %get3A_7 = arith.constant 0 : index
    %get3A_8 = vector.load %arg3[%get3A_6, %get3A_7] : memref<1x128xf32, #tpu.memory_space<vmem>>, vector<1x128xf32>
    %add3A = vector.broadcast %get3A_8 : vector<1x128xf32> to vector<1000x128xf32>
    %add3A_9 = arith.addf %dot_general3A_5, %add3A : vector<1000x128xf32>
    %max3A = arith.constant 0.000000e+00 : f32
    %max3A_10 = vector.broadcast %max3A : f32 to vector<1000x128xf32>
    %max3A_11 = arith.maximumf %add3A_9, %max3A_10 : vector<1000x128xf32>
    %swap3A = arith.constant 0 : index
    %swap3A_12 = arith.constant 0 : index
    %swap3A_13 = vector.load %arg4[%swap3A, %swap3A_12] : memref<1000x128xf32, #tpu.memory_space<vmem>>, vector<1000x128xf32>
    tpu.vector_store %arg4[%swap3A, %swap3A_12], %max3A_11 {strides = array<i32>} : memref<1000x128xf32, #tpu.memory_space<vmem>>, vector<1000x128xf32>,
    return
  }
  func.func @transform_0(%arg0: i32) -> (i32, i32) {
    %c0_i32 = arith.constant 0 : i32
    %c0_i32_0 = arith.constant 0 : i32
    return %arg0, %c0_i32 : i32, i32
  }
  func.func @transform_1(%arg0: i32) -> (i32, i32) {
    %c0_i32 = arith.constant 0 : i32
    %c0_i32_0 = arith.constant 0 : i32
    %c0_i32_1 = arith.constant 0 : i32
    return %c0_i32, %c0_i32_0 : i32, i32
  }
  func.func @transform_2(%arg0: i32) -> (i32, i32) {
    %c0_i32 = arith.constant 0 : i32
    %c0_i32_0 = arith.constant 0 : i32
    %c0_i32_1 = arith.constant 0 : i32
    return %c0_i32, %c0_i32_0 : i32, i32
  }
  func.func @transform_3(%arg0: i32) -> (i32, i32) {
    %c0_i32 = arith.constant 0 : i32
    %c0_i32_0 = arith.constant 0 : i32
    return %arg0, %c0_i32 : i32, i32
  }
}

module attributes {stable_mosaic.version = 14 : i64} {
  func.func @_mm_scale_kernel(%arg0: i32, %arg1: memref<1000x128xf32, #tpu.memory_space<vmem>>, %arg2: memref<128x128xf32, #tpu.memory_space<vmem>>, %arg3: memref<1000x1xf32, #tpu.memory_space<vmem>>, %arg4: memref<1000x128xf32, #tpu.memory_space<vmem>>) attributes {dimension_semantics = [#tpu.dimension_semantics<arbitrary>], iteration_bounds = array<i64: 10>, scalar_prefetch = 0 : i64, scratch_operands = 0 : i64, tpu.core_type = #tpu.core_type<tc>, window_params = [{transform_indices = @transform_0, window_bounds = array<i64: 1000, 128>}, {pipeline_mode = #tpu.pipeline_mode<synchronous>, transform_indices = @transform_1, window_bounds = array<i64: 128, 128>}, {transform_indices = @transform_2, window_bounds = array<i64: 1000, 1>}, {transform_indices = @transform_3, window_bounds = array<i64: 1000, 128>}]} {
    %get3A = arith.constant 0 : index
    %get3A_0 = arith.constant 0 : index
    %get3A_1 = vector.load %arg1[%get3A, %get3A_0] : memref<1000x128xf32, #tpu.memory_space<vmem>>, vector<1000x128xf32>
    %get3A_2 = arith.constant 0 : index
    %get3A_3 = arith.constant 0 : index
    %get3A_4 = vector.load %arg2[%get3A_2, %get3A_3] : memref<128x128xf32, #tpu.memory_space<vmem>>, vector<128x128xf32>
    %dot_general3A = arith.constant dense<0.000000e+00> : vector<1000x128xf32>
    %dot_general3A_5 = tpu.matmul %get3A_1, %get3A_4, %dot_general3A {dimension_numbers = #tpu.dot_dimension_numbers<[1], [0], [0], [1], [0, 0, 1, 1], [], []>, transpose_lhs_hint = false} : vector<1000x128xf32>, vector<128x128xf32>, vector<1000x128xf32> -> vector<1000x128xf32>
    %get3A_6 = arith.constant 0 : index
    %get3A_7 = arith.constant 0 : index
    %get3A_8 = vector.load %arg3[%get3A_6, %get3A_7] : memref<1000x1xf32, #tpu.memory_space<vmem>>, vector<1000x1xf32>
    %mul3A = vector.broadcast %get3A_8 : vector<1000x1xf32> to vector<1000x128xf32>
    %mul3A_9 = arith.mulf %dot_general3A_5, %mul3A : vector<1000x128xf32>
    %swap3A = arith.constant 0 : index
    %swap3A_10 = arith.constant 0 : index
    %swap3A_11 = vector.load %arg4[%swap3A, %swap3A_10] : memref<1000x128xf32, #tpu.memory_space<vmem>>, vector<1000x128xf32>
    tpu.vector_store %arg4[%swap3A, %swap3A_10], %mul3A_9 {strides = array<i32>} : memref<1000x128xf32, #tpu.memory_space<vmem>>, vector<1000x128xf32>,
    return
  }
  func.func @transform_0(%arg0: i32) -> (i32, i32) {
    %c0_i32 = arith.constant 0 : i32
    %c0_i32_0 = arith.constant 0 : i32
    return %arg0, %c0_i32 : i32, i32
  }
  func.func @transform_1(%arg0: i32) -> (i32, i32) {
    %c0_i32 = arith.constant 0 : i32
    %c0_i32_0 = arith.constant 0 : i32
    %c0_i32_1 = arith.constant 0 : i32
    return %c0_i32, %c0_i32_0 : i32, i32
  }
  func.func @transform_2(%arg0: i32) -> (i32, i32) {
    %c0_i32 = arith.constant 0 : i32
    %c0_i32_0 = arith.constant 0 : i32
    return %arg0, %c0_i32 : i32, i32
  }
  func.func @transform_3(%arg0: i32) -> (i32, i32) {
    %c0_i32 = arith.constant 0 : i32
    %c0_i32_0 = arith.constant 0 : i32
    return %arg0, %c0_i32 : i32, i32
  }
}

module attributes {stable_mosaic.version = 14 : i64} {
  func.func @_gcn_post_kernel(%arg0: i32, %arg1: memref<1x1000x128xf32, #tpu.memory_space<vmem>>, %arg2: memref<1x1000x128xf32, #tpu.memory_space<vmem>>, %arg3: memref<1000x128xf32, #tpu.memory_space<vmem>>, %arg4: memref<1000x1xf32, #tpu.memory_space<vmem>>, %arg5: memref<1x128xf32, #tpu.memory_space<vmem>>, %arg6: memref<1000x128xf32, #tpu.memory_space<vmem>>, %arg7: memref<1000x128xf32, #tpu.memory_space<vmem>>) attributes {dimension_semantics = [#tpu.dimension_semantics<arbitrary>], iteration_bounds = array<i64: 10>, scalar_prefetch = 0 : i64, scratch_operands = 0 : i64, tpu.core_type = #tpu.core_type<tc>, window_params = [{transform_indices = @transform_0, window_bounds = array<i64: 1, 1000, 128>}, {transform_indices = @transform_1, window_bounds = array<i64: 1, 1000, 128>}, {transform_indices = @transform_2, window_bounds = array<i64: 1000, 128>}, {transform_indices = @transform_3, window_bounds = array<i64: 1000, 1>}, {pipeline_mode = #tpu.pipeline_mode<synchronous>, transform_indices = @transform_4, window_bounds = array<i64: 1, 128>}, {transform_indices = @transform_5, window_bounds = array<i64: 1000, 128>}, {transform_indices = @transform_6, window_bounds = array<i64: 1000, 128>}]} {
    %get3A = arith.constant 0 : index
    %get3A_0 = arith.constant 0 : index
    %get3A_1 = arith.constant 0 : index
    %get3A_2 = vector.load %arg1[%get3A, %get3A_0, %get3A_1] : memref<1x1000x128xf32, #tpu.memory_space<vmem>>, vector<1x1000x128xf32>
    %get3A_3 = vector.shape_cast %get3A_2 : vector<1x1000x128xf32> to vector<1000x128xf32>
    %get3A_4 = arith.constant 0 : index
    %get3A_5 = arith.constant 0 : index
    %get3A_6 = arith.constant 0 : index
    %get3A_7 = vector.load %arg2[%get3A_4, %get3A_5, %get3A_6] : memref<1x1000x128xf32, #tpu.memory_space<vmem>>, vector<1x1000x128xf32>
    %get3A_8 = vector.shape_cast %get3A_7 : vector<1x1000x128xf32> to vector<1000x128xf32>
    %add3A = arith.addf %get3A_3, %get3A_8 : vector<1000x128xf32>
    %get3A_9 = arith.constant 0 : index
    %get3A_10 = arith.constant 0 : index
    %get3A_11 = vector.load %arg3[%get3A_9, %get3A_10] : memref<1000x128xf32, #tpu.memory_space<vmem>>, vector<1000x128xf32>
    %add3A_12 = arith.addf %add3A, %get3A_11 : vector<1000x128xf32>
    %get3A_13 = arith.constant 0 : index
    %get3A_14 = arith.constant 0 : index
    %get3A_15 = vector.load %arg4[%get3A_13, %get3A_14] : memref<1000x1xf32, #tpu.memory_space<vmem>>, vector<1000x1xf32>
    %mul3A = vector.broadcast %get3A_15 : vector<1000x1xf32> to vector<1000x128xf32>
    %mul3A_16 = arith.mulf %add3A_12, %mul3A : vector<1000x128xf32>
    %get3A_17 = arith.constant 0 : index
    %get3A_18 = arith.constant 0 : index
    %get3A_19 = vector.load %arg5[%get3A_17, %get3A_18] : memref<1x128xf32, #tpu.memory_space<vmem>>, vector<1x128xf32>
    %add3A_20 = vector.broadcast %get3A_19 : vector<1x128xf32> to vector<1000x128xf32>
    %add3A_21 = arith.addf %mul3A_16, %add3A_20 : vector<1000x128xf32>
    %max3A = arith.constant 0.000000e+00 : f32
    %max3A_22 = vector.broadcast %max3A : f32 to vector<1000x128xf32>
    %max3A_23 = arith.maximumf %add3A_21, %max3A_22 : vector<1000x128xf32>
    %get3A_24 = arith.constant 0 : index
    %get3A_25 = arith.constant 0 : index
    %get3A_26 = vector.load %arg6[%get3A_24, %get3A_25] : memref<1000x128xf32, #tpu.memory_space<vmem>>, vector<1000x128xf32>
    %add3A_27 = arith.addf %max3A_23, %get3A_26 : vector<1000x128xf32>
    %swap3A = arith.constant 0 : index
    %swap3A_28 = arith.constant 0 : index
    %swap3A_29 = vector.load %arg7[%swap3A, %swap3A_28] : memref<1000x128xf32, #tpu.memory_space<vmem>>, vector<1000x128xf32>
    tpu.vector_store %arg7[%swap3A, %swap3A_28], %add3A_27 {strides = array<i32>} : memref<1000x128xf32, #tpu.memory_space<vmem>>, vector<1000x128xf32>,
    return
  }
  func.func @transform_0(%arg0: i32) -> (i32, i32, i32) {
    %c0_i32 = arith.constant 0 : i32
    %c0_i32_0 = arith.constant 0 : i32
    %c0_i32_1 = arith.constant 0 : i32
    return %c0_i32, %arg0, %c0_i32_0 : i32, i32, i32
  }
  func.func @transform_1(%arg0: i32) -> (i32, i32, i32) {
    %c1_i32 = arith.constant 1 : i32
    %c0_i32 = arith.constant 0 : i32
    %c0_i32_0 = arith.constant 0 : i32
    return %c1_i32, %arg0, %c0_i32 : i32, i32, i32
  }
  func.func @transform_2(%arg0: i32) -> (i32, i32) {
    %c0_i32 = arith.constant 0 : i32
    %c0_i32_0 = arith.constant 0 : i32
    return %arg0, %c0_i32 : i32, i32
  }
  func.func @transform_3(%arg0: i32) -> (i32, i32) {
    %c0_i32 = arith.constant 0 : i32
    %c0_i32_0 = arith.constant 0 : i32
    return %arg0, %c0_i32 : i32, i32
  }
  func.func @transform_4(%arg0: i32) -> (i32, i32) {
    %c0_i32 = arith.constant 0 : i32
    %c0_i32_0 = arith.constant 0 : i32
    %c0_i32_1 = arith.constant 0 : i32
    return %c0_i32, %c0_i32_0 : i32, i32
  }
  func.func @transform_5(%arg0: i32) -> (i32, i32) {
    %c0_i32 = arith.constant 0 : i32
    %c0_i32_0 = arith.constant 0 : i32
    return %arg0, %c0_i32 : i32, i32
  }
  func.func @transform_6(%arg0: i32) -> (i32, i32) {
    %c0_i32 = arith.constant 0 : i32
    %c0_i32_0 = arith.constant 0 : i32
    return %arg0, %c0_i32 : i32, i32
  }
}

module attributes {stable_mosaic.version = 14 : i64} {
  func.func @_gcn_post_kernel(%arg0: i32, %arg1: memref<1x1000x128xf32, #tpu.memory_space<vmem>>, %arg2: memref<1x1000x128xf32, #tpu.memory_space<vmem>>, %arg3: memref<1000x128xf32, #tpu.memory_space<vmem>>, %arg4: memref<1000x1xf32, #tpu.memory_space<vmem>>, %arg5: memref<1x128xf32, #tpu.memory_space<vmem>>, %arg6: memref<1000x128xf32, #tpu.memory_space<vmem>>, %arg7: memref<1000x128xf32, #tpu.memory_space<vmem>>) attributes {dimension_semantics = [#tpu.dimension_semantics<arbitrary>], iteration_bounds = array<i64: 10>, scalar_prefetch = 0 : i64, scratch_operands = 0 : i64, tpu.core_type = #tpu.core_type<tc>, window_params = [{transform_indices = @transform_0, window_bounds = array<i64: 1, 1000, 128>}, {transform_indices = @transform_1, window_bounds = array<i64: 1, 1000, 128>}, {transform_indices = @transform_2, window_bounds = array<i64: 1000, 128>}, {transform_indices = @transform_3, window_bounds = array<i64: 1000, 1>}, {pipeline_mode = #tpu.pipeline_mode<synchronous>, transform_indices = @transform_4, window_bounds = array<i64: 1, 128>}, {transform_indices = @transform_5, window_bounds = array<i64: 1000, 128>}, {transform_indices = @transform_6, window_bounds = array<i64: 1000, 128>}]} {
    %get3A = arith.constant 0 : index
    %get3A_0 = arith.constant 0 : index
    %get3A_1 = arith.constant 0 : index
    %get3A_2 = vector.load %arg1[%get3A, %get3A_0, %get3A_1] : memref<1x1000x128xf32, #tpu.memory_space<vmem>>, vector<1x1000x128xf32>
    %get3A_3 = vector.shape_cast %get3A_2 : vector<1x1000x128xf32> to vector<1000x128xf32>
    %get3A_4 = arith.constant 0 : index
    %get3A_5 = arith.constant 0 : index
    %get3A_6 = arith.constant 0 : index
    %get3A_7 = vector.load %arg2[%get3A_4, %get3A_5, %get3A_6] : memref<1x1000x128xf32, #tpu.memory_space<vmem>>, vector<1x1000x128xf32>
    %get3A_8 = vector.shape_cast %get3A_7 : vector<1x1000x128xf32> to vector<1000x128xf32>
    %add3A = arith.addf %get3A_3, %get3A_8 : vector<1000x128xf32>
    %get3A_9 = arith.constant 0 : index
    %get3A_10 = arith.constant 0 : index
    %get3A_11 = vector.load %arg3[%get3A_9, %get3A_10] : memref<1000x128xf32, #tpu.memory_space<vmem>>, vector<1000x128xf32>
    %add3A_12 = arith.addf %add3A, %get3A_11 : vector<1000x128xf32>
    %get3A_13 = arith.constant 0 : index
    %get3A_14 = arith.constant 0 : index
    %get3A_15 = vector.load %arg4[%get3A_13, %get3A_14] : memref<1000x1xf32, #tpu.memory_space<vmem>>, vector<1000x1xf32>
    %mul3A = vector.broadcast %get3A_15 : vector<1000x1xf32> to vector<1000x128xf32>
    %mul3A_16 = arith.mulf %add3A_12, %mul3A : vector<1000x128xf32>
    %get3A_17 = arith.constant 0 : index
    %get3A_18 = arith.constant 0 : index
    %get3A_19 = vector.load %arg5[%get3A_17, %get3A_18] : memref<1x128xf32, #tpu.memory_space<vmem>>, vector<1x128xf32>
    %add3A_20 = vector.broadcast %get3A_19 : vector<1x128xf32> to vector<1000x128xf32>
    %add3A_21 = arith.addf %mul3A_16, %add3A_20 : vector<1000x128xf32>
    %swap3A = arith.constant 0 : index
    %swap3A_22 = arith.constant 0 : index
    %swap3A_23 = vector.load %arg7[%swap3A, %swap3A_22] : memref<1000x128xf32, #tpu.memory_space<vmem>>, vector<1000x128xf32>
    tpu.vector_store %arg7[%swap3A, %swap3A_22], %add3A_21 {strides = array<i32>} : memref<1000x128xf32, #tpu.memory_space<vmem>>, vector<1000x128xf32>,
    return
  }
  func.func @transform_0(%arg0: i32) -> (i32, i32, i32) {
    %c0_i32 = arith.constant 0 : i32
    %c0_i32_0 = arith.constant 0 : i32
    %c0_i32_1 = arith.constant 0 : i32
    return %c0_i32, %arg0, %c0_i32_0 : i32, i32, i32
  }
  func.func @transform_1(%arg0: i32) -> (i32, i32, i32) {
    %c1_i32 = arith.constant 1 : i32
    %c0_i32 = arith.constant 0 : i32
    %c0_i32_0 = arith.constant 0 : i32
    return %c1_i32, %arg0, %c0_i32 : i32, i32, i32
  }
  func.func @transform_2(%arg0: i32) -> (i32, i32) {
    %c0_i32 = arith.constant 0 : i32
    %c0_i32_0 = arith.constant 0 : i32
    return %arg0, %c0_i32 : i32, i32
  }
  func.func @transform_3(%arg0: i32) -> (i32, i32) {
    %c0_i32 = arith.constant 0 : i32
    %c0_i32_0 = arith.constant 0 : i32
    return %arg0, %c0_i32 : i32, i32
  }
  func.func @transform_4(%arg0: i32) -> (i32, i32) {
    %c0_i32 = arith.constant 0 : i32
    %c0_i32_0 = arith.constant 0 : i32
    %c0_i32_1 = arith.constant 0 : i32
    return %c0_i32, %c0_i32_0 : i32, i32
  }
  func.func @transform_5(%arg0: i32) -> (i32, i32) {
    %c0_i32 = arith.constant 0 : i32
    %c0_i32_0 = arith.constant 0 : i32
    return %arg0, %c0_i32 : i32, i32
  }
  func.func @transform_6(%arg0: i32) -> (i32, i32) {
    %c0_i32 = arith.constant 0 : i32
    %c0_i32_0 = arith.constant 0 : i32
    return %arg0, %c0_i32 : i32, i32
  }
}

module attributes {stable_mosaic.version = 14 : i64} {
  func.func @_gat_dense_kernel(%arg0: i32, %arg1: memref<1000x128xf32, #tpu.memory_space<vmem>>, %arg2: memref<128x512xf32, #tpu.memory_space<vmem>>, %arg3: memref<512x4xf32, #tpu.memory_space<vmem>>, %arg4: memref<512x4xf32, #tpu.memory_space<vmem>>, %arg5: memref<1000x512xf32, #tpu.memory_space<vmem>>, %arg6: memref<1000x4xf32, #tpu.memory_space<vmem>>, %arg7: memref<1000x4xf32, #tpu.memory_space<vmem>>) attributes {dimension_semantics = [#tpu.dimension_semantics<arbitrary>], iteration_bounds = array<i64: 10>, scalar_prefetch = 0 : i64, scratch_operands = 0 : i64, tpu.core_type = #tpu.core_type<tc>, window_params = [{transform_indices = @transform_0, window_bounds = array<i64: 1000, 128>}, {pipeline_mode = #tpu.pipeline_mode<synchronous>, transform_indices = @transform_1, window_bounds = array<i64: 128, 512>}, {pipeline_mode = #tpu.pipeline_mode<synchronous>, transform_indices = @transform_2, window_bounds = array<i64: 512, 4>}, {pipeline_mode = #tpu.pipeline_mode<synchronous>, transform_indices = @transform_3, window_bounds = array<i64: 512, 4>}, {transform_indices = @transform_4, window_bounds = array<i64: 1000, 512>}, {transform_indices = @transform_5, window_bounds = array<i64: 1000, 4>}, {transform_indices = @transform_6, window_bounds = array<i64: 1000, 4>}]} {
    %get3A = arith.constant 0 : index
    %get3A_0 = arith.constant 0 : index
    %get3A_1 = vector.load %arg1[%get3A, %get3A_0] : memref<1000x128xf32, #tpu.memory_space<vmem>>, vector<1000x128xf32>
    %get3A_2 = arith.constant 0 : index
    %get3A_3 = arith.constant 0 : index
    %get3A_4 = vector.load %arg2[%get3A_2, %get3A_3] : memref<128x512xf32, #tpu.memory_space<vmem>>, vector<128x512xf32>
    %dot_general3A = arith.constant dense<0.000000e+00> : vector<1000x512xf32>
    %dot_general3A_5 = tpu.matmul %get3A_1, %get3A_4, %dot_general3A {dimension_numbers = #tpu.dot_dimension_numbers<[1], [0], [0], [1], [0, 0, 1, 1], [], []>, transpose_lhs_hint = false} : vector<1000x128xf32>, vector<128x512xf32>, vector<1000x512xf32> -> vector<1000x512xf32>
    %swap3A = arith.constant 0 : index
    %swap3A_6 = arith.constant 0 : index
    %swap3A_7 = vector.load %arg5[%swap3A, %swap3A_6] : memref<1000x512xf32, #tpu.memory_space<vmem>>, vector<1000x512xf32>
    tpu.vector_store %arg5[%swap3A, %swap3A_6], %dot_general3A_5 {strides = array<i32>} : memref<1000x512xf32, #tpu.memory_space<vmem>>, vector<1000x512xf32>,
    %get3A_8 = arith.constant 0 : index
    %get3A_9 = arith.constant 0 : index
    %get3A_10 = vector.load %arg3[%get3A_8, %get3A_9] : memref<512x4xf32, #tpu.memory_space<vmem>>, vector<512x4xf32>
    %dot_general3A_11 = arith.constant dense<0.000000e+00> : vector<1000x4xf32>
    %dot_general3A_12 = tpu.matmul %dot_general3A_5, %get3A_10, %dot_general3A_11 {dimension_numbers = #tpu.dot_dimension_numbers<[1], [0], [0], [1], [0, 0, 1, 1], [], []>, transpose_lhs_hint = false} : vector<1000x512xf32>, vector<512x4xf32>, vector<1000x4xf32> -> vector<1000x4xf32>
    %swap3A_13 = arith.constant 0 : index
    %swap3A_14 = arith.constant 0 : index
    %swap3A_15 = vector.load %arg6[%swap3A_13, %swap3A_14] : memref<1000x4xf32, #tpu.memory_space<vmem>>, vector<1000x4xf32>
    tpu.vector_store %arg6[%swap3A_13, %swap3A_14], %dot_general3A_12 {strides = array<i32>} : memref<1000x4xf32, #tpu.memory_space<vmem>>, vector<1000x4xf32>,
    %get3A_16 = arith.constant 0 : index
    %get3A_17 = arith.constant 0 : index
    %get3A_18 = vector.load %arg4[%get3A_16, %get3A_17] : memref<512x4xf32, #tpu.memory_space<vmem>>, vector<512x4xf32>
    %dot_general3A_19 = arith.constant dense<0.000000e+00> : vector<1000x4xf32>
    %dot_general3A_20 = tpu.matmul %dot_general3A_5, %get3A_18, %dot_general3A_19 {dimension_numbers = #tpu.dot_dimension_numbers<[1], [0], [0], [1], [0, 0, 1, 1], [], []>, transpose_lhs_hint = false} : vector<1000x512xf32>, vector<512x4xf32>, vector<1000x4xf32> -> vector<1000x4xf32>
    %swap3A_21 = arith.constant 0 : index
    %swap3A_22 = arith.constant 0 : index
    %swap3A_23 = vector.load %arg7[%swap3A_21, %swap3A_22] : memref<1000x4xf32, #tpu.memory_space<vmem>>, vector<1000x4xf32>
    tpu.vector_store %arg7[%swap3A_21, %swap3A_22], %dot_general3A_20 {strides = array<i32>} : memref<1000x4xf32, #tpu.memory_space<vmem>>, vector<1000x4xf32>,
    return
  }
  func.func @transform_0(%arg0: i32) -> (i32, i32) {
    %c0_i32 = arith.constant 0 : i32
    %c0_i32_0 = arith.constant 0 : i32
    return %arg0, %c0_i32 : i32, i32
  }
  func.func @transform_1(%arg0: i32) -> (i32, i32) {
    %c0_i32 = arith.constant 0 : i32
    %c0_i32_0 = arith.constant 0 : i32
    %c0_i32_1 = arith.constant 0 : i32
    return %c0_i32, %c0_i32_0 : i32, i32
  }
  func.func @transform_2(%arg0: i32) -> (i32, i32) {
    %c0_i32 = arith.constant 0 : i32
    %c0_i32_0 = arith.constant 0 : i32
    %c0_i32_1 = arith.constant 0 : i32
    return %c0_i32, %c0_i32_0 : i32, i32
  }
  func.func @transform_3(%arg0: i32) -> (i32, i32) {
    %c0_i32 = arith.constant 0 : i32
    %c0_i32_0 = arith.constant 0 : i32
    %c0_i32_1 = arith.constant 0 : i32
    return %c0_i32, %c0_i32_0 : i32, i32
  }
  func.func @transform_4(%arg0: i32) -> (i32, i32) {
    %c0_i32 = arith.constant 0 : i32
    %c0_i32_0 = arith.constant 0 : i32
    return %arg0, %c0_i32 : i32, i32
  }
  func.func @transform_5(%arg0: i32) -> (i32, i32) {
    %c0_i32 = arith.constant 0 : i32
    %c0_i32_0 = arith.constant 0 : i32
    return %arg0, %c0_i32 : i32, i32
  }
  func.func @transform_6(%arg0: i32) -> (i32, i32) {
    %c0_i32 = arith.constant 0 : i32
    %c0_i32_0 = arith.constant 0 : i32
    return %arg0, %c0_i32 : i32, i32
  }
}

module attributes {stable_mosaic.version = 14 : i64} {
  func.func @_gat_mid_kernel(%arg0: i32, %arg1: memref<1x1000x128xf32, #tpu.memory_space<vmem>>, %arg2: memref<1x1000x128xf32, #tpu.memory_space<vmem>>, %arg3: memref<1000x4xf32, #tpu.memory_space<vmem>>, %arg4: memref<1000x4xf32, #tpu.memory_space<vmem>>, %arg5: memref<1x4xf32, #tpu.memory_space<vmem>>, %arg6: memref<1000x512xf32, #tpu.memory_space<vmem>>, %arg7: memref<1000x4xf32, #tpu.memory_space<vmem>>, %arg8: memref<1000x128xf32, #tpu.memory_space<vmem>>) attributes {dimension_semantics = [#tpu.dimension_semantics<arbitrary>], iteration_bounds = array<i64: 10>, scalar_prefetch = 0 : i64, scratch_operands = 0 : i64, tpu.core_type = #tpu.core_type<tc>, window_params = [{transform_indices = @transform_0, window_bounds = array<i64: 1, 1000, 128>}, {transform_indices = @transform_1, window_bounds = array<i64: 1, 1000, 128>}, {transform_indices = @transform_2, window_bounds = array<i64: 1000, 4>}, {transform_indices = @transform_3, window_bounds = array<i64: 1000, 4>}, {pipeline_mode = #tpu.pipeline_mode<synchronous>, transform_indices = @transform_4, window_bounds = array<i64: 1, 4>}, {transform_indices = @transform_5, window_bounds = array<i64: 1000, 512>}, {transform_indices = @transform_6, window_bounds = array<i64: 1000, 4>}, {transform_indices = @transform_7, window_bounds = array<i64: 1000, 128>}]} {
    %get3A = arith.constant 0 : index
    %get3A_0 = arith.constant 0 : index
    %get3A_1 = vector.load %arg3[%get3A, %get3A_0] : memref<1000x4xf32, #tpu.memory_space<vmem>>, vector<1000x4xf32>
    %get3A_2 = arith.constant 0 : index
    %get3A_3 = arith.constant 0 : index
    %get3A_4 = vector.load %arg4[%get3A_2, %get3A_3] : memref<1000x4xf32, #tpu.memory_space<vmem>>, vector<1000x4xf32>
    %add3A = arith.addf %get3A_1, %get3A_4 : vector<1000x4xf32>
    %mul3A = arith.constant 2.000000e-01 : f32
    %mul3A_5 = vector.broadcast %mul3A : f32 to vector<1000x4xf32>
    %mul3A_6 = arith.mulf %mul3A_5, %add3A : vector<1000x4xf32>
    %max3A = arith.maximumf %add3A, %mul3A_6 : vector<1000x4xf32>
    %get3A_7 = arith.constant 0 : index
    %get3A_8 = arith.constant 0 : index
    %get3A_9 = vector.load %arg5[%get3A_7, %get3A_8] : memref<1x4xf32, #tpu.memory_space<vmem>>, vector<1x4xf32>
    %sub3A = vector.broadcast %get3A_9 : vector<1x4xf32> to vector<1000x4xf32>
    %sub3A_10 = arith.subf %max3A, %sub3A : vector<1000x4xf32>
    %exp3A = math.exp %sub3A_10 : vector<1000x4xf32>
    %get3A_11 = arith.constant 0 : index
    %get3A_12 = arith.constant 0 : index
    %get3A_13 = arith.constant 0 : index
    %get3A_14 = vector.load %arg1[%get3A_11, %get3A_12, %get3A_13] : memref<1x1000x128xf32, #tpu.memory_space<vmem>>, vector<1x1000x128xf32>
    %get3A_15 = vector.shape_cast %get3A_14 : vector<1x1000x128xf32> to vector<1000x128xf32>
    %slice3A = vector.extract_strided_slice %get3A_15 {offsets = [0, 0], sizes = [1000, 4], strides = [1, 1]} : vector<1000x128xf32> to vector<1000x4xf32>
    %get3A_16 = arith.constant 0 : index
    %get3A_17 = arith.constant 0 : index
    %get3A_18 = arith.constant 0 : index
    %get3A_19 = vector.load %arg2[%get3A_16, %get3A_17, %get3A_18] : memref<1x1000x128xf32, #tpu.memory_space<vmem>>, vector<1x1000x128xf32>
    %get3A_20 = vector.shape_cast %get3A_19 : vector<1x1000x128xf32> to vector<1000x128xf32>
    %slice3A_21 = vector.extract_strided_slice %get3A_20 {offsets = [0, 0], sizes = [1000, 4], strides = [1, 1]} : vector<1000x128xf32> to vector<1000x4xf32>
    %add3A_22 = arith.addf %slice3A, %slice3A_21 : vector<1000x4xf32>
    %add3A_23 = arith.addf %add3A_22, %exp3A : vector<1000x4xf32>
    %div3A = arith.constant 1.000000e+00 : f32
    %div3A_24 = vector.broadcast %div3A : f32 to vector<1000x4xf32>
    %div3A_25 = arith.divf %div3A_24, %add3A_23 : vector<1000x4xf32>
    %swap3A = arith.constant 0 : index
    %swap3A_26 = arith.constant 0 : index
    %swap3A_27 = vector.load %arg7[%swap3A, %swap3A_26] : memref<1000x4xf32, #tpu.memory_space<vmem>>, vector<1000x4xf32>
    tpu.vector_store %arg7[%swap3A, %swap3A_26], %div3A_25 {strides = array<i32>} : memref<1000x4xf32, #tpu.memory_space<vmem>>, vector<1000x4xf32>,
    %mul3A_28 = arith.mulf %exp3A, %div3A_25 : vector<1000x4xf32>
    %get3A_29 = arith.constant 0 : index
    %get3A_30 = arith.constant 0 : index
    %get3A_31 = vector.load %arg6[%get3A_29, %get3A_30] : memref<1000x512xf32, #tpu.memory_space<vmem>>, vector<1000x512xf32>
    %slice3A_32 = vector.extract_strided_slice %mul3A_28 {offsets = [0, 0], sizes = [1000, 1], strides = [1, 1]} : vector<1000x4xf32> to vector<1000x1xf32>
    %slice3A_33 = vector.extract_strided_slice %get3A_31 {offsets = [0, 0], sizes = [1000, 128], strides = [1, 1]} : vector<1000x512xf32> to vector<1000x128xf32>
    %mul3A_34 = vector.broadcast %slice3A_32 : vector<1000x1xf32> to vector<1000x128xf32>
    %mul3A_35 = arith.mulf %mul3A_34, %slice3A_33 : vector<1000x128xf32>
    %slice3A_36 = vector.extract_strided_slice %mul3A_28 {offsets = [0, 1], sizes = [1000, 1], strides = [1, 1]} : vector<1000x4xf32> to vector<1000x1xf32>
    %slice3A_37 = vector.extract_strided_slice %get3A_31 {offsets = [0, 128], sizes = [1000, 128], strides = [1, 1]} : vector<1000x512xf32> to vector<1000x128xf32>
    %mul3A_38 = vector.broadcast %slice3A_36 : vector<1000x1xf32> to vector<1000x128xf32>
    %mul3A_39 = arith.mulf %mul3A_38, %slice3A_37 : vector<1000x128xf32>
    %add3A_40 = arith.addf %mul3A_35, %mul3A_39 : vector<1000x128xf32>
    %slice3A_41 = vector.extract_strided_slice %mul3A_28 {offsets = [0, 2], sizes = [1000, 1], strides = [1, 1]} : vector<1000x4xf32> to vector<1000x1xf32>
    %slice3A_42 = vector.extract_strided_slice %get3A_31 {offsets = [0, 256], sizes = [1000, 128], strides = [1, 1]} : vector<1000x512xf32> to vector<1000x128xf32>
    %mul3A_43 = vector.broadcast %slice3A_41 : vector<1000x1xf32> to vector<1000x128xf32>
    %mul3A_44 = arith.mulf %mul3A_43, %slice3A_42 : vector<1000x128xf32>
    %add3A_45 = arith.addf %add3A_40, %mul3A_44 : vector<1000x128xf32>
    %slice3A_46 = vector.extract_strided_slice %mul3A_28 {offsets = [0, 3], sizes = [1000, 1], strides = [1, 1]} : vector<1000x4xf32> to vector<1000x1xf32>
    %slice3A_47 = vector.extract_strided_slice %get3A_31 {offsets = [0, 384], sizes = [1000, 128], strides = [1, 1]} : vector<1000x512xf32> to vector<1000x128xf32>
    %mul3A_48 = vector.broadcast %slice3A_46 : vector<1000x1xf32> to vector<1000x128xf32>
    %mul3A_49 = arith.mulf %mul3A_48, %slice3A_47 : vector<1000x128xf32>
    %add3A_50 = arith.addf %add3A_45, %mul3A_49 : vector<1000x128xf32>
    %swap3A_51 = arith.constant 0 : index
    %swap3A_52 = arith.constant 0 : index
    %swap3A_53 = vector.load %arg8[%swap3A_51, %swap3A_52] : memref<1000x128xf32, #tpu.memory_space<vmem>>, vector<1000x128xf32>
    tpu.vector_store %arg8[%swap3A_51, %swap3A_52], %add3A_50 {strides = array<i32>} : memref<1000x128xf32, #tpu.memory_space<vmem>>, vector<1000x128xf32>,
    return
  }
  func.func @transform_0(%arg0: i32) -> (i32, i32, i32) {
    %c0_i32 = arith.constant 0 : i32
    %c0_i32_0 = arith.constant 0 : i32
    %c0_i32_1 = arith.constant 0 : i32
    return %c0_i32, %arg0, %c0_i32_0 : i32, i32, i32
  }
  func.func @transform_1(%arg0: i32) -> (i32, i32, i32) {
    %c1_i32 = arith.constant 1 : i32
    %c0_i32 = arith.constant 0 : i32
    %c0_i32_0 = arith.constant 0 : i32
    return %c1_i32, %arg0, %c0_i32 : i32, i32, i32
  }
  func.func @transform_2(%arg0: i32) -> (i32, i32) {
    %c0_i32 = arith.constant 0 : i32
    %c0_i32_0 = arith.constant 0 : i32
    return %arg0, %c0_i32 : i32, i32
  }
  func.func @transform_3(%arg0: i32) -> (i32, i32) {
    %c0_i32 = arith.constant 0 : i32
    %c0_i32_0 = arith.constant 0 : i32
    return %arg0, %c0_i32 : i32, i32
  }
  func.func @transform_4(%arg0: i32) -> (i32, i32) {
    %c0_i32 = arith.constant 0 : i32
    %c0_i32_0 = arith.constant 0 : i32
    %c0_i32_1 = arith.constant 0 : i32
    return %c0_i32, %c0_i32_0 : i32, i32
  }
  func.func @transform_5(%arg0: i32) -> (i32, i32) {
    %c0_i32 = arith.constant 0 : i32
    %c0_i32_0 = arith.constant 0 : i32
    return %arg0, %c0_i32 : i32, i32
  }
  func.func @transform_6(%arg0: i32) -> (i32, i32) {
    %c0_i32 = arith.constant 0 : i32
    %c0_i32_0 = arith.constant 0 : i32
    return %arg0, %c0_i32 : i32, i32
  }
  func.func @transform_7(%arg0: i32) -> (i32, i32) {
    %c0_i32 = arith.constant 0 : i32
    %c0_i32_0 = arith.constant 0 : i32
    return %arg0, %c0_i32 : i32, i32
  }
}

module attributes {stable_mosaic.version = 14 : i64} {
  func.func @_gat_final_kernel(%arg0: i32, %arg1: memref<1000x128xf32, #tpu.memory_space<vmem>>, %arg2: memref<1x1000x128xf32, #tpu.memory_space<vmem>>, %arg3: memref<1x1000x128xf32, #tpu.memory_space<vmem>>, %arg4: memref<1000x128xf32, #tpu.memory_space<vmem>>, %arg5: memref<1x128xf32, #tpu.memory_space<vmem>>, %arg6: memref<128x1xf32, #tpu.memory_space<vmem>>, %arg7: memref<1x1xf32, #tpu.memory_space<vmem>>, %arg8: memref<1000x1xf32, #tpu.memory_space<vmem>>) attributes {dimension_semantics = [#tpu.dimension_semantics<arbitrary>], iteration_bounds = array<i64: 10>, scalar_prefetch = 0 : i64, scratch_operands = 0 : i64, tpu.core_type = #tpu.core_type<tc>, window_params = [{transform_indices = @transform_0, window_bounds = array<i64: 1000, 128>}, {transform_indices = @transform_1, window_bounds = array<i64: 1, 1000, 128>}, {transform_indices = @transform_2, window_bounds = array<i64: 1, 1000, 128>}, {transform_indices = @transform_3, window_bounds = array<i64: 1000, 128>}, {pipeline_mode = #tpu.pipeline_mode<synchronous>, transform_indices = @transform_4, window_bounds = array<i64: 1, 128>}, {pipeline_mode = #tpu.pipeline_mode<synchronous>, transform_indices = @transform_5, window_bounds = array<i64: 128, 1>}, {pipeline_mode = #tpu.pipeline_mode<synchronous>, transform_indices = @transform_6, window_bounds = array<i64: 1, 1>}, {transform_indices = @transform_7, window_bounds = array<i64: 1000, 1>}]} {
    %get3A = arith.constant 0 : index
    %get3A_0 = arith.constant 0 : index
    %get3A_1 = arith.constant 0 : index
    %get3A_2 = vector.load %arg2[%get3A, %get3A_0, %get3A_1] : memref<1x1000x128xf32, #tpu.memory_space<vmem>>, vector<1x1000x128xf32>
    %get3A_3 = vector.shape_cast %get3A_2 : vector<1x1000x128xf32> to vector<1000x128xf32>
    %get3A_4 = arith.constant 0 : index
    %get3A_5 = arith.constant 0 : index
    %get3A_6 = arith.constant 0 : index
    %get3A_7 = vector.load %arg3[%get3A_4, %get3A_5, %get3A_6] : memref<1x1000x128xf32, #tpu.memory_space<vmem>>, vector<1x1000x128xf32>
    %get3A_8 = vector.shape_cast %get3A_7 : vector<1x1000x128xf32> to vector<1000x128xf32>
    %add3A = arith.addf %get3A_3, %get3A_8 : vector<1000x128xf32>
    %get3A_9 = arith.constant 0 : index
    %get3A_10 = arith.constant 0 : index
    %get3A_11 = vector.load %arg4[%get3A_9, %get3A_10] : memref<1000x128xf32, #tpu.memory_space<vmem>>, vector<1000x128xf32>
    %add3A_12 = arith.addf %add3A, %get3A_11 : vector<1000x128xf32>
    %mul3A = arith.constant 2.500000e-01 : f32
    %mul3A_13 = vector.broadcast %mul3A : f32 to vector<1000x128xf32>
    %mul3A_14 = arith.mulf %add3A_12, %mul3A_13 : vector<1000x128xf32>
    %get3A_15 = arith.constant 0 : index
    %get3A_16 = arith.constant 0 : index
    %get3A_17 = vector.load %arg5[%get3A_15, %get3A_16] : memref<1x128xf32, #tpu.memory_space<vmem>>, vector<1x128xf32>
    %add3A_18 = vector.broadcast %get3A_17 : vector<1x128xf32> to vector<1000x128xf32>
    %add3A_19 = arith.addf %mul3A_14, %add3A_18 : vector<1000x128xf32>
    %get3A_20 = arith.constant 0 : index
    %get3A_21 = arith.constant 0 : index
    %get3A_22 = vector.load %arg1[%get3A_20, %get3A_21] : memref<1000x128xf32, #tpu.memory_space<vmem>>, vector<1000x128xf32>
    %add3A_23 = arith.addf %get3A_22, %add3A_19 : vector<1000x128xf32>
    %get3A_24 = arith.constant 0 : index
    %get3A_25 = arith.constant 0 : index
    %get3A_26 = vector.load %arg6[%get3A_24, %get3A_25] : memref<128x1xf32, #tpu.memory_space<vmem>>, vector<128x1xf32>
    %dot_general3A = arith.constant dense<0.000000e+00> : vector<1000x1xf32>
    %dot_general3A_27 = tpu.matmul %add3A_23, %get3A_26, %dot_general3A {dimension_numbers = #tpu.dot_dimension_numbers<[1], [0], [0], [1], [0, 0, 1, 1], [], []>, transpose_lhs_hint = false} : vector<1000x128xf32>, vector<128x1xf32>, vector<1000x1xf32> -> vector<1000x1xf32>
    %get3A_28 = arith.constant 0 : index
    %get3A_29 = arith.constant 0 : index
    %get3A_30 = vector.load %arg7[%get3A_28, %get3A_29] : memref<1x1xf32, #tpu.memory_space<vmem>>, vector<1x1xf32>
    %add3A_31 = vector.broadcast %get3A_30 : vector<1x1xf32> to vector<1000x1xf32>
    %add3A_32 = arith.addf %dot_general3A_27, %add3A_31 : vector<1000x1xf32>
    %swap3A = arith.constant 0 : index
    %swap3A_33 = arith.constant 0 : index
    %swap3A_34 = vector.load %arg8[%swap3A, %swap3A_33] : memref<1000x1xf32, #tpu.memory_space<vmem>>, vector<1000x1xf32>
    tpu.vector_store %arg8[%swap3A, %swap3A_33], %add3A_32 {strides = array<i32>} : memref<1000x1xf32, #tpu.memory_space<vmem>>, vector<1000x1xf32>,
    return
  }
  func.func @transform_0(%arg0: i32) -> (i32, i32) {
    %c0_i32 = arith.constant 0 : i32
    %c0_i32_0 = arith.constant 0 : i32
    return %arg0, %c0_i32 : i32, i32
  }
  func.func @transform_1(%arg0: i32) -> (i32, i32, i32) {
    %c0_i32 = arith.constant 0 : i32
    %c0_i32_0 = arith.constant 0 : i32
    %c0_i32_1 = arith.constant 0 : i32
    return %c0_i32, %arg0, %c0_i32_0 : i32, i32, i32
  }
  func.func @transform_2(%arg0: i32) -> (i32, i32, i32) {
    %c1_i32 = arith.constant 1 : i32
    %c0_i32 = arith.constant 0 : i32
    %c0_i32_0 = arith.constant 0 : i32
    return %c1_i32, %arg0, %c0_i32 : i32, i32, i32
  }
  func.func @transform_3(%arg0: i32) -> (i32, i32) {
    %c0_i32 = arith.constant 0 : i32
    %c0_i32_0 = arith.constant 0 : i32
    return %arg0, %c0_i32 : i32, i32
  }
  func.func @transform_4(%arg0: i32) -> (i32, i32) {
    %c0_i32 = arith.constant 0 : i32
    %c0_i32_0 = arith.constant 0 : i32
    %c0_i32_1 = arith.constant 0 : i32
    return %c0_i32, %c0_i32_0 : i32, i32
  }
  func.func @transform_5(%arg0: i32) -> (i32, i32) {
    %c0_i32 = arith.constant 0 : i32
    %c0_i32_0 = arith.constant 0 : i32
    %c0_i32_1 = arith.constant 0 : i32
    return %c0_i32, %c0_i32_0 : i32, i32
  }
  func.func @transform_6(%arg0: i32) -> (i32, i32) {
    %c0_i32 = arith.constant 0 : i32
    %c0_i32_0 = arith.constant 0 : i32
    %c0_i32_1 = arith.constant 0 : i32
    return %c0_i32, %c0_i32_0 : i32, i32
  }
  func.func @transform_7(%arg0: i32) -> (i32, i32) {
    %c0_i32 = arith.constant 0 : i32
    %c0_i32_0 = arith.constant 0 : i32
    return %arg0, %c0_i32 : i32, i32
  }
}

</mosaic_0001>

<sc_bundles>
// kernel: kernel.20.cloned.1.call-start
scs
__scs_entry_jumppad:
0x0: {  	(pc) =	sbr.rel $0x88, $3  }
0x1: {  	(tag) =	ssettag $0x0;
	lr =	simm.s32 $0x1  }
0x2: {  	[smem:$0x3F90] =	sst lr;
	_ =	strace $0xD0000000  }
0x3: {  	_ = 	snop  }
0x4: {  	_ = 	snop  }
0x5: {  	_ = 	snop  }
0x6: {  	_ = 	snop  }
0x7: {  	_ = 	snop  }
__scs_overlays_trampoline_lowered:
0x8: {  	[smem:$0x3F9F] =	sst s0  }
0x9: {  	[smem:$0x3FA0] =	sst s1  }
0xa: {  	[smem:$0x3FA1] =	sst s2  }
0xb: {  	[smem:$0x3FA2] =	sst s3  }
0xc: {  	[smem:$0x3FA3] =	sst s4  }
0xd: {  	[smem:$0x3FA4] =	sst s5  }
0xe: {  	[smem:$0x3FA5] =	sst s6  }
0xf: {  	[smem:$0x3FA6] =	sst s7  }
0x10: {  	[smem:$0x3FA7] =	sst s8  }
0x11: {  	[smem:$0x3FA8] =	sst s9;
	s0 =	simm.s32 @!p0 $0x0  }
0x12: {  	s1 =	sld [smem:$0x3F8E];
	s0 =	simm.s32 @p0 $0x1  }
0x13: {  	[smem:$0x3FA9] =	sst s0;
	s0 =	simm.s32 @!p1 $0x0  }
0x14: {  	s2 =	sld [smem:$0x3F8D];
	s0 =	simm.s32 @p1 $0x1  }
0x15: {  	[smem:$0x3FAA] =	sst s0;
	s0 =	simm.s32 @!p2 $0x0  }
0x16: {  	s3 =	sld [smem:$0x3FDB];
	s0 =	simm.s32 @p2 $0x1  }
0x17: {  	s4 =	simm.s32 $0x1BF5;
	[smem:$0x3FAC] =	sst s0  }
0x18: {  	s0 =	sld [smem:$0x3F8F];
	_ =	swait.ge [sflag:s4], $0x0  }
0x19: {  	s7 =	sld [smem:$0x3F90]  }
0x1a: {  	s8 =	sadd.s32 $0xFFFFE003, lr  }
0x1b: {  	s9 =	sadd.s32 $0xFFFFFEF7, lr;
	s5 =	simm.s32 $0xFFFFFFFF;
	p2 =	slt.u32 s8, $0xFFFFF086  }
0x1c: {  	p1 =	slt.u32 s9, $0xF7A;
	s5 =	simm.s32 @!p2 $0x0  }
0x1d: {  	s5 =	simm.s32 @p1 $0x1;
	p0 =	seq.s32 s7, s2  }
0x1e: {  	s7 =	smul.u32 @!p0 $0xF7A, s2;
	p2 =	seq.s32 @!p0 s5, $0x0  }
0x1f: {  	s9 =	smul.u32 $0xF7A, s1;
	s8 =	simm.s32 @!p0 $0x1BF5;
	p2 =	por !p2, p0  }
0x20: {  	[sflag:s8] =	ssyncset.s32 @!p0 $0xFFFFF086;
	s6 =	sadd.s32 @!p0 s3, s7;
	s7 =	simm.s32 @!p0 $0x108  }
0x21: {  	s3 =	sadd.s32 s3, s9;
	s6 =	sadd.s32 @!p0 $0x88, s6;
	s7 =	simm.s32 @p2 $0x1082  }
0x22: {  	[simem:s7], [sflag:s8] =	dma.local @!p0 [hbm:s6], $0xF7A  }
0x23: {  	s9 =	sor.u32 $0xD0000000, s2;
	s6 =	simm.s32 $0x108;
	_ =	swait.ge @!p0 [sflag:s8], $0x0  }
0x24: {  	s3 =	sadd.s32 $0x88, s3;
	s6 =	simm.s32 @!p1 $0x1082;
	[sflag:s4] =	ssyncset.s32 $0xFFFFF086  }
0x25: {  	[simem:s6], [sflag:s4] =	dma.local [hbm:s3], $0xF7A  }
0x26: {  	[smem:$0x3F90] =	sst s1;
	(tag) =	ssettag s2;
	_ =	strace s9  }
0x27: {  	s1 =	sld [smem:$0x3FA0]  }
0x28: {  	s2 =	sld [smem:$0x3FA1]  }
0x29: {  	s4 =	sld [smem:$0x3FA3]  }
0x2a: {  	p0 =	seq.s32 s5, $0x0;
	s5 =	sld [smem:$0x3FA4]  }
0x2b: {  	s6 =	sld [smem:$0x3FA5]  }
0x2c: {  	s7 =	sld [smem:$0x3FA6]  }
0x2d: {  	s3 =	simm.s32 $0x108;
	s8 =	sld [smem:$0x3FA7]  }
0x2e: {  	s3 =	simm.s32 @!p0 $0x1082;
	s9 =	sld [smem:$0x3FA8]  }
0x2f: {  	lr =	sadd.s32 s0, s3;
	s0 =	sld [smem:$0x3F9F]  }
0x30: {  	s3 =	sld [smem:$0x3FA2]  }
0x31: {  	[smem:$0x3FAB] =	sst s10  }
0x32: {  	s10 =	sld [smem:$0x3FA9];
	_ =	sdelay $0x3  }
0x33: {  	p0 =	seq.s32 s10, $0x1;
	s10 =	sld [smem:$0x3FAB];
	_ =	sdelay $0x3  }
0x34: {  	[smem:$0x3FAB] =	sst s10  }
0x35: {  	s10 =	sld [smem:$0x3FAA];
	_ =	sdelay $0x3  }
0x36: {  	p1 =	seq.s32 s10, $0x1;
	s10 =	sld [smem:$0x3FAB];
	_ =	sdelay $0x3  }
0x37: {  	[smem:$0x3FAB] =	sst s10  }
0x38: {  	s10 =	sld [smem:$0x3FAC]  }
0x39: {  	_ = 	snop;
	(pc) =	sbr.ind lr, $3  }
0x3a: {  	_ = 	snop  }
0x3b: {  	_ = 	snop  }
0x3c: {  	p2 =	seq.s32 s10, $0x1;
	s10 =	sld [smem:$0x3FAB]  }
0x3d: {  	_ =	shalt  }
0x3e: {  	_ =	shalt  }
0x3f: {  	_ =	shalt  }
0x40: {  	_ =	shalt  }
0x41: {  	_ =	shalt  }
0x42: {  	_ =	shalt  }
0x43: {  	_ =	shalt  }
0x44: {  	_ =	shalt  }
0x45: {  	_ =	shalt  }
0x46: {  	_ =	shalt  }
0x47: {  	_ =	shalt  }
0x48: {  	_ =	shalt  }
0x49: {  	_ =	shalt  }
0x4a: {  	_ =	shalt  }
0x4b: {  	_ =	shalt  }
0x4c: {  	_ =	shalt  }
0x4d: {  	_ =	shalt  }
0x4e: {  	_ =	shalt  }
0x4f: {  	_ =	shalt  }
0x50: {  	_ =	shalt  }
0x51: {  	_ =	shalt  }
0x52: {  	_ =	shalt  }
0x53: {  	_ =	shalt  }
0x54: {  	_ =	shalt  }
0x55: {  	_ =	shalt  }
0x56: {  	_ =	shalt  }
0x57: {  	_ =	shalt  }
0x58: {  	_ =	shalt  }
0x59: {  	_ =	shalt  }
0x5a: {  	_ =	shalt  }
0x5b: {  	_ =	shalt  }
0x5c: {  	_ =	shalt  }
0x5d: {  	_ =	shalt  }
0x5e: {  	_ =	shalt  }
0x5f: {  	_ =	shalt  }
0x60: {  	_ =	shalt  }
0x61: {  	_ =	shalt  }
0x62: {  	_ =	shalt  }
0x63: {  	_ =	shalt  }
0x64: {  	_ =	shalt  }
0x65: {  	_ =	shalt  }
0x66: {  	_ =	shalt  }
0x67: {  	_ =	shalt  }
0x68: {  	_ =	shalt  }
0x69: {  	_ =	shalt  }
0x6a: {  	_ =	shalt  }
0x6b: {  	_ =	shalt  }
0x6c: {  	_ =	shalt  }
0x6d: {  	_ =	shalt  }
0x6e: {  	_ =	shalt  }
0x6f: {  	_ =	shalt  }
0x70: {  	_ =	shalt  }
0x71: {  	_ =	shalt  }
0x72: {  	_ =	shalt  }
0x73: {  	_ =	shalt  }
0x74: {  	_ =	shalt  }
0x75: {  	_ =	shalt  }
0x76: {  	_ =	shalt  }
0x77: {  	_ =	shalt  }
0x78: {  	_ =	shalt  }
0x79: {  	_ =	shalt  }
0x7a: {  	_ =	shalt  }
0x7b: {  	_ =	shalt  }
0x7c: {  	_ =	shalt  }
0x7d: {  	_ =	shalt  }
0x7e: {  	_ =	shalt  }
0x7f: {  	_ =	shalt  }
0x80: {  	_ =	shalt  }
0x81: {  	_ =	shalt  }
0x82: {  	_ =	shalt  }
0x83: {  	_ =	shalt  }
0x84: {  	_ =	shalt  }
0x85: {  	_ =	shalt  }
0x86: {  	_ =	shalt  }
0x87: {  	_ =	shalt  }
.Lfunc_end0:
.L_simem_size_0:
called_computation_lowered:
.L_overlay_start_0:
0x88: {  	s2 =	sld [smem:$0x3FD9]  }
0x89: {  	s3 =	sld [smem:$0x3FFE];
	_ =	sdelay $0x1  }
0x8a: {  	s1 =	srdreg.scid  }
0x8b: {  	s0 =	sand.u32 $0x1, s1  }
0x8c: {  	s17 =	sshll.u32 s0, $0xA;
	s2 =	sadd.s32 s3, s2  }
0x8d: {  	s2 =	sadd.s32 s2, s17  }
0x8e: {  	[smem:$0x3FB7] =	sst s2  }
0x8f: {  	_ = 	snop  }
0x90: {  	s2 =	sld [smem:$0x3FC7];
	(tm) =	ssettm $0x1  }
0x91: {  	s18 =	sld [smem:$0x3FFB];
	_ =	sdelay $0x3  }
0x92: {  	_ =	strace s18  }
0x93: {  	s3 =	sld [smem:$0x3FFC];
	_ =	sdelay $0x3  }
0x94: {  	_ =	strace s3  }
0x95: {  	s3 =	sld [smem:$0x3FFD];
	_ =	sdelay $0x3  }
0x96: {  	_ =	strace s3  }
0x97: {  	_ =	strace $0x8FFFFFFF  }
0x98: {  	s19 =	sld [smem:$0x3FDB];
	_ =	sdelay $0x1  }
0x99: {  	s4 =	simm.s32 $_scs_section_size  }
0x9a: {  	s5 =	simm.s32 $_size__tile_overlayer_lowered;
	s6 =	simm.s32 $_tile_overlayer_lowered  }
0x9b: {  	s22 =	simm.s32 $0x1BFF;
	s21 =	sshll.u32 s6, $0x1;
	s3 =	sadd.s32 s4, s19  }
0x9c: {  	s7 =	simm.s32 $0x0;
	s20 =	sshll.u32 s5, $0x1;
	s5 =	sadd.s32 s21, s3  }
0x9d: {  	[timem:s7], [sflag:s22] =	dma.local [hbm:s5], s20  }
0x9e: {  	_ =	swait.ge [sflag:s22], s20  }
0x9f: {  	s4 =	ssub.s32 $0x0, s20;
	[sflag:s22] =	ssyncset.done $0x0  }
0xa0: {  	[sflag:s22] =	ssyncadd.s32 s4;
	_ =	sdelay $0x1  }
0xa1: {  	s23 =	simm.s32 $0x1B8B  }
0xa2: {  	_ =	swait.ge [sflag:s23], $0x1  }
0xa3: {  	[sflag:s23] =	ssyncset.done $0x0  }
0xa4: {  	s25 =	simm.s32 $0x1B8E;
	s24 =	sld [smem:$0x3FFE];
	[sflag:s23] =	ssyncadd.s32 $0xFFFFFFFF  }
0xa5: {  	s26 =	simm.s32 $execute0_lowered;
	[smem:$0x3FD2] =	sst s25  }
0xa6: {  	s5 =	sshll.u32 s26, $0x1;
	_ =	strace $0x80000046;
	[dreg:$0x1] =	wrdreg $0xFFFFFFFF  }
0xa7: {  	s28 =	simm.s32 $_size_execute0_lowered;
	s3 =	sadd.s32 s3, s5;
	[dreg:$0x0] =	wrdreg $0x0  }
0xa8: {  	s5 =	sshll.u32 s28, $0x1;
	[dreg:$0x2] =	wrdreg s3  }
0xa9: {  	[dreg:$0x3] =	wrdreg s5  }
0xaa: {  	[dreg:$0x4] =	wrdreg $0xC0  }
0xab: {  	_ =	task [dreg:s7], $0x5FFFF  }
0xac: {  	[dreg:$0x1] =	wrdreg $0xFFFFFFFF  }
0xad: {  	[dreg:$0x0] =	wrdreg $0x60  }
0xae: {  	[dreg:$0x2] =	wrdreg s24  }
0xaf: {  	[dreg:$0x3] =	wrdreg s2  }
0xb0: {  	[dreg:$0x4] =	wrdreg $0xA8800  }
0xb1: {  	[dreg:$0x5] =	wrdreg $0x9  }
0xb2: {  	_ =	task.clear_ibuf [dreg:s7], $0x6FFFF;
	_ =	strace $0x90000046  }
0xb3: {  	s29 =	simm.s32 $0x9;
	_ =	strace $0x80000048  }
0xb4: {  	_ =	swait.ge [sflag:s29], $0x1  }
0xb5: {  	[sflag:s29] =	ssyncadd.s32 $0xFFFFFFFF  }
0xb6: {  	_ =	strace $0x90000048  }
0xb7: {  	_ =	sfence  }
0xb8: {  	s30 =	sld [smem:$0x0];
	_ =	sdelay $0x2  }
0xb9: {  	s31 =	sshll.u32 s1, $0xD;
	s1 =	sshrl.u32 s1, $0x2  }
0xba: {  	s3 =	sand.u32 $0x4000, s31;
	s1 =	sadd.s32 s1, s30  }
0xbb: {  	s0 =	sor.u32 s3, s0;
	s1 =	sshll.u32 s1, $0x11  }
0xbc: {  	s0 =	sor.u32 s1, s0  }
0xbd: {  	s0 =	sadd.s32 $0x8F2B, s0  }
0xbe: {  	[sflag:s0] =	ssyncadd.remote.s32 $0x1  }
0xbf: {  	_ =	sfence.sel $0xFFFF  }
0xc0: {  	[dreg:$0x0] =	wrdreg $0xFFFFFFFF;
	(pc) =	sbr.abs _section_cstart, $3  }
0xc1: {  	[dreg:$0x1] =	wrdreg $0xFFFFFFFF  }
0xc2: {  	_ =	task.clear_ibuf [dreg:s7], $0x2FFFF;
	_ =	strace $0x9FFFFFFF  }
0xc3: {  	(tm) =	ssettm $0x7FFFFFFF  }
tec
execute0_lowered:
.L_overlay_start_1:
0x0: {  	(tag) =	ssettag $0x1  }
0x1: {  	s0 =	rddreg [dreg:$0x0]  }
0x2: {  	s1 =	rddreg [dreg:$0x1]  }
0x3: {  	s2 =	rddreg [dreg:$0x2];
	s3 =	simm.s32 $0x0  }
0x4: {  	s4 =	srdreg.scid;
	s28 =	stileid.u32;
	s29 =	simm.s32 $0x8080  }
0x5: {  	s30 =	simm.s32 $0x2;
	s31 =	simm.s32 $0x1;
	[smem:$0x7FF] =	sst s3  }
0x6: {  	s4 =	sand.u32 $0x1, s4;
	s5 =	sadd.s32 $0x38000, s0;
	s8 =	smul.u32 $0x13800, s28  }
0x7: {  	s26 =	smul.u32 $0x4E000, s28;
	p0 =	sne.s32 s28, $0x0;
	_ =	strace $0x80000047  }
0x8: {  	s6 =	sshll.u32 s4, $0x4;
	s9 =	ssub.s32 $0x2, s4;
	s4 =	smul.u32 $0x138800, s4  }
0x9: {  	s7 =	sor.u32 s28, s6;
	s12 =	sshrl.u32 s9, $0x1;
	s11 =	sadd.s32 $0x11800, s8  }
0xa: {  	s22 =	sadd.s32 $0x5000, s8;
	s23 =	sadd.s32 $0x7800, s8;
	s24 =	sadd.s32 $0xA000, s8  }
0xb: {  	s25 =	sadd.s32 $0xC800, s8;
	s28 =	sadd.s32 $0x138000, s2;
	s6 =	sshll.u32 s7, $0xB  }
0xc: {  	s9 =	ssub.s32 s9, s12;
	s12 =	sadd.s32 s4, s11;
	s14 =	sshrl.u32 s4, $0x3  }
0xd: {  	s19 =	sadd.s32 s4, s24;
	s20 =	sadd.s32 s4, s25;
	s24 =	sadd.s32 s24, s2  }
0xe: {  	s25 =	sadd.s32 s25, s2;
	s10 =	sadd.s32 s6, s0;
	s0 =	sadd.s32 $0x5F200, s0  }
0xf: {  	s6 =	sadd.s32 s11, s2;
	s13 =	sshrl.u32 s12, $0x3;
	s12 =	sadd.s32 $0x2800, s8  }
0x10: {  	s21 =	sshrl.u32 s20, $0x3;
	s11 =	sadd.s32 s0, s13;
	s13 =	sadd.s32 s4, s8  }
0x11: {  	s8 =	sadd.s32 $0xF000, s8;
	s15 =	sadd.s32 s4, s12;
	[dreg:$0x4] =	wrdreg s11  }
0x12: {  	s11 =	sadd.s32 s0, s14;
	s13 =	sshrl.u32 s13, $0x3;
	s14 =	sadd.s32 s4, s22  }
0x13: {  	s22 =	sadd.s32 s22, s2;
	s13 =	sadd.s32 s0, s13;
	s16 =	sshrl.u32 s14, $0x3  }
0x14: {  	[dreg:$0x5] =	wrdreg s13;
	s13 =	sshrl.u32 s15, $0x3;
	s15 =	sadd.s32 s4, s23  }
0x15: {  	s4 =	sadd.s32 s4, s8;
	s23 =	sadd.s32 s23, s2;
	s13 =	sadd.s32 s0, s13  }
0x16: {  	s17 =	sshrl.u32 s15, $0x3;
	s4 =	sshrl.u32 s4, $0x3;
	s15 =	sadd.s32 $0x28000, s10  }
0x17: {  	[dreg:$0x6] =	wrdreg s13;
	s13 =	sadd.s32 s0, s16;
	s18 =	sadd.s32 s0, s17  }
0x18: {  	s14 =	sadd.s32 s0, s4;
	s16 =	sadd.s32 $0x18000, s10;
	s17 =	smul.u32 $0x2710, s7  }
0x19: {  	s4 =	simm.s32 $0x50;
	[dreg:$0x7] =	wrdreg s13;
	s13 =	sshrl.u32 s19, $0x3  }
0x1a: {  	[dreg:$0x8] =	wrdreg s18;
	s18 =	sadd.s32 $0x27000, s11;
	s13 =	sadd.s32 s0, s13  }
0x1b: {  	s19 =	smax.u32 s9, $0x1;
	[dreg:$0x9] =	wrdreg s13;
	s13 =	sadd.s32 s0, s21  }
0x1c: {  	s0 =	sshrl.u32 s26, $0x2;
	s21 =	sadd.s32 s12, s2;
	s26 =	sadd.s32 s8, s2  }
0x1d: {  	v0 =	vimm.f32 $0.0e+00;
	[dreg:$0xa] =	wrdreg s13;
	s20 =	sadd.s32 s0, s2;
	s0 =	simm.s32 $0x8000  }
.LBB2_1:
0x1e: {  	s7 =	simm.s32 $0x0;
	s8 =	simm.s32 $0x200  }
.LBB2_2:
0x1f: {  	p1 =	sne.s32 s8, $0x9E00;
	[tilespmem:s7+$0x80F0] =	vst v0  }
0x20: {  	[tilespmem:s7+$0x8080] =	vst v0  }
0x21: {  	[tilespmem:s7+$0x8090] =	vst v0  }
.Ltmp0:
0x22: {  	[tilespmem:s7+$0x80A0] =	vst v0;
	(pc) =	sbr.rel @p1 .LBB2_2-.Ltmp0, $4  }
0x23: {  	[tilespmem:s7+$0x80B0] =	vst v0  }
0x24: {  	[tilespmem:s7+$0x80C0] =	vst v0  }
0x25: {  	[tilespmem:s7+$0x80D0] =	vst v0  }
0x26: {  	[tilespmem:s7+$0x80E0] =	vst v0;
	s7 =	sshra.s32 s8, $0x2;
	s8 =	sadd.s32 $0x200, s8  }
0x27: {  	[tilespmem:s7+$0x80F0] =	vst v0  }
0x28: {  	[tilespmem:s7+$0x8080] =	vst v0  }
0x29: {  	[tilespmem:s7+$0x8090] =	vst v0  }
0x2a: {  	[tilespmem:s7+$0x80A0] =	vst v0  }
0x2b: {  	[tilespmem:s7+$0x80B0] =	vst v0  }
0x2c: {  	[tilespmem:s7+$0x80C0] =	vst v0  }
0x2d: {  	[tilespmem:s7+$0x80D0] =	vst v0  }
0x2e: {  	[tilespmem:s7+$0x80E0] =	vst v0  }
0x2f: {  	[spmem:s20] =	stream.linear.scatter [tilespmem:s29], [sflag:$0x2], $0x2800, $0x38;
	[tilespmem:$0x1E100] =	vst v63  }
0x30: {  	_ =	swait.ge [sflag:s30], $0x2800  }
0x31: {  	[sflag:s30] =	ssyncset.done $0x0  }
0x32: {  	[sflag:s30] =	ssyncadd.s32 $0xFFFFD800  }
0x33: {  	[spmem:s21] =	stream.linear.scatter [tilespmem:s29], [sflag:$0x2], $0x2800, $0x38;
	[tilespmem:$0x1E100] =	vst v63  }
0x34: {  	_ =	swait.ge [sflag:s30], $0x2800  }
0x35: {  	[sflag:s30] =	ssyncset.done $0x0  }
0x36: {  	[sflag:s30] =	ssyncadd.s32 $0xFFFFD800  }
0x37: {  	[spmem:s22] =	stream.linear.scatter [tilespmem:s29], [sflag:$0x2], $0x2800, $0x38;
	[tilespmem:$0x1E100] =	vst v63  }
0x38: {  	_ =	swait.ge [sflag:s30], $0x2800  }
0x39: {  	[sflag:s30] =	ssyncset.done $0x0  }
0x3a: {  	[sflag:s30] =	ssyncadd.s32 $0xFFFFD800  }
0x3b: {  	[spmem:s23] =	stream.linear.scatter [tilespmem:s29], [sflag:$0x2], $0x2800, $0x38;
	[tilespmem:$0x1E100] =	vst v63  }
0x3c: {  	_ =	swait.ge [sflag:s30], $0x2800  }
0x3d: {  	[sflag:s30] =	ssyncset.done $0x0  }
0x3e: {  	[sflag:s30] =	ssyncadd.s32 $0xFFFFD800  }
0x3f: {  	[spmem:s24] =	stream.linear.scatter [tilespmem:s29], [sflag:$0x2], $0x2800, $0x38;
	[tilespmem:$0x1E100] =	vst v63  }
0x40: {  	_ =	swait.ge [sflag:s30], $0x2800  }
0x41: {  	[sflag:s30] =	ssyncset.done $0x0  }
0x42: {  	[sflag:s30] =	ssyncadd.s32 $0xFFFFD800  }
0x43: {  	[spmem:s25] =	stream.linear.scatter [tilespmem:s29], [sflag:$0x2], $0x2800, $0x38;
	[tilespmem:$0x1E100] =	vst v63  }
0x44: {  	_ =	swait.ge [sflag:s30], $0x2800  }
0x45: {  	[sflag:s30] =	ssyncset.done $0x0  }
0x46: {  	[sflag:s30] =	ssyncadd.s32 $0xFFFFD800  }
0x47: {  	[spmem:s26] =	stream.linear.scatter [tilespmem:s29], [sflag:$0x2], $0x2800, $0x38;
	[tilespmem:$0x1E100] =	vst v63  }
0x48: {  	_ =	swait.ge [sflag:s30], $0x2800  }
0x49: {  	[sflag:s30] =	ssyncset.done $0x0  }
0x4a: {  	[sflag:s30] =	ssyncadd.s32 $0xFFFFD800  }
0x4b: {  	[spmem:s6] =	stream.linear.scatter [tilespmem:s29], [sflag:$0x2], $0x2000, $0x38;
	[tilespmem:$0x1E100] =	vst v63  }
0x4c: {  	_ =	swait.ge [sflag:s30], $0x2000  }
0x4d: {  	[sflag:s30] =	ssyncset.done $0x0  }
0x4e: {  	s7 =	simm.s32 @!p0 $0x8080;
	[sflag:s30] =	ssyncadd.s32 $0xFFFFE000  }
0x4f: {  	[spmem:s28] =	stream.linear.scatter @!p0 [tilespmem:s7], [sflag:$0x2], $0x800, $0x38;
	[tilespmem:$0x1E100] =	vst v63  }
0x50: {  	s7 =	simm.s32 @!p0 $0x2  }
0x51: {  	_ =	swait.ge @!p0 [sflag:s7], $0x800  }
0x52: {  	[sflag:s7] =	ssyncset.done @!p0 $0x0  }
0x53: {  	[sflag:s7] =	ssyncadd.s32 @!p0 $0xFFFFF800;
	s7 =	simm.s32 $0x0  }
0x54: {  	[tilespmem:s7], [sflag:$0x2] =	stream.linear.gather [hbm4b:s15+s7], $0x3E80, $0x38;
	[tilespmem:$0x1E100] =	vst v63  }
0x55: {  	_ =	swait.ge [sflag:s30], $0x3E80  }
0x56: {  	[sflag:s30] =	ssyncset.done $0x0  }
0x57: {  	s8 =	simm.s32 $0x4000;
	[sflag:s30] =	ssyncadd.s32 $0xFFFFC180  }
0x58: {  	[tilespmem:s8], [sflag:$0x2] =	stream.linear.gather [hbm4b:s16+s7], $0x3E80, $0x38;
	[tilespmem:$0x1E100] =	vst v63  }
0x59: {  	_ =	swait.ge [sflag:s30], $0x3E80  }
0x5a: {  	[sflag:s30] =	ssyncset.done $0x0  }
0x5b: {  	[sflag:s30] =	ssyncadd.s32 $0xFFFFC180  }
0x5c: {  	s8 =	simm.s32 $0x0;
	[bflag:$0x0] =	sbarrier.arrive $0xFFFF  }
.LBB2_4:
0x5d: {  	s9 =	smul.u32 $0x50, s8;
	_ =	sdelay $0x1  }
0x5e: {  	s9 =	sadd.s32 s17, s9  }
0x5f: {  	s9 =	sshrl.u32 s9, $0x3  }
0x60: {  	s9 =	sadd.s32 s1, s9  }
0x61: {  	[tilespmem:s0], [sflag:$0x2] =	stream.linear.gather [hbm4b:s9+s7], $0x50, $0x38;
	[tilespmem:$0x1E100] =	vst v63  }
0x62: {  	_ =	swait.ge [sflag:s30], $0x50  }
0x63: {  	[sflag:s30] =	ssyncset.done $0x0  }
0x64: {  	s9 =	sshll.u32 s8, $0x7;
	[sflag:s30] =	ssyncadd.s32 $0xFFFFFFB0  }
0x65: {  	[tilespmem:s29], [sflag:$0x1] =	stream.indirect.gather [hbm4b:s5+s4], $0x80, s9, s4, $0xb8;
	[tilespmem:$0x1E100] =	vst v63  }
0x66: {  	_ =	swait.ge [sflag:s31], $0x2800  }
0x67: {  	v1 =	vmov s7;
	[sflag:s31] =	ssyncset.done $0x0  }
0x68: {  	s10 =	simm.s32 $0x80C0;
	[sflag:s31] =	ssyncadd.s32 $0xFFFFD800  }
0x69: {  	v5 =	vld [tilespmem:s10+$0x30]  }
0x6a: {  	v8 =	vld [tilespmem:s10+$0x10]  }
0x6b: {  	v6 =	vld [tilespmem:s10+$0xFFFFFFC0]  }
0x6c: {  	v2 =	vld.idx.msk [tilespmem:v1+s0+$0x0], $0xffff  }
0x6d: {  	v10 =	vld [tilespmem:s10+$0xFFFFFFE0]  }
0x6e: {  	v1 =	vld [tilespmem:s10+$0xFFFFFFF0]  }
0x6f: {  	v3 =	vld [tilespmem:s10+$0x20]  }
0x70: {  	v4 =	vld [tilespmem:s10+$0xFFFFFFD0]  }
0x71: {  	v9 =	vmul.f32 v5, v2;
	v5 =	vld [tilespmem:s10+$0x0]  }
0x72: {  	v7 =	vmul.f32 v6, v2  }
0x73: {  	s11 =	simm.s32 $0x1;
	s12 =	simm.s32 $0x80C0;
	v6 =	vmul.f32 v10, v2;
	v8 =	vmul.f32 v8, v2  }
.LBB2_5:
0x74: {  	p1 =	sne.s32 s11, $0x4F  }
0x75: {  	v4 =	vmul.f32 v4, v2;
	v3 =	vmul.f32 v3, v2;
	[tilespmem:s10+$0x30] =	vst v9;
	s12 =	sadd.s32 $0x80, s12;
	s13 =	smov.u32 s11;
	s11 =	sadd.s32 $0x1, s11  }
0x76: {  	[tilespmem:s10+$0xFFFFFFC0] =	vst v7;
	v7 =	vmul.f32 v1, v2;
	v2 =	vmul.f32 v5, v2  }
0x77: {  	[tilespmem:s10+$0x10] =	vst v8  }
0x78: {  	v5 =	vmov s13;
	[tilespmem:s10+$0xFFFFFFE0] =	vst v6  }
0x79: {  	v1 =	vld [tilespmem:s12+$0xFFFFFFF0];
	[tilespmem:s10+$0xFFFFFFF0] =	vst v7  }
0x7a: {  	v6 =	vld [tilespmem:s12+$0x30];
	[tilespmem:s10+$0x0] =	vst v2  }
0x7b: {  	v8 =	vld [tilespmem:s12+$0x10];
	[tilespmem:s10+$0x20] =	vst v3  }
0x7c: {  	v7 =	vld [tilespmem:s12+$0xFFFFFFC0];
	[tilespmem:s10+$0xFFFFFFD0] =	vst v4;
	s10 =	smov.u32 s12  }
0x7d: {  	v2 =	vld.idx.msk [tilespmem:v5+s0+$0x0], $0xffff  }
0x7e: {  	v10 =	vld [tilespmem:s12+$0xFFFFFFE0]  }
0x7f: {  	v3 =	vld [tilespmem:s12+$0x20]  }
.Ltmp1:
0x80: {  	v4 =	vld [tilespmem:s12+$0xFFFFFFD0];
	(pc) =	sbr.rel @p1 .LBB2_5-.Ltmp1, $3  }
0x81: {  	v5 =	vld [tilespmem:s12+$0x0];
	_ =	sdelay $0x1  }
0x82: {  	v7 =	vmul.f32 v7, v2;
	v9 =	vmul.f32 v6, v2  }
0x83: {  	v8 =	vmul.f32 v8, v2;
	v6 =	vmul.f32 v10, v2  }
0x84: {  	[tilespmem:s10+$0x30] =	vst v9  }
0x85: {  	[tilespmem:s10+$0xFFFFFFC0] =	vst v7  }
0x86: {  	v1 =	vmul.f32 v1, v2;
	[tilespmem:s10+$0x10] =	vst v8  }
0x87: {  	v3 =	vmul.f32 v3, v2;
	[tilespmem:s10+$0xFFFFFFE0] =	vst v6  }
0x88: {  	v5 =	vmul.f32 v5, v2;
	[tilespmem:s10+$0xFFFFFFF0] =	vst v1  }
0x89: {  	s8 =	sadd.s32 $0x1, s8;
	v1 =	vmul.f32 v4, v2;
	[tilespmem:s10+$0x20] =	vst v3  }
0x8a: {  	p1 =	sne.s32 s8, $0x7D;
	[tilespmem:s10+$0x0] =	vst v5  }
.Ltmp2:
0x8b: {  	s9 =	sadd.s32 $0x4000, s9;
	[tilespmem:s10+$0xFFFFFFD0] =	vst v1;
	(pc) =	sbr.rel @p1 .LBB2_4-.Ltmp2, $4  }
0x8c: {  	[spmem:s2] =	stream.indirect.scatter.add.f32 [tilespmem:s29], [sflag:$0x2], $0x80, s9, s4, $0xb8;
	[tilespmem:$0x1E100] =	vst v63  }
0x8d: {  	_ =	swait.ge [sflag:s30], $0x2800  }
0x8e: {  	[sflag:s30] =	ssyncset.done $0x0  }
0x8f: {  	[sflag:s30] =	ssyncadd.s32 $0xFFFFD800  }
0x90: {  	s7 =	stileid.u32  }
0x91: {  	[bflag:$0x0] =	sbarrier.arrive $0xFFFF;
	s7 =	sshll.u32 s7, $0x6  }
0x92: {  	s8 =	sshrl.u32 s20, $0x3;
	s9 =	rddreg [dreg:$0x5];
	s7 =	sor.u32 $0x1C02, s7  }
0x93: {  	[hbm:s9], [sflag:s7] =	dma.local [spmem:s8], $0x500  }
0x94: {  	_ =	swait.ge [sflag:s30], $0x500  }
0x95: {  	[sflag:s30] =	ssyncset.done $0x0  }
0x96: {  	s10 =	sshrl.u32 s21, $0x3;
	s11 =	rddreg [dreg:$0x6];
	[sflag:s30] =	ssyncadd.s32 $0xFFFFFB00  }
0x97: {  	[hbm:s11], [sflag:s7] =	dma.local [spmem:s10], $0x500  }
0x98: {  	_ =	swait.ge [sflag:s30], $0x500  }
0x99: {  	[sflag:s30] =	ssyncset.done $0x0  }
0x9a: {  	s12 =	sshrl.u32 s22, $0x3;
	s13 =	rddreg [dreg:$0x7];
	[sflag:s30] =	ssyncadd.s32 $0xFFFFFB00  }
0x9b: {  	[hbm:s13], [sflag:s7] =	dma.local [spmem:s12], $0x500  }
0x9c: {  	_ =	swait.ge [sflag:s30], $0x500  }
0x9d: {  	[sflag:s30] =	ssyncset.done $0x0  }
0x9e: {  	s10 =	sshrl.u32 s23, $0x3;
	s11 =	rddreg [dreg:$0x8];
	[sflag:s30] =	ssyncadd.s32 $0xFFFFFB00  }
0x9f: {  	[hbm:s11], [sflag:s7] =	dma.local [spmem:s10], $0x500  }
0xa0: {  	_ =	swait.ge [sflag:s30], $0x500  }
0xa1: {  	[sflag:s30] =	ssyncset.done $0x0  }
0xa2: {  	s12 =	sshrl.u32 s24, $0x3;
	s13 =	rddreg [dreg:$0x9];
	[sflag:s30] =	ssyncadd.s32 $0xFFFFFB00  }
0xa3: {  	[hbm:s13], [sflag:s7] =	dma.local [spmem:s12], $0x500  }
0xa4: {  	_ =	swait.ge [sflag:s30], $0x500  }
0xa5: {  	[sflag:s30] =	ssyncset.done $0x0  }
0xa6: {  	s9 =	sshrl.u32 s25, $0x3;
	s10 =	rddreg [dreg:$0xa];
	[sflag:s30] =	ssyncadd.s32 $0xFFFFFB00  }
0xa7: {  	[hbm:s10], [sflag:s7] =	dma.local [spmem:s9], $0x500  }
0xa8: {  	_ =	swait.ge [sflag:s30], $0x500  }
0xa9: {  	[sflag:s30] =	ssyncset.done $0x0  }
0xaa: {  	s11 =	sshrl.u32 s26, $0x3;
	[sflag:s30] =	ssyncadd.s32 $0xFFFFFB00  }
0xab: {  	[hbm:s14], [sflag:s7] =	dma.local [spmem:s11], $0x500  }
0xac: {  	_ =	swait.ge [sflag:s30], $0x500  }
0xad: {  	[sflag:s30] =	ssyncset.done $0x0  }
0xae: {  	s12 =	sshrl.u32 s6, $0x3;
	s13 =	rddreg [dreg:$0x4];
	[sflag:s30] =	ssyncadd.s32 $0xFFFFFB00  }
0xaf: {  	[hbm:s13], [sflag:s7] =	dma.local [spmem:s12], $0x400  }
0xb0: {  	_ =	swait.ge [sflag:s30], $0x400  }
0xb1: {  	s3 =	sadd.s32 $0x1, s3;
	[sflag:s30] =	ssyncset.done $0x0  }
0xb2: {  	p1 =	sne.s32 s3, s19;
	s8 =	sshrl.u32 @!p0 s28, $0x3;
	[sflag:s30] =	ssyncadd.s32 $0xFFFFFC00  }
0xb3: {  	[hbm:s18], [sflag:s7] =	dma.local @!p0 [spmem:s8], $0x100  }
.Ltmp3:
0xb4: {  	_ = 	snop;
	(pc) =	sbr.rel @p1 .LBB2_1-.Ltmp3, $4  }
0xb5: {  	s7 =	simm.s32 @!p0 $0x2  }
0xb6: {  	_ =	swait.ge @!p0 [sflag:s7], $0x100  }
0xb7: {  	[sflag:s7] =	ssyncset.done @!p0 $0x0  }
0xb8: {  	[sflag:s7] =	ssyncadd.s32 @!p0 $0xFFFFFF00  }
0xb9: {  	_ =	sfence.sel $0x180000  }
0xba: {  	[bflag:$0x0] =	sbarrier.arrive $0xFFFF  }
0xbb: {  	_ =	strace $0x90000047  }
0xbc: {  	[bflag:$0x2] =	sbarrier.arrive $0xFFFF  }
0xbd: {  	s0 =	rddreg [dreg:$0x3]  }
0xbe: {  	s0 =	sadd.s32 @!p0 $0x100000, s0  }
0xbf: {  	[sflag:s0] =	ssyncadd.tile.s32 @!p0 $0x1;
	_ =	shalt  }
.Lfunc_end2:
_tile_overlayer_lowered:
.L_overlay_start_2:
0xc0: {  	(tag) =	ssettag $0x2  }
0xc1: {  	s0 =	rddreg [dreg:$0x0];
	s2 =	stileid.u32  }
0xc2: {  	s1 =	rddreg [dreg:$0x1];
	p0 =	sne.s32 s2, $0x0  }
0xc3: {  	s3 =	rddreg [dreg:$0x2];
	[bflag:$0x3] =	sbarrier.arrive $0xFFFF;
	s2 =	simm.s32 @!p0 $0x1C02  }
0xc4: {  	[timem:s3], [sflag:s2] =	dma.local @!p0 [hbm:s0], s1  }
0xc5: {  	s0 =	simm.s32 @!p0 $0x2  }
0xc6: {  	_ =	swait.ge @!p0 [sflag:s0], s1  }
0xc7: {  	s1 =	ssub.s32 @!p0 $0x0, s1;
	[sflag:s0] =	ssyncset.done @!p0 $0x0  }
0xc8: {  	[sflag:s0] =	ssyncadd.s32 @!p0 s1  }
0xc9: {  	[bflag:$0x3] =	sbarrier.arrive $0xFFFF  }
0xca: {  	_ =	shalt  }

// kernel: kernel.23.cloned.1.call-start
scs
__scs_entry_jumppad:
0x0: {  	(pc) =	sbr.rel $0x88, $3  }
0x1: {  	(tag) =	ssettag $0x0;
	lr =	simm.s32 $0x1  }
0x2: {  	[smem:$0x3F90] =	sst lr;
	_ =	strace $0xD0000000  }
0x3: {  	_ = 	snop  }
0x4: {  	_ = 	snop  }
0x5: {  	_ = 	snop  }
0x6: {  	_ = 	snop  }
0x7: {  	_ = 	snop  }
__scs_overlays_trampoline_lowered:
0x8: {  	[smem:$0x3F9F] =	sst s0  }
0x9: {  	[smem:$0x3FA0] =	sst s1  }
0xa: {  	[smem:$0x3FA1] =	sst s2  }
0xb: {  	[smem:$0x3FA2] =	sst s3  }
0xc: {  	[smem:$0x3FA3] =	sst s4  }
0xd: {  	[smem:$0x3FA4] =	sst s5  }
0xe: {  	[smem:$0x3FA5] =	sst s6  }
0xf: {  	[smem:$0x3FA6] =	sst s7  }
0x10: {  	[smem:$0x3FA7] =	sst s8  }
0x11: {  	[smem:$0x3FA8] =	sst s9;
	s0 =	simm.s32 @!p0 $0x0  }
0x12: {  	s1 =	sld [smem:$0x3F8E];
	s0 =	simm.s32 @p0 $0x1  }
0x13: {  	[smem:$0x3FA9] =	sst s0;
	s0 =	simm.s32 @!p1 $0x0  }
0x14: {  	s2 =	sld [smem:$0x3F8D];
	s0 =	simm.s32 @p1 $0x1  }
0x15: {  	[smem:$0x3FAA] =	sst s0;
	s0 =	simm.s32 @!p2 $0x0  }
0x16: {  	s3 =	sld [smem:$0x3FDB];
	s0 =	simm.s32 @p2 $0x1  }
0x17: {  	s4 =	simm.s32 $0x1BF5;
	[smem:$0x3FAC] =	sst s0  }
0x18: {  	s0 =	sld [smem:$0x3F8F];
	_ =	swait.ge [sflag:s4], $0x0  }
0x19: {  	s7 =	sld [smem:$0x3F90]  }
0x1a: {  	s8 =	sadd.s32 $0xFFFFE003, lr  }
0x1b: {  	s9 =	sadd.s32 $0xFFFFFEF7, lr;
	s5 =	simm.s32 $0xFFFFFFFF;
	p2 =	slt.u32 s8, $0xFFFFF086  }
0x1c: {  	p1 =	slt.u32 s9, $0xF7A;
	s5 =	simm.s32 @!p2 $0x0  }
0x1d: {  	s5 =	simm.s32 @p1 $0x1;
	p0 =	seq.s32 s7, s2  }
0x1e: {  	s7 =	smul.u32 @!p0 $0xF7A, s2;
	p2 =	seq.s32 @!p0 s5, $0x0  }
0x1f: {  	s9 =	smul.u32 $0xF7A, s1;
	s8 =	simm.s32 @!p0 $0x1BF5;
	p2 =	por !p2, p0  }
0x20: {  	[sflag:s8] =	ssyncset.s32 @!p0 $0xFFFFF086;
	s6 =	sadd.s32 @!p0 s3, s7;
	s7 =	simm.s32 @!p0 $0x108  }
0x21: {  	s3 =	sadd.s32 s3, s9;
	s6 =	sadd.s32 @!p0 $0x88, s6;
	s7 =	simm.s32 @p2 $0x1082  }
0x22: {  	[simem:s7], [sflag:s8] =	dma.local @!p0 [hbm:s6], $0xF7A  }
0x23: {  	s9 =	sor.u32 $0xD0000000, s2;
	s6 =	simm.s32 $0x108;
	_ =	swait.ge @!p0 [sflag:s8], $0x0  }
0x24: {  	s3 =	sadd.s32 $0x88, s3;
	s6 =	simm.s32 @!p1 $0x1082;
	[sflag:s4] =	ssyncset.s32 $0xFFFFF086  }
0x25: {  	[simem:s6], [sflag:s4] =	dma.local [hbm:s3], $0xF7A  }
0x26: {  	[smem:$0x3F90] =	sst s1;
	(tag) =	ssettag s2;
	_ =	strace s9  }
0x27: {  	s1 =	sld [smem:$0x3FA0]  }
0x28: {  	s2 =	sld [smem:$0x3FA1]  }
0x29: {  	s4 =	sld [smem:$0x3FA3]  }
0x2a: {  	p0 =	seq.s32 s5, $0x0;
	s5 =	sld [smem:$0x3FA4]  }
0x2b: {  	s6 =	sld [smem:$0x3FA5]  }
0x2c: {  	s7 =	sld [smem:$0x3FA6]  }
0x2d: {  	s3 =	simm.s32 $0x108;
	s8 =	sld [smem:$0x3FA7]  }
0x2e: {  	s3 =	simm.s32 @!p0 $0x1082;
	s9 =	sld [smem:$0x3FA8]  }
0x2f: {  	lr =	sadd.s32 s0, s3;
	s0 =	sld [smem:$0x3F9F]  }
0x30: {  	s3 =	sld [smem:$0x3FA2]  }
0x31: {  	[smem:$0x3FAB] =	sst s10  }
0x32: {  	s10 =	sld [smem:$0x3FA9];
	_ =	sdelay $0x3  }
0x33: {  	p0 =	seq.s32 s10, $0x1;
	s10 =	sld [smem:$0x3FAB];
	_ =	sdelay $0x3  }
0x34: {  	[smem:$0x3FAB] =	sst s10  }
0x35: {  	s10 =	sld [smem:$0x3FAA];
	_ =	sdelay $0x3  }
0x36: {  	p1 =	seq.s32 s10, $0x1;
	s10 =	sld [smem:$0x3FAB];
	_ =	sdelay $0x3  }
0x37: {  	[smem:$0x3FAB] =	sst s10  }
0x38: {  	s10 =	sld [smem:$0x3FAC]  }
0x39: {  	_ = 	snop;
	(pc) =	sbr.ind lr, $3  }
0x3a: {  	_ = 	snop  }
0x3b: {  	_ = 	snop  }
0x3c: {  	p2 =	seq.s32 s10, $0x1;
	s10 =	sld [smem:$0x3FAB]  }
0x3d: {  	_ =	shalt  }
0x3e: {  	_ =	shalt  }
0x3f: {  	_ =	shalt  }
0x40: {  	_ =	shalt  }
0x41: {  	_ =	shalt  }
0x42: {  	_ =	shalt  }
0x43: {  	_ =	shalt  }
0x44: {  	_ =	shalt  }
0x45: {  	_ =	shalt  }
0x46: {  	_ =	shalt  }
0x47: {  	_ =	shalt  }
0x48: {  	_ =	shalt  }
0x49: {  	_ =	shalt  }
0x4a: {  	_ =	shalt  }
0x4b: {  	_ =	shalt  }
0x4c: {  	_ =	shalt  }
0x4d: {  	_ =	shalt  }
0x4e: {  	_ =	shalt  }
0x4f: {  	_ =	shalt  }
0x50: {  	_ =	shalt  }
0x51: {  	_ =	shalt  }
0x52: {  	_ =	shalt  }
0x53: {  	_ =	shalt  }
0x54: {  	_ =	shalt  }
0x55: {  	_ =	shalt  }
0x56: {  	_ =	shalt  }
0x57: {  	_ =	shalt  }
0x58: {  	_ =	shalt  }
0x59: {  	_ =	shalt  }
0x5a: {  	_ =	shalt  }
0x5b: {  	_ =	shalt  }
0x5c: {  	_ =	shalt  }
0x5d: {  	_ =	shalt  }
0x5e: {  	_ =	shalt  }
0x5f: {  	_ =	shalt  }
0x60: {  	_ =	shalt  }
0x61: {  	_ =	shalt  }
0x62: {  	_ =	shalt  }
0x63: {  	_ =	shalt  }
0x64: {  	_ =	shalt  }
0x65: {  	_ =	shalt  }
0x66: {  	_ =	shalt  }
0x67: {  	_ =	shalt  }
0x68: {  	_ =	shalt  }
0x69: {  	_ =	shalt  }
0x6a: {  	_ =	shalt  }
0x6b: {  	_ =	shalt  }
0x6c: {  	_ =	shalt  }
0x6d: {  	_ =	shalt  }
0x6e: {  	_ =	shalt  }
0x6f: {  	_ =	shalt  }
0x70: {  	_ =	shalt  }
0x71: {  	_ =	shalt  }
0x72: {  	_ =	shalt  }
0x73: {  	_ =	shalt  }
0x74: {  	_ =	shalt  }
0x75: {  	_ =	shalt  }
0x76: {  	_ =	shalt  }
0x77: {  	_ =	shalt  }
0x78: {  	_ =	shalt  }
0x79: {  	_ =	shalt  }
0x7a: {  	_ =	shalt  }
0x7b: {  	_ =	shalt  }
0x7c: {  	_ =	shalt  }
0x7d: {  	_ =	shalt  }
0x7e: {  	_ =	shalt  }
0x7f: {  	_ =	shalt  }
0x80: {  	_ =	shalt  }
0x81: {  	_ =	shalt  }
0x82: {  	_ =	shalt  }
0x83: {  	_ =	shalt  }
0x84: {  	_ =	shalt  }
0x85: {  	_ =	shalt  }
0x86: {  	_ =	shalt  }
0x87: {  	_ =	shalt  }
.Lfunc_end0:
.L_simem_size_0:
called_computation.1_lowered:
.L_overlay_start_0:
0x88: {  	s2 =	sld [smem:$0x3FD9]  }
0x89: {  	s3 =	sld [smem:$0x3FFE];
	_ =	sdelay $0x1  }
0x8a: {  	s1 =	srdreg.scid  }
0x8b: {  	s0 =	sand.u32 $0x1, s1  }
0x8c: {  	s17 =	sshll.u32 s0, $0xA;
	s2 =	sadd.s32 s3, s2  }
0x8d: {  	s2 =	sadd.s32 s2, s17  }
0x8e: {  	[smem:$0x3FB7] =	sst s2  }
0x8f: {  	_ = 	snop  }
0x90: {  	s2 =	sld [smem:$0x3FC7];
	(tm) =	ssettm $0x1  }
0x91: {  	s18 =	sld [smem:$0x3FFB];
	_ =	sdelay $0x3  }
0x92: {  	_ =	strace s18  }
0x93: {  	s3 =	sld [smem:$0x3FFC];
	_ =	sdelay $0x3  }
0x94: {  	_ =	strace s3  }
0x95: {  	s3 =	sld [smem:$0x3FFD];
	_ =	sdelay $0x3  }
0x96: {  	_ =	strace s3  }
0x97: {  	_ =	strace $0x8FFFFFFF  }
0x98: {  	s19 =	sld [smem:$0x3FDB];
	_ =	sdelay $0x1  }
0x99: {  	s4 =	simm.s32 $_scs_section_size  }
0x9a: {  	s5 =	simm.s32 $_size__tile_overlayer_lowered;
	s6 =	simm.s32 $_tile_overlayer_lowered  }
0x9b: {  	s22 =	simm.s32 $0x1BFF;
	s21 =	sshll.u32 s6, $0x1;
	s3 =	sadd.s32 s4, s19  }
0x9c: {  	s7 =	simm.s32 $0x0;
	s20 =	sshll.u32 s5, $0x1;
	s5 =	sadd.s32 s21, s3  }
0x9d: {  	[timem:s7], [sflag:s22] =	dma.local [hbm:s5], s20  }
0x9e: {  	_ =	swait.ge [sflag:s22], s20  }
0x9f: {  	s4 =	ssub.s32 $0x0, s20;
	[sflag:s22] =	ssyncset.done $0x0  }
0xa0: {  	[sflag:s22] =	ssyncadd.s32 s4;
	_ =	sdelay $0x1  }
0xa1: {  	s23 =	simm.s32 $0x1B8B  }
0xa2: {  	_ =	swait.ge [sflag:s23], $0x1  }
0xa3: {  	[sflag:s23] =	ssyncset.done $0x0  }
0xa4: {  	s25 =	simm.s32 $0x1B8E;
	s24 =	sld [smem:$0x3FFE];
	[sflag:s23] =	ssyncadd.s32 $0xFFFFFFFF  }
0xa5: {  	s26 =	simm.s32 $execute0_lowered;
	[smem:$0x3FD2] =	sst s25  }
0xa6: {  	s5 =	sshll.u32 s26, $0x1;
	_ =	strace $0x80000049;
	[dreg:$0x1] =	wrdreg $0xFFFFFFFF  }
0xa7: {  	s28 =	simm.s32 $_size_execute0_lowered;
	s3 =	sadd.s32 s3, s5;
	[dreg:$0x0] =	wrdreg $0x0  }
0xa8: {  	s5 =	sshll.u32 s28, $0x1;
	[dreg:$0x2] =	wrdreg s3  }
0xa9: {  	[dreg:$0x3] =	wrdreg s5  }
0xaa: {  	[dreg:$0x4] =	wrdreg $0xC0  }
0xab: {  	_ =	task [dreg:s7], $0x5FFFF  }
0xac: {  	[dreg:$0x1] =	wrdreg $0xFFFFFFFF  }
0xad: {  	[dreg:$0x0] =	wrdreg $0x60  }
0xae: {  	[dreg:$0x2] =	wrdreg s24  }
0xaf: {  	[dreg:$0x3] =	wrdreg s2  }
0xb0: {  	[dreg:$0x4] =	wrdreg $0xA8800  }
0xb1: {  	[dreg:$0x5] =	wrdreg $0x9  }
0xb2: {  	_ =	task.clear_ibuf [dreg:s7], $0x6FFFF;
	_ =	strace $0x90000049  }
0xb3: {  	s29 =	simm.s32 $0x9;
	_ =	strace $0x8000004B  }
0xb4: {  	_ =	swait.ge [sflag:s29], $0x1  }
0xb5: {  	[sflag:s29] =	ssyncadd.s32 $0xFFFFFFFF  }
0xb6: {  	_ =	strace $0x9000004B  }
0xb7: {  	_ =	sfence  }
0xb8: {  	s30 =	sld [smem:$0x0];
	_ =	sdelay $0x2  }
0xb9: {  	s31 =	sshll.u32 s1, $0xD;
	s1 =	sshrl.u32 s1, $0x2  }
0xba: {  	s3 =	sand.u32 $0x4000, s31;
	s1 =	sadd.s32 s1, s30  }
0xbb: {  	s0 =	sor.u32 s3, s0;
	s1 =	sshll.u32 s1, $0x11  }
0xbc: {  	s0 =	sor.u32 s1, s0  }
0xbd: {  	s0 =	sadd.s32 $0x8F2B, s0  }
0xbe: {  	[sflag:s0] =	ssyncadd.remote.s32 $0x1  }
0xbf: {  	_ =	sfence.sel $0xFFFF  }
0xc0: {  	[dreg:$0x0] =	wrdreg $0xFFFFFFFF;
	(pc) =	sbr.abs _section_cstart, $3  }
0xc1: {  	[dreg:$0x1] =	wrdreg $0xFFFFFFFF  }
0xc2: {  	_ =	task.clear_ibuf [dreg:s7], $0x2FFFF;
	_ =	strace $0x9FFFFFFF  }
0xc3: {  	(tm) =	ssettm $0x7FFFFFFF  }
tec
execute0_lowered:
.L_overlay_start_1:
0x0: {  	(tag) =	ssettag $0x1  }
0x1: {  	s0 =	rddreg [dreg:$0x0]  }
0x2: {  	s1 =	rddreg [dreg:$0x1]  }
0x3: {  	s2 =	rddreg [dreg:$0x2];
	s3 =	simm.s32 $0x0  }
0x4: {  	s4 =	srdreg.scid;
	s28 =	stileid.u32;
	s29 =	simm.s32 $0x8080  }
0x5: {  	s30 =	simm.s32 $0x2;
	s31 =	simm.s32 $0x1;
	[smem:$0x7FF] =	sst s3  }
0x6: {  	s4 =	sand.u32 $0x1, s4;
	s5 =	sadd.s32 $0x38000, s0;
	s8 =	smul.u32 $0x13800, s28  }
0x7: {  	s26 =	smul.u32 $0x4E000, s28;
	p0 =	sne.s32 s28, $0x0;
	_ =	strace $0x8000004A  }
0x8: {  	s6 =	sshll.u32 s4, $0x4;
	s9 =	ssub.s32 $0x2, s4;
	s4 =	smul.u32 $0x138800, s4  }
0x9: {  	s7 =	sor.u32 s28, s6;
	s12 =	sshrl.u32 s9, $0x1;
	s11 =	sadd.s32 $0x11800, s8  }
0xa: {  	s22 =	sadd.s32 $0x5000, s8;
	s23 =	sadd.s32 $0x7800, s8;
	s24 =	sadd.s32 $0xA000, s8  }
0xb: {  	s25 =	sadd.s32 $0xC800, s8;
	s28 =	sadd.s32 $0x138000, s2;
	s6 =	sshll.u32 s7, $0xB  }
0xc: {  	s9 =	ssub.s32 s9, s12;
	s12 =	sadd.s32 s4, s11;
	s14 =	sshrl.u32 s4, $0x3  }
0xd: {  	s19 =	sadd.s32 s4, s24;
	s20 =	sadd.s32 s4, s25;
	s24 =	sadd.s32 s24, s2  }
0xe: {  	s25 =	sadd.s32 s25, s2;
	s10 =	sadd.s32 s6, s0;
	s0 =	sadd.s32 $0x5F200, s0  }
0xf: {  	s6 =	sadd.s32 s11, s2;
	s13 =	sshrl.u32 s12, $0x3;
	s12 =	sadd.s32 $0x2800, s8  }
0x10: {  	s21 =	sshrl.u32 s20, $0x3;
	s11 =	sadd.s32 s0, s13;
	s13 =	sadd.s32 s4, s8  }
0x11: {  	s8 =	sadd.s32 $0xF000, s8;
	s15 =	sadd.s32 s4, s12;
	[dreg:$0x4] =	wrdreg s11  }
0x12: {  	s11 =	sadd.s32 s0, s14;
	s13 =	sshrl.u32 s13, $0x3;
	s14 =	sadd.s32 s4, s22  }
0x13: {  	s22 =	sadd.s32 s22, s2;
	s13 =	sadd.s32 s0, s13;
	s16 =	sshrl.u32 s14, $0x3  }
0x14: {  	[dreg:$0x5] =	wrdreg s13;
	s13 =	sshrl.u32 s15, $0x3;
	s15 =	sadd.s32 s4, s23  }
0x15: {  	s4 =	sadd.s32 s4, s8;
	s23 =	sadd.s32 s23, s2;
	s13 =	sadd.s32 s0, s13  }
0x16: {  	s17 =	sshrl.u32 s15, $0x3;
	s4 =	sshrl.u32 s4, $0x3;
	s15 =	sadd.s32 $0x28000, s10  }
0x17: {  	[dreg:$0x6] =	wrdreg s13;
	s13 =	sadd.s32 s0, s16;
	s18 =	sadd.s32 s0, s17  }
0x18: {  	s14 =	sadd.s32 s0, s4;
	s16 =	sadd.s32 $0x18000, s10;
	s17 =	smul.u32 $0x2710, s7  }
0x19: {  	s4 =	simm.s32 $0x50;
	[dreg:$0x7] =	wrdreg s13;
	s13 =	sshrl.u32 s19, $0x3  }
0x1a: {  	[dreg:$0x8] =	wrdreg s18;
	s18 =	sadd.s32 $0x27000, s11;
	s13 =	sadd.s32 s0, s13  }
0x1b: {  	s19 =	smax.u32 s9, $0x1;
	[dreg:$0x9] =	wrdreg s13;
	s13 =	sadd.s32 s0, s21  }
0x1c: {  	s0 =	sshrl.u32 s26, $0x2;
	s21 =	sadd.s32 s12, s2;
	s26 =	sadd.s32 s8, s2  }
0x1d: {  	v0 =	vimm.f32 $0.0e+00;
	[dreg:$0xa] =	wrdreg s13;
	s20 =	sadd.s32 s0, s2;
	s0 =	simm.s32 $0x8000  }
.LBB2_1:
0x1e: {  	s7 =	simm.s32 $0x0;
	s8 =	simm.s32 $0x200  }
.LBB2_2:
0x1f: {  	p1 =	sne.s32 s8, $0x9E00;
	[tilespmem:s7+$0x80F0] =	vst v0  }
0x20: {  	[tilespmem:s7+$0x8080] =	vst v0  }
0x21: {  	[tilespmem:s7+$0x8090] =	vst v0  }
.Ltmp0:
0x22: {  	[tilespmem:s7+$0x80A0] =	vst v0;
	(pc) =	sbr.rel @p1 .LBB2_2-.Ltmp0, $4  }
0x23: {  	[tilespmem:s7+$0x80B0] =	vst v0  }
0x24: {  	[tilespmem:s7+$0x80C0] =	vst v0  }
0x25: {  	[tilespmem:s7+$0x80D0] =	vst v0  }
0x26: {  	[tilespmem:s7+$0x80E0] =	vst v0;
	s7 =	sshra.s32 s8, $0x2;
	s8 =	sadd.s32 $0x200, s8  }
0x27: {  	[tilespmem:s7+$0x80F0] =	vst v0  }
0x28: {  	[tilespmem:s7+$0x8080] =	vst v0  }
0x29: {  	[tilespmem:s7+$0x8090] =	vst v0  }
0x2a: {  	[tilespmem:s7+$0x80A0] =	vst v0  }
0x2b: {  	[tilespmem:s7+$0x80B0] =	vst v0  }
0x2c: {  	[tilespmem:s7+$0x80C0] =	vst v0  }
0x2d: {  	[tilespmem:s7+$0x80D0] =	vst v0  }
0x2e: {  	[tilespmem:s7+$0x80E0] =	vst v0  }
0x2f: {  	[spmem:s20] =	stream.linear.scatter [tilespmem:s29], [sflag:$0x2], $0x2800, $0x38;
	[tilespmem:$0x1E100] =	vst v63  }
0x30: {  	_ =	swait.ge [sflag:s30], $0x2800  }
0x31: {  	[sflag:s30] =	ssyncset.done $0x0  }
0x32: {  	[sflag:s30] =	ssyncadd.s32 $0xFFFFD800  }
0x33: {  	[spmem:s21] =	stream.linear.scatter [tilespmem:s29], [sflag:$0x2], $0x2800, $0x38;
	[tilespmem:$0x1E100] =	vst v63  }
0x34: {  	_ =	swait.ge [sflag:s30], $0x2800  }
0x35: {  	[sflag:s30] =	ssyncset.done $0x0  }
0x36: {  	[sflag:s30] =	ssyncadd.s32 $0xFFFFD800  }
0x37: {  	[spmem:s22] =	stream.linear.scatter [tilespmem:s29], [sflag:$0x2], $0x2800, $0x38;
	[tilespmem:$0x1E100] =	vst v63  }
0x38: {  	_ =	swait.ge [sflag:s30], $0x2800  }
0x39: {  	[sflag:s30] =	ssyncset.done $0x0  }
0x3a: {  	[sflag:s30] =	ssyncadd.s32 $0xFFFFD800  }
0x3b: {  	[spmem:s23] =	stream.linear.scatter [tilespmem:s29], [sflag:$0x2], $0x2800, $0x38;
	[tilespmem:$0x1E100] =	vst v63  }
0x3c: {  	_ =	swait.ge [sflag:s30], $0x2800  }
0x3d: {  	[sflag:s30] =	ssyncset.done $0x0  }
0x3e: {  	[sflag:s30] =	ssyncadd.s32 $0xFFFFD800  }
0x3f: {  	[spmem:s24] =	stream.linear.scatter [tilespmem:s29], [sflag:$0x2], $0x2800, $0x38;
	[tilespmem:$0x1E100] =	vst v63  }
0x40: {  	_ =	swait.ge [sflag:s30], $0x2800  }
0x41: {  	[sflag:s30] =	ssyncset.done $0x0  }
0x42: {  	[sflag:s30] =	ssyncadd.s32 $0xFFFFD800  }
0x43: {  	[spmem:s25] =	stream.linear.scatter [tilespmem:s29], [sflag:$0x2], $0x2800, $0x38;
	[tilespmem:$0x1E100] =	vst v63  }
0x44: {  	_ =	swait.ge [sflag:s30], $0x2800  }
0x45: {  	[sflag:s30] =	ssyncset.done $0x0  }
0x46: {  	[sflag:s30] =	ssyncadd.s32 $0xFFFFD800  }
0x47: {  	[spmem:s26] =	stream.linear.scatter [tilespmem:s29], [sflag:$0x2], $0x2800, $0x38;
	[tilespmem:$0x1E100] =	vst v63  }
0x48: {  	_ =	swait.ge [sflag:s30], $0x2800  }
0x49: {  	[sflag:s30] =	ssyncset.done $0x0  }
0x4a: {  	[sflag:s30] =	ssyncadd.s32 $0xFFFFD800  }
0x4b: {  	[spmem:s6] =	stream.linear.scatter [tilespmem:s29], [sflag:$0x2], $0x2000, $0x38;
	[tilespmem:$0x1E100] =	vst v63  }
0x4c: {  	_ =	swait.ge [sflag:s30], $0x2000  }
0x4d: {  	[sflag:s30] =	ssyncset.done $0x0  }
0x4e: {  	s7 =	simm.s32 @!p0 $0x8080;
	[sflag:s30] =	ssyncadd.s32 $0xFFFFE000  }
0x4f: {  	[spmem:s28] =	stream.linear.scatter @!p0 [tilespmem:s7], [sflag:$0x2], $0x800, $0x38;
	[tilespmem:$0x1E100] =	vst v63  }
0x50: {  	s7 =	simm.s32 @!p0 $0x2  }
0x51: {  	_ =	swait.ge @!p0 [sflag:s7], $0x800  }
0x52: {  	[sflag:s7] =	ssyncset.done @!p0 $0x0  }
0x53: {  	[sflag:s7] =	ssyncadd.s32 @!p0 $0xFFFFF800;
	s7 =	simm.s32 $0x0  }
0x54: {  	[tilespmem:s7], [sflag:$0x2] =	stream.linear.gather [hbm4b:s15+s7], $0x3E80, $0x38;
	[tilespmem:$0x1E100] =	vst v63  }
0x55: {  	_ =	swait.ge [sflag:s30], $0x3E80  }
0x56: {  	[sflag:s30] =	ssyncset.done $0x0  }
0x57: {  	s8 =	simm.s32 $0x4000;
	[sflag:s30] =	ssyncadd.s32 $0xFFFFC180  }
0x58: {  	[tilespmem:s8], [sflag:$0x2] =	stream.linear.gather [hbm4b:s16+s7], $0x3E80, $0x38;
	[tilespmem:$0x1E100] =	vst v63  }
0x59: {  	_ =	swait.ge [sflag:s30], $0x3E80  }
0x5a: {  	[sflag:s30] =	ssyncset.done $0x0  }
0x5b: {  	[sflag:s30] =	ssyncadd.s32 $0xFFFFC180  }
0x5c: {  	s8 =	simm.s32 $0x0;
	[bflag:$0x0] =	sbarrier.arrive $0xFFFF  }
.LBB2_4:
0x5d: {  	s9 =	smul.u32 $0x50, s8;
	_ =	sdelay $0x1  }
0x5e: {  	s9 =	sadd.s32 s17, s9  }
0x5f: {  	s9 =	sshrl.u32 s9, $0x3  }
0x60: {  	s9 =	sadd.s32 s1, s9  }
0x61: {  	[tilespmem:s0], [sflag:$0x2] =	stream.linear.gather [hbm4b:s9+s7], $0x50, $0x38;
	[tilespmem:$0x1E100] =	vst v63  }
0x62: {  	_ =	swait.ge [sflag:s30], $0x50  }
0x63: {  	[sflag:s30] =	ssyncset.done $0x0  }
0x64: {  	s9 =	sshll.u32 s8, $0x7;
	[sflag:s30] =	ssyncadd.s32 $0xFFFFFFB0  }
0x65: {  	[tilespmem:s29], [sflag:$0x1] =	stream.indirect.gather [hbm4b:s5+s4], $0x80, s9, s4, $0xb8;
	[tilespmem:$0x1E100] =	vst v63  }
0x66: {  	_ =	swait.ge [sflag:s31], $0x2800  }
0x67: {  	v1 =	vmov s7;
	[sflag:s31] =	ssyncset.done $0x0  }
0x68: {  	s10 =	simm.s32 $0x80C0;
	[sflag:s31] =	ssyncadd.s32 $0xFFFFD800  }
0x69: {  	v5 =	vld [tilespmem:s10+$0x30]  }
0x6a: {  	v8 =	vld [tilespmem:s10+$0x10]  }
0x6b: {  	v6 =	vld [tilespmem:s10+$0xFFFFFFC0]  }
0x6c: {  	v2 =	vld.idx.msk [tilespmem:v1+s0+$0x0], $0xffff  }
0x6d: {  	v10 =	vld [tilespmem:s10+$0xFFFFFFE0]  }
0x6e: {  	v1 =	vld [tilespmem:s10+$0xFFFFFFF0]  }
0x6f: {  	v3 =	vld [tilespmem:s10+$0x20]  }
0x70: {  	v4 =	vld [tilespmem:s10+$0xFFFFFFD0]  }
0x71: {  	v9 =	vmul.f32 v5, v2;
	v5 =	vld [tilespmem:s10+$0x0]  }
0x72: {  	v7 =	vmul.f32 v6, v2  }
0x73: {  	s11 =	simm.s32 $0x1;
	s12 =	simm.s32 $0x80C0;
	v6 =	vmul.f32 v10, v2;
	v8 =	vmul.f32 v8, v2  }
.LBB2_5:
0x74: {  	p1 =	sne.s32 s11, $0x4F  }
0x75: {  	v4 =	vmul.f32 v4, v2;
	v3 =	vmul.f32 v3, v2;
	[tilespmem:s10+$0x30] =	vst v9;
	s12 =	sadd.s32 $0x80, s12;
	s13 =	smov.u32 s11;
	s11 =	sadd.s32 $0x1, s11  }
0x76: {  	[tilespmem:s10+$0xFFFFFFC0] =	vst v7;
	v7 =	vmul.f32 v1, v2;
	v2 =	vmul.f32 v5, v2  }
0x77: {  	[tilespmem:s10+$0x10] =	vst v8  }
0x78: {  	v5 =	vmov s13;
	[tilespmem:s10+$0xFFFFFFE0] =	vst v6  }
0x79: {  	v1 =	vld [tilespmem:s12+$0xFFFFFFF0];
	[tilespmem:s10+$0xFFFFFFF0] =	vst v7  }
0x7a: {  	v6 =	vld [tilespmem:s12+$0x30];
	[tilespmem:s10+$0x0] =	vst v2  }
0x7b: {  	v8 =	vld [tilespmem:s12+$0x10];
	[tilespmem:s10+$0x20] =	vst v3  }
0x7c: {  	v7 =	vld [tilespmem:s12+$0xFFFFFFC0];
	[tilespmem:s10+$0xFFFFFFD0] =	vst v4;
	s10 =	smov.u32 s12  }
0x7d: {  	v2 =	vld.idx.msk [tilespmem:v5+s0+$0x0], $0xffff  }
0x7e: {  	v10 =	vld [tilespmem:s12+$0xFFFFFFE0]  }
0x7f: {  	v3 =	vld [tilespmem:s12+$0x20]  }
.Ltmp1:
0x80: {  	v4 =	vld [tilespmem:s12+$0xFFFFFFD0];
	(pc) =	sbr.rel @p1 .LBB2_5-.Ltmp1, $3  }
0x81: {  	v5 =	vld [tilespmem:s12+$0x0];
	_ =	sdelay $0x1  }
0x82: {  	v7 =	vmul.f32 v7, v2;
	v9 =	vmul.f32 v6, v2  }
0x83: {  	v8 =	vmul.f32 v8, v2;
	v6 =	vmul.f32 v10, v2  }
0x84: {  	[tilespmem:s10+$0x30] =	vst v9  }
0x85: {  	[tilespmem:s10+$0xFFFFFFC0] =	vst v7  }
0x86: {  	v1 =	vmul.f32 v1, v2;
	[tilespmem:s10+$0x10] =	vst v8  }
0x87: {  	v3 =	vmul.f32 v3, v2;
	[tilespmem:s10+$0xFFFFFFE0] =	vst v6  }
0x88: {  	v5 =	vmul.f32 v5, v2;
	[tilespmem:s10+$0xFFFFFFF0] =	vst v1  }
0x89: {  	s8 =	sadd.s32 $0x1, s8;
	v1 =	vmul.f32 v4, v2;
	[tilespmem:s10+$0x20] =	vst v3  }
0x8a: {  	p1 =	sne.s32 s8, $0x7D;
	[tilespmem:s10+$0x0] =	vst v5  }
.Ltmp2:
0x8b: {  	s9 =	sadd.s32 $0x4000, s9;
	[tilespmem:s10+$0xFFFFFFD0] =	vst v1;
	(pc) =	sbr.rel @p1 .LBB2_4-.Ltmp2, $4  }
0x8c: {  	[spmem:s2] =	stream.indirect.scatter.add.f32 [tilespmem:s29], [sflag:$0x2], $0x80, s9, s4, $0xb8;
	[tilespmem:$0x1E100] =	vst v63  }
0x8d: {  	_ =	swait.ge [sflag:s30], $0x2800  }
0x8e: {  	[sflag:s30] =	ssyncset.done $0x0  }
0x8f: {  	[sflag:s30] =	ssyncadd.s32 $0xFFFFD800  }
0x90: {  	s7 =	stileid.u32  }
0x91: {  	[bflag:$0x0] =	sbarrier.arrive $0xFFFF;
	s7 =	sshll.u32 s7, $0x6  }
0x92: {  	s8 =	sshrl.u32 s20, $0x3;
	s9 =	rddreg [dreg:$0x5];
	s7 =	sor.u32 $0x1C02, s7  }
0x93: {  	[hbm:s9], [sflag:s7] =	dma.local [spmem:s8], $0x500  }
0x94: {  	_ =	swait.ge [sflag:s30], $0x500  }
0x95: {  	[sflag:s30] =	ssyncset.done $0x0  }
0x96: {  	s10 =	sshrl.u32 s21, $0x3;
	s11 =	rddreg [dreg:$0x6];
	[sflag:s30] =	ssyncadd.s32 $0xFFFFFB00  }
0x97: {  	[hbm:s11], [sflag:s7] =	dma.local [spmem:s10], $0x500  }
0x98: {  	_ =	swait.ge [sflag:s30], $0x500  }
0x99: {  	[sflag:s30] =	ssyncset.done $0x0  }
0x9a: {  	s12 =	sshrl.u32 s22, $0x3;
	s13 =	rddreg [dreg:$0x7];
	[sflag:s30] =	ssyncadd.s32 $0xFFFFFB00  }
0x9b: {  	[hbm:s13], [sflag:s7] =	dma.local [spmem:s12], $0x500  }
0x9c: {  	_ =	swait.ge [sflag:s30], $0x500  }
0x9d: {  	[sflag:s30] =	ssyncset.done $0x0  }
0x9e: {  	s10 =	sshrl.u32 s23, $0x3;
	s11 =	rddreg [dreg:$0x8];
	[sflag:s30] =	ssyncadd.s32 $0xFFFFFB00  }
0x9f: {  	[hbm:s11], [sflag:s7] =	dma.local [spmem:s10], $0x500  }
0xa0: {  	_ =	swait.ge [sflag:s30], $0x500  }
0xa1: {  	[sflag:s30] =	ssyncset.done $0x0  }
0xa2: {  	s12 =	sshrl.u32 s24, $0x3;
	s13 =	rddreg [dreg:$0x9];
	[sflag:s30] =	ssyncadd.s32 $0xFFFFFB00  }
0xa3: {  	[hbm:s13], [sflag:s7] =	dma.local [spmem:s12], $0x500  }
0xa4: {  	_ =	swait.ge [sflag:s30], $0x500  }
0xa5: {  	[sflag:s30] =	ssyncset.done $0x0  }
0xa6: {  	s9 =	sshrl.u32 s25, $0x3;
	s10 =	rddreg [dreg:$0xa];
	[sflag:s30] =	ssyncadd.s32 $0xFFFFFB00  }
0xa7: {  	[hbm:s10], [sflag:s7] =	dma.local [spmem:s9], $0x500  }
0xa8: {  	_ =	swait.ge [sflag:s30], $0x500  }
0xa9: {  	[sflag:s30] =	ssyncset.done $0x0  }
0xaa: {  	s11 =	sshrl.u32 s26, $0x3;
	[sflag:s30] =	ssyncadd.s32 $0xFFFFFB00  }
0xab: {  	[hbm:s14], [sflag:s7] =	dma.local [spmem:s11], $0x500  }
0xac: {  	_ =	swait.ge [sflag:s30], $0x500  }
0xad: {  	[sflag:s30] =	ssyncset.done $0x0  }
0xae: {  	s12 =	sshrl.u32 s6, $0x3;
	s13 =	rddreg [dreg:$0x4];
	[sflag:s30] =	ssyncadd.s32 $0xFFFFFB00  }
0xaf: {  	[hbm:s13], [sflag:s7] =	dma.local [spmem:s12], $0x400  }
0xb0: {  	_ =	swait.ge [sflag:s30], $0x400  }
0xb1: {  	s3 =	sadd.s32 $0x1, s3;
	[sflag:s30] =	ssyncset.done $0x0  }
0xb2: {  	p1 =	sne.s32 s3, s19;
	s8 =	sshrl.u32 @!p0 s28, $0x3;
	[sflag:s30] =	ssyncadd.s32 $0xFFFFFC00  }
0xb3: {  	[hbm:s18], [sflag:s7] =	dma.local @!p0 [spmem:s8], $0x100  }
.Ltmp3:
0xb4: {  	_ = 	snop;
	(pc) =	sbr.rel @p1 .LBB2_1-.Ltmp3, $4  }
0xb5: {  	s7 =	simm.s32 @!p0 $0x2  }
0xb6: {  	_ =	swait.ge @!p0 [sflag:s7], $0x100  }
0xb7: {  	[sflag:s7] =	ssyncset.done @!p0 $0x0  }
0xb8: {  	[sflag:s7] =	ssyncadd.s32 @!p0 $0xFFFFFF00  }
0xb9: {  	_ =	sfence.sel $0x180000  }
0xba: {  	[bflag:$0x0] =	sbarrier.arrive $0xFFFF  }
0xbb: {  	_ =	strace $0x9000004A  }
0xbc: {  	[bflag:$0x2] =	sbarrier.arrive $0xFFFF  }
0xbd: {  	s0 =	rddreg [dreg:$0x3]  }
0xbe: {  	s0 =	sadd.s32 @!p0 $0x100000, s0  }
0xbf: {  	[sflag:s0] =	ssyncadd.tile.s32 @!p0 $0x1;
	_ =	shalt  }
.Lfunc_end2:
_tile_overlayer_lowered:
.L_overlay_start_2:
0xc0: {  	(tag) =	ssettag $0x2  }
0xc1: {  	s0 =	rddreg [dreg:$0x0];
	s2 =	stileid.u32  }
0xc2: {  	s1 =	rddreg [dreg:$0x1];
	p0 =	sne.s32 s2, $0x0  }
0xc3: {  	s3 =	rddreg [dreg:$0x2];
	[bflag:$0x3] =	sbarrier.arrive $0xFFFF;
	s2 =	simm.s32 @!p0 $0x1C02  }
0xc4: {  	[timem:s3], [sflag:s2] =	dma.local @!p0 [hbm:s0], s1  }
0xc5: {  	s0 =	simm.s32 @!p0 $0x2  }
0xc6: {  	_ =	swait.ge @!p0 [sflag:s0], s1  }
0xc7: {  	s1 =	ssub.s32 @!p0 $0x0, s1;
	[sflag:s0] =	ssyncset.done @!p0 $0x0  }
0xc8: {  	[sflag:s0] =	ssyncadd.s32 @!p0 s1  }
0xc9: {  	[bflag:$0x3] =	sbarrier.arrive $0xFFFF  }
0xca: {  	_ =	shalt  }

// kernel: kernel.26.cloned.1.call-start
scs
__scs_entry_jumppad:
0x0: {  	(pc) =	sbr.rel $0x88, $3  }
0x1: {  	(tag) =	ssettag $0x0;
	lr =	simm.s32 $0x1  }
0x2: {  	[smem:$0x3F90] =	sst lr;
	_ =	strace $0xD0000000  }
0x3: {  	_ = 	snop  }
0x4: {  	_ = 	snop  }
0x5: {  	_ = 	snop  }
0x6: {  	_ = 	snop  }
0x7: {  	_ = 	snop  }
__scs_overlays_trampoline_lowered:
0x8: {  	[smem:$0x3F9F] =	sst s0  }
0x9: {  	[smem:$0x3FA0] =	sst s1  }
0xa: {  	[smem:$0x3FA1] =	sst s2  }
0xb: {  	[smem:$0x3FA2] =	sst s3  }
0xc: {  	[smem:$0x3FA3] =	sst s4  }
0xd: {  	[smem:$0x3FA4] =	sst s5  }
0xe: {  	[smem:$0x3FA5] =	sst s6  }
0xf: {  	[smem:$0x3FA6] =	sst s7  }
0x10: {  	[smem:$0x3FA7] =	sst s8  }
0x11: {  	[smem:$0x3FA8] =	sst s9;
	s0 =	simm.s32 @!p0 $0x0  }
0x12: {  	s1 =	sld [smem:$0x3F8E];
	s0 =	simm.s32 @p0 $0x1  }
0x13: {  	[smem:$0x3FA9] =	sst s0;
	s0 =	simm.s32 @!p1 $0x0  }
0x14: {  	s2 =	sld [smem:$0x3F8D];
	s0 =	simm.s32 @p1 $0x1  }
0x15: {  	[smem:$0x3FAA] =	sst s0;
	s0 =	simm.s32 @!p2 $0x0  }
0x16: {  	s3 =	sld [smem:$0x3FDB];
	s0 =	simm.s32 @p2 $0x1  }
0x17: {  	s4 =	simm.s32 $0x1BF5;
	[smem:$0x3FAC] =	sst s0  }
0x18: {  	s0 =	sld [smem:$0x3F8F];
	_ =	swait.ge [sflag:s4], $0x0  }
0x19: {  	s7 =	sld [smem:$0x3F90]  }
0x1a: {  	s8 =	sadd.s32 $0xFFFFE003, lr  }
0x1b: {  	s9 =	sadd.s32 $0xFFFFFEF7, lr;
	s5 =	simm.s32 $0xFFFFFFFF;
	p2 =	slt.u32 s8, $0xFFFFF086  }
0x1c: {  	p1 =	slt.u32 s9, $0xF7A;
	s5 =	simm.s32 @!p2 $0x0  }
0x1d: {  	s5 =	simm.s32 @p1 $0x1;
	p0 =	seq.s32 s7, s2  }
0x1e: {  	s7 =	smul.u32 @!p0 $0xF7A, s2;
	p2 =	seq.s32 @!p0 s5, $0x0  }
0x1f: {  	s9 =	smul.u32 $0xF7A, s1;
	s8 =	simm.s32 @!p0 $0x1BF5;
	p2 =	por !p2, p0  }
0x20: {  	[sflag:s8] =	ssyncset.s32 @!p0 $0xFFFFF086;
	s6 =	sadd.s32 @!p0 s3, s7;
	s7 =	simm.s32 @!p0 $0x108  }
0x21: {  	s3 =	sadd.s32 s3, s9;
	s6 =	sadd.s32 @!p0 $0x88, s6;
	s7 =	simm.s32 @p2 $0x1082  }
0x22: {  	[simem:s7], [sflag:s8] =	dma.local @!p0 [hbm:s6], $0xF7A  }
0x23: {  	s9 =	sor.u32 $0xD0000000, s2;
	s6 =	simm.s32 $0x108;
	_ =	swait.ge @!p0 [sflag:s8], $0x0  }
0x24: {  	s3 =	sadd.s32 $0x88, s3;
	s6 =	simm.s32 @!p1 $0x1082;
	[sflag:s4] =	ssyncset.s32 $0xFFFFF086  }
0x25: {  	[simem:s6], [sflag:s4] =	dma.local [hbm:s3], $0xF7A  }
0x26: {  	[smem:$0x3F90] =	sst s1;
	(tag) =	ssettag s2;
	_ =	strace s9  }
0x27: {  	s1 =	sld [smem:$0x3FA0]  }
0x28: {  	s2 =	sld [smem:$0x3FA1]  }
0x29: {  	s4 =	sld [smem:$0x3FA3]  }
0x2a: {  	p0 =	seq.s32 s5, $0x0;
	s5 =	sld [smem:$0x3FA4]  }
0x2b: {  	s6 =	sld [smem:$0x3FA5]  }
0x2c: {  	s7 =	sld [smem:$0x3FA6]  }
0x2d: {  	s3 =	simm.s32 $0x108;
	s8 =	sld [smem:$0x3FA7]  }
0x2e: {  	s3 =	simm.s32 @!p0 $0x1082;
	s9 =	sld [smem:$0x3FA8]  }
0x2f: {  	lr =	sadd.s32 s0, s3;
	s0 =	sld [smem:$0x3F9F]  }
0x30: {  	s3 =	sld [smem:$0x3FA2]  }
0x31: {  	[smem:$0x3FAB] =	sst s10  }
0x32: {  	s10 =	sld [smem:$0x3FA9];
	_ =	sdelay $0x3  }
0x33: {  	p0 =	seq.s32 s10, $0x1;
	s10 =	sld [smem:$0x3FAB];
	_ =	sdelay $0x3  }
0x34: {  	[smem:$0x3FAB] =	sst s10  }
0x35: {  	s10 =	sld [smem:$0x3FAA];
	_ =	sdelay $0x3  }
0x36: {  	p1 =	seq.s32 s10, $0x1;
	s10 =	sld [smem:$0x3FAB];
	_ =	sdelay $0x3  }
0x37: {  	[smem:$0x3FAB] =	sst s10  }
0x38: {  	s10 =	sld [smem:$0x3FAC]  }
0x39: {  	_ = 	snop;
	(pc) =	sbr.ind lr, $3  }
0x3a: {  	_ = 	snop  }
0x3b: {  	_ = 	snop  }
0x3c: {  	p2 =	seq.s32 s10, $0x1;
	s10 =	sld [smem:$0x3FAB]  }
0x3d: {  	_ =	shalt  }
0x3e: {  	_ =	shalt  }
0x3f: {  	_ =	shalt  }
0x40: {  	_ =	shalt  }
0x41: {  	_ =	shalt  }
0x42: {  	_ =	shalt  }
0x43: {  	_ =	shalt  }
0x44: {  	_ =	shalt  }
0x45: {  	_ =	shalt  }
0x46: {  	_ =	shalt  }
0x47: {  	_ =	shalt  }
0x48: {  	_ =	shalt  }
0x49: {  	_ =	shalt  }
0x4a: {  	_ =	shalt  }
0x4b: {  	_ =	shalt  }
0x4c: {  	_ =	shalt  }
0x4d: {  	_ =	shalt  }
0x4e: {  	_ =	shalt  }
0x4f: {  	_ =	shalt  }
0x50: {  	_ =	shalt  }
0x51: {  	_ =	shalt  }
0x52: {  	_ =	shalt  }
0x53: {  	_ =	shalt  }
0x54: {  	_ =	shalt  }
0x55: {  	_ =	shalt  }
0x56: {  	_ =	shalt  }
0x57: {  	_ =	shalt  }
0x58: {  	_ =	shalt  }
0x59: {  	_ =	shalt  }
0x5a: {  	_ =	shalt  }
0x5b: {  	_ =	shalt  }
0x5c: {  	_ =	shalt  }
0x5d: {  	_ =	shalt  }
0x5e: {  	_ =	shalt  }
0x5f: {  	_ =	shalt  }
0x60: {  	_ =	shalt  }
0x61: {  	_ =	shalt  }
0x62: {  	_ =	shalt  }
0x63: {  	_ =	shalt  }
0x64: {  	_ =	shalt  }
0x65: {  	_ =	shalt  }
0x66: {  	_ =	shalt  }
0x67: {  	_ =	shalt  }
0x68: {  	_ =	shalt  }
0x69: {  	_ =	shalt  }
0x6a: {  	_ =	shalt  }
0x6b: {  	_ =	shalt  }
0x6c: {  	_ =	shalt  }
0x6d: {  	_ =	shalt  }
0x6e: {  	_ =	shalt  }
0x6f: {  	_ =	shalt  }
0x70: {  	_ =	shalt  }
0x71: {  	_ =	shalt  }
0x72: {  	_ =	shalt  }
0x73: {  	_ =	shalt  }
0x74: {  	_ =	shalt  }
0x75: {  	_ =	shalt  }
0x76: {  	_ =	shalt  }
0x77: {  	_ =	shalt  }
0x78: {  	_ =	shalt  }
0x79: {  	_ =	shalt  }
0x7a: {  	_ =	shalt  }
0x7b: {  	_ =	shalt  }
0x7c: {  	_ =	shalt  }
0x7d: {  	_ =	shalt  }
0x7e: {  	_ =	shalt  }
0x7f: {  	_ =	shalt  }
0x80: {  	_ =	shalt  }
0x81: {  	_ =	shalt  }
0x82: {  	_ =	shalt  }
0x83: {  	_ =	shalt  }
0x84: {  	_ =	shalt  }
0x85: {  	_ =	shalt  }
0x86: {  	_ =	shalt  }
0x87: {  	_ =	shalt  }
.Lfunc_end0:
.L_simem_size_0:
called_computation.2_lowered:
.L_overlay_start_0:
0x88: {  	s2 =	sld [smem:$0x3FD9]  }
0x89: {  	s3 =	sld [smem:$0x3FFE];
	_ =	sdelay $0x1  }
0x8a: {  	s1 =	srdreg.scid  }
0x8b: {  	s0 =	sand.u32 $0x1, s1  }
0x8c: {  	s17 =	sshll.u32 s0, $0xA;
	s2 =	sadd.s32 s3, s2  }
0x8d: {  	s2 =	sadd.s32 s2, s17  }
0x8e: {  	[smem:$0x3FB7] =	sst s2  }
0x8f: {  	_ = 	snop  }
0x90: {  	s2 =	sld [smem:$0x3FC7];
	(tm) =	ssettm $0x1  }
0x91: {  	s18 =	sld [smem:$0x3FFB];
	_ =	sdelay $0x3  }
0x92: {  	_ =	strace s18  }
0x93: {  	s3 =	sld [smem:$0x3FFC];
	_ =	sdelay $0x3  }
0x94: {  	_ =	strace s3  }
0x95: {  	s3 =	sld [smem:$0x3FFD];
	_ =	sdelay $0x3  }
0x96: {  	_ =	strace s3  }
0x97: {  	_ =	strace $0x8FFFFFFF  }
0x98: {  	s19 =	sld [smem:$0x3FDB];
	_ =	sdelay $0x1  }
0x99: {  	s4 =	simm.s32 $_scs_section_size  }
0x9a: {  	s5 =	simm.s32 $_size__tile_overlayer_lowered;
	s6 =	simm.s32 $_tile_overlayer_lowered  }
0x9b: {  	s22 =	simm.s32 $0x1BFF;
	s21 =	sshll.u32 s6, $0x1;
	s3 =	sadd.s32 s4, s19  }
0x9c: {  	s7 =	simm.s32 $0x0;
	s20 =	sshll.u32 s5, $0x1;
	s5 =	sadd.s32 s21, s3  }
0x9d: {  	[timem:s7], [sflag:s22] =	dma.local [hbm:s5], s20  }
0x9e: {  	_ =	swait.ge [sflag:s22], s20  }
0x9f: {  	s4 =	ssub.s32 $0x0, s20;
	[sflag:s22] =	ssyncset.done $0x0  }
0xa0: {  	[sflag:s22] =	ssyncadd.s32 s4;
	_ =	sdelay $0x1  }
0xa1: {  	s23 =	simm.s32 $0x1B8B  }
0xa2: {  	_ =	swait.ge [sflag:s23], $0x1  }
0xa3: {  	[sflag:s23] =	ssyncset.done $0x0  }
0xa4: {  	s25 =	simm.s32 $0x1B8E;
	s24 =	sld [smem:$0x3FFE];
	[sflag:s23] =	ssyncadd.s32 $0xFFFFFFFF  }
0xa5: {  	s26 =	simm.s32 $execute0_lowered;
	[smem:$0x3FD2] =	sst s25  }
0xa6: {  	s5 =	sshll.u32 s26, $0x1;
	_ =	strace $0x8000004C;
	[dreg:$0x1] =	wrdreg $0xFFFFFFFF  }
0xa7: {  	s28 =	simm.s32 $_size_execute0_lowered;
	s3 =	sadd.s32 s3, s5;
	[dreg:$0x0] =	wrdreg $0x0  }
0xa8: {  	s5 =	sshll.u32 s28, $0x1;
	[dreg:$0x2] =	wrdreg s3  }
0xa9: {  	[dreg:$0x3] =	wrdreg s5  }
0xaa: {  	[dreg:$0x4] =	wrdreg $0xC0  }
0xab: {  	_ =	task [dreg:s7], $0x5FFFF  }
0xac: {  	[dreg:$0x1] =	wrdreg $0xFFFFFFFF  }
0xad: {  	[dreg:$0x0] =	wrdreg $0x60  }
0xae: {  	[dreg:$0x2] =	wrdreg s24  }
0xaf: {  	[dreg:$0x3] =	wrdreg s2  }
0xb0: {  	[dreg:$0x4] =	wrdreg $0xA8800  }
0xb1: {  	[dreg:$0x5] =	wrdreg $0x9  }
0xb2: {  	_ =	task.clear_ibuf [dreg:s7], $0x6FFFF;
	_ =	strace $0x9000004C  }
0xb3: {  	s29 =	simm.s32 $0x9;
	_ =	strace $0x8000004E  }
0xb4: {  	_ =	swait.ge [sflag:s29], $0x1  }
0xb5: {  	[sflag:s29] =	ssyncadd.s32 $0xFFFFFFFF  }
0xb6: {  	_ =	strace $0x9000004E  }
0xb7: {  	_ =	sfence  }
0xb8: {  	s30 =	sld [smem:$0x0];
	_ =	sdelay $0x2  }
0xb9: {  	s31 =	sshll.u32 s1, $0xD;
	s1 =	sshrl.u32 s1, $0x2  }
0xba: {  	s3 =	sand.u32 $0x4000, s31;
	s1 =	sadd.s32 s1, s30  }
0xbb: {  	s0 =	sor.u32 s3, s0;
	s1 =	sshll.u32 s1, $0x11  }
0xbc: {  	s0 =	sor.u32 s1, s0  }
0xbd: {  	s0 =	sadd.s32 $0x8F2B, s0  }
0xbe: {  	[sflag:s0] =	ssyncadd.remote.s32 $0x1  }
0xbf: {  	_ =	sfence.sel $0xFFFF  }
0xc0: {  	[dreg:$0x0] =	wrdreg $0xFFFFFFFF;
	(pc) =	sbr.abs _section_cstart, $3  }
0xc1: {  	[dreg:$0x1] =	wrdreg $0xFFFFFFFF  }
0xc2: {  	_ =	task.clear_ibuf [dreg:s7], $0x2FFFF;
	_ =	strace $0x9FFFFFFF  }
0xc3: {  	(tm) =	ssettm $0x7FFFFFFF  }
tec
execute0_lowered:
.L_overlay_start_1:
0x0: {  	(tag) =	ssettag $0x1  }
0x1: {  	s0 =	rddreg [dreg:$0x0]  }
0x2: {  	s1 =	rddreg [dreg:$0x1]  }
0x3: {  	s2 =	rddreg [dreg:$0x2];
	s3 =	simm.s32 $0x0  }
0x4: {  	s4 =	srdreg.scid;
	s28 =	stileid.u32;
	s29 =	simm.s32 $0x8080  }
0x5: {  	s30 =	simm.s32 $0x2;
	s31 =	simm.s32 $0x1;
	[smem:$0x7FF] =	sst s3  }
0x6: {  	s4 =	sand.u32 $0x1, s4;
	s5 =	sadd.s32 $0x38000, s0;
	s8 =	smul.u32 $0x13800, s28  }
0x7: {  	s26 =	smul.u32 $0x4E000, s28;
	p0 =	sne.s32 s28, $0x0;
	_ =	strace $0x8000004D  }
0x8: {  	s6 =	sshll.u32 s4, $0x4;
	s9 =	ssub.s32 $0x2, s4;
	s4 =	smul.u32 $0x138800, s4  }
0x9: {  	s7 =	sor.u32 s28, s6;
	s12 =	sshrl.u32 s9, $0x1;
	s11 =	sadd.s32 $0x11800, s8  }
0xa: {  	s22 =	sadd.s32 $0x5000, s8;
	s23 =	sadd.s32 $0x7800, s8;
	s24 =	sadd.s32 $0xA000, s8  }
0xb: {  	s25 =	sadd.s32 $0xC800, s8;
	s28 =	sadd.s32 $0x138000, s2;
	s6 =	sshll.u32 s7, $0xB  }
0xc: {  	s9 =	ssub.s32 s9, s12;
	s12 =	sadd.s32 s4, s11;
	s14 =	sshrl.u32 s4, $0x3  }
0xd: {  	s19 =	sadd.s32 s4, s24;
	s20 =	sadd.s32 s4, s25;
	s24 =	sadd.s32 s24, s2  }
0xe: {  	s25 =	sadd.s32 s25, s2;
	s10 =	sadd.s32 s6, s0;
	s0 =	sadd.s32 $0x5F200, s0  }
0xf: {  	s6 =	sadd.s32 s11, s2;
	s13 =	sshrl.u32 s12, $0x3;
	s12 =	sadd.s32 $0x2800, s8  }
0x10: {  	s21 =	sshrl.u32 s20, $0x3;
	s11 =	sadd.s32 s0, s13;
	s13 =	sadd.s32 s4, s8  }
0x11: {  	s8 =	sadd.s32 $0xF000, s8;
	s15 =	sadd.s32 s4, s12;
	[dreg:$0x4] =	wrdreg s11  }
0x12: {  	s11 =	sadd.s32 s0, s14;
	s13 =	sshrl.u32 s13, $0x3;
	s14 =	sadd.s32 s4, s22  }
0x13: {  	s22 =	sadd.s32 s22, s2;
	s13 =	sadd.s32 s0, s13;
	s16 =	sshrl.u32 s14, $0x3  }
0x14: {  	[dreg:$0x5] =	wrdreg s13;
	s13 =	sshrl.u32 s15, $0x3;
	s15 =	sadd.s32 s4, s23  }
0x15: {  	s4 =	sadd.s32 s4, s8;
	s23 =	sadd.s32 s23, s2;
	s13 =	sadd.s32 s0, s13  }
0x16: {  	s17 =	sshrl.u32 s15, $0x3;
	s4 =	sshrl.u32 s4, $0x3;
	s15 =	sadd.s32 $0x28000, s10  }
0x17: {  	[dreg:$0x6] =	wrdreg s13;
	s13 =	sadd.s32 s0, s16;
	s18 =	sadd.s32 s0, s17  }
0x18: {  	s14 =	sadd.s32 s0, s4;
	s16 =	sadd.s32 $0x18000, s10;
	s17 =	smul.u32 $0x2710, s7  }
0x19: {  	s4 =	simm.s32 $0x50;
	[dreg:$0x7] =	wrdreg s13;
	s13 =	sshrl.u32 s19, $0x3  }
0x1a: {  	[dreg:$0x8] =	wrdreg s18;
	s18 =	sadd.s32 $0x27000, s11;
	s13 =	sadd.s32 s0, s13  }
0x1b: {  	s19 =	smax.u32 s9, $0x1;
	[dreg:$0x9] =	wrdreg s13;
	s13 =	sadd.s32 s0, s21  }
0x1c: {  	s0 =	sshrl.u32 s26, $0x2;
	s21 =	sadd.s32 s12, s2;
	s26 =	sadd.s32 s8, s2  }
0x1d: {  	v0 =	vimm.f32 $0.0e+00;
	[dreg:$0xa] =	wrdreg s13;
	s20 =	sadd.s32 s0, s2;
	s0 =	simm.s32 $0x8000  }
.LBB2_1:
0x1e: {  	s7 =	simm.s32 $0x0;
	s8 =	simm.s32 $0x200  }
.LBB2_2:
0x1f: {  	p1 =	sne.s32 s8, $0x9E00;
	[tilespmem:s7+$0x80F0] =	vst v0  }
0x20: {  	[tilespmem:s7+$0x8080] =	vst v0  }
0x21: {  	[tilespmem:s7+$0x8090] =	vst v0  }
.Ltmp0:
0x22: {  	[tilespmem:s7+$0x80A0] =	vst v0;
	(pc) =	sbr.rel @p1 .LBB2_2-.Ltmp0, $4  }
0x23: {  	[tilespmem:s7+$0x80B0] =	vst v0  }
0x24: {  	[tilespmem:s7+$0x80C0] =	vst v0  }
0x25: {  	[tilespmem:s7+$0x80D0] =	vst v0  }
0x26: {  	[tilespmem:s7+$0x80E0] =	vst v0;
	s7 =	sshra.s32 s8, $0x2;
	s8 =	sadd.s32 $0x200, s8  }
0x27: {  	[tilespmem:s7+$0x80F0] =	vst v0  }
0x28: {  	[tilespmem:s7+$0x8080] =	vst v0  }
0x29: {  	[tilespmem:s7+$0x8090] =	vst v0  }
0x2a: {  	[tilespmem:s7+$0x80A0] =	vst v0  }
0x2b: {  	[tilespmem:s7+$0x80B0] =	vst v0  }
0x2c: {  	[tilespmem:s7+$0x80C0] =	vst v0  }
0x2d: {  	[tilespmem:s7+$0x80D0] =	vst v0  }
0x2e: {  	[tilespmem:s7+$0x80E0] =	vst v0  }
0x2f: {  	[spmem:s20] =	stream.linear.scatter [tilespmem:s29], [sflag:$0x2], $0x2800, $0x38;
	[tilespmem:$0x1E100] =	vst v63  }
0x30: {  	_ =	swait.ge [sflag:s30], $0x2800  }
0x31: {  	[sflag:s30] =	ssyncset.done $0x0  }
0x32: {  	[sflag:s30] =	ssyncadd.s32 $0xFFFFD800  }
0x33: {  	[spmem:s21] =	stream.linear.scatter [tilespmem:s29], [sflag:$0x2], $0x2800, $0x38;
	[tilespmem:$0x1E100] =	vst v63  }
0x34: {  	_ =	swait.ge [sflag:s30], $0x2800  }
0x35: {  	[sflag:s30] =	ssyncset.done $0x0  }
0x36: {  	[sflag:s30] =	ssyncadd.s32 $0xFFFFD800  }
0x37: {  	[spmem:s22] =	stream.linear.scatter [tilespmem:s29], [sflag:$0x2], $0x2800, $0x38;
	[tilespmem:$0x1E100] =	vst v63  }
0x38: {  	_ =	swait.ge [sflag:s30], $0x2800  }
0x39: {  	[sflag:s30] =	ssyncset.done $0x0  }
0x3a: {  	[sflag:s30] =	ssyncadd.s32 $0xFFFFD800  }
0x3b: {  	[spmem:s23] =	stream.linear.scatter [tilespmem:s29], [sflag:$0x2], $0x2800, $0x38;
	[tilespmem:$0x1E100] =	vst v63  }
0x3c: {  	_ =	swait.ge [sflag:s30], $0x2800  }
0x3d: {  	[sflag:s30] =	ssyncset.done $0x0  }
0x3e: {  	[sflag:s30] =	ssyncadd.s32 $0xFFFFD800  }
0x3f: {  	[spmem:s24] =	stream.linear.scatter [tilespmem:s29], [sflag:$0x2], $0x2800, $0x38;
	[tilespmem:$0x1E100] =	vst v63  }
0x40: {  	_ =	swait.ge [sflag:s30], $0x2800  }
0x41: {  	[sflag:s30] =	ssyncset.done $0x0  }
0x42: {  	[sflag:s30] =	ssyncadd.s32 $0xFFFFD800  }
0x43: {  	[spmem:s25] =	stream.linear.scatter [tilespmem:s29], [sflag:$0x2], $0x2800, $0x38;
	[tilespmem:$0x1E100] =	vst v63  }
0x44: {  	_ =	swait.ge [sflag:s30], $0x2800  }
0x45: {  	[sflag:s30] =	ssyncset.done $0x0  }
0x46: {  	[sflag:s30] =	ssyncadd.s32 $0xFFFFD800  }
0x47: {  	[spmem:s26] =	stream.linear.scatter [tilespmem:s29], [sflag:$0x2], $0x2800, $0x38;
	[tilespmem:$0x1E100] =	vst v63  }
0x48: {  	_ =	swait.ge [sflag:s30], $0x2800  }
0x49: {  	[sflag:s30] =	ssyncset.done $0x0  }
0x4a: {  	[sflag:s30] =	ssyncadd.s32 $0xFFFFD800  }
0x4b: {  	[spmem:s6] =	stream.linear.scatter [tilespmem:s29], [sflag:$0x2], $0x2000, $0x38;
	[tilespmem:$0x1E100] =	vst v63  }
0x4c: {  	_ =	swait.ge [sflag:s30], $0x2000  }
0x4d: {  	[sflag:s30] =	ssyncset.done $0x0  }
0x4e: {  	s7 =	simm.s32 @!p0 $0x8080;
	[sflag:s30] =	ssyncadd.s32 $0xFFFFE000  }
0x4f: {  	[spmem:s28] =	stream.linear.scatter @!p0 [tilespmem:s7], [sflag:$0x2], $0x800, $0x38;
	[tilespmem:$0x1E100] =	vst v63  }
0x50: {  	s7 =	simm.s32 @!p0 $0x2  }
0x51: {  	_ =	swait.ge @!p0 [sflag:s7], $0x800  }
0x52: {  	[sflag:s7] =	ssyncset.done @!p0 $0x0  }
0x53: {  	[sflag:s7] =	ssyncadd.s32 @!p0 $0xFFFFF800;
	s7 =	simm.s32 $0x0  }
0x54: {  	[tilespmem:s7], [sflag:$0x2] =	stream.linear.gather [hbm4b:s15+s7], $0x3E80, $0x38;
	[tilespmem:$0x1E100] =	vst v63  }
0x55: {  	_ =	swait.ge [sflag:s30], $0x3E80  }
0x56: {  	[sflag:s30] =	ssyncset.done $0x0  }
0x57: {  	s8 =	simm.s32 $0x4000;
	[sflag:s30] =	ssyncadd.s32 $0xFFFFC180  }
0x58: {  	[tilespmem:s8], [sflag:$0x2] =	stream.linear.gather [hbm4b:s16+s7], $0x3E80, $0x38;
	[tilespmem:$0x1E100] =	vst v63  }
0x59: {  	_ =	swait.ge [sflag:s30], $0x3E80  }
0x5a: {  	[sflag:s30] =	ssyncset.done $0x0  }
0x5b: {  	[sflag:s30] =	ssyncadd.s32 $0xFFFFC180  }
0x5c: {  	s8 =	simm.s32 $0x0;
	[bflag:$0x0] =	sbarrier.arrive $0xFFFF  }
.LBB2_4:
0x5d: {  	s9 =	smul.u32 $0x50, s8;
	_ =	sdelay $0x1  }
0x5e: {  	s9 =	sadd.s32 s17, s9  }
0x5f: {  	s9 =	sshrl.u32 s9, $0x3  }
0x60: {  	s9 =	sadd.s32 s1, s9  }
0x61: {  	[tilespmem:s0], [sflag:$0x2] =	stream.linear.gather [hbm4b:s9+s7], $0x50, $0x38;
	[tilespmem:$0x1E100] =	vst v63  }
0x62: {  	_ =	swait.ge [sflag:s30], $0x50  }
0x63: {  	[sflag:s30] =	ssyncset.done $0x0  }
0x64: {  	s9 =	sshll.u32 s8, $0x7;
	[sflag:s30] =	ssyncadd.s32 $0xFFFFFFB0  }
0x65: {  	[tilespmem:s29], [sflag:$0x1] =	stream.indirect.gather [hbm4b:s5+s4], $0x80, s9, s4, $0xb8;
	[tilespmem:$0x1E100] =	vst v63  }
0x66: {  	_ =	swait.ge [sflag:s31], $0x2800  }
0x67: {  	v1 =	vmov s7;
	[sflag:s31] =	ssyncset.done $0x0  }
0x68: {  	s10 =	simm.s32 $0x80C0;
	[sflag:s31] =	ssyncadd.s32 $0xFFFFD800  }
0x69: {  	v5 =	vld [tilespmem:s10+$0x30]  }
0x6a: {  	v8 =	vld [tilespmem:s10+$0x10]  }
0x6b: {  	v6 =	vld [tilespmem:s10+$0xFFFFFFC0]  }
0x6c: {  	v2 =	vld.idx.msk [tilespmem:v1+s0+$0x0], $0xffff  }
0x6d: {  	v10 =	vld [tilespmem:s10+$0xFFFFFFE0]  }
0x6e: {  	v1 =	vld [tilespmem:s10+$0xFFFFFFF0]  }
0x6f: {  	v3 =	vld [tilespmem:s10+$0x20]  }
0x70: {  	v4 =	vld [tilespmem:s10+$0xFFFFFFD0]  }
0x71: {  	v9 =	vmul.f32 v5, v2;
	v5 =	vld [tilespmem:s10+$0x0]  }
0x72: {  	v7 =	vmul.f32 v6, v2  }
0x73: {  	s11 =	simm.s32 $0x1;
	s12 =	simm.s32 $0x80C0;
	v6 =	vmul.f32 v10, v2;
	v8 =	vmul.f32 v8, v2  }
.LBB2_5:
0x74: {  	p1 =	sne.s32 s11, $0x4F  }
0x75: {  	v4 =	vmul.f32 v4, v2;
	v3 =	vmul.f32 v3, v2;
	[tilespmem:s10+$0x30] =	vst v9;
	s12 =	sadd.s32 $0x80, s12;
	s13 =	smov.u32 s11;
	s11 =	sadd.s32 $0x1, s11  }
0x76: {  	[tilespmem:s10+$0xFFFFFFC0] =	vst v7;
	v7 =	vmul.f32 v1, v2;
	v2 =	vmul.f32 v5, v2  }
0x77: {  	[tilespmem:s10+$0x10] =	vst v8  }
0x78: {  	v5 =	vmov s13;
	[tilespmem:s10+$0xFFFFFFE0] =	vst v6  }
0x79: {  	v1 =	vld [tilespmem:s12+$0xFFFFFFF0];
	[tilespmem:s10+$0xFFFFFFF0] =	vst v7  }
0x7a: {  	v6 =	vld [tilespmem:s12+$0x30];
	[tilespmem:s10+$0x0] =	vst v2  }
0x7b: {  	v8 =	vld [tilespmem:s12+$0x10];
	[tilespmem:s10+$0x20] =	vst v3  }
0x7c: {  	v7 =	vld [tilespmem:s12+$0xFFFFFFC0];
	[tilespmem:s10+$0xFFFFFFD0] =	vst v4;
	s10 =	smov.u32 s12  }
0x7d: {  	v2 =	vld.idx.msk [tilespmem:v5+s0+$0x0], $0xffff  }
0x7e: {  	v10 =	vld [tilespmem:s12+$0xFFFFFFE0]  }
0x7f: {  	v3 =	vld [tilespmem:s12+$0x20]  }
.Ltmp1:
0x80: {  	v4 =	vld [tilespmem:s12+$0xFFFFFFD0];
	(pc) =	sbr.rel @p1 .LBB2_5-.Ltmp1, $3  }
0x81: {  	v5 =	vld [tilespmem:s12+$0x0];
	_ =	sdelay $0x1  }
0x82: {  	v7 =	vmul.f32 v7, v2;
	v9 =	vmul.f32 v6, v2  }
0x83: {  	v8 =	vmul.f32 v8, v2;
	v6 =	vmul.f32 v10, v2  }
0x84: {  	[tilespmem:s10+$0x30] =	vst v9  }
0x85: {  	[tilespmem:s10+$0xFFFFFFC0] =	vst v7  }
0x86: {  	v1 =	vmul.f32 v1, v2;
	[tilespmem:s10+$0x10] =	vst v8  }
0x87: {  	v3 =	vmul.f32 v3, v2;
	[tilespmem:s10+$0xFFFFFFE0] =	vst v6  }
0x88: {  	v5 =	vmul.f32 v5, v2;
	[tilespmem:s10+$0xFFFFFFF0] =	vst v1  }
0x89: {  	s8 =	sadd.s32 $0x1, s8;
	v1 =	vmul.f32 v4, v2;
	[tilespmem:s10+$0x20] =	vst v3  }
0x8a: {  	p1 =	sne.s32 s8, $0x7D;
	[tilespmem:s10+$0x0] =	vst v5  }
.Ltmp2:
0x8b: {  	s9 =	sadd.s32 $0x4000, s9;
	[tilespmem:s10+$0xFFFFFFD0] =	vst v1;
	(pc) =	sbr.rel @p1 .LBB2_4-.Ltmp2, $4  }
0x8c: {  	[spmem:s2] =	stream.indirect.scatter.add.f32 [tilespmem:s29], [sflag:$0x2], $0x80, s9, s4, $0xb8;
	[tilespmem:$0x1E100] =	vst v63  }
0x8d: {  	_ =	swait.ge [sflag:s30], $0x2800  }
0x8e: {  	[sflag:s30] =	ssyncset.done $0x0  }
0x8f: {  	[sflag:s30] =	ssyncadd.s32 $0xFFFFD800  }
0x90: {  	s7 =	stileid.u32  }
0x91: {  	[bflag:$0x0] =	sbarrier.arrive $0xFFFF;
	s7 =	sshll.u32 s7, $0x6  }
0x92: {  	s8 =	sshrl.u32 s20, $0x3;
	s9 =	rddreg [dreg:$0x5];
	s7 =	sor.u32 $0x1C02, s7  }
0x93: {  	[hbm:s9], [sflag:s7] =	dma.local [spmem:s8], $0x500  }
0x94: {  	_ =	swait.ge [sflag:s30], $0x500  }
0x95: {  	[sflag:s30] =	ssyncset.done $0x0  }
0x96: {  	s10 =	sshrl.u32 s21, $0x3;
	s11 =	rddreg [dreg:$0x6];
	[sflag:s30] =	ssyncadd.s32 $0xFFFFFB00  }
0x97: {  	[hbm:s11], [sflag:s7] =	dma.local [spmem:s10], $0x500  }
0x98: {  	_ =	swait.ge [sflag:s30], $0x500  }
0x99: {  	[sflag:s30] =	ssyncset.done $0x0  }
0x9a: {  	s12 =	sshrl.u32 s22, $0x3;
	s13 =	rddreg [dreg:$0x7];
	[sflag:s30] =	ssyncadd.s32 $0xFFFFFB00  }
0x9b: {  	[hbm:s13], [sflag:s7] =	dma.local [spmem:s12], $0x500  }
0x9c: {  	_ =	swait.ge [sflag:s30], $0x500  }
0x9d: {  	[sflag:s30] =	ssyncset.done $0x0  }
0x9e: {  	s10 =	sshrl.u32 s23, $0x3;
	s11 =	rddreg [dreg:$0x8];
	[sflag:s30] =	ssyncadd.s32 $0xFFFFFB00  }
0x9f: {  	[hbm:s11], [sflag:s7] =	dma.local [spmem:s10], $0x500  }
0xa0: {  	_ =	swait.ge [sflag:s30], $0x500  }
0xa1: {  	[sflag:s30] =	ssyncset.done $0x0  }
0xa2: {  	s12 =	sshrl.u32 s24, $0x3;
	s13 =	rddreg [dreg:$0x9];
	[sflag:s30] =	ssyncadd.s32 $0xFFFFFB00  }
0xa3: {  	[hbm:s13], [sflag:s7] =	dma.local [spmem:s12], $0x500  }
0xa4: {  	_ =	swait.ge [sflag:s30], $0x500  }
0xa5: {  	[sflag:s30] =	ssyncset.done $0x0  }
0xa6: {  	s9 =	sshrl.u32 s25, $0x3;
	s10 =	rddreg [dreg:$0xa];
	[sflag:s30] =	ssyncadd.s32 $0xFFFFFB00  }
0xa7: {  	[hbm:s10], [sflag:s7] =	dma.local [spmem:s9], $0x500  }
0xa8: {  	_ =	swait.ge [sflag:s30], $0x500  }
0xa9: {  	[sflag:s30] =	ssyncset.done $0x0  }
0xaa: {  	s11 =	sshrl.u32 s26, $0x3;
	[sflag:s30] =	ssyncadd.s32 $0xFFFFFB00  }
0xab: {  	[hbm:s14], [sflag:s7] =	dma.local [spmem:s11], $0x500  }
0xac: {  	_ =	swait.ge [sflag:s30], $0x500  }
0xad: {  	[sflag:s30] =	ssyncset.done $0x0  }
0xae: {  	s12 =	sshrl.u32 s6, $0x3;
	s13 =	rddreg [dreg:$0x4];
	[sflag:s30] =	ssyncadd.s32 $0xFFFFFB00  }
0xaf: {  	[hbm:s13], [sflag:s7] =	dma.local [spmem:s12], $0x400  }
0xb0: {  	_ =	swait.ge [sflag:s30], $0x400  }
0xb1: {  	s3 =	sadd.s32 $0x1, s3;
	[sflag:s30] =	ssyncset.done $0x0  }
0xb2: {  	p1 =	sne.s32 s3, s19;
	s8 =	sshrl.u32 @!p0 s28, $0x3;
	[sflag:s30] =	ssyncadd.s32 $0xFFFFFC00  }
0xb3: {  	[hbm:s18], [sflag:s7] =	dma.local @!p0 [spmem:s8], $0x100  }
.Ltmp3:
0xb4: {  	_ = 	snop;
	(pc) =	sbr.rel @p1 .LBB2_1-.Ltmp3, $4  }
0xb5: {  	s7 =	simm.s32 @!p0 $0x2  }
0xb6: {  	_ =	swait.ge @!p0 [sflag:s7], $0x100  }
0xb7: {  	[sflag:s7] =	ssyncset.done @!p0 $0x0  }
0xb8: {  	[sflag:s7] =	ssyncadd.s32 @!p0 $0xFFFFFF00  }
0xb9: {  	_ =	sfence.sel $0x180000  }
0xba: {  	[bflag:$0x0] =	sbarrier.arrive $0xFFFF  }
0xbb: {  	_ =	strace $0x9000004D  }
0xbc: {  	[bflag:$0x2] =	sbarrier.arrive $0xFFFF  }
0xbd: {  	s0 =	rddreg [dreg:$0x3]  }
0xbe: {  	s0 =	sadd.s32 @!p0 $0x100000, s0  }
0xbf: {  	[sflag:s0] =	ssyncadd.tile.s32 @!p0 $0x1;
	_ =	shalt  }
.Lfunc_end2:
_tile_overlayer_lowered:
.L_overlay_start_2:
0xc0: {  	(tag) =	ssettag $0x2  }
0xc1: {  	s0 =	rddreg [dreg:$0x0];
	s2 =	stileid.u32  }
0xc2: {  	s1 =	rddreg [dreg:$0x1];
	p0 =	sne.s32 s2, $0x0  }
0xc3: {  	s3 =	rddreg [dreg:$0x2];
	[bflag:$0x3] =	sbarrier.arrive $0xFFFF;
	s2 =	simm.s32 @!p0 $0x1C02  }
0xc4: {  	[timem:s3], [sflag:s2] =	dma.local @!p0 [hbm:s0], s1  }
0xc5: {  	s0 =	simm.s32 @!p0 $0x2  }
0xc6: {  	_ =	swait.ge @!p0 [sflag:s0], s1  }
0xc7: {  	s1 =	ssub.s32 @!p0 $0x0, s1;
	[sflag:s0] =	ssyncset.done @!p0 $0x0  }
0xc8: {  	[sflag:s0] =	ssyncadd.s32 @!p0 s1  }
0xc9: {  	[bflag:$0x3] =	sbarrier.arrive $0xFFFF  }
0xca: {  	_ =	shalt  }

// kernel: kernel.29.cloned.1.call-start
scs
__scs_entry_jumppad:
0x0: {  	(pc) =	sbr.rel $0x88, $3  }
0x1: {  	(tag) =	ssettag $0x0;
	lr =	simm.s32 $0x1  }
0x2: {  	[smem:$0x3F90] =	sst lr;
	_ =	strace $0xD0000000  }
0x3: {  	_ = 	snop  }
0x4: {  	_ = 	snop  }
0x5: {  	_ = 	snop  }
0x6: {  	_ = 	snop  }
0x7: {  	_ = 	snop  }
__scs_overlays_trampoline_lowered:
0x8: {  	[smem:$0x3F9F] =	sst s0  }
0x9: {  	[smem:$0x3FA0] =	sst s1  }
0xa: {  	[smem:$0x3FA1] =	sst s2  }
0xb: {  	[smem:$0x3FA2] =	sst s3  }
0xc: {  	[smem:$0x3FA3] =	sst s4  }
0xd: {  	[smem:$0x3FA4] =	sst s5  }
0xe: {  	[smem:$0x3FA5] =	sst s6  }
0xf: {  	[smem:$0x3FA6] =	sst s7  }
0x10: {  	[smem:$0x3FA7] =	sst s8  }
0x11: {  	[smem:$0x3FA8] =	sst s9;
	s0 =	simm.s32 @!p0 $0x0  }
0x12: {  	s1 =	sld [smem:$0x3F8E];
	s0 =	simm.s32 @p0 $0x1  }
0x13: {  	[smem:$0x3FA9] =	sst s0;
	s0 =	simm.s32 @!p1 $0x0  }
0x14: {  	s2 =	sld [smem:$0x3F8D];
	s0 =	simm.s32 @p1 $0x1  }
0x15: {  	[smem:$0x3FAA] =	sst s0;
	s0 =	simm.s32 @!p2 $0x0  }
0x16: {  	s3 =	sld [smem:$0x3FDB];
	s0 =	simm.s32 @p2 $0x1  }
0x17: {  	s4 =	simm.s32 $0x1BF5;
	[smem:$0x3FAC] =	sst s0  }
0x18: {  	s0 =	sld [smem:$0x3F8F];
	_ =	swait.ge [sflag:s4], $0x0  }
0x19: {  	s7 =	sld [smem:$0x3F90]  }
0x1a: {  	s8 =	sadd.s32 $0xFFFFE003, lr  }
0x1b: {  	s9 =	sadd.s32 $0xFFFFFEF7, lr;
	s5 =	simm.s32 $0xFFFFFFFF;
	p2 =	slt.u32 s8, $0xFFFFF086  }
0x1c: {  	p1 =	slt.u32 s9, $0xF7A;
	s5 =	simm.s32 @!p2 $0x0  }
0x1d: {  	s5 =	simm.s32 @p1 $0x1;
	p0 =	seq.s32 s7, s2  }
0x1e: {  	s7 =	smul.u32 @!p0 $0xF7A, s2;
	p2 =	seq.s32 @!p0 s5, $0x0  }
0x1f: {  	s9 =	smul.u32 $0xF7A, s1;
	s8 =	simm.s32 @!p0 $0x1BF5;
	p2 =	por !p2, p0  }
0x20: {  	[sflag:s8] =	ssyncset.s32 @!p0 $0xFFFFF086;
	s6 =	sadd.s32 @!p0 s3, s7;
	s7 =	simm.s32 @!p0 $0x108  }
0x21: {  	s3 =	sadd.s32 s3, s9;
	s6 =	sadd.s32 @!p0 $0x88, s6;
	s7 =	simm.s32 @p2 $0x1082  }
0x22: {  	[simem:s7], [sflag:s8] =	dma.local @!p0 [hbm:s6], $0xF7A  }
0x23: {  	s9 =	sor.u32 $0xD0000000, s2;
	s6 =	simm.s32 $0x108;
	_ =	swait.ge @!p0 [sflag:s8], $0x0  }
0x24: {  	s3 =	sadd.s32 $0x88, s3;
	s6 =	simm.s32 @!p1 $0x1082;
	[sflag:s4] =	ssyncset.s32 $0xFFFFF086  }
0x25: {  	[simem:s6], [sflag:s4] =	dma.local [hbm:s3], $0xF7A  }
0x26: {  	[smem:$0x3F90] =	sst s1;
	(tag) =	ssettag s2;
	_ =	strace s9  }
0x27: {  	s1 =	sld [smem:$0x3FA0]  }
0x28: {  	s2 =	sld [smem:$0x3FA1]  }
0x29: {  	s4 =	sld [smem:$0x3FA3]  }
0x2a: {  	p0 =	seq.s32 s5, $0x0;
	s5 =	sld [smem:$0x3FA4]  }
0x2b: {  	s6 =	sld [smem:$0x3FA5]  }
0x2c: {  	s7 =	sld [smem:$0x3FA6]  }
0x2d: {  	s3 =	simm.s32 $0x108;
	s8 =	sld [smem:$0x3FA7]  }
0x2e: {  	s3 =	simm.s32 @!p0 $0x1082;
	s9 =	sld [smem:$0x3FA8]  }
0x2f: {  	lr =	sadd.s32 s0, s3;
	s0 =	sld [smem:$0x3F9F]  }
0x30: {  	s3 =	sld [smem:$0x3FA2]  }
0x31: {  	[smem:$0x3FAB] =	sst s10  }
0x32: {  	s10 =	sld [smem:$0x3FA9];
	_ =	sdelay $0x3  }
0x33: {  	p0 =	seq.s32 s10, $0x1;
	s10 =	sld [smem:$0x3FAB];
	_ =	sdelay $0x3  }
0x34: {  	[smem:$0x3FAB] =	sst s10  }
0x35: {  	s10 =	sld [smem:$0x3FAA];
	_ =	sdelay $0x3  }
0x36: {  	p1 =	seq.s32 s10, $0x1;
	s10 =	sld [smem:$0x3FAB];
	_ =	sdelay $0x3  }
0x37: {  	[smem:$0x3FAB] =	sst s10  }
0x38: {  	s10 =	sld [smem:$0x3FAC]  }
0x39: {  	_ = 	snop;
	(pc) =	sbr.ind lr, $3  }
0x3a: {  	_ = 	snop  }
0x3b: {  	_ = 	snop  }
0x3c: {  	p2 =	seq.s32 s10, $0x1;
	s10 =	sld [smem:$0x3FAB]  }
0x3d: {  	_ =	shalt  }
0x3e: {  	_ =	shalt  }
0x3f: {  	_ =	shalt  }
0x40: {  	_ =	shalt  }
0x41: {  	_ =	shalt  }
0x42: {  	_ =	shalt  }
0x43: {  	_ =	shalt  }
0x44: {  	_ =	shalt  }
0x45: {  	_ =	shalt  }
0x46: {  	_ =	shalt  }
0x47: {  	_ =	shalt  }
0x48: {  	_ =	shalt  }
0x49: {  	_ =	shalt  }
0x4a: {  	_ =	shalt  }
0x4b: {  	_ =	shalt  }
0x4c: {  	_ =	shalt  }
0x4d: {  	_ =	shalt  }
0x4e: {  	_ =	shalt  }
0x4f: {  	_ =	shalt  }
0x50: {  	_ =	shalt  }
0x51: {  	_ =	shalt  }
0x52: {  	_ =	shalt  }
0x53: {  	_ =	shalt  }
0x54: {  	_ =	shalt  }
0x55: {  	_ =	shalt  }
0x56: {  	_ =	shalt  }
0x57: {  	_ =	shalt  }
0x58: {  	_ =	shalt  }
0x59: {  	_ =	shalt  }
0x5a: {  	_ =	shalt  }
0x5b: {  	_ =	shalt  }
0x5c: {  	_ =	shalt  }
0x5d: {  	_ =	shalt  }
0x5e: {  	_ =	shalt  }
0x5f: {  	_ =	shalt  }
0x60: {  	_ =	shalt  }
0x61: {  	_ =	shalt  }
0x62: {  	_ =	shalt  }
0x63: {  	_ =	shalt  }
0x64: {  	_ =	shalt  }
0x65: {  	_ =	shalt  }
0x66: {  	_ =	shalt  }
0x67: {  	_ =	shalt  }
0x68: {  	_ =	shalt  }
0x69: {  	_ =	shalt  }
0x6a: {  	_ =	shalt  }
0x6b: {  	_ =	shalt  }
0x6c: {  	_ =	shalt  }
0x6d: {  	_ =	shalt  }
0x6e: {  	_ =	shalt  }
0x6f: {  	_ =	shalt  }
0x70: {  	_ =	shalt  }
0x71: {  	_ =	shalt  }
0x72: {  	_ =	shalt  }
0x73: {  	_ =	shalt  }
0x74: {  	_ =	shalt  }
0x75: {  	_ =	shalt  }
0x76: {  	_ =	shalt  }
0x77: {  	_ =	shalt  }
0x78: {  	_ =	shalt  }
0x79: {  	_ =	shalt  }
0x7a: {  	_ =	shalt  }
0x7b: {  	_ =	shalt  }
0x7c: {  	_ =	shalt  }
0x7d: {  	_ =	shalt  }
0x7e: {  	_ =	shalt  }
0x7f: {  	_ =	shalt  }
0x80: {  	_ =	shalt  }
0x81: {  	_ =	shalt  }
0x82: {  	_ =	shalt  }
0x83: {  	_ =	shalt  }
0x84: {  	_ =	shalt  }
0x85: {  	_ =	shalt  }
0x86: {  	_ =	shalt  }
0x87: {  	_ =	shalt  }
.Lfunc_end0:
.L_simem_size_0:
called_computation.3_lowered:
.L_overlay_start_0:
0x88: {  	s2 =	sld [smem:$0x3FD9]  }
0x89: {  	s3 =	sld [smem:$0x3FFE];
	_ =	sdelay $0x1  }
0x8a: {  	s1 =	srdreg.scid  }
0x8b: {  	s0 =	sand.u32 $0x1, s1  }
0x8c: {  	s17 =	sshll.u32 s0, $0xA;
	s2 =	sadd.s32 s3, s2  }
0x8d: {  	s2 =	sadd.s32 s2, s17  }
0x8e: {  	[smem:$0x3FB7] =	sst s2  }
0x8f: {  	_ = 	snop  }
0x90: {  	s2 =	sld [smem:$0x3FC7];
	(tm) =	ssettm $0x1  }
0x91: {  	s18 =	sld [smem:$0x3FFB];
	_ =	sdelay $0x3  }
0x92: {  	_ =	strace s18  }
0x93: {  	s3 =	sld [smem:$0x3FFC];
	_ =	sdelay $0x3  }
0x94: {  	_ =	strace s3  }
0x95: {  	s3 =	sld [smem:$0x3FFD];
	_ =	sdelay $0x3  }
0x96: {  	_ =	strace s3  }
0x97: {  	_ =	strace $0x8FFFFFFF  }
0x98: {  	s19 =	sld [smem:$0x3FDB];
	_ =	sdelay $0x1  }
0x99: {  	s4 =	simm.s32 $_scs_section_size  }
0x9a: {  	s5 =	simm.s32 $_size__tile_overlayer_lowered;
	s6 =	simm.s32 $_tile_overlayer_lowered  }
0x9b: {  	s22 =	simm.s32 $0x1BFF;
	s21 =	sshll.u32 s6, $0x1;
	s3 =	sadd.s32 s4, s19  }
0x9c: {  	s7 =	simm.s32 $0x0;
	s20 =	sshll.u32 s5, $0x1;
	s5 =	sadd.s32 s21, s3  }
0x9d: {  	[timem:s7], [sflag:s22] =	dma.local [hbm:s5], s20  }
0x9e: {  	_ =	swait.ge [sflag:s22], s20  }
0x9f: {  	s4 =	ssub.s32 $0x0, s20;
	[sflag:s22] =	ssyncset.done $0x0  }
0xa0: {  	[sflag:s22] =	ssyncadd.s32 s4;
	_ =	sdelay $0x1  }
0xa1: {  	s23 =	simm.s32 $0x1B8B  }
0xa2: {  	_ =	swait.ge [sflag:s23], $0x1  }
0xa3: {  	[sflag:s23] =	ssyncset.done $0x0  }
0xa4: {  	s25 =	simm.s32 $0x1B8E;
	s24 =	sld [smem:$0x3FFE];
	[sflag:s23] =	ssyncadd.s32 $0xFFFFFFFF  }
0xa5: {  	s26 =	simm.s32 $execute0_lowered;
	[smem:$0x3FD2] =	sst s25  }
0xa6: {  	s5 =	sshll.u32 s26, $0x1;
	_ =	strace $0x8000004F;
	[dreg:$0x1] =	wrdreg $0xFFFFFFFF  }
0xa7: {  	s28 =	simm.s32 $_size_execute0_lowered;
	s3 =	sadd.s32 s3, s5;
	[dreg:$0x0] =	wrdreg $0x0  }
0xa8: {  	s5 =	sshll.u32 s28, $0x1;
	[dreg:$0x2] =	wrdreg s3  }
0xa9: {  	[dreg:$0x3] =	wrdreg s5  }
0xaa: {  	[dreg:$0x4] =	wrdreg $0xC0  }
0xab: {  	_ =	task [dreg:s7], $0x5FFFF  }
0xac: {  	[dreg:$0x1] =	wrdreg $0xFFFFFFFF  }
0xad: {  	[dreg:$0x0] =	wrdreg $0x60  }
0xae: {  	[dreg:$0x2] =	wrdreg s24  }
0xaf: {  	[dreg:$0x3] =	wrdreg s2  }
0xb0: {  	[dreg:$0x4] =	wrdreg $0xA8800  }
0xb1: {  	[dreg:$0x5] =	wrdreg $0x9  }
0xb2: {  	_ =	task.clear_ibuf [dreg:s7], $0x6FFFF;
	_ =	strace $0x9000004F  }
0xb3: {  	s29 =	simm.s32 $0x9;
	_ =	strace $0x80000051  }
0xb4: {  	_ =	swait.ge [sflag:s29], $0x1  }
0xb5: {  	[sflag:s29] =	ssyncadd.s32 $0xFFFFFFFF  }
0xb6: {  	_ =	strace $0x90000051  }
0xb7: {  	_ =	sfence  }
0xb8: {  	s30 =	sld [smem:$0x0];
	_ =	sdelay $0x2  }
0xb9: {  	s31 =	sshll.u32 s1, $0xD;
	s1 =	sshrl.u32 s1, $0x2  }
0xba: {  	s3 =	sand.u32 $0x4000, s31;
	s1 =	sadd.s32 s1, s30  }
0xbb: {  	s0 =	sor.u32 s3, s0;
	s1 =	sshll.u32 s1, $0x11  }
0xbc: {  	s0 =	sor.u32 s1, s0  }
0xbd: {  	s0 =	sadd.s32 $0x8F2B, s0  }
0xbe: {  	[sflag:s0] =	ssyncadd.remote.s32 $0x1  }
0xbf: {  	_ =	sfence.sel $0xFFFF  }
0xc0: {  	[dreg:$0x0] =	wrdreg $0xFFFFFFFF;
	(pc) =	sbr.abs _section_cstart, $3  }
0xc1: {  	[dreg:$0x1] =	wrdreg $0xFFFFFFFF  }
0xc2: {  	_ =	task.clear_ibuf [dreg:s7], $0x2FFFF;
	_ =	strace $0x9FFFFFFF  }
0xc3: {  	(tm) =	ssettm $0x7FFFFFFF  }
tec
execute0_lowered:
.L_overlay_start_1:
0x0: {  	(tag) =	ssettag $0x1  }
0x1: {  	s0 =	rddreg [dreg:$0x0]  }
0x2: {  	s1 =	rddreg [dreg:$0x1]  }
0x3: {  	s2 =	rddreg [dreg:$0x2];
	s3 =	simm.s32 $0x0  }
0x4: {  	s4 =	srdreg.scid;
	s28 =	stileid.u32;
	s29 =	simm.s32 $0x8080  }
0x5: {  	s30 =	simm.s32 $0x2;
	s31 =	simm.s32 $0x1;
	[smem:$0x7FF] =	sst s3  }
0x6: {  	s4 =	sand.u32 $0x1, s4;
	s5 =	sadd.s32 $0x38000, s0;
	s8 =	smul.u32 $0x13800, s28  }
0x7: {  	s26 =	smul.u32 $0x4E000, s28;
	p0 =	sne.s32 s28, $0x0;
	_ =	strace $0x80000050  }
0x8: {  	s6 =	sshll.u32 s4, $0x4;
	s9 =	ssub.s32 $0x2, s4;
	s4 =	smul.u32 $0x138800, s4  }
0x9: {  	s7 =	sor.u32 s28, s6;
	s12 =	sshrl.u32 s9, $0x1;
	s11 =	sadd.s32 $0x11800, s8  }
0xa: {  	s22 =	sadd.s32 $0x5000, s8;
	s23 =	sadd.s32 $0x7800, s8;
	s24 =	sadd.s32 $0xA000, s8  }
0xb: {  	s25 =	sadd.s32 $0xC800, s8;
	s28 =	sadd.s32 $0x138000, s2;
	s6 =	sshll.u32 s7, $0xB  }
0xc: {  	s9 =	ssub.s32 s9, s12;
	s12 =	sadd.s32 s4, s11;
	s14 =	sshrl.u32 s4, $0x3  }
0xd: {  	s19 =	sadd.s32 s4, s24;
	s20 =	sadd.s32 s4, s25;
	s24 =	sadd.s32 s24, s2  }
0xe: {  	s25 =	sadd.s32 s25, s2;
	s10 =	sadd.s32 s6, s0;
	s0 =	sadd.s32 $0x5F200, s0  }
0xf: {  	s6 =	sadd.s32 s11, s2;
	s13 =	sshrl.u32 s12, $0x3;
	s12 =	sadd.s32 $0x2800, s8  }
0x10: {  	s21 =	sshrl.u32 s20, $0x3;
	s11 =	sadd.s32 s0, s13;
	s13 =	sadd.s32 s4, s8  }
0x11: {  	s8 =	sadd.s32 $0xF000, s8;
	s15 =	sadd.s32 s4, s12;
	[dreg:$0x4] =	wrdreg s11  }
0x12: {  	s11 =	sadd.s32 s0, s14;
	s13 =	sshrl.u32 s13, $0x3;
	s14 =	sadd.s32 s4, s22  }
0x13: {  	s22 =	sadd.s32 s22, s2;
	s13 =	sadd.s32 s0, s13;
	s16 =	sshrl.u32 s14, $0x3  }
0x14: {  	[dreg:$0x5] =	wrdreg s13;
	s13 =	sshrl.u32 s15, $0x3;
	s15 =	sadd.s32 s4, s23  }
0x15: {  	s4 =	sadd.s32 s4, s8;
	s23 =	sadd.s32 s23, s2;
	s13 =	sadd.s32 s0, s13  }
0x16: {  	s17 =	sshrl.u32 s15, $0x3;
	s4 =	sshrl.u32 s4, $0x3;
	s15 =	sadd.s32 $0x28000, s10  }
0x17: {  	[dreg:$0x6] =	wrdreg s13;
	s13 =	sadd.s32 s0, s16;
	s18 =	sadd.s32 s0, s17  }
0x18: {  	s14 =	sadd.s32 s0, s4;
	s16 =	sadd.s32 $0x18000, s10;
	s17 =	smul.u32 $0x2710, s7  }
0x19: {  	s4 =	simm.s32 $0x50;
	[dreg:$0x7] =	wrdreg s13;
	s13 =	sshrl.u32 s19, $0x3  }
0x1a: {  	[dreg:$0x8] =	wrdreg s18;
	s18 =	sadd.s32 $0x27000, s11;
	s13 =	sadd.s32 s0, s13  }
0x1b: {  	s19 =	smax.u32 s9, $0x1;
	[dreg:$0x9] =	wrdreg s13;
	s13 =	sadd.s32 s0, s21  }
0x1c: {  	s0 =	sshrl.u32 s26, $0x2;
	s21 =	sadd.s32 s12, s2;
	s26 =	sadd.s32 s8, s2  }
0x1d: {  	v0 =	vimm.f32 $0.0e+00;
	[dreg:$0xa] =	wrdreg s13;
	s20 =	sadd.s32 s0, s2;
	s0 =	simm.s32 $0x8000  }
.LBB2_1:
0x1e: {  	s7 =	simm.s32 $0x0;
	s8 =	simm.s32 $0x200  }
.LBB2_2:
0x1f: {  	p1 =	sne.s32 s8, $0x9E00;
	[tilespmem:s7+$0x80F0] =	vst v0  }
0x20: {  	[tilespmem:s7+$0x8080] =	vst v0  }
0x21: {  	[tilespmem:s7+$0x8090] =	vst v0  }
.Ltmp0:
0x22: {  	[tilespmem:s7+$0x80A0] =	vst v0;
	(pc) =	sbr.rel @p1 .LBB2_2-.Ltmp0, $4  }
0x23: {  	[tilespmem:s7+$0x80B0] =	vst v0  }
0x24: {  	[tilespmem:s7+$0x80C0] =	vst v0  }
0x25: {  	[tilespmem:s7+$0x80D0] =	vst v0  }
0x26: {  	[tilespmem:s7+$0x80E0] =	vst v0;
	s7 =	sshra.s32 s8, $0x2;
	s8 =	sadd.s32 $0x200, s8  }
0x27: {  	[tilespmem:s7+$0x80F0] =	vst v0  }
0x28: {  	[tilespmem:s7+$0x8080] =	vst v0  }
0x29: {  	[tilespmem:s7+$0x8090] =	vst v0  }
0x2a: {  	[tilespmem:s7+$0x80A0] =	vst v0  }
0x2b: {  	[tilespmem:s7+$0x80B0] =	vst v0  }
0x2c: {  	[tilespmem:s7+$0x80C0] =	vst v0  }
0x2d: {  	[tilespmem:s7+$0x80D0] =	vst v0  }
0x2e: {  	[tilespmem:s7+$0x80E0] =	vst v0  }
0x2f: {  	[spmem:s20] =	stream.linear.scatter [tilespmem:s29], [sflag:$0x2], $0x2800, $0x38;
	[tilespmem:$0x1E100] =	vst v63  }
0x30: {  	_ =	swait.ge [sflag:s30], $0x2800  }
0x31: {  	[sflag:s30] =	ssyncset.done $0x0  }
0x32: {  	[sflag:s30] =	ssyncadd.s32 $0xFFFFD800  }
0x33: {  	[spmem:s21] =	stream.linear.scatter [tilespmem:s29], [sflag:$0x2], $0x2800, $0x38;
	[tilespmem:$0x1E100] =	vst v63  }
0x34: {  	_ =	swait.ge [sflag:s30], $0x2800  }
0x35: {  	[sflag:s30] =	ssyncset.done $0x0  }
0x36: {  	[sflag:s30] =	ssyncadd.s32 $0xFFFFD800  }
0x37: {  	[spmem:s22] =	stream.linear.scatter [tilespmem:s29], [sflag:$0x2], $0x2800, $0x38;
	[tilespmem:$0x1E100] =	vst v63  }
0x38: {  	_ =	swait.ge [sflag:s30], $0x2800  }
0x39: {  	[sflag:s30] =	ssyncset.done $0x0  }
0x3a: {  	[sflag:s30] =	ssyncadd.s32 $0xFFFFD800  }
0x3b: {  	[spmem:s23] =	stream.linear.scatter [tilespmem:s29], [sflag:$0x2], $0x2800, $0x38;
	[tilespmem:$0x1E100] =	vst v63  }
0x3c: {  	_ =	swait.ge [sflag:s30], $0x2800  }
0x3d: {  	[sflag:s30] =	ssyncset.done $0x0  }
0x3e: {  	[sflag:s30] =	ssyncadd.s32 $0xFFFFD800  }
0x3f: {  	[spmem:s24] =	stream.linear.scatter [tilespmem:s29], [sflag:$0x2], $0x2800, $0x38;
	[tilespmem:$0x1E100] =	vst v63  }
0x40: {  	_ =	swait.ge [sflag:s30], $0x2800  }
0x41: {  	[sflag:s30] =	ssyncset.done $0x0  }
0x42: {  	[sflag:s30] =	ssyncadd.s32 $0xFFFFD800  }
0x43: {  	[spmem:s25] =	stream.linear.scatter [tilespmem:s29], [sflag:$0x2], $0x2800, $0x38;
	[tilespmem:$0x1E100] =	vst v63  }
0x44: {  	_ =	swait.ge [sflag:s30], $0x2800  }
0x45: {  	[sflag:s30] =	ssyncset.done $0x0  }
0x46: {  	[sflag:s30] =	ssyncadd.s32 $0xFFFFD800  }
0x47: {  	[spmem:s26] =	stream.linear.scatter [tilespmem:s29], [sflag:$0x2], $0x2800, $0x38;
	[tilespmem:$0x1E100] =	vst v63  }
0x48: {  	_ =	swait.ge [sflag:s30], $0x2800  }
0x49: {  	[sflag:s30] =	ssyncset.done $0x0  }
0x4a: {  	[sflag:s30] =	ssyncadd.s32 $0xFFFFD800  }
0x4b: {  	[spmem:s6] =	stream.linear.scatter [tilespmem:s29], [sflag:$0x2], $0x2000, $0x38;
	[tilespmem:$0x1E100] =	vst v63  }
0x4c: {  	_ =	swait.ge [sflag:s30], $0x2000  }
0x4d: {  	[sflag:s30] =	ssyncset.done $0x0  }
0x4e: {  	s7 =	simm.s32 @!p0 $0x8080;
	[sflag:s30] =	ssyncadd.s32 $0xFFFFE000  }
0x4f: {  	[spmem:s28] =	stream.linear.scatter @!p0 [tilespmem:s7], [sflag:$0x2], $0x800, $0x38;
	[tilespmem:$0x1E100] =	vst v63  }
0x50: {  	s7 =	simm.s32 @!p0 $0x2  }
0x51: {  	_ =	swait.ge @!p0 [sflag:s7], $0x800  }
0x52: {  	[sflag:s7] =	ssyncset.done @!p0 $0x0  }
0x53: {  	[sflag:s7] =	ssyncadd.s32 @!p0 $0xFFFFF800;
	s7 =	simm.s32 $0x0  }
0x54: {  	[tilespmem:s7], [sflag:$0x2] =	stream.linear.gather [hbm4b:s15+s7], $0x3E80, $0x38;
	[tilespmem:$0x1E100] =	vst v63  }
0x55: {  	_ =	swait.ge [sflag:s30], $0x3E80  }
0x56: {  	[sflag:s30] =	ssyncset.done $0x0  }
0x57: {  	s8 =	simm.s32 $0x4000;
	[sflag:s30] =	ssyncadd.s32 $0xFFFFC180  }
0x58: {  	[tilespmem:s8], [sflag:$0x2] =	stream.linear.gather [hbm4b:s16+s7], $0x3E80, $0x38;
	[tilespmem:$0x1E100] =	vst v63  }
0x59: {  	_ =	swait.ge [sflag:s30], $0x3E80  }
0x5a: {  	[sflag:s30] =	ssyncset.done $0x0  }
0x5b: {  	[sflag:s30] =	ssyncadd.s32 $0xFFFFC180  }
0x5c: {  	s8 =	simm.s32 $0x0;
	[bflag:$0x0] =	sbarrier.arrive $0xFFFF  }
.LBB2_4:
0x5d: {  	s9 =	smul.u32 $0x50, s8;
	_ =	sdelay $0x1  }
0x5e: {  	s9 =	sadd.s32 s17, s9  }
0x5f: {  	s9 =	sshrl.u32 s9, $0x3  }
0x60: {  	s9 =	sadd.s32 s1, s9  }
0x61: {  	[tilespmem:s0], [sflag:$0x2] =	stream.linear.gather [hbm4b:s9+s7], $0x50, $0x38;
	[tilespmem:$0x1E100] =	vst v63  }
0x62: {  	_ =	swait.ge [sflag:s30], $0x50  }
0x63: {  	[sflag:s30] =	ssyncset.done $0x0  }
0x64: {  	s9 =	sshll.u32 s8, $0x7;
	[sflag:s30] =	ssyncadd.s32 $0xFFFFFFB0  }
0x65: {  	[tilespmem:s29], [sflag:$0x1] =	stream.indirect.gather [hbm4b:s5+s4], $0x80, s9, s4, $0xb8;
	[tilespmem:$0x1E100] =	vst v63  }
0x66: {  	_ =	swait.ge [sflag:s31], $0x2800  }
0x67: {  	v1 =	vmov s7;
	[sflag:s31] =	ssyncset.done $0x0  }
0x68: {  	s10 =	simm.s32 $0x80C0;
	[sflag:s31] =	ssyncadd.s32 $0xFFFFD800  }
0x69: {  	v5 =	vld [tilespmem:s10+$0x30]  }
0x6a: {  	v8 =	vld [tilespmem:s10+$0x10]  }
0x6b: {  	v6 =	vld [tilespmem:s10+$0xFFFFFFC0]  }
0x6c: {  	v2 =	vld.idx.msk [tilespmem:v1+s0+$0x0], $0xffff  }
0x6d: {  	v10 =	vld [tilespmem:s10+$0xFFFFFFE0]  }
0x6e: {  	v1 =	vld [tilespmem:s10+$0xFFFFFFF0]  }
0x6f: {  	v3 =	vld [tilespmem:s10+$0x20]  }
0x70: {  	v4 =	vld [tilespmem:s10+$0xFFFFFFD0]  }
0x71: {  	v9 =	vmul.f32 v5, v2;
	v5 =	vld [tilespmem:s10+$0x0]  }
0x72: {  	v7 =	vmul.f32 v6, v2  }
0x73: {  	s11 =	simm.s32 $0x1;
	s12 =	simm.s32 $0x80C0;
	v6 =	vmul.f32 v10, v2;
	v8 =	vmul.f32 v8, v2  }
.LBB2_5:
0x74: {  	p1 =	sne.s32 s11, $0x4F  }
0x75: {  	v4 =	vmul.f32 v4, v2;
	v3 =	vmul.f32 v3, v2;
	[tilespmem:s10+$0x30] =	vst v9;
	s12 =	sadd.s32 $0x80, s12;
	s13 =	smov.u32 s11;
	s11 =	sadd.s32 $0x1, s11  }
0x76: {  	[tilespmem:s10+$0xFFFFFFC0] =	vst v7;
	v7 =	vmul.f32 v1, v2;
	v2 =	vmul.f32 v5, v2  }
0x77: {  	[tilespmem:s10+$0x10] =	vst v8  }
0x78: {  	v5 =	vmov s13;
	[tilespmem:s10+$0xFFFFFFE0] =	vst v6  }
0x79: {  	v1 =	vld [tilespmem:s12+$0xFFFFFFF0];
	[tilespmem:s10+$0xFFFFFFF0] =	vst v7  }
0x7a: {  	v6 =	vld [tilespmem:s12+$0x30];
	[tilespmem:s10+$0x0] =	vst v2  }
0x7b: {  	v8 =	vld [tilespmem:s12+$0x10];
	[tilespmem:s10+$0x20] =	vst v3  }
0x7c: {  	v7 =	vld [tilespmem:s12+$0xFFFFFFC0];
	[tilespmem:s10+$0xFFFFFFD0] =	vst v4;
	s10 =	smov.u32 s12  }
0x7d: {  	v2 =	vld.idx.msk [tilespmem:v5+s0+$0x0], $0xffff  }
0x7e: {  	v10 =	vld [tilespmem:s12+$0xFFFFFFE0]  }
0x7f: {  	v3 =	vld [tilespmem:s12+$0x20]  }
.Ltmp1:
0x80: {  	v4 =	vld [tilespmem:s12+$0xFFFFFFD0];
	(pc) =	sbr.rel @p1 .LBB2_5-.Ltmp1, $3  }
0x81: {  	v5 =	vld [tilespmem:s12+$0x0];
	_ =	sdelay $0x1  }
0x82: {  	v7 =	vmul.f32 v7, v2;
	v9 =	vmul.f32 v6, v2  }
0x83: {  	v8 =	vmul.f32 v8, v2;
	v6 =	vmul.f32 v10, v2  }
0x84: {  	[tilespmem:s10+$0x30] =	vst v9  }
0x85: {  	[tilespmem:s10+$0xFFFFFFC0] =	vst v7  }
0x86: {  	v1 =	vmul.f32 v1, v2;
	[tilespmem:s10+$0x10] =	vst v8  }
0x87: {  	v3 =	vmul.f32 v3, v2;
	[tilespmem:s10+$0xFFFFFFE0] =	vst v6  }
0x88: {  	v5 =	vmul.f32 v5, v2;
	[tilespmem:s10+$0xFFFFFFF0] =	vst v1  }
0x89: {  	s8 =	sadd.s32 $0x1, s8;
	v1 =	vmul.f32 v4, v2;
	[tilespmem:s10+$0x20] =	vst v3  }
0x8a: {  	p1 =	sne.s32 s8, $0x7D;
	[tilespmem:s10+$0x0] =	vst v5  }
.Ltmp2:
0x8b: {  	s9 =	sadd.s32 $0x4000, s9;
	[tilespmem:s10+$0xFFFFFFD0] =	vst v1;
	(pc) =	sbr.rel @p1 .LBB2_4-.Ltmp2, $4  }
0x8c: {  	[spmem:s2] =	stream.indirect.scatter.add.f32 [tilespmem:s29], [sflag:$0x2], $0x80, s9, s4, $0xb8;
	[tilespmem:$0x1E100] =	vst v63  }
0x8d: {  	_ =	swait.ge [sflag:s30], $0x2800  }
0x8e: {  	[sflag:s30] =	ssyncset.done $0x0  }
0x8f: {  	[sflag:s30] =	ssyncadd.s32 $0xFFFFD800  }
0x90: {  	s7 =	stileid.u32  }
0x91: {  	[bflag:$0x0] =	sbarrier.arrive $0xFFFF;
	s7 =	sshll.u32 s7, $0x6  }
0x92: {  	s8 =	sshrl.u32 s20, $0x3;
	s9 =	rddreg [dreg:$0x5];
	s7 =	sor.u32 $0x1C02, s7  }
0x93: {  	[hbm:s9], [sflag:s7] =	dma.local [spmem:s8], $0x500  }
0x94: {  	_ =	swait.ge [sflag:s30], $0x500  }
0x95: {  	[sflag:s30] =	ssyncset.done $0x0  }
0x96: {  	s10 =	sshrl.u32 s21, $0x3;
	s11 =	rddreg [dreg:$0x6];
	[sflag:s30] =	ssyncadd.s32 $0xFFFFFB00  }
0x97: {  	[hbm:s11], [sflag:s7] =	dma.local [spmem:s10], $0x500  }
0x98: {  	_ =	swait.ge [sflag:s30], $0x500  }
0x99: {  	[sflag:s30] =	ssyncset.done $0x0  }
0x9a: {  	s12 =	sshrl.u32 s22, $0x3;
	s13 =	rddreg [dreg:$0x7];
	[sflag:s30] =	ssyncadd.s32 $0xFFFFFB00  }
0x9b: {  	[hbm:s13], [sflag:s7] =	dma.local [spmem:s12], $0x500  }
0x9c: {  	_ =	swait.ge [sflag:s30], $0x500  }
0x9d: {  	[sflag:s30] =	ssyncset.done $0x0  }
0x9e: {  	s10 =	sshrl.u32 s23, $0x3;
	s11 =	rddreg [dreg:$0x8];
	[sflag:s30] =	ssyncadd.s32 $0xFFFFFB00  }
0x9f: {  	[hbm:s11], [sflag:s7] =	dma.local [spmem:s10], $0x500  }
0xa0: {  	_ =	swait.ge [sflag:s30], $0x500  }
0xa1: {  	[sflag:s30] =	ssyncset.done $0x0  }
0xa2: {  	s12 =	sshrl.u32 s24, $0x3;
	s13 =	rddreg [dreg:$0x9];
	[sflag:s30] =	ssyncadd.s32 $0xFFFFFB00  }
0xa3: {  	[hbm:s13], [sflag:s7] =	dma.local [spmem:s12], $0x500  }
0xa4: {  	_ =	swait.ge [sflag:s30], $0x500  }
0xa5: {  	[sflag:s30] =	ssyncset.done $0x0  }
0xa6: {  	s9 =	sshrl.u32 s25, $0x3;
	s10 =	rddreg [dreg:$0xa];
	[sflag:s30] =	ssyncadd.s32 $0xFFFFFB00  }
0xa7: {  	[hbm:s10], [sflag:s7] =	dma.local [spmem:s9], $0x500  }
0xa8: {  	_ =	swait.ge [sflag:s30], $0x500  }
0xa9: {  	[sflag:s30] =	ssyncset.done $0x0  }
0xaa: {  	s11 =	sshrl.u32 s26, $0x3;
	[sflag:s30] =	ssyncadd.s32 $0xFFFFFB00  }
0xab: {  	[hbm:s14], [sflag:s7] =	dma.local [spmem:s11], $0x500  }
0xac: {  	_ =	swait.ge [sflag:s30], $0x500  }
0xad: {  	[sflag:s30] =	ssyncset.done $0x0  }
0xae: {  	s12 =	sshrl.u32 s6, $0x3;
	s13 =	rddreg [dreg:$0x4];
	[sflag:s30] =	ssyncadd.s32 $0xFFFFFB00  }
0xaf: {  	[hbm:s13], [sflag:s7] =	dma.local [spmem:s12], $0x400  }
0xb0: {  	_ =	swait.ge [sflag:s30], $0x400  }
0xb1: {  	s3 =	sadd.s32 $0x1, s3;
	[sflag:s30] =	ssyncset.done $0x0  }
0xb2: {  	p1 =	sne.s32 s3, s19;
	s8 =	sshrl.u32 @!p0 s28, $0x3;
	[sflag:s30] =	ssyncadd.s32 $0xFFFFFC00  }
0xb3: {  	[hbm:s18], [sflag:s7] =	dma.local @!p0 [spmem:s8], $0x100  }
.Ltmp3:
0xb4: {  	_ = 	snop;
	(pc) =	sbr.rel @p1 .LBB2_1-.Ltmp3, $4  }
0xb5: {  	s7 =	simm.s32 @!p0 $0x2  }
0xb6: {  	_ =	swait.ge @!p0 [sflag:s7], $0x100  }
0xb7: {  	[sflag:s7] =	ssyncset.done @!p0 $0x0  }
0xb8: {  	[sflag:s7] =	ssyncadd.s32 @!p0 $0xFFFFFF00  }
0xb9: {  	_ =	sfence.sel $0x180000  }
0xba: {  	[bflag:$0x0] =	sbarrier.arrive $0xFFFF  }
0xbb: {  	_ =	strace $0x90000050  }
0xbc: {  	[bflag:$0x2] =	sbarrier.arrive $0xFFFF  }
0xbd: {  	s0 =	rddreg [dreg:$0x3]  }
0xbe: {  	s0 =	sadd.s32 @!p0 $0x100000, s0  }
0xbf: {  	[sflag:s0] =	ssyncadd.tile.s32 @!p0 $0x1;
	_ =	shalt  }
.Lfunc_end2:
_tile_overlayer_lowered:
.L_overlay_start_2:
0xc0: {  	(tag) =	ssettag $0x2  }
0xc1: {  	s0 =	rddreg [dreg:$0x0];
	s2 =	stileid.u32  }
0xc2: {  	s1 =	rddreg [dreg:$0x1];
	p0 =	sne.s32 s2, $0x0  }
0xc3: {  	s3 =	rddreg [dreg:$0x2];
	[bflag:$0x3] =	sbarrier.arrive $0xFFFF;
	s2 =	simm.s32 @!p0 $0x1C02  }
0xc4: {  	[timem:s3], [sflag:s2] =	dma.local @!p0 [hbm:s0], s1  }
0xc5: {  	s0 =	simm.s32 @!p0 $0x2  }
0xc6: {  	_ =	swait.ge @!p0 [sflag:s0], s1  }
0xc7: {  	s1 =	ssub.s32 @!p0 $0x0, s1;
	[sflag:s0] =	ssyncset.done @!p0 $0x0  }
0xc8: {  	[sflag:s0] =	ssyncadd.s32 @!p0 s1  }
0xc9: {  	[bflag:$0x3] =	sbarrier.arrive $0xFFFF  }
0xca: {  	_ =	shalt  }

// kernel: kernel.32.cloned.1.call-start
scs
__scs_entry_jumppad:
0x0: {  	(pc) =	sbr.rel $0x88, $3  }
0x1: {  	(tag) =	ssettag $0x0;
	lr =	simm.s32 $0x1  }
0x2: {  	[smem:$0x3F90] =	sst lr;
	_ =	strace $0xD0000000  }
0x3: {  	_ = 	snop  }
0x4: {  	_ = 	snop  }
0x5: {  	_ = 	snop  }
0x6: {  	_ = 	snop  }
0x7: {  	_ = 	snop  }
__scs_overlays_trampoline_lowered:
0x8: {  	[smem:$0x3F9F] =	sst s0  }
0x9: {  	[smem:$0x3FA0] =	sst s1  }
0xa: {  	[smem:$0x3FA1] =	sst s2  }
0xb: {  	[smem:$0x3FA2] =	sst s3  }
0xc: {  	[smem:$0x3FA3] =	sst s4  }
0xd: {  	[smem:$0x3FA4] =	sst s5  }
0xe: {  	[smem:$0x3FA5] =	sst s6  }
0xf: {  	[smem:$0x3FA6] =	sst s7  }
0x10: {  	[smem:$0x3FA7] =	sst s8  }
0x11: {  	[smem:$0x3FA8] =	sst s9;
	s0 =	simm.s32 @!p0 $0x0  }
0x12: {  	s1 =	sld [smem:$0x3F8E];
	s0 =	simm.s32 @p0 $0x1  }
0x13: {  	[smem:$0x3FA9] =	sst s0;
	s0 =	simm.s32 @!p1 $0x0  }
0x14: {  	s2 =	sld [smem:$0x3F8D];
	s0 =	simm.s32 @p1 $0x1  }
0x15: {  	[smem:$0x3FAA] =	sst s0;
	s0 =	simm.s32 @!p2 $0x0  }
0x16: {  	s3 =	sld [smem:$0x3FDB];
	s0 =	simm.s32 @p2 $0x1  }
0x17: {  	s4 =	simm.s32 $0x1BF5;
	[smem:$0x3FAC] =	sst s0  }
0x18: {  	s0 =	sld [smem:$0x3F8F];
	_ =	swait.ge [sflag:s4], $0x0  }
0x19: {  	s7 =	sld [smem:$0x3F90]  }
0x1a: {  	s8 =	sadd.s32 $0xFFFFE003, lr  }
0x1b: {  	s9 =	sadd.s32 $0xFFFFFEF7, lr;
	s5 =	simm.s32 $0xFFFFFFFF;
	p2 =	slt.u32 s8, $0xFFFFF086  }
0x1c: {  	p1 =	slt.u32 s9, $0xF7A;
	s5 =	simm.s32 @!p2 $0x0  }
0x1d: {  	s5 =	simm.s32 @p1 $0x1;
	p0 =	seq.s32 s7, s2  }
0x1e: {  	s7 =	smul.u32 @!p0 $0xF7A, s2;
	p2 =	seq.s32 @!p0 s5, $0x0  }
0x1f: {  	s9 =	smul.u32 $0xF7A, s1;
	s8 =	simm.s32 @!p0 $0x1BF5;
	p2 =	por !p2, p0  }
0x20: {  	[sflag:s8] =	ssyncset.s32 @!p0 $0xFFFFF086;
	s6 =	sadd.s32 @!p0 s3, s7;
	s7 =	simm.s32 @!p0 $0x108  }
0x21: {  	s3 =	sadd.s32 s3, s9;
	s6 =	sadd.s32 @!p0 $0x88, s6;
	s7 =	simm.s32 @p2 $0x1082  }
0x22: {  	[simem:s7], [sflag:s8] =	dma.local @!p0 [hbm:s6], $0xF7A  }
0x23: {  	s9 =	sor.u32 $0xD0000000, s2;
	s6 =	simm.s32 $0x108;
	_ =	swait.ge @!p0 [sflag:s8], $0x0  }
0x24: {  	s3 =	sadd.s32 $0x88, s3;
	s6 =	simm.s32 @!p1 $0x1082;
	[sflag:s4] =	ssyncset.s32 $0xFFFFF086  }
0x25: {  	[simem:s6], [sflag:s4] =	dma.local [hbm:s3], $0xF7A  }
0x26: {  	[smem:$0x3F90] =	sst s1;
	(tag) =	ssettag s2;
	_ =	strace s9  }
0x27: {  	s1 =	sld [smem:$0x3FA0]  }
0x28: {  	s2 =	sld [smem:$0x3FA1]  }
0x29: {  	s4 =	sld [smem:$0x3FA3]  }
0x2a: {  	p0 =	seq.s32 s5, $0x0;
	s5 =	sld [smem:$0x3FA4]  }
0x2b: {  	s6 =	sld [smem:$0x3FA5]  }
0x2c: {  	s7 =	sld [smem:$0x3FA6]  }
0x2d: {  	s3 =	simm.s32 $0x108;
	s8 =	sld [smem:$0x3FA7]  }
0x2e: {  	s3 =	simm.s32 @!p0 $0x1082;
	s9 =	sld [smem:$0x3FA8]  }
0x2f: {  	lr =	sadd.s32 s0, s3;
	s0 =	sld [smem:$0x3F9F]  }
0x30: {  	s3 =	sld [smem:$0x3FA2]  }
0x31: {  	[smem:$0x3FAB] =	sst s10  }
0x32: {  	s10 =	sld [smem:$0x3FA9];
	_ =	sdelay $0x3  }
0x33: {  	p0 =	seq.s32 s10, $0x1;
	s10 =	sld [smem:$0x3FAB];
	_ =	sdelay $0x3  }
0x34: {  	[smem:$0x3FAB] =	sst s10  }
0x35: {  	s10 =	sld [smem:$0x3FAA];
	_ =	sdelay $0x3  }
0x36: {  	p1 =	seq.s32 s10, $0x1;
	s10 =	sld [smem:$0x3FAB];
	_ =	sdelay $0x3  }
0x37: {  	[smem:$0x3FAB] =	sst s10  }
0x38: {  	s10 =	sld [smem:$0x3FAC]  }
0x39: {  	_ = 	snop;
	(pc) =	sbr.ind lr, $3  }
0x3a: {  	_ = 	snop  }
0x3b: {  	_ = 	snop  }
0x3c: {  	p2 =	seq.s32 s10, $0x1;
	s10 =	sld [smem:$0x3FAB]  }
0x3d: {  	_ =	shalt  }
0x3e: {  	_ =	shalt  }
0x3f: {  	_ =	shalt  }
0x40: {  	_ =	shalt  }
0x41: {  	_ =	shalt  }
0x42: {  	_ =	shalt  }
0x43: {  	_ =	shalt  }
0x44: {  	_ =	shalt  }
0x45: {  	_ =	shalt  }
0x46: {  	_ =	shalt  }
0x47: {  	_ =	shalt  }
0x48: {  	_ =	shalt  }
0x49: {  	_ =	shalt  }
0x4a: {  	_ =	shalt  }
0x4b: {  	_ =	shalt  }
0x4c: {  	_ =	shalt  }
0x4d: {  	_ =	shalt  }
0x4e: {  	_ =	shalt  }
0x4f: {  	_ =	shalt  }
0x50: {  	_ =	shalt  }
0x51: {  	_ =	shalt  }
0x52: {  	_ =	shalt  }
0x53: {  	_ =	shalt  }
0x54: {  	_ =	shalt  }
0x55: {  	_ =	shalt  }
0x56: {  	_ =	shalt  }
0x57: {  	_ =	shalt  }
0x58: {  	_ =	shalt  }
0x59: {  	_ =	shalt  }
0x5a: {  	_ =	shalt  }
0x5b: {  	_ =	shalt  }
0x5c: {  	_ =	shalt  }
0x5d: {  	_ =	shalt  }
0x5e: {  	_ =	shalt  }
0x5f: {  	_ =	shalt  }
0x60: {  	_ =	shalt  }
0x61: {  	_ =	shalt  }
0x62: {  	_ =	shalt  }
0x63: {  	_ =	shalt  }
0x64: {  	_ =	shalt  }
0x65: {  	_ =	shalt  }
0x66: {  	_ =	shalt  }
0x67: {  	_ =	shalt  }
0x68: {  	_ =	shalt  }
0x69: {  	_ =	shalt  }
0x6a: {  	_ =	shalt  }
0x6b: {  	_ =	shalt  }
0x6c: {  	_ =	shalt  }
0x6d: {  	_ =	shalt  }
0x6e: {  	_ =	shalt  }
0x6f: {  	_ =	shalt  }
0x70: {  	_ =	shalt  }
0x71: {  	_ =	shalt  }
0x72: {  	_ =	shalt  }
0x73: {  	_ =	shalt  }
0x74: {  	_ =	shalt  }
0x75: {  	_ =	shalt  }
0x76: {  	_ =	shalt  }
0x77: {  	_ =	shalt  }
0x78: {  	_ =	shalt  }
0x79: {  	_ =	shalt  }
0x7a: {  	_ =	shalt  }
0x7b: {  	_ =	shalt  }
0x7c: {  	_ =	shalt  }
0x7d: {  	_ =	shalt  }
0x7e: {  	_ =	shalt  }
0x7f: {  	_ =	shalt  }
0x80: {  	_ =	shalt  }
0x81: {  	_ =	shalt  }
0x82: {  	_ =	shalt  }
0x83: {  	_ =	shalt  }
0x84: {  	_ =	shalt  }
0x85: {  	_ =	shalt  }
0x86: {  	_ =	shalt  }
0x87: {  	_ =	shalt  }
.Lfunc_end0:
.L_simem_size_0:
called_computation.4_lowered:
.L_overlay_start_0:
0x88: {  	s2 =	sld [smem:$0x3FD9]  }
0x89: {  	s3 =	sld [smem:$0x3FFE];
	_ =	sdelay $0x1  }
0x8a: {  	s1 =	srdreg.scid  }
0x8b: {  	s0 =	sand.u32 $0x1, s1  }
0x8c: {  	s17 =	sshll.u32 s0, $0xA;
	s2 =	sadd.s32 s3, s2  }
0x8d: {  	s2 =	sadd.s32 s2, s17  }
0x8e: {  	[smem:$0x3FB7] =	sst s2  }
0x8f: {  	_ = 	snop  }
0x90: {  	s2 =	sld [smem:$0x3FD0];
	(tm) =	ssettm $0x1  }
0x91: {  	s18 =	sld [smem:$0x3FFB];
	_ =	sdelay $0x3  }
0x92: {  	_ =	strace s18  }
0x93: {  	s3 =	sld [smem:$0x3FFC];
	_ =	sdelay $0x3  }
0x94: {  	_ =	strace s3  }
0x95: {  	s3 =	sld [smem:$0x3FFD];
	_ =	sdelay $0x3  }
0x96: {  	_ =	strace s3  }
0x97: {  	_ =	strace $0x8FFFFFFF  }
0x98: {  	s19 =	sld [smem:$0x3FDB];
	_ =	sdelay $0x1  }
0x99: {  	s4 =	simm.s32 $_scs_section_size  }
0x9a: {  	s5 =	simm.s32 $_size__tile_overlayer_lowered;
	s6 =	simm.s32 $_tile_overlayer_lowered  }
0x9b: {  	s22 =	simm.s32 $0x1BFF;
	s21 =	sshll.u32 s6, $0x1;
	s3 =	sadd.s32 s4, s19  }
0x9c: {  	s7 =	simm.s32 $0x0;
	s20 =	sshll.u32 s5, $0x1;
	s5 =	sadd.s32 s21, s3  }
0x9d: {  	[timem:s7], [sflag:s22] =	dma.local [hbm:s5], s20  }
0x9e: {  	_ =	swait.ge [sflag:s22], s20  }
0x9f: {  	s4 =	ssub.s32 $0x0, s20;
	[sflag:s22] =	ssyncset.done $0x0  }
0xa0: {  	[sflag:s22] =	ssyncadd.s32 s4;
	_ =	sdelay $0x1  }
0xa1: {  	s23 =	simm.s32 $0x1B8B  }
0xa2: {  	_ =	swait.ge [sflag:s23], $0x1  }
0xa3: {  	[sflag:s23] =	ssyncset.done $0x0  }
0xa4: {  	s25 =	simm.s32 $0x1B8E;
	s24 =	sld [smem:$0x3FFE];
	[sflag:s23] =	ssyncadd.s32 $0xFFFFFFFF  }
0xa5: {  	s26 =	simm.s32 $execute0_lowered;
	[smem:$0x3FD2] =	sst s25  }
0xa6: {  	s5 =	sshll.u32 s26, $0x1;
	_ =	strace $0x80000052;
	[dreg:$0x1] =	wrdreg $0xFFFFFFFF  }
0xa7: {  	s28 =	simm.s32 $_size_execute0_lowered;
	s3 =	sadd.s32 s3, s5;
	[dreg:$0x0] =	wrdreg $0x0  }
0xa8: {  	s5 =	sshll.u32 s28, $0x1;
	[dreg:$0x2] =	wrdreg s3  }
0xa9: {  	[dreg:$0x3] =	wrdreg s5  }
0xaa: {  	[dreg:$0x4] =	wrdreg $0xC0  }
0xab: {  	_ =	task [dreg:s7], $0x5FFFF  }
0xac: {  	[dreg:$0x1] =	wrdreg $0xFFFFFFFF  }
0xad: {  	[dreg:$0x0] =	wrdreg $0x60  }
0xae: {  	[dreg:$0x2] =	wrdreg s24  }
0xaf: {  	[dreg:$0x3] =	wrdreg s2  }
0xb0: {  	[dreg:$0x4] =	wrdreg $0x9  }
0xb1: {  	_ =	task.clear_ibuf [dreg:s7], $0x5FFFF;
	_ =	strace $0x90000052  }
0xb2: {  	s29 =	simm.s32 $0x9;
	_ =	strace $0x80000054  }
0xb3: {  	_ =	swait.ge [sflag:s29], $0x1  }
0xb4: {  	[sflag:s29] =	ssyncadd.s32 $0xFFFFFFFF  }
0xb5: {  	_ =	strace $0x90000054  }
0xb6: {  	_ =	sfence  }
0xb7: {  	s30 =	sld [smem:$0x0];
	_ =	sdelay $0x2  }
0xb8: {  	s31 =	sshll.u32 s1, $0xD;
	s1 =	sshrl.u32 s1, $0x2  }
0xb9: {  	s3 =	sand.u32 $0x4000, s31;
	s1 =	sadd.s32 s1, s30  }
0xba: {  	s0 =	sor.u32 s3, s0;
	s1 =	sshll.u32 s1, $0x11  }
0xbb: {  	s0 =	sor.u32 s1, s0  }
0xbc: {  	s0 =	sadd.s32 $0x8F2B, s0  }
0xbd: {  	[sflag:s0] =	ssyncadd.remote.s32 $0x1  }
0xbe: {  	_ =	sfence.sel $0xFFFF  }
0xbf: {  	[dreg:$0x0] =	wrdreg $0xFFFFFFFF;
	(pc) =	sbr.abs _section_cstart, $3  }
0xc0: {  	[dreg:$0x1] =	wrdreg $0xFFFFFFFF  }
0xc1: {  	_ =	task.clear_ibuf [dreg:s7], $0x2FFFF;
	_ =	strace $0x9FFFFFFF  }
0xc2: {  	(tm) =	ssettm $0x7FFFFFFF  }
0xc3: {  	_ =	shalt  }
tec
execute0_lowered:
.L_overlay_start_1:
0x0: {  	(tag) =	ssettag $0x1  }
0x1: {  	s8 =	rddreg [dreg:$0x0]  }
0x2: {  	s1 =	rddreg [dreg:$0x1]  }
0x3: {  	s0 =	rddreg [dreg:$0x2];
	s2 =	simm.s32 $0x0;
	s5 =	srdreg.scid  }
0x4: {  	s12 =	simm.s32 $0x9C80;
	s13 =	simm.s32 $0x13900;
	s14 =	simm.s32 $0x13980  }
0x5: {  	s15 =	simm.s32 $0x13B80;
	s16 =	simm.s32 $0x13D80;
	s17 =	simm.s32 $0x0  }
0x6: {  	s22 =	simm.s32 $0x0;
	[smem:$0x7FF] =	sst s2;
	s3 =	sadd.s32 $0xB4400, s8  }
0x7: {  	s4 =	sadd.s32 $0xB5800, s8;
	s9 =	sand.u32 $0x1, s5;
	s6 =	sadd.s32 $0xE200, s8  }
0x8: {  	s7 =	sadd.s32 $0x4400, s8;
	s5 =	stileid.u32;
	s10 =	ssub.s32 $0x2, s9  }
0x9: {  	s8 =	sadd.s32 $0xB6C00, s8;
	s9 =	sshll.u32 s9, $0x4;
	s11 =	sshrl.u32 s10, $0x1  }
0xa: {  	v1 =	vlaneseq.u32;
	_ =	strace $0x80000053;
	s9 =	sor.u32 s5, s9;
	s10 =	ssub.s32 s10, s11  }
0xb: {  	v0 =	vshrl.u32 v1, $0x2;
	v1 =	vand.u32 $0x3, v1;
	s9 =	smul.u32 $0x2710, s9;
	s11 =	simm.s32 $0x1;
	s10 =	smax.u32 s10, $0x1  }
.LBB2_1:
0xc: {  	[tilespmem:s2], [sflag:$0x1] =	stream.linear.gather [hbm4b:s3+s2], $0x9C80, $0x38;
	[tilespmem:$0x14400] =	vst v63  }
0xd: {  	_ =	swait.ge [sflag:s11], $0x9C80  }
0xe: {  	[sflag:s11] =	ssyncset.done $0x0  }
0xf: {  	[sflag:s11] =	ssyncadd.s32 $0xFFFF6380  }
0x10: {  	[tilespmem:s12], [sflag:$0x1] =	stream.linear.gather [hbm4b:s4+s2], $0x9C80, $0x38;
	[tilespmem:$0x14400] =	vst v63  }
0x11: {  	_ =	swait.ge [sflag:s11], $0x9C80  }
0x12: {  	[sflag:s11] =	ssyncset.done $0x0  }
0x13: {  	[sflag:s11] =	ssyncadd.s32 $0xFFFF6380  }
0x14: {  	[tilespmem:s13], [sflag:$0x1] =	stream.linear.gather [hbm4b:s1+s2], $0x80, $0x38;
	[tilespmem:$0x14400] =	vst v63  }
0x15: {  	_ =	swait.ge [sflag:s11], $0x80  }
0x16: {  	[sflag:s11] =	ssyncset.done $0x0  }
0x17: {  	[sflag:s11] =	ssyncadd.s32 $0xFFFFFF80  }
0x18: {  	s18 =	simm.s32 $0x0;
	v2 =	vld [tilespmem:$0x13900]  }
.LBB2_2:
0x19: {  	s19 =	smul.u32 $0x190, s18;
	_ =	sdelay $0x1  }
0x1a: {  	s19 =	sadd.s32 s9, s19  }
0x1b: {  	s20 =	sshrl.u32 s19, $0x3  }
0x1c: {  	s21 =	sadd.s32 s6, s20  }
0x1d: {  	[tilespmem:s14], [sflag:$0x1] =	stream.linear.gather [hbm4b:s21+s22], $0x190, $0x38;
	[tilespmem:$0x14400] =	vst v63  }
0x1e: {  	_ =	swait.ge [sflag:s11], $0x190  }
0x1f: {  	[sflag:s11] =	ssyncset.done $0x0  }
0x20: {  	v3 =	vor.u32 s22, v0;
	s20 =	sadd.s32 s7, s20;
	[sflag:s11] =	ssyncadd.s32 $0xFFFFFE70  }
0x21: {  	[tilespmem:s15], [sflag:$0x1] =	stream.linear.gather [hbm4b:s20+s22], $0x190, $0x38;
	[tilespmem:$0x14400] =	vst v63  }
0x22: {  	_ =	swait.ge [sflag:s11], $0x190  }
0x23: {  	[sflag:s11] =	ssyncset.done $0x0  }
0x24: {  	[sflag:s11] =	ssyncadd.s32 $0xFFFFFE70  }
0x25: {  	v4 =	vld.idx.msk [tilespmem:v3+s14+$0x0], $0xffff  }
0x26: {  	v3 =	vld.idx.msk [tilespmem:v3+s15+$0x0], $0xffff;
	_ =	sdelay $0x3  }
0x27: {  	v4 =	vshll.u32 v4, $0x2  }
0x28: {  	v3 =	vshll.u32 v3, $0x2;
	v4 =	vor.u32 v1, v4  }
0x29: {  	v3 =	vor.u32 v1, v3;
	_ =	sdelay $0x3  }
0x2a: {  	v4 =	vld.idx.msk [tilespmem:v4+s2+$0x0], $0xffff  }
0x2b: {  	v3 =	vld.idx.msk [tilespmem:v3+s12+$0x0], $0xffff;
	_ =	sdelay $0x4  }
0x2c: {  	v3 =	vadd.f32 v3, v4;
	_ =	sdelay $0x1  }
0x2d: {  	v4 =	vmul.f32 $2.000000030e-01, v3;
	_ =	sdelay $0x1  }
0x2e: {  	v3 =	vmax.f32 v3, v4  }
0x2f: {  	v3 =	vsub.f32 v3, v2;
	_ =	sdelay $0x1  }
0x30: {  	v3 =	vmul.f32 $1.442695020e+00, v3;
	_ =	sdelay $0x1  }
0x31: {  	(erf) = vpow2.f32 v3;
	_ =	sdelay $0x4  }
0x32: {  	s30 =	simm.s32 $0x4  }
0x33: {  	v3 =	vor.u32 s30, v0;
	_ =	sdelay $0x2  }
0x34: {  	s20 =	simm.s32 $0x13D80;
	v4 =	vpop (erf)  }
0x35: {  	[tilespmem:s20+$0x0] =	vst v4  }
0x36: {  	v4 =	vld.idx.msk [tilespmem:v3+s14+$0x0], $0xffff  }
0x37: {  	v3 =	vld.idx.msk [tilespmem:v3+s15+$0x0], $0xffff;
	_ =	sdelay $0x3  }
0x38: {  	v4 =	vshll.u32 v4, $0x2  }
0x39: {  	v3 =	vshll.u32 v3, $0x2;
	v4 =	vor.u32 v1, v4  }
0x3a: {  	v3 =	vor.u32 v1, v3;
	_ =	sdelay $0x3  }
0x3b: {  	v4 =	vld.idx.msk [tilespmem:v4+s2+$0x0], $0xffff  }
0x3c: {  	v3 =	vld.idx.msk [tilespmem:v3+s12+$0x0], $0xffff;
	_ =	sdelay $0x4  }
0x3d: {  	v3 =	vadd.f32 v3, v4;
	_ =	sdelay $0x1  }
0x3e: {  	v4 =	vmul.f32 $2.000000030e-01, v3;
	_ =	sdelay $0x1  }
0x3f: {  	v3 =	vmax.f32 v3, v4  }
0x40: {  	v3 =	vsub.f32 v3, v2;
	_ =	sdelay $0x1  }
0x41: {  	v3 =	vmul.f32 $1.442695020e+00, v3;
	_ =	sdelay $0x1  }
0x42: {  	(erf) = vpow2.f32 v3;
	_ =	sdelay $0x4  }
0x43: {  	s31 =	simm.s32 $0x8  }
0x44: {  	v3 =	vor.u32 s31, v0  }
0x45: {  	s21 =	simm.s32 $0xC  }
.LBB2_3:
0x46: {  	p0 =	sne.s32 s21, $0x18C  }
0x47: {  	s20 =	sadd.s32 $0x10, s20;
	v4 =	vpop (erf)  }
0x48: {  	[tilespmem:s20+$0x0] =	vst v4  }
0x49: {  	v4 =	vld.idx.msk [tilespmem:v3+s14+$0x0], $0xffff  }
0x4a: {  	v3 =	vld.idx.msk [tilespmem:v3+s15+$0x0], $0xffff;
	_ =	sdelay $0x4  }
0x4b: {  	v4 =	vshll.u32 v4, $0x2  }
0x4c: {  	v4 =	vor.u32 v1, v4;
	v3 =	vshll.u32 v3, $0x2  }
0x4d: {  	v3 =	vor.u32 v1, v3;
	_ =	sdelay $0x3  }
0x4e: {  	v4 =	vld.idx.msk [tilespmem:v4+s2+$0x0], $0xffff  }
0x4f: {  	v3 =	vld.idx.msk [tilespmem:v3+s12+$0x0], $0xffff;
	_ =	sdelay $0x5  }
0x50: {  	v3 =	vadd.f32 v3, v4;
	_ =	sdelay $0x1  }
0x51: {  	v4 =	vmul.f32 $2.000000030e-01, v3;
	_ =	sdelay $0x1  }
0x52: {  	v3 =	vmax.f32 v3, v4  }
0x53: {  	v3 =	vsub.f32 v3, v2;
	_ =	sdelay $0x1  }
0x54: {  	v3 =	vmul.f32 $1.442695020e+00, v3;
	_ =	sdelay $0x1  }
0x55: {  	(erf) = vpow2.f32 v3;
	_ =	sdelay $0x2  }
.Ltmp0:
0x56: {  	(pc) =	sbr.rel @p0 .LBB2_3-.Ltmp0, $3  }
0x57: {  	_ =	sdelay $0x1  }
0x58: {  	v3 =	vor.u32 s21, v0  }
0x59: {  	s21 =	sadd.s32 $0x4, s21  }
0x5a: {  	_ =	sdelay $0x1  }
0x5b: {  	s20 =	sadd.s32 $0x10, s20;
	v4 =	vpop (erf)  }
0x5c: {  	[tilespmem:s20+$0x0] =	vst v4  }
0x5d: {  	v4 =	vld.idx.msk [tilespmem:v3+s14+$0x0], $0xffff  }
0x5e: {  	v3 =	vld.idx.msk [tilespmem:v3+s15+$0x0], $0xffff;
	_ =	sdelay $0x3  }
0x5f: {  	v4 =	vshll.u32 v4, $0x2  }
0x60: {  	v3 =	vshll.u32 v3, $0x2;
	v4 =	vor.u32 v1, v4  }
0x61: {  	v3 =	vor.u32 v1, v3;
	_ =	sdelay $0x3  }
0x62: {  	v4 =	vld.idx.msk [tilespmem:v4+s2+$0x0], $0xffff  }
0x63: {  	v3 =	vld.idx.msk [tilespmem:v3+s12+$0x0], $0xffff;
	_ =	sdelay $0x4  }
0x64: {  	v3 =	vadd.f32 v3, v4;
	_ =	sdelay $0x1  }
0x65: {  	v4 =	vmul.f32 $2.000000030e-01, v3;
	_ =	sdelay $0x1  }
0x66: {  	v3 =	vmax.f32 v3, v4  }
0x67: {  	v3 =	vsub.f32 v3, v2;
	_ =	sdelay $0x1  }
0x68: {  	v3 =	vmul.f32 $1.442695020e+00, v3;
	_ =	sdelay $0x1  }
0x69: {  	(erf) = vpow2.f32 v3;
	_ =	sdelay $0x7  }
0x6a: {  	s18 =	sadd.s32 $0x1, s18  }
0x6b: {  	s19 =	sshrl.u32 s19, $0x1;
	p0 =	sne.s32 s18, $0x19;
	s20 =	sadd.s32 $0x10, s20;
	v3 =	vpop (erf)  }
.Ltmp1:
0x6c: {  	s19 =	sadd.s32 s8, s19;
	[tilespmem:s20+$0x0] =	vst v3;
	(pc) =	sbr.rel @p0 .LBB2_2-.Ltmp1, $4  }
0x6d: {  	[hbm4b:s19+s2] =	stream.linear.scatter [tilespmem:s16], [sflag:$0x1], $0x640, $0x38;
	[tilespmem:$0x14400] =	vst v63  }
0x6e: {  	_ =	swait.ge [sflag:s11], $0x640  }
0x6f: {  	[sflag:s11] =	ssyncset.done $0x0  }
0x70: {  	[sflag:s11] =	ssyncadd.s32 $0xFFFFF9C0  }
0x71: {  	s17 =	sadd.s32 $0x1, s17  }
0x72: {  	p0 =	sne.s32 s17, s10  }
.Ltmp2:
0x73: {  	_ = 	snop;
	(pc) =	sbr.rel @p0 .LBB2_1-.Ltmp2, $1  }
0x74: {  	_ =	sdelay $0x3  }
0x75: {  	_ =	sfence.sel $0x180000  }
0x76: {  	[bflag:$0x0] =	sbarrier.arrive $0xFFFF  }
0x77: {  	p0 =	sne.s32 s5, $0x0;
	_ =	strace $0x90000053  }
0x78: {  	s0 =	sadd.s32 @!p0 $0x100000, s0;
	[bflag:$0x2] =	sbarrier.arrive $0xFFFF  }
0x79: {  	[sflag:s0] =	ssyncadd.tile.s32 @!p0 $0x1;
	_ =	shalt  }
.Lfunc_end2:
_tile_overlayer_lowered:
.L_overlay_start_2:
0x7a: {  	(tag) =	ssettag $0x2  }
0x7b: {  	s0 =	rddreg [dreg:$0x0];
	s2 =	stileid.u32  }
0x7c: {  	s1 =	rddreg [dreg:$0x1];
	p0 =	sne.s32 s2, $0x0  }
0x7d: {  	s3 =	rddreg [dreg:$0x2];
	[bflag:$0x3] =	sbarrier.arrive $0xFFFF;
	s2 =	simm.s32 @!p0 $0x1C01  }
0x7e: {  	[timem:s3], [sflag:s2] =	dma.local @!p0 [hbm:s0], s1  }
0x7f: {  	s0 =	simm.s32 @!p0 $0x1  }
0x80: {  	_ =	swait.ge @!p0 [sflag:s0], s1  }
0x81: {  	s1 =	ssub.s32 @!p0 $0x0, s1;
	[sflag:s0] =	ssyncset.done @!p0 $0x0  }
0x82: {  	[sflag:s0] =	ssyncadd.s32 @!p0 s1  }
0x83: {  	[bflag:$0x3] =	sbarrier.arrive $0xFFFF  }
0x84: {  	_ =	shalt  }

// kernel: kernel.35.cloned.1.call-start
scs
__scs_entry_jumppad:
0x0: {  	(pc) =	sbr.rel $0x88, $3  }
0x1: {  	(tag) =	ssettag $0x0;
	lr =	simm.s32 $0x1  }
0x2: {  	[smem:$0x3F90] =	sst lr;
	_ =	strace $0xD0000000  }
0x3: {  	_ = 	snop  }
0x4: {  	_ = 	snop  }
0x5: {  	_ = 	snop  }
0x6: {  	_ = 	snop  }
0x7: {  	_ = 	snop  }
__scs_overlays_trampoline_lowered:
0x8: {  	[smem:$0x3F9F] =	sst s0  }
0x9: {  	[smem:$0x3FA0] =	sst s1  }
0xa: {  	[smem:$0x3FA1] =	sst s2  }
0xb: {  	[smem:$0x3FA2] =	sst s3  }
0xc: {  	[smem:$0x3FA3] =	sst s4  }
0xd: {  	[smem:$0x3FA4] =	sst s5  }
0xe: {  	[smem:$0x3FA5] =	sst s6  }
0xf: {  	[smem:$0x3FA6] =	sst s7  }
0x10: {  	[smem:$0x3FA7] =	sst s8  }
0x11: {  	[smem:$0x3FA8] =	sst s9;
	s0 =	simm.s32 @!p0 $0x0  }
0x12: {  	s1 =	sld [smem:$0x3F8E];
	s0 =	simm.s32 @p0 $0x1  }
0x13: {  	[smem:$0x3FA9] =	sst s0;
	s0 =	simm.s32 @!p1 $0x0  }
0x14: {  	s2 =	sld [smem:$0x3F8D];
	s0 =	simm.s32 @p1 $0x1  }
0x15: {  	[smem:$0x3FAA] =	sst s0;
	s0 =	simm.s32 @!p2 $0x0  }
0x16: {  	s3 =	sld [smem:$0x3FDB];
	s0 =	simm.s32 @p2 $0x1  }
0x17: {  	s4 =	simm.s32 $0x1BF5;
	[smem:$0x3FAC] =	sst s0  }
0x18: {  	s0 =	sld [smem:$0x3F8F];
	_ =	swait.ge [sflag:s4], $0x0  }
0x19: {  	s7 =	sld [smem:$0x3F90]  }
0x1a: {  	s8 =	sadd.s32 $0xFFFFE003, lr  }
0x1b: {  	s9 =	sadd.s32 $0xFFFFFEF7, lr;
	s5 =	simm.s32 $0xFFFFFFFF;
	p2 =	slt.u32 s8, $0xFFFFF086  }
0x1c: {  	p1 =	slt.u32 s9, $0xF7A;
	s5 =	simm.s32 @!p2 $0x0  }
0x1d: {  	s5 =	simm.s32 @p1 $0x1;
	p0 =	seq.s32 s7, s2  }
0x1e: {  	s7 =	smul.u32 @!p0 $0xF7A, s2;
	p2 =	seq.s32 @!p0 s5, $0x0  }
0x1f: {  	s9 =	smul.u32 $0xF7A, s1;
	s8 =	simm.s32 @!p0 $0x1BF5;
	p2 =	por !p2, p0  }
0x20: {  	[sflag:s8] =	ssyncset.s32 @!p0 $0xFFFFF086;
	s6 =	sadd.s32 @!p0 s3, s7;
	s7 =	simm.s32 @!p0 $0x108  }
0x21: {  	s3 =	sadd.s32 s3, s9;
	s6 =	sadd.s32 @!p0 $0x88, s6;
	s7 =	simm.s32 @p2 $0x1082  }
0x22: {  	[simem:s7], [sflag:s8] =	dma.local @!p0 [hbm:s6], $0xF7A  }
0x23: {  	s9 =	sor.u32 $0xD0000000, s2;
	s6 =	simm.s32 $0x108;
	_ =	swait.ge @!p0 [sflag:s8], $0x0  }
0x24: {  	s3 =	sadd.s32 $0x88, s3;
	s6 =	simm.s32 @!p1 $0x1082;
	[sflag:s4] =	ssyncset.s32 $0xFFFFF086  }
0x25: {  	[simem:s6], [sflag:s4] =	dma.local [hbm:s3], $0xF7A  }
0x26: {  	[smem:$0x3F90] =	sst s1;
	(tag) =	ssettag s2;
	_ =	strace s9  }
0x27: {  	s1 =	sld [smem:$0x3FA0]  }
0x28: {  	s2 =	sld [smem:$0x3FA1]  }
0x29: {  	s4 =	sld [smem:$0x3FA3]  }
0x2a: {  	p0 =	seq.s32 s5, $0x0;
	s5 =	sld [smem:$0x3FA4]  }
0x2b: {  	s6 =	sld [smem:$0x3FA5]  }
0x2c: {  	s7 =	sld [smem:$0x3FA6]  }
0x2d: {  	s3 =	simm.s32 $0x108;
	s8 =	sld [smem:$0x3FA7]  }
0x2e: {  	s3 =	simm.s32 @!p0 $0x1082;
	s9 =	sld [smem:$0x3FA8]  }
0x2f: {  	lr =	sadd.s32 s0, s3;
	s0 =	sld [smem:$0x3F9F]  }
0x30: {  	s3 =	sld [smem:$0x3FA2]  }
0x31: {  	[smem:$0x3FAB] =	sst s10  }
0x32: {  	s10 =	sld [smem:$0x3FA9];
	_ =	sdelay $0x3  }
0x33: {  	p0 =	seq.s32 s10, $0x1;
	s10 =	sld [smem:$0x3FAB];
	_ =	sdelay $0x3  }
0x34: {  	[smem:$0x3FAB] =	sst s10  }
0x35: {  	s10 =	sld [smem:$0x3FAA];
	_ =	sdelay $0x3  }
0x36: {  	p1 =	seq.s32 s10, $0x1;
	s10 =	sld [smem:$0x3FAB];
	_ =	sdelay $0x3  }
0x37: {  	[smem:$0x3FAB] =	sst s10  }
0x38: {  	s10 =	sld [smem:$0x3FAC]  }
0x39: {  	_ = 	snop;
	(pc) =	sbr.ind lr, $3  }
0x3a: {  	_ = 	snop  }
0x3b: {  	_ = 	snop  }
0x3c: {  	p2 =	seq.s32 s10, $0x1;
	s10 =	sld [smem:$0x3FAB]  }
0x3d: {  	_ =	shalt  }
0x3e: {  	_ =	shalt  }
0x3f: {  	_ =	shalt  }
0x40: {  	_ =	shalt  }
0x41: {  	_ =	shalt  }
0x42: {  	_ =	shalt  }
0x43: {  	_ =	shalt  }
0x44: {  	_ =	shalt  }
0x45: {  	_ =	shalt  }
0x46: {  	_ =	shalt  }
0x47: {  	_ =	shalt  }
0x48: {  	_ =	shalt  }
0x49: {  	_ =	shalt  }
0x4a: {  	_ =	shalt  }
0x4b: {  	_ =	shalt  }
0x4c: {  	_ =	shalt  }
0x4d: {  	_ =	shalt  }
0x4e: {  	_ =	shalt  }
0x4f: {  	_ =	shalt  }
0x50: {  	_ =	shalt  }
0x51: {  	_ =	shalt  }
0x52: {  	_ =	shalt  }
0x53: {  	_ =	shalt  }
0x54: {  	_ =	shalt  }
0x55: {  	_ =	shalt  }
0x56: {  	_ =	shalt  }
0x57: {  	_ =	shalt  }
0x58: {  	_ =	shalt  }
0x59: {  	_ =	shalt  }
0x5a: {  	_ =	shalt  }
0x5b: {  	_ =	shalt  }
0x5c: {  	_ =	shalt  }
0x5d: {  	_ =	shalt  }
0x5e: {  	_ =	shalt  }
0x5f: {  	_ =	shalt  }
0x60: {  	_ =	shalt  }
0x61: {  	_ =	shalt  }
0x62: {  	_ =	shalt  }
0x63: {  	_ =	shalt  }
0x64: {  	_ =	shalt  }
0x65: {  	_ =	shalt  }
0x66: {  	_ =	shalt  }
0x67: {  	_ =	shalt  }
0x68: {  	_ =	shalt  }
0x69: {  	_ =	shalt  }
0x6a: {  	_ =	shalt  }
0x6b: {  	_ =	shalt  }
0x6c: {  	_ =	shalt  }
0x6d: {  	_ =	shalt  }
0x6e: {  	_ =	shalt  }
0x6f: {  	_ =	shalt  }
0x70: {  	_ =	shalt  }
0x71: {  	_ =	shalt  }
0x72: {  	_ =	shalt  }
0x73: {  	_ =	shalt  }
0x74: {  	_ =	shalt  }
0x75: {  	_ =	shalt  }
0x76: {  	_ =	shalt  }
0x77: {  	_ =	shalt  }
0x78: {  	_ =	shalt  }
0x79: {  	_ =	shalt  }
0x7a: {  	_ =	shalt  }
0x7b: {  	_ =	shalt  }
0x7c: {  	_ =	shalt  }
0x7d: {  	_ =	shalt  }
0x7e: {  	_ =	shalt  }
0x7f: {  	_ =	shalt  }
0x80: {  	_ =	shalt  }
0x81: {  	_ =	shalt  }
0x82: {  	_ =	shalt  }
0x83: {  	_ =	shalt  }
0x84: {  	_ =	shalt  }
0x85: {  	_ =	shalt  }
0x86: {  	_ =	shalt  }
0x87: {  	_ =	shalt  }
.Lfunc_end0:
.L_simem_size_0:
called_computation.5_lowered:
.L_overlay_start_0:
0x88: {  	s2 =	sld [smem:$0x3FD9]  }
0x89: {  	s3 =	sld [smem:$0x3FFE];
	_ =	sdelay $0x1  }
0x8a: {  	s1 =	srdreg.scid  }
0x8b: {  	s0 =	sand.u32 $0x1, s1  }
0x8c: {  	s16 =	sshll.u32 s0, $0xA;
	s2 =	sadd.s32 s3, s2  }
0x8d: {  	s2 =	sadd.s32 s2, s16  }
0x8e: {  	[smem:$0x3FB7] =	sst s2  }
0x8f: {  	_ = 	snop  }
0x90: {  	(tm) =	ssettm $0x1  }
0x91: {  	s17 =	sld [smem:$0x3FFB];
	_ =	sdelay $0x3  }
0x92: {  	_ =	strace s17  }
0x93: {  	s2 =	sld [smem:$0x3FFC];
	_ =	sdelay $0x3  }
0x94: {  	_ =	strace s2  }
0x95: {  	s2 =	sld [smem:$0x3FFD];
	_ =	sdelay $0x3  }
0x96: {  	_ =	strace s2  }
0x97: {  	_ =	strace $0x8FFFFFFF  }
0x98: {  	s18 =	sld [smem:$0x3FDB];
	_ =	sdelay $0x1  }
0x99: {  	s19 =	simm.s32 $_scs_section_size  }
0x9a: {  	s4 =	simm.s32 $_size__tile_overlayer_lowered;
	s5 =	simm.s32 $_tile_overlayer_lowered  }
0x9b: {  	s22 =	simm.s32 $0x1BFF;
	s21 =	sshll.u32 s5, $0x1;
	s2 =	sadd.s32 s19, s18  }
0x9c: {  	s6 =	simm.s32 $0x0;
	s20 =	sshll.u32 s4, $0x1;
	s4 =	sadd.s32 s21, s2  }
0x9d: {  	[timem:s6], [sflag:s22] =	dma.local [hbm:s4], s20  }
0x9e: {  	_ =	swait.ge [sflag:s22], s20  }
0x9f: {  	s3 =	ssub.s32 $0x0, s20;
	[sflag:s22] =	ssyncset.done $0x0  }
0xa0: {  	[sflag:s22] =	ssyncadd.s32 s3;
	_ =	sdelay $0x1  }
0xa1: {  	s23 =	simm.s32 $0x1B8B  }
0xa2: {  	_ =	swait.ge [sflag:s23], $0x1  }
0xa3: {  	[sflag:s23] =	ssyncset.done $0x0  }
0xa4: {  	s25 =	simm.s32 $0x1B8E;
	s24 =	sld [smem:$0x3FFE];
	[sflag:s23] =	ssyncadd.s32 $0xFFFFFFFF  }
0xa5: {  	s26 =	simm.s32 $execute0_lowered;
	[smem:$0x3FD2] =	sst s25  }
0xa6: {  	s4 =	sshll.u32 s26, $0x1;
	_ =	strace $0x80000055;
	[dreg:$0x1] =	wrdreg $0xFFFFFFFF  }
0xa7: {  	s28 =	simm.s32 $_size_execute0_lowered;
	s2 =	sadd.s32 s2, s4;
	[dreg:$0x0] =	wrdreg $0x0  }
0xa8: {  	s4 =	sshll.u32 s28, $0x1;
	[dreg:$0x2] =	wrdreg s2  }
0xa9: {  	[dreg:$0x3] =	wrdreg s4  }
0xaa: {  	[dreg:$0x4] =	wrdreg $0xC0  }
0xab: {  	_ =	task [dreg:s6], $0x5FFFF  }
0xac: {  	[dreg:$0x1] =	wrdreg $0xFFFFFFFF  }
0xad: {  	[dreg:$0x0] =	wrdreg $0x60  }
0xae: {  	[dreg:$0x2] =	wrdreg s24  }
0xaf: {  	[dreg:$0x3] =	wrdreg $0x2A000  }
0xb0: {  	[dreg:$0x4] =	wrdreg $0x9  }
0xb1: {  	_ =	task.clear_ibuf [dreg:s6], $0x5FFFF;
	_ =	strace $0x90000055  }
0xb2: {  	s29 =	simm.s32 $0x9;
	_ =	strace $0x80000057  }
0xb3: {  	_ =	swait.ge [sflag:s29], $0x1  }
0xb4: {  	[sflag:s29] =	ssyncadd.s32 $0xFFFFFFFF  }
0xb5: {  	_ =	strace $0x90000057  }
0xb6: {  	_ =	sfence  }
0xb7: {  	s30 =	sld [smem:$0x0];
	_ =	sdelay $0x2  }
0xb8: {  	s31 =	sshll.u32 s1, $0xD;
	s1 =	sshrl.u32 s1, $0x2  }
0xb9: {  	s3 =	sand.u32 $0x4000, s31;
	s1 =	sadd.s32 s1, s30  }
0xba: {  	s0 =	sor.u32 s3, s0;
	s1 =	sshll.u32 s1, $0x11  }
0xbb: {  	s0 =	sor.u32 s1, s0  }
0xbc: {  	s0 =	sadd.s32 $0x8F2B, s0  }
0xbd: {  	[sflag:s0] =	ssyncadd.remote.s32 $0x1  }
0xbe: {  	_ =	sfence.sel $0xFFFF  }
0xbf: {  	[dreg:$0x0] =	wrdreg $0xFFFFFFFF;
	(pc) =	sbr.abs _section_cstart, $3  }
0xc0: {  	[dreg:$0x1] =	wrdreg $0xFFFFFFFF  }
0xc1: {  	_ =	task.clear_ibuf [dreg:s6], $0x2FFFF;
	_ =	strace $0x9FFFFFFF  }
0xc2: {  	(tm) =	ssettm $0x7FFFFFFF  }
0xc3: {  	_ =	shalt  }
tec
execute0_lowered:
.L_overlay_start_1:
0x0: {  	(tag) =	ssettag $0x1  }
0x1: {  	s0 =	rddreg [dreg:$0x0]  }
0x2: {  	s1 =	rddreg [dreg:$0x1];
	s2 =	simm.s32 $0x0;
	s4 =	srdreg.scid  }
0x3: {  	s26 =	stileid.u32;
	s28 =	simm.s32 $0x1;
	s29 =	simm.s32 $0x80  }
0x4: {  	s30 =	simm.s32 $0x50;
	s31 =	simm.s32 $0x0;
	[smem:$0x7FF] =	sst s2  }
0x5: {  	s3 =	sadd.s32 $0xB6C00, s0;
	s5 =	sadd.s32 $0x4400, s0;
	s8 =	smul.u32 $0x13800, s26  }
0x6: {  	s4 =	sand.u32 $0x1, s4;
	s0 =	sadd.s32 $0xDDE00, s0;
	s17 =	smul.u32 $0x4E000, s26  }
0x7: {  	p0 =	sne.s32 s26, $0x0;
	_ =	strace $0x80000056;
	s6 =	ssub.s32 $0x2, s4  }
0x8: {  	s9 =	smul.u32 $0x138800, s4;
	s4 =	sshll.u32 s4, $0x4;
	s7 =	sshrl.u32 s6, $0x1  }
0x9: {  	s10 =	sadd.s32 $0x11800, s8;
	s4 =	sor.u32 s26, s4;
	s20 =	sadd.s32 $0x2800, s8  }
0xa: {  	s21 =	sadd.s32 $0x5000, s8;
	s22 =	sadd.s32 $0x7800, s8;
	s23 =	sadd.s32 $0xA000, s8  }
0xb: {  	s24 =	sadd.s32 $0xC800, s8;
	s25 =	sshrl.u32 s17, $0x2;
	s26 =	simm.s32 $0x200  }
0xc: {  	s18 =	ssub.s32 s6, s7;
	s13 =	sadd.s32 s9, s10;
	s6 =	smul.u32 $0x2710, s4  }
0xd: {  	s11 =	sshrl.u32 s9, $0x3;
	s7 =	sadd.s32 s10, s1;
	s15 =	sadd.s32 s9, s8  }
0xe: {  	s8 =	sadd.s32 $0xF000, s8;
	s16 =	sadd.s32 s9, s20;
	s19 =	sadd.s32 s9, s21  }
0xf: {  	s12 =	sadd.s32 s9, s22;
	s20 =	sadd.s32 s20, s1;
	s21 =	sadd.s32 s21, s1  }
0x10: {  	s22 =	sadd.s32 s22, s1;
	s14 =	sshrl.u32 s13, $0x3;
	s10 =	sshrl.u32 s15, $0x3  }
0x11: {  	s12 =	sshrl.u32 s12, $0x3;
	s13 =	sadd.s32 s9, s23;
	s18 =	smax.u32 s18, $0x1  }
0x12: {  	s23 =	sadd.s32 s23, s1;
	s4 =	sadd.s32 s0, s14;
	s10 =	sadd.s32 s0, s10  }
0x13: {  	s12 =	sadd.s32 s0, s12;
	s14 =	sadd.s32 s9, s24;
	s13 =	sshrl.u32 s13, $0x3  }
0x14: {  	s9 =	sadd.s32 s9, s8;
	s24 =	sadd.s32 s24, s1;
	[dreg:$0x3] =	wrdreg s4  }
0x15: {  	s4 =	sadd.s32 s0, s11;
	[dreg:$0x4] =	wrdreg s10;
	s10 =	sshrl.u32 s16, $0x3  }
0x16: {  	v0 =	vimm.s32 $0x3020100;
	s11 =	sshrl.u32 s19, $0x3;
	s14 =	sshrl.u32 s14, $0x3;
	s13 =	sadd.s32 s0, s13  }
0x17: {  	v1 =	vunpack.c.0.s8.s32 v0;
	s9 =	sshrl.u32 s9, $0x3;
	s16 =	sadd.s32 $0x138000, s1;
	s19 =	sadd.s32 s25, s1  }
0x18: {  	vm0 =	vcmask $0xF00;
	v0 =	vimm.f32 $0.0e+00;
	s25 =	sadd.s32 s8, s1;
	s10 =	sadd.s32 s0, s10;
	s11 =	sadd.s32 s0, s11  }
0x19: {  	v2 =	vsel vm0, $0x3F800000, v0;
	v1 =	vnsel vm0, $0x3, v1;
	s14 =	sadd.s32 s0, s14;
	s15 =	sadd.s32 s0, s9;
	s17 =	sadd.s32 $0x27000, s4  }
.LBB2_1:
0x1a: {  	s0 =	simm.s32 $0x0;
	s4 =	simm.s32 $0x200  }
.LBB2_2:
0x1b: {  	p1 =	sne.s32 s4, $0x9E00;
	[tilespmem:s0+$0x270] =	vst v0  }
0x1c: {  	[tilespmem:s0+$0x200] =	vst v0  }
0x1d: {  	[tilespmem:s0+$0x210] =	vst v0  }
.Ltmp0:
0x1e: {  	[tilespmem:s0+$0x220] =	vst v0;
	(pc) =	sbr.rel @p1 .LBB2_2-.Ltmp0, $4  }
0x1f: {  	[tilespmem:s0+$0x230] =	vst v0  }
0x20: {  	[tilespmem:s0+$0x240] =	vst v0  }
0x21: {  	[tilespmem:s0+$0x250] =	vst v0  }
0x22: {  	[tilespmem:s0+$0x260] =	vst v0;
	s0 =	sshra.s32 s4, $0x2;
	s4 =	sadd.s32 $0x200, s4  }
0x23: {  	[tilespmem:s0+$0x270] =	vst v0  }
0x24: {  	[tilespmem:s0+$0x200] =	vst v0  }
0x25: {  	[tilespmem:s0+$0x210] =	vst v0  }
0x26: {  	[tilespmem:s0+$0x220] =	vst v0  }
0x27: {  	[tilespmem:s0+$0x230] =	vst v0  }
0x28: {  	[tilespmem:s0+$0x240] =	vst v0  }
0x29: {  	[tilespmem:s0+$0x250] =	vst v0  }
0x2a: {  	[tilespmem:s0+$0x260] =	vst v0  }
0x2b: {  	[spmem:s19] =	stream.linear.scatter [tilespmem:s26], [sflag:$0x1], $0x2800, $0x38;
	[tilespmem:$0x16280] =	vst v63  }
0x2c: {  	_ =	swait.ge [sflag:s28], $0x2800  }
0x2d: {  	[sflag:s28] =	ssyncset.done $0x0  }
0x2e: {  	[sflag:s28] =	ssyncadd.s32 $0xFFFFD800  }
0x2f: {  	[spmem:s20] =	stream.linear.scatter [tilespmem:s26], [sflag:$0x1], $0x2800, $0x38;
	[tilespmem:$0x16280] =	vst v63  }
0x30: {  	_ =	swait.ge [sflag:s28], $0x2800  }
0x31: {  	[sflag:s28] =	ssyncset.done $0x0  }
0x32: {  	[sflag:s28] =	ssyncadd.s32 $0xFFFFD800  }
0x33: {  	[spmem:s21] =	stream.linear.scatter [tilespmem:s26], [sflag:$0x1], $0x2800, $0x38;
	[tilespmem:$0x16280] =	vst v63  }
0x34: {  	_ =	swait.ge [sflag:s28], $0x2800  }
0x35: {  	[sflag:s28] =	ssyncset.done $0x0  }
0x36: {  	[sflag:s28] =	ssyncadd.s32 $0xFFFFD800  }
0x37: {  	[spmem:s22] =	stream.linear.scatter [tilespmem:s26], [sflag:$0x1], $0x2800, $0x38;
	[tilespmem:$0x16280] =	vst v63  }
0x38: {  	_ =	swait.ge [sflag:s28], $0x2800  }
0x39: {  	[sflag:s28] =	ssyncset.done $0x0  }
0x3a: {  	[sflag:s28] =	ssyncadd.s32 $0xFFFFD800  }
0x3b: {  	[spmem:s23] =	stream.linear.scatter [tilespmem:s26], [sflag:$0x1], $0x2800, $0x38;
	[tilespmem:$0x16280] =	vst v63  }
0x3c: {  	_ =	swait.ge [sflag:s28], $0x2800  }
0x3d: {  	[sflag:s28] =	ssyncset.done $0x0  }
0x3e: {  	[sflag:s28] =	ssyncadd.s32 $0xFFFFD800  }
0x3f: {  	[spmem:s24] =	stream.linear.scatter [tilespmem:s26], [sflag:$0x1], $0x2800, $0x38;
	[tilespmem:$0x16280] =	vst v63  }
0x40: {  	_ =	swait.ge [sflag:s28], $0x2800  }
0x41: {  	[sflag:s28] =	ssyncset.done $0x0  }
0x42: {  	[sflag:s28] =	ssyncadd.s32 $0xFFFFD800  }
0x43: {  	[spmem:s25] =	stream.linear.scatter [tilespmem:s26], [sflag:$0x1], $0x2800, $0x38;
	[tilespmem:$0x16280] =	vst v63  }
0x44: {  	_ =	swait.ge [sflag:s28], $0x2800  }
0x45: {  	[sflag:s28] =	ssyncset.done $0x0  }
0x46: {  	[sflag:s28] =	ssyncadd.s32 $0xFFFFD800  }
0x47: {  	[spmem:s7] =	stream.linear.scatter [tilespmem:s26], [sflag:$0x1], $0x2000, $0x38;
	[tilespmem:$0x16280] =	vst v63  }
0x48: {  	_ =	swait.ge [sflag:s28], $0x2000  }
0x49: {  	[sflag:s28] =	ssyncset.done $0x0  }
0x4a: {  	s0 =	simm.s32 @!p0 $0x200;
	[sflag:s28] =	ssyncadd.s32 $0xFFFFE000  }
0x4b: {  	[spmem:s16] =	stream.linear.scatter @!p0 [tilespmem:s0], [sflag:$0x1], $0x800, $0x38;
	[tilespmem:$0x16280] =	vst v63  }
0x4c: {  	s0 =	simm.s32 @!p0 $0x1  }
0x4d: {  	_ =	swait.ge @!p0 [sflag:s0], $0x800  }
0x4e: {  	[sflag:s0] =	ssyncset.done @!p0 $0x0  }
0x4f: {  	[sflag:s0] =	ssyncadd.s32 @!p0 $0xFFFFF800  }
0x50: {  	s4 =	simm.s32 $0x0;
	s0 =	simm.s32 $0x0;
	[bflag:$0x0] =	sbarrier.arrive $0xFFFF  }
.LBB2_4:
0x51: {  	s8 =	smul.u32 $0x50, s4;
	_ =	sdelay $0x1  }
0x52: {  	s8 =	sadd.s32 s6, s8  }
0x53: {  	s9 =	sshrl.u32 s8, $0x3  }
0x54: {  	s9 =	sadd.s32 s5, s9  }
0x55: {  	[tilespmem:s0], [sflag:$0x1] =	stream.linear.gather [hbm4b:s9+s0], $0x50, $0x38;
	[tilespmem:$0x16280] =	vst v63  }
0x56: {  	_ =	swait.ge [sflag:s28], $0x50  }
0x57: {  	s8 =	sshrl.u32 s8, $0x1;
	[sflag:s28] =	ssyncset.done $0x0  }
0x58: {  	v3 =	vor.u32 s0, v1;
	s8 =	sadd.s32 s3, s8;
	[sflag:s28] =	ssyncadd.s32 $0xFFFFFFB0  }
0x59: {  	[tilespmem:s29], [sflag:$0x1] =	stream.linear.gather [hbm4b:s8+s0], $0x140, $0x38;
	[tilespmem:$0x16280] =	vst v63  }
0x5a: {  	_ =	swait.ge [sflag:s28], $0x140  }
0x5b: {  	[sflag:s28] =	ssyncset.done $0x0  }
0x5c: {  	[sflag:s28] =	ssyncadd.s32 $0xFFFFFEC0  }
0x5d: {  	v3 =	vld.idx.msk [tilespmem:v3+s29+$0x0], $0xffff;
	_ =	sdelay $0x1  }
0x5e: {  	s9 =	simm.s32 $0x4  }
0x5f: {  	v4 =	vor.u32 s9, v1;
	_ =	sdelay $0x1  }
0x60: {  	v3 =	vmul.f32 v2, v3  }
0x61: {  	s8 =	simm.s32 $0x200  }
0x62: {  	[tilespmem:s8+$0x0] =	vst v3  }
0x63: {  	v4 =	vld.idx.msk [tilespmem:v4+s29+$0x0], $0xffff;
	_ =	sdelay $0x1  }
0x64: {  	s9 =	simm.s32 $0x8  }
0x65: {  	v3 =	vor.u32 s9, v1;
	s9 =	simm.s32 $0xC  }
.LBB2_5:
0x66: {  	p1 =	sne.s32 s9, $0x13C  }
0x67: {  	v4 =	vmul.f32 v2, v4  }
0x68: {  	s8 =	sadd.s32 $0x80, s8  }
0x69: {  	[tilespmem:s8+$0x0] =	vst v4  }
.Ltmp1:
0x6a: {  	v4 =	vld.idx.msk [tilespmem:v3+s29+$0x0], $0xffff;
	(pc) =	sbr.rel @p1 .LBB2_5-.Ltmp1, $2  }
0x6b: {  	_ =	sdelay $0x2  }
0x6c: {  	v3 =	vor.u32 s9, v1;
	s9 =	sadd.s32 $0x4, s9  }
0x6d: {  	_ = 	snop  }
0x6e: {  	v4 =	vmul.f32 v2, v4  }
0x6f: {  	s8 =	sadd.s32 $0x80, s8  }
0x70: {  	[tilespmem:s8+$0x0] =	vst v4  }
0x71: {  	v3 =	vld.idx.msk [tilespmem:v3+s29+$0x0], $0xffff;
	_ =	sdelay $0x4  }
0x72: {  	s4 =	sadd.s32 $0x1, s4;
	v3 =	vmul.f32 v2, v3  }
0x73: {  	p1 =	sne.s32 s4, $0x7D;
	s8 =	sadd.s32 $0x80, s8  }
.Ltmp2:
0x74: {  	[tilespmem:s8+$0x0] =	vst v3;
	(pc) =	sbr.rel @p1 .LBB2_4-.Ltmp2, $4  }
0x75: {  	[spmem:s1] =	stream.indirect.scatter.add.f32 [tilespmem:s26], [sflag:$0x1], $0x80, s2, s30, $0xb8;
	[tilespmem:$0x16280] =	vst v63  }
0x76: {  	_ =	swait.ge [sflag:s28], $0x2800  }
0x77: {  	[sflag:s28] =	ssyncset.done $0x0  }
0x78: {  	[sflag:s28] =	ssyncadd.s32 $0xFFFFD800  }
0x79: {  	s0 =	stileid.u32  }
0x7a: {  	[bflag:$0x0] =	sbarrier.arrive $0xFFFF;
	s0 =	sshll.u32 s0, $0x6  }
0x7b: {  	s4 =	sshrl.u32 s19, $0x3;
	s8 =	rddreg [dreg:$0x4];
	s0 =	sor.u32 $0x1C01, s0  }
0x7c: {  	[hbm:s8], [sflag:s0] =	dma.local [spmem:s4], $0x500  }
0x7d: {  	_ =	swait.ge [sflag:s28], $0x500  }
0x7e: {  	[sflag:s28] =	ssyncset.done $0x0  }
0x7f: {  	s8 =	sshrl.u32 s20, $0x3;
	[sflag:s28] =	ssyncadd.s32 $0xFFFFFB00  }
0x80: {  	[hbm:s10], [sflag:s0] =	dma.local [spmem:s8], $0x500  }
0x81: {  	_ =	swait.ge [sflag:s28], $0x500  }
0x82: {  	[sflag:s28] =	ssyncset.done $0x0  }
0x83: {  	s9 =	sshrl.u32 s21, $0x3;
	[sflag:s28] =	ssyncadd.s32 $0xFFFFFB00  }
0x84: {  	[hbm:s11], [sflag:s0] =	dma.local [spmem:s9], $0x500  }
0x85: {  	_ =	swait.ge [sflag:s28], $0x500  }
0x86: {  	[sflag:s28] =	ssyncset.done $0x0  }
0x87: {  	s8 =	sshrl.u32 s22, $0x3;
	[sflag:s28] =	ssyncadd.s32 $0xFFFFFB00  }
0x88: {  	[hbm:s12], [sflag:s0] =	dma.local [spmem:s8], $0x500  }
0x89: {  	_ =	swait.ge [sflag:s28], $0x500  }
0x8a: {  	[sflag:s28] =	ssyncset.done $0x0  }
0x8b: {  	s9 =	sshrl.u32 s23, $0x3;
	[sflag:s28] =	ssyncadd.s32 $0xFFFFFB00  }
0x8c: {  	[hbm:s13], [sflag:s0] =	dma.local [spmem:s9], $0x500  }
0x8d: {  	_ =	swait.ge [sflag:s28], $0x500  }
0x8e: {  	[sflag:s28] =	ssyncset.done $0x0  }
0x8f: {  	s8 =	sshrl.u32 s24, $0x3;
	[sflag:s28] =	ssyncadd.s32 $0xFFFFFB00  }
0x90: {  	[hbm:s14], [sflag:s0] =	dma.local [spmem:s8], $0x500  }
0x91: {  	_ =	swait.ge [sflag:s28], $0x500  }
0x92: {  	[sflag:s28] =	ssyncset.done $0x0  }
0x93: {  	s9 =	sshrl.u32 s25, $0x3;
	[sflag:s28] =	ssyncadd.s32 $0xFFFFFB00  }
0x94: {  	[hbm:s15], [sflag:s0] =	dma.local [spmem:s9], $0x500  }
0x95: {  	_ =	swait.ge [sflag:s28], $0x500  }
0x96: {  	[sflag:s28] =	ssyncset.done $0x0  }
0x97: {  	s8 =	sshrl.u32 s7, $0x3;
	s9 =	rddreg [dreg:$0x3];
	[sflag:s28] =	ssyncadd.s32 $0xFFFFFB00  }
0x98: {  	[hbm:s9], [sflag:s0] =	dma.local [spmem:s8], $0x400  }
0x99: {  	_ =	swait.ge [sflag:s28], $0x400  }
0x9a: {  	s31 =	sadd.s32 $0x1, s31;
	[sflag:s28] =	ssyncset.done $0x0  }
0x9b: {  	p1 =	sne.s32 s31, s18;
	s4 =	sshrl.u32 @!p0 s16, $0x3;
	[sflag:s28] =	ssyncadd.s32 $0xFFFFFC00  }
0x9c: {  	[hbm:s17], [sflag:s0] =	dma.local @!p0 [spmem:s4], $0x100  }
.Ltmp3:
0x9d: {  	_ = 	snop;
	(pc) =	sbr.rel @p1 .LBB2_1-.Ltmp3, $4  }
0x9e: {  	s0 =	simm.s32 @!p0 $0x1  }
0x9f: {  	_ =	swait.ge @!p0 [sflag:s0], $0x100  }
0xa0: {  	[sflag:s0] =	ssyncset.done @!p0 $0x0  }
0xa1: {  	[sflag:s0] =	ssyncadd.s32 @!p0 $0xFFFFFF00  }
0xa2: {  	_ =	sfence.sel $0x180000  }
0xa3: {  	[bflag:$0x0] =	sbarrier.arrive $0xFFFF  }
0xa4: {  	_ =	strace $0x90000056  }
0xa5: {  	[bflag:$0x2] =	sbarrier.arrive $0xFFFF  }
0xa6: {  	s0 =	rddreg [dreg:$0x2]  }
0xa7: {  	s0 =	sadd.s32 @!p0 $0x100000, s0  }
0xa8: {  	[sflag:s0] =	ssyncadd.tile.s32 @!p0 $0x1;
	_ =	shalt  }
.Lfunc_end2:
_tile_overlayer_lowered:
.L_overlay_start_2:
0xa9: {  	(tag) =	ssettag $0x2  }
0xaa: {  	s0 =	rddreg [dreg:$0x0];
	s2 =	stileid.u32  }
0xab: {  	s1 =	rddreg [dreg:$0x1];
	p0 =	sne.s32 s2, $0x0  }
0xac: {  	s3 =	rddreg [dreg:$0x2];
	[bflag:$0x3] =	sbarrier.arrive $0xFFFF;
	s2 =	simm.s32 @!p0 $0x1C01  }
0xad: {  	[timem:s3], [sflag:s2] =	dma.local @!p0 [hbm:s0], s1  }
0xae: {  	s0 =	simm.s32 @!p0 $0x1  }
0xaf: {  	_ =	swait.ge @!p0 [sflag:s0], s1  }
0xb0: {  	s1 =	ssub.s32 @!p0 $0x0, s1;
	[sflag:s0] =	ssyncset.done @!p0 $0x0  }
0xb1: {  	[sflag:s0] =	ssyncadd.s32 @!p0 s1  }
0xb2: {  	[bflag:$0x3] =	sbarrier.arrive $0xFFFF  }
0xb3: {  	_ =	shalt  }

// kernel: kernel.38.cloned.1.call-start
scs
__scs_entry_jumppad:
0x0: {  	(pc) =	sbr.rel $0x88, $3  }
0x1: {  	(tag) =	ssettag $0x0;
	lr =	simm.s32 $0x1  }
0x2: {  	[smem:$0x3F90] =	sst lr;
	_ =	strace $0xD0000000  }
0x3: {  	_ = 	snop  }
0x4: {  	_ = 	snop  }
0x5: {  	_ = 	snop  }
0x6: {  	_ = 	snop  }
0x7: {  	_ = 	snop  }
__scs_overlays_trampoline_lowered:
0x8: {  	[smem:$0x3F9F] =	sst s0  }
0x9: {  	[smem:$0x3FA0] =	sst s1  }
0xa: {  	[smem:$0x3FA1] =	sst s2  }
0xb: {  	[smem:$0x3FA2] =	sst s3  }
0xc: {  	[smem:$0x3FA3] =	sst s4  }
0xd: {  	[smem:$0x3FA4] =	sst s5  }
0xe: {  	[smem:$0x3FA5] =	sst s6  }
0xf: {  	[smem:$0x3FA6] =	sst s7  }
0x10: {  	[smem:$0x3FA7] =	sst s8  }
0x11: {  	[smem:$0x3FA8] =	sst s9;
	s0 =	simm.s32 @!p0 $0x0  }
0x12: {  	s1 =	sld [smem:$0x3F8E];
	s0 =	simm.s32 @p0 $0x1  }
0x13: {  	[smem:$0x3FA9] =	sst s0;
	s0 =	simm.s32 @!p1 $0x0  }
0x14: {  	s2 =	sld [smem:$0x3F8D];
	s0 =	simm.s32 @p1 $0x1  }
0x15: {  	[smem:$0x3FAA] =	sst s0;
	s0 =	simm.s32 @!p2 $0x0  }
0x16: {  	s3 =	sld [smem:$0x3FDB];
	s0 =	simm.s32 @p2 $0x1  }
0x17: {  	s4 =	simm.s32 $0x1BF5;
	[smem:$0x3FAC] =	sst s0  }
0x18: {  	s0 =	sld [smem:$0x3F8F];
	_ =	swait.ge [sflag:s4], $0x0  }
0x19: {  	s7 =	sld [smem:$0x3F90]  }
0x1a: {  	s8 =	sadd.s32 $0xFFFFE003, lr  }
0x1b: {  	s9 =	sadd.s32 $0xFFFFFEF7, lr;
	s5 =	simm.s32 $0xFFFFFFFF;
	p2 =	slt.u32 s8, $0xFFFFF086  }
0x1c: {  	p1 =	slt.u32 s9, $0xF7A;
	s5 =	simm.s32 @!p2 $0x0  }
0x1d: {  	s5 =	simm.s32 @p1 $0x1;
	p0 =	seq.s32 s7, s2  }
0x1e: {  	s7 =	smul.u32 @!p0 $0xF7A, s2;
	p2 =	seq.s32 @!p0 s5, $0x0  }
0x1f: {  	s9 =	smul.u32 $0xF7A, s1;
	s8 =	simm.s32 @!p0 $0x1BF5;
	p2 =	por !p2, p0  }
0x20: {  	[sflag:s8] =	ssyncset.s32 @!p0 $0xFFFFF086;
	s6 =	sadd.s32 @!p0 s3, s7;
	s7 =	simm.s32 @!p0 $0x108  }
0x21: {  	s3 =	sadd.s32 s3, s9;
	s6 =	sadd.s32 @!p0 $0x88, s6;
	s7 =	simm.s32 @p2 $0x1082  }
0x22: {  	[simem:s7], [sflag:s8] =	dma.local @!p0 [hbm:s6], $0xF7A  }
0x23: {  	s9 =	sor.u32 $0xD0000000, s2;
	s6 =	simm.s32 $0x108;
	_ =	swait.ge @!p0 [sflag:s8], $0x0  }
0x24: {  	s3 =	sadd.s32 $0x88, s3;
	s6 =	simm.s32 @!p1 $0x1082;
	[sflag:s4] =	ssyncset.s32 $0xFFFFF086  }
0x25: {  	[simem:s6], [sflag:s4] =	dma.local [hbm:s3], $0xF7A  }
0x26: {  	[smem:$0x3F90] =	sst s1;
	(tag) =	ssettag s2;
	_ =	strace s9  }
0x27: {  	s1 =	sld [smem:$0x3FA0]  }
0x28: {  	s2 =	sld [smem:$0x3FA1]  }
0x29: {  	s4 =	sld [smem:$0x3FA3]  }
0x2a: {  	p0 =	seq.s32 s5, $0x0;
	s5 =	sld [smem:$0x3FA4]  }
0x2b: {  	s6 =	sld [smem:$0x3FA5]  }
0x2c: {  	s7 =	sld [smem:$0x3FA6]  }
0x2d: {  	s3 =	simm.s32 $0x108;
	s8 =	sld [smem:$0x3FA7]  }
0x2e: {  	s3 =	simm.s32 @!p0 $0x1082;
	s9 =	sld [smem:$0x3FA8]  }
0x2f: {  	lr =	sadd.s32 s0, s3;
	s0 =	sld [smem:$0x3F9F]  }
0x30: {  	s3 =	sld [smem:$0x3FA2]  }
0x31: {  	[smem:$0x3FAB] =	sst s10  }
0x32: {  	s10 =	sld [smem:$0x3FA9];
	_ =	sdelay $0x3  }
0x33: {  	p0 =	seq.s32 s10, $0x1;
	s10 =	sld [smem:$0x3FAB];
	_ =	sdelay $0x3  }
0x34: {  	[smem:$0x3FAB] =	sst s10  }
0x35: {  	s10 =	sld [smem:$0x3FAA];
	_ =	sdelay $0x3  }
0x36: {  	p1 =	seq.s32 s10, $0x1;
	s10 =	sld [smem:$0x3FAB];
	_ =	sdelay $0x3  }
0x37: {  	[smem:$0x3FAB] =	sst s10  }
0x38: {  	s10 =	sld [smem:$0x3FAC]  }
0x39: {  	_ = 	snop;
	(pc) =	sbr.ind lr, $3  }
0x3a: {  	_ = 	snop  }
0x3b: {  	_ = 	snop  }
0x3c: {  	p2 =	seq.s32 s10, $0x1;
	s10 =	sld [smem:$0x3FAB]  }
0x3d: {  	_ =	shalt  }
0x3e: {  	_ =	shalt  }
0x3f: {  	_ =	shalt  }
0x40: {  	_ =	shalt  }
0x41: {  	_ =	shalt  }
0x42: {  	_ =	shalt  }
0x43: {  	_ =	shalt  }
0x44: {  	_ =	shalt  }
0x45: {  	_ =	shalt  }
0x46: {  	_ =	shalt  }
0x47: {  	_ =	shalt  }
0x48: {  	_ =	shalt  }
0x49: {  	_ =	shalt  }
0x4a: {  	_ =	shalt  }
0x4b: {  	_ =	shalt  }
0x4c: {  	_ =	shalt  }
0x4d: {  	_ =	shalt  }
0x4e: {  	_ =	shalt  }
0x4f: {  	_ =	shalt  }
0x50: {  	_ =	shalt  }
0x51: {  	_ =	shalt  }
0x52: {  	_ =	shalt  }
0x53: {  	_ =	shalt  }
0x54: {  	_ =	shalt  }
0x55: {  	_ =	shalt  }
0x56: {  	_ =	shalt  }
0x57: {  	_ =	shalt  }
0x58: {  	_ =	shalt  }
0x59: {  	_ =	shalt  }
0x5a: {  	_ =	shalt  }
0x5b: {  	_ =	shalt  }
0x5c: {  	_ =	shalt  }
0x5d: {  	_ =	shalt  }
0x5e: {  	_ =	shalt  }
0x5f: {  	_ =	shalt  }
0x60: {  	_ =	shalt  }
0x61: {  	_ =	shalt  }
0x62: {  	_ =	shalt  }
0x63: {  	_ =	shalt  }
0x64: {  	_ =	shalt  }
0x65: {  	_ =	shalt  }
0x66: {  	_ =	shalt  }
0x67: {  	_ =	shalt  }
0x68: {  	_ =	shalt  }
0x69: {  	_ =	shalt  }
0x6a: {  	_ =	shalt  }
0x6b: {  	_ =	shalt  }
0x6c: {  	_ =	shalt  }
0x6d: {  	_ =	shalt  }
0x6e: {  	_ =	shalt  }
0x6f: {  	_ =	shalt  }
0x70: {  	_ =	shalt  }
0x71: {  	_ =	shalt  }
0x72: {  	_ =	shalt  }
0x73: {  	_ =	shalt  }
0x74: {  	_ =	shalt  }
0x75: {  	_ =	shalt  }
0x76: {  	_ =	shalt  }
0x77: {  	_ =	shalt  }
0x78: {  	_ =	shalt  }
0x79: {  	_ =	shalt  }
0x7a: {  	_ =	shalt  }
0x7b: {  	_ =	shalt  }
0x7c: {  	_ =	shalt  }
0x7d: {  	_ =	shalt  }
0x7e: {  	_ =	shalt  }
0x7f: {  	_ =	shalt  }
0x80: {  	_ =	shalt  }
0x81: {  	_ =	shalt  }
0x82: {  	_ =	shalt  }
0x83: {  	_ =	shalt  }
0x84: {  	_ =	shalt  }
0x85: {  	_ =	shalt  }
0x86: {  	_ =	shalt  }
0x87: {  	_ =	shalt  }
.Lfunc_end0:
.L_simem_size_0:
called_computation.6_lowered:
.L_overlay_start_0:
0x88: {  	s2 =	sld [smem:$0x3FD9]  }
0x89: {  	s3 =	sld [smem:$0x3FFE];
	_ =	sdelay $0x1  }
0x8a: {  	s1 =	srdreg.scid  }
0x8b: {  	s0 =	sand.u32 $0x1, s1  }
0x8c: {  	s16 =	sshll.u32 s0, $0xA;
	s2 =	sadd.s32 s3, s2  }
0x8d: {  	s2 =	sadd.s32 s2, s16  }
0x8e: {  	[smem:$0x3FB7] =	sst s2  }
0x8f: {  	_ = 	snop  }
0x90: {  	(tm) =	ssettm $0x1  }
0x91: {  	s17 =	sld [smem:$0x3FFB];
	_ =	sdelay $0x3  }
0x92: {  	_ =	strace s17  }
0x93: {  	s2 =	sld [smem:$0x3FFC];
	_ =	sdelay $0x3  }
0x94: {  	_ =	strace s2  }
0x95: {  	s2 =	sld [smem:$0x3FFD];
	_ =	sdelay $0x3  }
0x96: {  	_ =	strace s2  }
0x97: {  	_ =	strace $0x8FFFFFFF  }
0x98: {  	s18 =	sld [smem:$0x3FDB];
	_ =	sdelay $0x1  }
0x99: {  	s19 =	simm.s32 $_scs_section_size  }
0x9a: {  	s4 =	simm.s32 $_size__tile_overlayer_lowered;
	s5 =	simm.s32 $_tile_overlayer_lowered  }
0x9b: {  	s22 =	simm.s32 $0x1BFF;
	s21 =	sshll.u32 s5, $0x1;
	s2 =	sadd.s32 s19, s18  }
0x9c: {  	s6 =	simm.s32 $0x0;
	s20 =	sshll.u32 s4, $0x1;
	s4 =	sadd.s32 s21, s2  }
0x9d: {  	[timem:s6], [sflag:s22] =	dma.local [hbm:s4], s20  }
0x9e: {  	_ =	swait.ge [sflag:s22], s20  }
0x9f: {  	s3 =	ssub.s32 $0x0, s20;
	[sflag:s22] =	ssyncset.done $0x0  }
0xa0: {  	[sflag:s22] =	ssyncadd.s32 s3;
	_ =	sdelay $0x1  }
0xa1: {  	s23 =	simm.s32 $0x1B8B  }
0xa2: {  	_ =	swait.ge [sflag:s23], $0x1  }
0xa3: {  	[sflag:s23] =	ssyncset.done $0x0  }
0xa4: {  	s25 =	simm.s32 $0x1B8E;
	s24 =	sld [smem:$0x3FFE];
	[sflag:s23] =	ssyncadd.s32 $0xFFFFFFFF  }
0xa5: {  	s26 =	simm.s32 $execute0_lowered;
	[smem:$0x3FD2] =	sst s25  }
0xa6: {  	s4 =	sshll.u32 s26, $0x1;
	_ =	strace $0x80000058;
	[dreg:$0x1] =	wrdreg $0xFFFFFFFF  }
0xa7: {  	s28 =	simm.s32 $_size_execute0_lowered;
	s2 =	sadd.s32 s2, s4;
	[dreg:$0x0] =	wrdreg $0x0  }
0xa8: {  	s4 =	sshll.u32 s28, $0x1;
	[dreg:$0x2] =	wrdreg s2  }
0xa9: {  	[dreg:$0x3] =	wrdreg s4  }
0xaa: {  	[dreg:$0x4] =	wrdreg $0xC0  }
0xab: {  	_ =	task [dreg:s6], $0x5FFFF  }
0xac: {  	[dreg:$0x1] =	wrdreg $0xFFFFFFFF  }
0xad: {  	[dreg:$0x0] =	wrdreg $0x60  }
0xae: {  	[dreg:$0x2] =	wrdreg s24  }
0xaf: {  	[dreg:$0x3] =	wrdreg $0x9  }
0xb0: {  	_ =	task.clear_ibuf [dreg:s6], $0x4FFFF;
	_ =	strace $0x90000058  }
0xb1: {  	s29 =	simm.s32 $0x9;
	_ =	strace $0x8000005A  }
0xb2: {  	_ =	swait.ge [sflag:s29], $0x1  }
0xb3: {  	[sflag:s29] =	ssyncadd.s32 $0xFFFFFFFF  }
0xb4: {  	_ =	strace $0x9000005A  }
0xb5: {  	_ =	sfence  }
0xb6: {  	s30 =	sld [smem:$0x0];
	_ =	sdelay $0x2  }
0xb7: {  	s31 =	sshll.u32 s1, $0xD;
	s1 =	sshrl.u32 s1, $0x2  }
0xb8: {  	s3 =	sand.u32 $0x4000, s31;
	s1 =	sadd.s32 s1, s30  }
0xb9: {  	s0 =	sor.u32 s3, s0;
	s1 =	sshll.u32 s1, $0x11  }
0xba: {  	s0 =	sor.u32 s1, s0  }
0xbb: {  	s0 =	sadd.s32 $0x8F2B, s0  }
0xbc: {  	[sflag:s0] =	ssyncadd.remote.s32 $0x1  }
0xbd: {  	_ =	sfence.sel $0xFFFF  }
0xbe: {  	[dreg:$0x0] =	wrdreg $0xFFFFFFFF;
	(pc) =	sbr.abs _section_cstart, $3  }
0xbf: {  	[dreg:$0x1] =	wrdreg $0xFFFFFFFF  }
0xc0: {  	_ =	task.clear_ibuf [dreg:s6], $0x2FFFF;
	_ =	strace $0x9FFFFFFF  }
0xc1: {  	(tm) =	ssettm $0x7FFFFFFF  }
tec
execute0_lowered:
.L_overlay_start_1:
0x0: {  	(tag) =	ssettag $0x1  }
0x1: {  	s6 =	rddreg [dreg:$0x0]  }
0x2: {  	s0 =	rddreg [dreg:$0x1]  }
0x3: {  	s1 =	simm.s32 $0x0;
	s3 =	srdreg.scid;
	s10 =	simm.s32 $0x9C80  }
0x4: {  	s11 =	simm.s32 $0x9E80;
	s12 =	simm.s32 $0x0;
	[smem:$0x7FF] =	sst s1  }
0x5: {  	s2 =	sadd.s32 $0xB6C00, s6;
	s7 =	sand.u32 $0x1, s3;
	s4 =	sadd.s32 $0x4400, s6  }
0x6: {  	s5 =	sadd.s32 $0xB4400, s6;
	s3 =	stileid.u32;
	s8 =	ssub.s32 $0x2, s7  }
0x7: {  	s6 =	sadd.s32 $0xDDE00, s6;
	s7 =	sshll.u32 s7, $0x4;
	s9 =	sshrl.u32 s8, $0x1  }
0x8: {  	v1 =	vlaneseq.u32;
	_ =	strace $0x80000059;
	s7 =	sor.u32 s3, s7;
	s8 =	ssub.s32 s8, s9  }
0x9: {  	v0 =	vshrl.u32 v1, $0x2;
	v1 =	vand.u32 $0x3, v1;
	s7 =	smul.u32 $0x2710, s7;
	s9 =	simm.s32 $0x1;
	s8 =	smax.u32 s8, $0x1  }
.LBB2_1:
0xa: {  	[tilespmem:s1], [sflag:$0x1] =	stream.linear.gather [hbm4b:s5+s1], $0x9C80, $0x38;
	[tilespmem:$0xA500] =	vst v63  }
0xb: {  	_ =	swait.ge [sflag:s9], $0x9C80  }
0xc: {  	[sflag:s9] =	ssyncset.done $0x0  }
0xd: {  	s13 =	simm.s32 $0x0;
	[sflag:s9] =	ssyncadd.s32 $0xFFFF6380  }
.LBB2_2:
0xe: {  	s14 =	smul.u32 $0x190, s13;
	_ =	sdelay $0x1  }
0xf: {  	s14 =	sadd.s32 s7, s14  }
0x10: {  	s15 =	sshrl.u32 s14, $0x3  }
0x11: {  	s16 =	simm.s32 $0x0;
	s15 =	sadd.s32 s4, s15  }
0x12: {  	[tilespmem:s10], [sflag:$0x1] =	stream.linear.gather [hbm4b:s15+s16], $0x190, $0x38;
	[tilespmem:$0xA500] =	vst v63  }
0x13: {  	_ =	swait.ge [sflag:s9], $0x190  }
0x14: {  	s14 =	sshrl.u32 s14, $0x1;
	[sflag:s9] =	ssyncset.done $0x0  }
0x15: {  	v2 =	vor.u32 s16, v0;
	s17 =	sadd.s32 s2, s14;
	s15 =	simm.s32 $0x9E80;
	[sflag:s9] =	ssyncadd.s32 $0xFFFFFE70  }
0x16: {  	[tilespmem:s15], [sflag:$0x1] =	stream.linear.gather [hbm4b:s17+s16], $0x640, $0x38;
	[tilespmem:$0xA500] =	vst v63  }
0x17: {  	_ =	swait.ge [sflag:s9], $0x640  }
0x18: {  	[sflag:s9] =	ssyncset.done $0x0  }
0x19: {  	[sflag:s9] =	ssyncadd.s32 $0xFFFFF9C0  }
0x1a: {  	v2 =	vld.idx.msk [tilespmem:v2+s10+$0x0], $0xffff;
	_ =	sdelay $0x4  }
0x1b: {  	v2 =	vshll.u32 v2, $0x2  }
0x1c: {  	v2 =	vor.u32 v1, v2;
	_ =	sdelay $0x3  }
0x1d: {  	v4 =	vld [tilespmem:s15+$0x0]  }
0x1e: {  	v2 =	vld.idx.msk [tilespmem:v2+s1+$0x0], $0xffff;
	_ =	sdelay $0x1  }
0x1f: {  	s31 =	simm.s32 $0x4  }
0x20: {  	v3 =	vor.u32 s31, v0;
	s16 =	simm.s32 $0x8  }
.LBB2_3:
0x21: {  	p0 =	sne.s32 s16, $0x18C  }
0x22: {  	v2 =	vmul.f32 v4, v2;
	_ =	sdelay $0x1  }
0x23: {  	[tilespmem:s15+$0x0] =	vst v2  }
0x24: {  	v2 =	vld.idx.msk [tilespmem:v3+s10+$0x0], $0xffff;
	_ =	sdelay $0x5  }
0x25: {  	v2 =	vshll.u32 v2, $0x2  }
0x26: {  	v2 =	vor.u32 v1, v2;
	_ =	sdelay $0x4  }
.Ltmp0:
0x27: {  	s15 =	sadd.s32 $0x10, s15;
	v2 =	vld.idx.msk [tilespmem:v2+s1+$0x0], $0xffff;
	(pc) =	sbr.rel @p0 .LBB2_3-.Ltmp0, $2  }
0x28: {  	v4 =	vld [tilespmem:s15+$0x0];
	_ =	sdelay $0x2  }
0x29: {  	v3 =	vor.u32 s16, v0;
	s16 =	sadd.s32 $0x4, s16  }
0x2a: {  	_ = 	snop  }
0x2b: {  	v2 =	vmul.f32 v4, v2;
	_ =	sdelay $0x1  }
0x2c: {  	[tilespmem:s15+$0x0] =	vst v2  }
0x2d: {  	v2 =	vld.idx.msk [tilespmem:v3+s10+$0x0], $0xffff;
	_ =	sdelay $0x4  }
0x2e: {  	v2 =	vshll.u32 v2, $0x2  }
0x2f: {  	v2 =	vor.u32 v1, v2;
	_ =	sdelay $0x2  }
0x30: {  	s31 =	sadd.s32 $0x10, s15  }
0x31: {  	v3 =	vld [tilespmem:s31+$0x0]  }
0x32: {  	v2 =	vld.idx.msk [tilespmem:v2+s1+$0x0], $0xffff;
	_ =	sdelay $0x4  }
0x33: {  	s13 =	sadd.s32 $0x1, s13;
	v2 =	vmul.f32 v3, v2  }
0x34: {  	p0 =	sne.s32 s13, $0x19  }
.Ltmp1:
0x35: {  	s14 =	sadd.s32 s6, s14;
	[tilespmem:s31+$0x0] =	vst v2;
	(pc) =	sbr.rel @p0 .LBB2_2-.Ltmp1, $4  }
0x36: {  	[hbm4b:s14+s1] =	stream.linear.scatter [tilespmem:s11], [sflag:$0x1], $0x640, $0x38;
	[tilespmem:$0xA500] =	vst v63  }
0x37: {  	_ =	swait.ge [sflag:s9], $0x640  }
0x38: {  	[sflag:s9] =	ssyncset.done $0x0  }
0x39: {  	[sflag:s9] =	ssyncadd.s32 $0xFFFFF9C0  }
0x3a: {  	s12 =	sadd.s32 $0x1, s12  }
0x3b: {  	p0 =	sne.s32 s12, s8  }
.Ltmp2:
0x3c: {  	_ = 	snop;
	(pc) =	sbr.rel @p0 .LBB2_1-.Ltmp2, $1  }
0x3d: {  	_ =	sdelay $0x3  }
0x3e: {  	_ =	sfence.sel $0x180000  }
0x3f: {  	[bflag:$0x0] =	sbarrier.arrive $0xFFFF  }
0x40: {  	p0 =	sne.s32 s3, $0x0;
	_ =	strace $0x90000059  }
0x41: {  	s0 =	sadd.s32 @!p0 $0x100000, s0;
	[bflag:$0x2] =	sbarrier.arrive $0xFFFF  }
0x42: {  	[sflag:s0] =	ssyncadd.tile.s32 @!p0 $0x1;
	_ =	shalt  }
.Lfunc_end2:
_tile_overlayer_lowered:
.L_overlay_start_2:
0x43: {  	(tag) =	ssettag $0x2  }
0x44: {  	s0 =	rddreg [dreg:$0x0];
	s2 =	stileid.u32  }
0x45: {  	s1 =	rddreg [dreg:$0x1];
	p0 =	sne.s32 s2, $0x0  }
0x46: {  	s3 =	rddreg [dreg:$0x2];
	[bflag:$0x3] =	sbarrier.arrive $0xFFFF;
	s2 =	simm.s32 @!p0 $0x1C01  }
0x47: {  	[timem:s3], [sflag:s2] =	dma.local @!p0 [hbm:s0], s1  }
0x48: {  	s0 =	simm.s32 @!p0 $0x1  }
0x49: {  	_ =	swait.ge @!p0 [sflag:s0], s1  }
0x4a: {  	s1 =	ssub.s32 @!p0 $0x0, s1;
	[sflag:s0] =	ssyncset.done @!p0 $0x0  }
0x4b: {  	[sflag:s0] =	ssyncadd.s32 @!p0 s1  }
0x4c: {  	[bflag:$0x3] =	sbarrier.arrive $0xFFFF  }
0x4d: {  	_ =	shalt  }

// kernel: kernel.41.cloned.1.call-start
scs
__scs_entry_jumppad:
0x0: {  	(pc) =	sbr.rel $0x88, $3  }
0x1: {  	(tag) =	ssettag $0x0;
	lr =	simm.s32 $0x1  }
0x2: {  	[smem:$0x3F90] =	sst lr;
	_ =	strace $0xD0000000  }
0x3: {  	_ = 	snop  }
0x4: {  	_ = 	snop  }
0x5: {  	_ = 	snop  }
0x6: {  	_ = 	snop  }
0x7: {  	_ = 	snop  }
__scs_overlays_trampoline_lowered:
0x8: {  	[smem:$0x3F9F] =	sst s0  }
0x9: {  	[smem:$0x3FA0] =	sst s1  }
0xa: {  	[smem:$0x3FA1] =	sst s2  }
0xb: {  	[smem:$0x3FA2] =	sst s3  }
0xc: {  	[smem:$0x3FA3] =	sst s4  }
0xd: {  	[smem:$0x3FA4] =	sst s5  }
0xe: {  	[smem:$0x3FA5] =	sst s6  }
0xf: {  	[smem:$0x3FA6] =	sst s7  }
0x10: {  	[smem:$0x3FA7] =	sst s8  }
0x11: {  	[smem:$0x3FA8] =	sst s9;
	s0 =	simm.s32 @!p0 $0x0  }
0x12: {  	s1 =	sld [smem:$0x3F8E];
	s0 =	simm.s32 @p0 $0x1  }
0x13: {  	[smem:$0x3FA9] =	sst s0;
	s0 =	simm.s32 @!p1 $0x0  }
0x14: {  	s2 =	sld [smem:$0x3F8D];
	s0 =	simm.s32 @p1 $0x1  }
0x15: {  	[smem:$0x3FAA] =	sst s0;
	s0 =	simm.s32 @!p2 $0x0  }
0x16: {  	s3 =	sld [smem:$0x3FDB];
	s0 =	simm.s32 @p2 $0x1  }
0x17: {  	s4 =	simm.s32 $0x1BF5;
	[smem:$0x3FAC] =	sst s0  }
0x18: {  	s0 =	sld [smem:$0x3F8F];
	_ =	swait.ge [sflag:s4], $0x0  }
0x19: {  	s7 =	sld [smem:$0x3F90]  }
0x1a: {  	s8 =	sadd.s32 $0xFFFFE003, lr  }
0x1b: {  	s9 =	sadd.s32 $0xFFFFFEF7, lr;
	s5 =	simm.s32 $0xFFFFFFFF;
	p2 =	slt.u32 s8, $0xFFFFF086  }
0x1c: {  	p1 =	slt.u32 s9, $0xF7A;
	s5 =	simm.s32 @!p2 $0x0  }
0x1d: {  	s5 =	simm.s32 @p1 $0x1;
	p0 =	seq.s32 s7, s2  }
0x1e: {  	s7 =	smul.u32 @!p0 $0xF7A, s2;
	p2 =	seq.s32 @!p0 s5, $0x0  }
0x1f: {  	s9 =	smul.u32 $0xF7A, s1;
	s8 =	simm.s32 @!p0 $0x1BF5;
	p2 =	por !p2, p0  }
0x20: {  	[sflag:s8] =	ssyncset.s32 @!p0 $0xFFFFF086;
	s6 =	sadd.s32 @!p0 s3, s7;
	s7 =	simm.s32 @!p0 $0x108  }
0x21: {  	s3 =	sadd.s32 s3, s9;
	s6 =	sadd.s32 @!p0 $0x88, s6;
	s7 =	simm.s32 @p2 $0x1082  }
0x22: {  	[simem:s7], [sflag:s8] =	dma.local @!p0 [hbm:s6], $0xF7A  }
0x23: {  	s9 =	sor.u32 $0xD0000000, s2;
	s6 =	simm.s32 $0x108;
	_ =	swait.ge @!p0 [sflag:s8], $0x0  }
0x24: {  	s3 =	sadd.s32 $0x88, s3;
	s6 =	simm.s32 @!p1 $0x1082;
	[sflag:s4] =	ssyncset.s32 $0xFFFFF086  }
0x25: {  	[simem:s6], [sflag:s4] =	dma.local [hbm:s3], $0xF7A  }
0x26: {  	[smem:$0x3F90] =	sst s1;
	(tag) =	ssettag s2;
	_ =	strace s9  }
0x27: {  	s1 =	sld [smem:$0x3FA0]  }
0x28: {  	s2 =	sld [smem:$0x3FA1]  }
0x29: {  	s4 =	sld [smem:$0x3FA3]  }
0x2a: {  	p0 =	seq.s32 s5, $0x0;
	s5 =	sld [smem:$0x3FA4]  }
0x2b: {  	s6 =	sld [smem:$0x3FA5]  }
0x2c: {  	s7 =	sld [smem:$0x3FA6]  }
0x2d: {  	s3 =	simm.s32 $0x108;
	s8 =	sld [smem:$0x3FA7]  }
0x2e: {  	s3 =	simm.s32 @!p0 $0x1082;
	s9 =	sld [smem:$0x3FA8]  }
0x2f: {  	lr =	sadd.s32 s0, s3;
	s0 =	sld [smem:$0x3F9F]  }
0x30: {  	s3 =	sld [smem:$0x3FA2]  }
0x31: {  	[smem:$0x3FAB] =	sst s10  }
0x32: {  	s10 =	sld [smem:$0x3FA9];
	_ =	sdelay $0x3  }
0x33: {  	p0 =	seq.s32 s10, $0x1;
	s10 =	sld [smem:$0x3FAB];
	_ =	sdelay $0x3  }
0x34: {  	[smem:$0x3FAB] =	sst s10  }
0x35: {  	s10 =	sld [smem:$0x3FAA];
	_ =	sdelay $0x3  }
0x36: {  	p1 =	seq.s32 s10, $0x1;
	s10 =	sld [smem:$0x3FAB];
	_ =	sdelay $0x3  }
0x37: {  	[smem:$0x3FAB] =	sst s10  }
0x38: {  	s10 =	sld [smem:$0x3FAC]  }
0x39: {  	_ = 	snop;
	(pc) =	sbr.ind lr, $3  }
0x3a: {  	_ = 	snop  }
0x3b: {  	_ = 	snop  }
0x3c: {  	p2 =	seq.s32 s10, $0x1;
	s10 =	sld [smem:$0x3FAB]  }
0x3d: {  	_ =	shalt  }
0x3e: {  	_ =	shalt  }
0x3f: {  	_ =	shalt  }
0x40: {  	_ =	shalt  }
0x41: {  	_ =	shalt  }
0x42: {  	_ =	shalt  }
0x43: {  	_ =	shalt  }
0x44: {  	_ =	shalt  }
0x45: {  	_ =	shalt  }
0x46: {  	_ =	shalt  }
0x47: {  	_ =	shalt  }
0x48: {  	_ =	shalt  }
0x49: {  	_ =	shalt  }
0x4a: {  	_ =	shalt  }
0x4b: {  	_ =	shalt  }
0x4c: {  	_ =	shalt  }
0x4d: {  	_ =	shalt  }
0x4e: {  	_ =	shalt  }
0x4f: {  	_ =	shalt  }
0x50: {  	_ =	shalt  }
0x51: {  	_ =	shalt  }
0x52: {  	_ =	shalt  }
0x53: {  	_ =	shalt  }
0x54: {  	_ =	shalt  }
0x55: {  	_ =	shalt  }
0x56: {  	_ =	shalt  }
0x57: {  	_ =	shalt  }
0x58: {  	_ =	shalt  }
0x59: {  	_ =	shalt  }
0x5a: {  	_ =	shalt  }
0x5b: {  	_ =	shalt  }
0x5c: {  	_ =	shalt  }
0x5d: {  	_ =	shalt  }
0x5e: {  	_ =	shalt  }
0x5f: {  	_ =	shalt  }
0x60: {  	_ =	shalt  }
0x61: {  	_ =	shalt  }
0x62: {  	_ =	shalt  }
0x63: {  	_ =	shalt  }
0x64: {  	_ =	shalt  }
0x65: {  	_ =	shalt  }
0x66: {  	_ =	shalt  }
0x67: {  	_ =	shalt  }
0x68: {  	_ =	shalt  }
0x69: {  	_ =	shalt  }
0x6a: {  	_ =	shalt  }
0x6b: {  	_ =	shalt  }
0x6c: {  	_ =	shalt  }
0x6d: {  	_ =	shalt  }
0x6e: {  	_ =	shalt  }
0x6f: {  	_ =	shalt  }
0x70: {  	_ =	shalt  }
0x71: {  	_ =	shalt  }
0x72: {  	_ =	shalt  }
0x73: {  	_ =	shalt  }
0x74: {  	_ =	shalt  }
0x75: {  	_ =	shalt  }
0x76: {  	_ =	shalt  }
0x77: {  	_ =	shalt  }
0x78: {  	_ =	shalt  }
0x79: {  	_ =	shalt  }
0x7a: {  	_ =	shalt  }
0x7b: {  	_ =	shalt  }
0x7c: {  	_ =	shalt  }
0x7d: {  	_ =	shalt  }
0x7e: {  	_ =	shalt  }
0x7f: {  	_ =	shalt  }
0x80: {  	_ =	shalt  }
0x81: {  	_ =	shalt  }
0x82: {  	_ =	shalt  }
0x83: {  	_ =	shalt  }
0x84: {  	_ =	shalt  }
0x85: {  	_ =	shalt  }
0x86: {  	_ =	shalt  }
0x87: {  	_ =	shalt  }
.Lfunc_end0:
.L_simem_size_0:
called_computation.7_lowered:
.L_overlay_start_0:
0x88: {  	s2 =	sld [smem:$0x3FD9]  }
0x89: {  	s3 =	sld [smem:$0x3FFE];
	_ =	sdelay $0x1  }
0x8a: {  	s1 =	srdreg.scid  }
0x8b: {  	s0 =	sand.u32 $0x1, s1  }
0x8c: {  	s16 =	sshll.u32 s0, $0xA;
	s2 =	sadd.s32 s3, s2  }
0x8d: {  	s2 =	sadd.s32 s2, s16  }
0x8e: {  	[smem:$0x3FB7] =	sst s2  }
0x8f: {  	_ = 	snop  }
0x90: {  	(tm) =	ssettm $0x1  }
0x91: {  	s17 =	sld [smem:$0x3FFB];
	_ =	sdelay $0x3  }
0x92: {  	_ =	strace s17  }
0x93: {  	s2 =	sld [smem:$0x3FFC];
	_ =	sdelay $0x3  }
0x94: {  	_ =	strace s2  }
0x95: {  	s2 =	sld [smem:$0x3FFD];
	_ =	sdelay $0x3  }
0x96: {  	_ =	strace s2  }
0x97: {  	_ =	strace $0x8FFFFFFF  }
0x98: {  	s18 =	sld [smem:$0x3FDB];
	_ =	sdelay $0x1  }
0x99: {  	s19 =	simm.s32 $_scs_section_size  }
0x9a: {  	s4 =	simm.s32 $_size__tile_overlayer_lowered;
	s5 =	simm.s32 $_tile_overlayer_lowered  }
0x9b: {  	s22 =	simm.s32 $0x1BFF;
	s21 =	sshll.u32 s5, $0x1;
	s2 =	sadd.s32 s19, s18  }
0x9c: {  	s6 =	simm.s32 $0x0;
	s20 =	sshll.u32 s4, $0x1;
	s4 =	sadd.s32 s21, s2  }
0x9d: {  	[timem:s6], [sflag:s22] =	dma.local [hbm:s4], s20  }
0x9e: {  	_ =	swait.ge [sflag:s22], s20  }
0x9f: {  	s3 =	ssub.s32 $0x0, s20;
	[sflag:s22] =	ssyncset.done $0x0  }
0xa0: {  	[sflag:s22] =	ssyncadd.s32 s3;
	_ =	sdelay $0x1  }
0xa1: {  	s23 =	simm.s32 $0x1B8B  }
0xa2: {  	_ =	swait.ge [sflag:s23], $0x1  }
0xa3: {  	[sflag:s23] =	ssyncset.done $0x0  }
0xa4: {  	s25 =	simm.s32 $0x1B8E;
	s24 =	sld [smem:$0x3FFE];
	[sflag:s23] =	ssyncadd.s32 $0xFFFFFFFF  }
0xa5: {  	s26 =	simm.s32 $execute0_lowered;
	[smem:$0x3FD2] =	sst s25  }
0xa6: {  	s4 =	sshll.u32 s26, $0x1;
	_ =	strace $0x8000005B;
	[dreg:$0x1] =	wrdreg $0xFFFFFFFF  }
0xa7: {  	s28 =	simm.s32 $_size_execute0_lowered;
	s2 =	sadd.s32 s2, s4;
	[dreg:$0x0] =	wrdreg $0x0  }
0xa8: {  	s4 =	sshll.u32 s28, $0x1;
	[dreg:$0x2] =	wrdreg s2  }
0xa9: {  	[dreg:$0x3] =	wrdreg s4  }
0xaa: {  	[dreg:$0x4] =	wrdreg $0xC0  }
0xab: {  	_ =	task [dreg:s6], $0x5FFFF  }
0xac: {  	[dreg:$0x1] =	wrdreg $0xFFFFFFFF  }
0xad: {  	[dreg:$0x0] =	wrdreg $0x60  }
0xae: {  	[dreg:$0x2] =	wrdreg s24  }
0xaf: {  	[dreg:$0x3] =	wrdreg $0x66000  }
0xb0: {  	[dreg:$0x4] =	wrdreg $0x9  }
0xb1: {  	_ =	task.clear_ibuf [dreg:s6], $0x5FFFF;
	_ =	strace $0x9000005B  }
0xb2: {  	s29 =	simm.s32 $0x9;
	_ =	strace $0x8000005D  }
0xb3: {  	_ =	swait.ge [sflag:s29], $0x1  }
0xb4: {  	[sflag:s29] =	ssyncadd.s32 $0xFFFFFFFF  }
0xb5: {  	_ =	strace $0x9000005D  }
0xb6: {  	_ =	sfence  }
0xb7: {  	s30 =	sld [smem:$0x0];
	_ =	sdelay $0x2  }
0xb8: {  	s31 =	sshll.u32 s1, $0xD;
	s1 =	sshrl.u32 s1, $0x2  }
0xb9: {  	s3 =	sand.u32 $0x4000, s31;
	s1 =	sadd.s32 s1, s30  }
0xba: {  	s0 =	sor.u32 s3, s0;
	s1 =	sshll.u32 s1, $0x11  }
0xbb: {  	s0 =	sor.u32 s1, s0  }
0xbc: {  	s0 =	sadd.s32 $0x8F2B, s0  }
0xbd: {  	[sflag:s0] =	ssyncadd.remote.s32 $0x1  }
0xbe: {  	_ =	sfence.sel $0xFFFF  }
0xbf: {  	[dreg:$0x0] =	wrdreg $0xFFFFFFFF;
	(pc) =	sbr.abs _section_cstart, $3  }
0xc0: {  	[dreg:$0x1] =	wrdreg $0xFFFFFFFF  }
0xc1: {  	_ =	task.clear_ibuf [dreg:s6], $0x2FFFF;
	_ =	strace $0x9FFFFFFF  }
0xc2: {  	(tm) =	ssettm $0x7FFFFFFF  }
0xc3: {  	_ =	shalt  }
tec
execute0_lowered:
.L_overlay_start_1:
0x0: {  	(tag) =	ssettag $0x1  }
0x1: {  	s0 =	rddreg [dreg:$0x0]  }
0x2: {  	s13 =	rddreg [dreg:$0x1];
	s15 =	simm.s32 $0x0;
	s1 =	srdreg.scid  }
0x3: {  	s14 =	stileid.u32;
	[smem:$0x7FF] =	sst s15;
	s3 =	sadd.s32 $0x18000, s0  }
0x4: {  	s4 =	sadd.s32 $0xE200, s0;
	s1 =	sand.u32 $0x1, s1;
	s5 =	sadd.s32 $0x4400, s0  }
0x5: {  	s7 =	sadd.s32 $0xDDE00, s0;
	s6 =	smul.u32 $0x13800, s14;
	s9 =	sadd.s32 $0x105000, s0  }
0x6: {  	s20 =	smul.u32 $0x4E000, s14;
	s30 =	sadd.s32 $0x138000, s13;
	s11 =	sadd.s32 $0x18100, s0  }
0x7: {  	_ =	strace $0x8000005C;
	s2 =	sshll.u32 s1, $0x4;
	s10 =	ssub.s32 $0x2, s1  }
0x8: {  	s1 =	smul.u32 $0x138800, s1;
	[dreg:$0x5] =	wrdreg s30;
	s2 =	sor.u32 s14, s2  }
0x9: {  	s19 =	sshrl.u32 s10, $0x1;
	s12 =	sadd.s32 $0x12C00, s6;
	s8 =	smul.u32 $0x2710, s2  }
0xa: {  	s2 =	ssub.s32 s10, s19;
	s16 =	sadd.s32 s12, s13;
	s21 =	sadd.s32 s1, s12  }
0xb: {  	s10 =	sshrl.u32 s20, $0x2;
	s24 =	smax.u32 s2, $0x1;
	[dreg:$0x4] =	wrdreg s16  }
0xc: {  	s0 =	sshrl.u32 s21, $0x3;
	s31 =	sadd.s32 s10, s13;
	[dreg:$0x9] =	wrdreg s24  }
0xd: {  	s0 =	sadd.s32 s9, s0;
	[dreg:$0x7] =	wrdreg s31  }
0xe: {  	s25 =	sadd.s32 $0x1400, s31;
	[dreg:$0x6] =	wrdreg s0  }
0xf: {  	s26 =	sadd.s32 $0x2800, s31;
	[dreg:$0xa] =	wrdreg s25  }
0x10: {  	s28 =	simm.s32 $0x1;
	s2 =	sadd.s32 $0x3C00, s31;
	[dreg:$0xb] =	wrdreg s26  }
0x11: {  	s29 =	simm.s32 $0x28;
	s10 =	sadd.s32 $0x5000, s31;
	[dreg:$0xc] =	wrdreg s2  }
0x12: {  	p0 =	sne.s32 s14, $0x0;
	s12 =	sadd.s32 $0x6400, s31;
	[dreg:$0xd] =	wrdreg s10  }
0x13: {  	s14 =	simm.s32 $0x100;
	s13 =	sadd.s32 $0x7800, s31;
	[dreg:$0xe] =	wrdreg s12  }
0x14: {  	s22 =	sshrl.u32 s1, $0x3;
	s18 =	sadd.s32 $0x8C00, s31;
	[dreg:$0xf] =	wrdreg s13  }
0x15: {  	s17 =	sadd.s32 s6, s1;
	s19 =	sadd.s32 $0xA000, s31;
	[dreg:$0x10] =	wrdreg s18  }
0x16: {  	s6 =	simm.s32 $0x2;
	s20 =	sadd.s32 $0xB400, s31;
	[dreg:$0x11] =	wrdreg s19  }
0x17: {  	s23 =	sadd.s32 s9, s22;
	s21 =	sadd.s32 $0xC800, s31;
	[dreg:$0x12] =	wrdreg s20  }
0x18: {  	s22 =	sadd.s32 $0xDC00, s31;
	s0 =	sadd.s32 $0x27000, s23;
	[dreg:$0x13] =	wrdreg s21  }
0x19: {  	[dreg:$0x14] =	wrdreg s22;
	s23 =	sadd.s32 $0xF000, s31;
	s25 =	sadd.s32 $0x10400, s31  }
0x1a: {  	s26 =	sadd.s32 $0x11800, s31;
	s12 =	simm.s32 $0x80;
	[dreg:$0x8] =	wrdreg s0  }
0x1b: {  	s18 =	simm.s32 $0x1200;
	s19 =	simm.s32 $0x1A00;
	[dreg:$0x15] =	wrdreg s23  }
0x1c: {  	s20 =	simm.s32 $0x2200;
	s21 =	simm.s32 $0x2A00;
	[dreg:$0x16] =	wrdreg s25  }
0x1d: {  	v3 =	vlaneseq.u32;
	s22 =	simm.s32 $0x3200;
	s0 =	sshrl.u32 s17, $0x3;
	[dreg:$0x17] =	wrdreg s26  }
0x1e: {  	v0 =	vimm.f32 $0.0e+00;
	vm0 =	vmmov $0xffff;
	v2 =	vshrl.u32 v3, $0x3;
	s17 =	simm.s32 $0xA00;
	s23 =	simm.s32 $0x3A00;
	s25 =	simm.s32 $0x4200  }
0x1f: {  	v1 =	vand.u32 $0x7, v3;
	v3 =	vor.u32 $0x8, v3;
	v2 =	vmul.u32 $0x8, v2;
	s26 =	simm.s32 $0x4A00;
	s24 =	sadd.s32 s0, s9;
	s0 =	simm.s32 $0x5200  }
.LBB2_1:
0x20: {  	[dreg:$0x3] =	wrdreg s15;
	s2 =	simm.s32 $0x0;
	s9 =	simm.s32 $0x200  }
.LBB2_2:
0x21: {  	p1 =	sne.s32 s9, $0x4E00;
	[tilespmem:s2+$0x5270] =	vst v0  }
0x22: {  	[tilespmem:s2+$0x5200] =	vst v0  }
0x23: {  	[tilespmem:s2+$0x5210] =	vst v0  }
.Ltmp0:
0x24: {  	[tilespmem:s2+$0x5220] =	vst v0;
	(pc) =	sbr.rel @p1 .LBB2_2-.Ltmp0, $4  }
0x25: {  	[tilespmem:s2+$0x5230] =	vst v0  }
0x26: {  	[tilespmem:s2+$0x5240] =	vst v0  }
0x27: {  	[tilespmem:s2+$0x5250] =	vst v0  }
0x28: {  	[tilespmem:s2+$0x5260] =	vst v0;
	s2 =	sshra.s32 s9, $0x2;
	s9 =	sadd.s32 $0x200, s9  }
0x29: {  	[tilespmem:s2+$0x5270] =	vst v0  }
0x2a: {  	[tilespmem:s2+$0x5200] =	vst v0  }
0x2b: {  	[tilespmem:s2+$0x5210] =	vst v0  }
0x2c: {  	[tilespmem:s2+$0x5220] =	vst v0  }
0x2d: {  	[tilespmem:s2+$0x5230] =	vst v0  }
0x2e: {  	[tilespmem:s2+$0x5240] =	vst v0  }
0x2f: {  	[tilespmem:s2+$0x5250] =	vst v0  }
0x30: {  	[tilespmem:s2+$0x5260] =	vst v0  }
0x31: {  	[spmem:s31] =	stream.linear.scatter [tilespmem:s0], [sflag:$0x2], $0x1400, $0x38;
	[tilespmem:$0x19E80] =	vst v63  }
0x32: {  	_ =	swait.ge [sflag:s6], $0x1400  }
0x33: {  	[sflag:s6] =	ssyncset.done $0x0  }
0x34: {  	s1 =	rddreg [dreg:$0xa];
	[sflag:s6] =	ssyncadd.s32 $0xFFFFEC00  }
0x35: {  	[spmem:s1] =	stream.linear.scatter [tilespmem:s0], [sflag:$0x2], $0x1400, $0x38;
	[tilespmem:$0x19E80] =	vst v63  }
0x36: {  	_ =	swait.ge [sflag:s6], $0x1400  }
0x37: {  	[sflag:s6] =	ssyncset.done $0x0  }
0x38: {  	s10 =	rddreg [dreg:$0xb];
	[sflag:s6] =	ssyncadd.s32 $0xFFFFEC00  }
0x39: {  	[spmem:s10] =	stream.linear.scatter [tilespmem:s0], [sflag:$0x2], $0x1400, $0x38;
	[tilespmem:$0x19E80] =	vst v63  }
0x3a: {  	_ =	swait.ge [sflag:s6], $0x1400  }
0x3b: {  	[sflag:s6] =	ssyncset.done $0x0  }
0x3c: {  	s13 =	rddreg [dreg:$0xc];
	[sflag:s6] =	ssyncadd.s32 $0xFFFFEC00  }
0x3d: {  	[spmem:s13] =	stream.linear.scatter [tilespmem:s0], [sflag:$0x2], $0x1400, $0x38;
	[tilespmem:$0x19E80] =	vst v63  }
0x3e: {  	_ =	swait.ge [sflag:s6], $0x1400  }
0x3f: {  	[sflag:s6] =	ssyncset.done $0x0  }
0x40: {  	s15 =	rddreg [dreg:$0xd];
	[sflag:s6] =	ssyncadd.s32 $0xFFFFEC00  }
0x41: {  	[spmem:s15] =	stream.linear.scatter [tilespmem:s0], [sflag:$0x2], $0x1400, $0x38;
	[tilespmem:$0x19E80] =	vst v63  }
0x42: {  	_ =	swait.ge [sflag:s6], $0x1400  }
0x43: {  	[sflag:s6] =	ssyncset.done $0x0  }
0x44: {  	s2 =	rddreg [dreg:$0xe];
	[sflag:s6] =	ssyncadd.s32 $0xFFFFEC00  }
0x45: {  	[spmem:s2] =	stream.linear.scatter [tilespmem:s0], [sflag:$0x2], $0x1400, $0x38;
	[tilespmem:$0x19E80] =	vst v63  }
0x46: {  	_ =	swait.ge [sflag:s6], $0x1400  }
0x47: {  	[sflag:s6] =	ssyncset.done $0x0  }
0x48: {  	s9 =	rddreg [dreg:$0xf];
	[sflag:s6] =	ssyncadd.s32 $0xFFFFEC00  }
0x49: {  	[spmem:s9] =	stream.linear.scatter [tilespmem:s0], [sflag:$0x2], $0x1400, $0x38;
	[tilespmem:$0x19E80] =	vst v63  }
0x4a: {  	_ =	swait.ge [sflag:s6], $0x1400  }
0x4b: {  	[sflag:s6] =	ssyncset.done $0x0  }
0x4c: {  	s10 =	rddreg [dreg:$0x10];
	[sflag:s6] =	ssyncadd.s32 $0xFFFFEC00  }
0x4d: {  	[spmem:s10] =	stream.linear.scatter [tilespmem:s0], [sflag:$0x2], $0x1400, $0x38;
	[tilespmem:$0x19E80] =	vst v63  }
0x4e: {  	_ =	swait.ge [sflag:s6], $0x1400  }
0x4f: {  	[sflag:s6] =	ssyncset.done $0x0  }
0x50: {  	s13 =	rddreg [dreg:$0x11];
	[sflag:s6] =	ssyncadd.s32 $0xFFFFEC00  }
0x51: {  	[spmem:s13] =	stream.linear.scatter [tilespmem:s0], [sflag:$0x2], $0x1400, $0x38;
	[tilespmem:$0x19E80] =	vst v63  }
0x52: {  	_ =	swait.ge [sflag:s6], $0x1400  }
0x53: {  	[sflag:s6] =	ssyncset.done $0x0  }
0x54: {  	s15 =	rddreg [dreg:$0x12];
	[sflag:s6] =	ssyncadd.s32 $0xFFFFEC00  }
0x55: {  	[spmem:s15] =	stream.linear.scatter [tilespmem:s0], [sflag:$0x2], $0x1400, $0x38;
	[tilespmem:$0x19E80] =	vst v63  }
0x56: {  	_ =	swait.ge [sflag:s6], $0x1400  }
0x57: {  	[sflag:s6] =	ssyncset.done $0x0  }
0x58: {  	s2 =	rddreg [dreg:$0x13];
	[sflag:s6] =	ssyncadd.s32 $0xFFFFEC00  }
0x59: {  	[spmem:s2] =	stream.linear.scatter [tilespmem:s0], [sflag:$0x2], $0x1400, $0x38;
	[tilespmem:$0x19E80] =	vst v63  }
0x5a: {  	_ =	swait.ge [sflag:s6], $0x1400  }
0x5b: {  	[sflag:s6] =	ssyncset.done $0x0  }
0x5c: {  	s9 =	rddreg [dreg:$0x14];
	[sflag:s6] =	ssyncadd.s32 $0xFFFFEC00  }
0x5d: {  	[spmem:s9] =	stream.linear.scatter [tilespmem:s0], [sflag:$0x2], $0x1400, $0x38;
	[tilespmem:$0x19E80] =	vst v63  }
0x5e: {  	_ =	swait.ge [sflag:s6], $0x1400  }
0x5f: {  	[sflag:s6] =	ssyncset.done $0x0  }
0x60: {  	s10 =	rddreg [dreg:$0x15];
	[sflag:s6] =	ssyncadd.s32 $0xFFFFEC00  }
0x61: {  	[spmem:s10] =	stream.linear.scatter [tilespmem:s0], [sflag:$0x2], $0x1400, $0x38;
	[tilespmem:$0x19E80] =	vst v63  }
0x62: {  	_ =	swait.ge [sflag:s6], $0x1400  }
0x63: {  	[sflag:s6] =	ssyncset.done $0x0  }
0x64: {  	s13 =	rddreg [dreg:$0x16];
	[sflag:s6] =	ssyncadd.s32 $0xFFFFEC00  }
0x65: {  	[spmem:s13] =	stream.linear.scatter [tilespmem:s0], [sflag:$0x2], $0x1400, $0x38;
	[tilespmem:$0x19E80] =	vst v63  }
0x66: {  	_ =	swait.ge [sflag:s6], $0x1400  }
0x67: {  	[sflag:s6] =	ssyncset.done $0x0  }
0x68: {  	s15 =	rddreg [dreg:$0x17];
	[sflag:s6] =	ssyncadd.s32 $0xFFFFEC00  }
0x69: {  	[spmem:s15] =	stream.linear.scatter [tilespmem:s0], [sflag:$0x2], $0x1400, $0x38;
	[tilespmem:$0x19E80] =	vst v63  }
0x6a: {  	_ =	swait.ge [sflag:s6], $0x1400  }
0x6b: {  	[sflag:s6] =	ssyncset.done $0x0  }
0x6c: {  	[sflag:s6] =	ssyncadd.s32 $0xFFFFEC00  }
0x6d: {  	[spmem:s16] =	stream.linear.scatter [tilespmem:s0], [sflag:$0x2], $0xC00, $0x38;
	[tilespmem:$0x19E80] =	vst v63  }
0x6e: {  	_ =	swait.ge [sflag:s6], $0xC00  }
0x6f: {  	[sflag:s6] =	ssyncset.done $0x0  }
0x70: {  	s1 =	simm.s32 @!p0 $0x5200;
	[sflag:s6] =	ssyncadd.s32 $0xFFFFF400  }
0x71: {  	[spmem:s30] =	stream.linear.scatter @!p0 [tilespmem:s1], [sflag:$0x2], $0x800, $0x38;
	[tilespmem:$0x19E80] =	vst v63  }
0x72: {  	s1 =	simm.s32 @!p0 $0x2  }
0x73: {  	_ =	swait.ge @!p0 [sflag:s1], $0x800  }
0x74: {  	[sflag:s1] =	ssyncset.done @!p0 $0x0  }
0x75: {  	[sflag:s1] =	ssyncadd.s32 @!p0 $0xFFFFF800  }
0x76: {  	s31 =	simm.s32 $0x0;
	s30 =	simm.s32 $0x0;
	[bflag:$0x0] =	sbarrier.arrive $0xFFFF  }
.LBB2_4:
0x77: {  	s1 =	smul.u32 $0x28, s31;
	_ =	sdelay $0x1  }
0x78: {  	s1 =	sadd.s32 s8, s1  }
0x79: {  	s2 =	sshrl.u32 s1, $0x3  }
0x7a: {  	s9 =	sadd.s32 s4, s2  }
0x7b: {  	[tilespmem:s30], [sflag:$0x2] =	stream.linear.gather [hbm4b:s9+s30], $0x28, $0x38;
	[tilespmem:$0x19E80] =	vst v63  }
0x7c: {  	_ =	swait.ge [sflag:s6], $0x28  }
0x7d: {  	[sflag:s6] =	ssyncset.done $0x0  }
0x7e: {  	s2 =	sadd.s32 s5, s2;
	[sflag:s6] =	ssyncadd.s32 $0xFFFFFFD8  }
0x7f: {  	[tilespmem:s12], [sflag:$0x2] =	stream.linear.gather [hbm4b:s2+s30], $0x28, $0x38;
	[tilespmem:$0x19E80] =	vst v63  }
0x80: {  	_ =	swait.ge [sflag:s6], $0x28  }
0x81: {  	s1 =	sshrl.u32 s1, $0x1;
	[sflag:s6] =	ssyncset.done $0x0  }
0x82: {  	s1 =	sadd.s32 s7, s1;
	[sflag:s6] =	ssyncadd.s32 $0xFFFFFFD8  }
0x83: {  	[tilespmem:s14], [sflag:$0x2] =	stream.linear.gather [hbm4b:s1+s30], $0xA0, $0x38;
	[tilespmem:$0x19E80] =	vst v63  }
0x84: {  	_ =	swait.ge [sflag:s6], $0xA0  }
0x85: {  	[sflag:s6] =	ssyncset.done $0x0  }
0x86: {  	[sflag:s6] =	ssyncadd.s32 $0xFFFFFF60  }
0x87: {  	v4 =	vld [tilespmem:$0x0];
	_ =	sdelay $0x4  }
0x88: {  	v5 =	vshll.u32 v4, $0x2  }
0x89: {  	v4 =	vand.u32 $0x7, v4;
	v5 =	vand.u32 $0xFFFFFFE0, v5  }
0x8a: {  	v4 =	vor.u32 v4, v5  }
0x8b: {  	v5 =	vperm.xlane v4, v1;
	_ =	sdelay $0x1  }
0x8c: {  	v5 =	vadd.s32 v2, v5;
	_ =	sdelay $0x1  }
0x8d: {  	v4 =	vperm.xlane v4, v3;
	_ =	sdelay $0x1  }
0x8e: {  	s16 =	simm.s32 $0x200;
	v4 =	vadd.s32 v2, v4  }
0x8f: {  	[tilespmem:s16], [sflag:$0x1] =	stream.indirect_vreg.gather [hbm4b:s3+s30], $0x80, v5, vm0, $0xb8;
	[tilespmem:$0x19E80] =	vst v63  }
0x90: {  	_ = 	snop  }
0x91: {  	[tilespmem:s17], [sflag:$0x1] =	stream.indirect_vreg.gather [hbm4b:s11+s30], $0x80, v5, vm0, $0xb8;
	[tilespmem:$0x19E80] =	vst v63  }
0x92: {  	_ = 	snop  }
0x93: {  	[tilespmem:s18], [sflag:$0x1] =	stream.indirect_vreg.gather [hbm4b:s3+s30], $0x80, v4, vm0, $0xb8;
	[tilespmem:$0x19E80] =	vst v63  }
0x94: {  	_ = 	snop  }
0x95: {  	[tilespmem:s19], [sflag:$0x1] =	stream.indirect_vreg.gather [hbm4b:s11+s30], $0x80, v4, vm0, $0xb8;
	[tilespmem:$0x19E80] =	vst v63  }
0x96: {  	v4 =	vld [tilespmem:$0x10];
	_ =	sdelay $0x4  }
0x97: {  	v5 =	vshll.u32 v4, $0x2  }
0x98: {  	v4 =	vand.u32 $0x7, v4;
	v5 =	vand.u32 $0xFFFFFFE0, v5  }
0x99: {  	v4 =	vor.u32 v4, v5  }
0x9a: {  	v5 =	vperm.xlane v4, v1;
	_ =	sdelay $0x1  }
0x9b: {  	v5 =	vadd.s32 v2, v5;
	_ =	sdelay $0x1  }
0x9c: {  	v4 =	vperm.xlane v4, v3;
	_ =	sdelay $0x1  }
0x9d: {  	v4 =	vadd.s32 v2, v4  }
0x9e: {  	[tilespmem:s20], [sflag:$0x1] =	stream.indirect_vreg.gather [hbm4b:s3+s30], $0x80, v5, vm0, $0xb8;
	[tilespmem:$0x19E80] =	vst v63  }
0x9f: {  	_ = 	snop  }
0xa0: {  	[tilespmem:s21], [sflag:$0x1] =	stream.indirect_vreg.gather [hbm4b:s11+s30], $0x80, v5, vm0, $0xb8;
	[tilespmem:$0x19E80] =	vst v63  }
0xa1: {  	_ = 	snop  }
0xa2: {  	[tilespmem:s22], [sflag:$0x1] =	stream.indirect_vreg.gather [hbm4b:s3+s30], $0x80, v4, vm0, $0xb8;
	[tilespmem:$0x19E80] =	vst v63  }
0xa3: {  	_ = 	snop  }
0xa4: {  	[tilespmem:s23], [sflag:$0x1] =	stream.indirect_vreg.gather [hbm4b:s11+s30], $0x80, v4, vm0, $0xb8;
	[tilespmem:$0x19E80] =	vst v63  }
0xa5: {  	v4 =	vld.msk [tilespmem:$0x20], $0xff;
	_ =	sdelay $0x4  }
0xa6: {  	v5 =	vshll.u32 v4, $0x2  }
0xa7: {  	v4 =	vand.u32 $0x7, v4;
	v5 =	vand.u32 $0xFFFFFFE0, v5  }
0xa8: {  	v4 =	vor.u32 v4, v5  }
0xa9: {  	v4 =	vperm.xlane v4, v1;
	_ =	sdelay $0x1  }
0xaa: {  	v4 =	vadd.s32 v2, v4;
	_ =	sdelay $0x2  }
0xab: {  	s2 =	simm.s32 $0x0  }
0xac: {  	s9 =	simm.s32 $0x1;
	v5 =	vmov s2  }
0xad: {  	v6 =	vmov s9;
	v5 =	vand.u32 $0xFFFFFFFC, v5;
	[tilespmem:s25], [sflag:$0x1] =	stream.indirect_vreg.gather [hbm4b:s3+s30], $0x80, v4, vm0, $0xb8;
	[tilespmem:$0x19E80] =	vst v63  }
0xae: {  	s10 =	simm.s32 $0x2;
	v6 =	vand.u32 $0xFFFFFFFD, v6;
	v5 =	vbroadcast v5, $0x0  }
0xaf: {  	v7 =	vbroadcast v6, $0x0;
	[tilespmem:s26], [sflag:$0x1] =	stream.indirect_vreg.gather [hbm4b:s11+s30], $0x80, v4, vm0, $0xb8;
	[tilespmem:$0x19E80] =	vst v63  }
0xb0: {  	v4 =	vmov s10;
	_ =	swait.ge [sflag:s28], $0x5000  }
0xb1: {  	s13 =	sand.u32 $0x7000, s30;
	s15 =	sand.u32 $0x380, s30;
	v4 =	vand.u32 $0xFFFFFFFE, v4;
	[sflag:s28] =	ssyncset.done $0x0  }
0xb2: {  	s2 =	sor.u32 s15, s13;
	v4 =	vbroadcast v4, $0x0;
	[sflag:s28] =	ssyncadd.s32 $0xFFFFB000  }
0xb3: {  	s16 =	simm.s32 $0x3;
	v8 =	vld [tilespmem:s2+$0x200]  }
0xb4: {  	v9 =	vmov s16;
	v6 =	vld.idx.msk [tilespmem:v5+s14+$0x0], $0xffff  }
0xb5: {  	v5 =	vld.idx.msk [tilespmem:v7+s14+$0x0], $0xffff  }
0xb6: {  	v10 =	vld [tilespmem:s2+$0x600]  }
0xb7: {  	v11 =	vld [tilespmem:s2+$0xA00]  }
0xb8: {  	v7 =	vld.idx.msk [tilespmem:v4+s14+$0x0], $0xffff  }
0xb9: {  	v4 =	vld.idx.msk [tilespmem:v9+s14+$0x0], $0xffff  }
0xba: {  	v9 =	vld [tilespmem:s2+$0xE00]  }
0xbb: {  	v8 =	vmul.f32 v8, v6;
	v10 =	vmul.f32 v10, v5;
	_ =	sdelay $0x1  }
0xbc: {  	v8 =	vadd.f32 v10, v8;
	v10 =	vmul.f32 v11, v7;
	_ =	sdelay $0x1  }
0xbd: {  	v9 =	vmul.f32 v9, v4;
	v8 =	vadd.f32 v10, v8;
	_ =	sdelay $0x1  }
0xbe: {  	v8 =	vadd.f32 v9, v8  }
0xbf: {  	s9 =	simm.s32 $0x0  }
0xc0: {  	[tilespmem:s9+$0x5200] =	vst v8  }
0xc1: {  	v8 =	vld [tilespmem:s2+$0x210]  }
0xc2: {  	v9 =	vld [tilespmem:s2+$0x610];
	_ =	sdelay $0x1  }
0xc3: {  	v10 =	vld [tilespmem:s2+$0xA10];
	_ =	sdelay $0x1  }
0xc4: {  	v11 =	vld [tilespmem:s2+$0xE10]  }
0xc5: {  	v8 =	vmul.f32 v8, v6;
	v9 =	vmul.f32 v9, v5;
	_ =	sdelay $0x1  }
0xc6: {  	v8 =	vadd.f32 v9, v8;
	v9 =	vmul.f32 v10, v7;
	_ =	sdelay $0x1  }
0xc7: {  	v8 =	vadd.f32 v9, v8;
	v9 =	vmul.f32 v11, v4;
	_ =	sdelay $0x1  }
0xc8: {  	v8 =	vadd.f32 v9, v8;
	_ =	sdelay $0x1  }
0xc9: {  	[tilespmem:s9+$0x5210] =	vst v8  }
0xca: {  	v8 =	vld [tilespmem:s2+$0x220]  }
0xcb: {  	v9 =	vld [tilespmem:s2+$0x620];
	_ =	sdelay $0x1  }
0xcc: {  	v10 =	vld [tilespmem:s2+$0xA20];
	_ =	sdelay $0x1  }
0xcd: {  	v11 =	vld [tilespmem:s2+$0xE20]  }
0xce: {  	v8 =	vmul.f32 v8, v6;
	v9 =	vmul.f32 v9, v5;
	_ =	sdelay $0x1  }
0xcf: {  	v8 =	vadd.f32 v9, v8;
	v9 =	vmul.f32 v10, v7;
	_ =	sdelay $0x1  }
0xd0: {  	v8 =	vadd.f32 v9, v8;
	v9 =	vmul.f32 v11, v4;
	_ =	sdelay $0x1  }
0xd1: {  	v8 =	vadd.f32 v9, v8;
	_ =	sdelay $0x1  }
0xd2: {  	[tilespmem:s9+$0x5220] =	vst v8  }
0xd3: {  	v8 =	vld [tilespmem:s2+$0x630]  }
0xd4: {  	v9 =	vld [tilespmem:s2+$0x230];
	_ =	sdelay $0x1  }
0xd5: {  	v10 =	vld [tilespmem:s2+$0xA30];
	_ =	sdelay $0x1  }
0xd6: {  	v11 =	vld [tilespmem:s2+$0xE30]  }
0xd7: {  	v8 =	vmul.f32 v8, v5;
	v9 =	vmul.f32 v9, v6;
	_ =	sdelay $0x1  }
0xd8: {  	v8 =	vadd.f32 v8, v9;
	v9 =	vmul.f32 v10, v7;
	_ =	sdelay $0x1  }
0xd9: {  	v8 =	vadd.f32 v9, v8;
	v9 =	vmul.f32 v11, v4;
	_ =	sdelay $0x1  }
0xda: {  	v8 =	vadd.f32 v9, v8;
	_ =	sdelay $0x1  }
0xdb: {  	[tilespmem:s9+$0x5230] =	vst v8  }
0xdc: {  	v8 =	vld [tilespmem:s2+$0x240]  }
0xdd: {  	v9 =	vld [tilespmem:s2+$0x640];
	_ =	sdelay $0x1  }
0xde: {  	v10 =	vld [tilespmem:s2+$0xA40];
	_ =	sdelay $0x1  }
0xdf: {  	v11 =	vld [tilespmem:s2+$0xE40]  }
0xe0: {  	v8 =	vmul.f32 v8, v6;
	v9 =	vmul.f32 v9, v5;
	_ =	sdelay $0x1  }
0xe1: {  	v8 =	vadd.f32 v9, v8;
	v9 =	vmul.f32 v10, v7;
	_ =	sdelay $0x1  }
0xe2: {  	v8 =	vadd.f32 v9, v8;
	v9 =	vmul.f32 v11, v4;
	_ =	sdelay $0x1  }
0xe3: {  	v8 =	vadd.f32 v9, v8;
	_ =	sdelay $0x1  }
0xe4: {  	[tilespmem:s9+$0x5240] =	vst v8  }
0xe5: {  	v8 =	vld [tilespmem:s2+$0x250]  }
0xe6: {  	v9 =	vld [tilespmem:s2+$0x650];
	_ =	sdelay $0x1  }
0xe7: {  	v10 =	vld [tilespmem:s2+$0xA50];
	_ =	sdelay $0x1  }
0xe8: {  	v11 =	vld [tilespmem:s2+$0xE50]  }
0xe9: {  	v8 =	vmul.f32 v8, v6;
	v9 =	vmul.f32 v9, v5;
	_ =	sdelay $0x1  }
0xea: {  	v10 =	vmul.f32 v10, v7;
	v8 =	vadd.f32 v9, v8;
	_ =	sdelay $0x1  }
0xeb: {  	v9 =	vmul.f32 v11, v4;
	v8 =	vadd.f32 v10, v8;
	_ =	sdelay $0x1  }
0xec: {  	v8 =	vadd.f32 v9, v8;
	_ =	sdelay $0x1  }
0xed: {  	[tilespmem:s9+$0x5250] =	vst v8  }
0xee: {  	v8 =	vld [tilespmem:s2+$0x660]  }
0xef: {  	v9 =	vld [tilespmem:s2+$0x260];
	_ =	sdelay $0x1  }
0xf0: {  	v10 =	vld [tilespmem:s2+$0xA60];
	_ =	sdelay $0x1  }
0xf1: {  	v11 =	vld [tilespmem:s2+$0xE60]  }
0xf2: {  	v8 =	vmul.f32 v8, v5;
	v9 =	vmul.f32 v9, v6;
	_ =	sdelay $0x1  }
0xf3: {  	v10 =	vmul.f32 v10, v7;
	v8 =	vadd.f32 v8, v9;
	_ =	sdelay $0x1  }
0xf4: {  	v9 =	vmul.f32 v11, v4;
	v8 =	vadd.f32 v10, v8;
	_ =	sdelay $0x1  }
0xf5: {  	v8 =	vadd.f32 v9, v8;
	_ =	sdelay $0x1  }
0xf6: {  	[tilespmem:s9+$0x5260] =	vst v8  }
0xf7: {  	v11 =	vld [tilespmem:s2+$0x270]  }
0xf8: {  	v10 =	vld [tilespmem:s2+$0x670]  }
0xf9: {  	v9 =	vld [tilespmem:s2+$0xA70]  }
0xfa: {  	s16 =	simm.s32 $0x0;
	s13 =	simm.s32 $0x7;
	s10 =	simm.s32 $0x80;
	v8 =	vld [tilespmem:s2+$0xE70]  }
.LBB2_5:
0xfb: {  	s2 =	sadd.s32 $0xFFFFFFFF, s13  }
0xfc: {  	s16 =	sadd.s32 $0x200, s16;
	s15 =	smov.u32 s13;
	s1 =	sadd.s32 $0x4, s13  }
0xfd: {  	p1 =	sne.s32 s13, $0x9F;
	v12 =	vmov s2;
	v6 =	vmul.f32 v11, v6  }
0xfe: {  	s2 =	sadd.s32 $0xFFFFFFFD, s15;
	s13 =	sadd.s32 $0xFFFFFFFE, s15;
	v11 =	vand.u32 $0xFFFFFFFE, v12;
	v5 =	vmul.f32 v10, v5  }
0xff: {  	v10 =	vmov s2;
	v12 =	vmov s13;
	v7 =	vmul.f32 v9, v7  }
0x100: {  	v9 =	vand.u32 $0xFFFFFFFC, v10;
	v10 =	vand.u32 $0xFFFFFFFD, v12;
	v5 =	vadd.f32 v5, v6  }
0x101: {  	v6 =	vbroadcast v9, $0x0;
	v9 =	vbroadcast v10, $0x0  }
0x102: {  	v4 =	vmul.f32 v8, v4;
	v5 =	vadd.f32 v7, v5;
	_ =	sdelay $0x1  }
0x103: {  	v4 =	vadd.f32 v4, v5  }
0x104: {  	s2 =	sand.u32 $0x7000, s16;
	s13 =	sand.u32 $0x380, s10;
	v7 =	vbroadcast v11, $0x0  }
0x105: {  	s2 =	sor.u32 s13, s2;
	[tilespmem:s9+$0x5270] =	vst v4  }
0x106: {  	v8 =	vld [tilespmem:s2+$0x200]  }
0x107: {  	v4 =	vmov s15;
	v6 =	vld.idx.msk [tilespmem:v6+s14+$0x0], $0xffff  }
0x108: {  	v5 =	vld.idx.msk [tilespmem:v9+s14+$0x0], $0xffff  }
0x109: {  	v9 =	vld [tilespmem:s2+$0x600]  }
0x10a: {  	v7 =	vld.idx.msk [tilespmem:v7+s14+$0x0], $0xffff  }
0x10b: {  	v10 =	vld [tilespmem:s2+$0xA00]  }
0x10c: {  	v4 =	vld.idx.msk [tilespmem:v4+s14+$0x0], $0xffff  }
0x10d: {  	v8 =	vmul.f32 v8, v6;
	v11 =	vld [tilespmem:s2+$0xE00]  }
0x10e: {  	v9 =	vmul.f32 v9, v5;
	_ =	sdelay $0x1  }
0x10f: {  	v8 =	vadd.f32 v9, v8;
	v9 =	vmul.f32 v10, v7;
	_ =	sdelay $0x1  }
0x110: {  	v8 =	vadd.f32 v9, v8;
	v9 =	vmul.f32 v11, v4;
	_ =	sdelay $0x1  }
0x111: {  	v8 =	vadd.f32 v9, v8  }
0x112: {  	s9 =	sshra.s32 s16, $0x2  }
0x113: {  	[tilespmem:s9+$0x5200] =	vst v8  }
0x114: {  	v8 =	vld [tilespmem:s2+$0x210]  }
0x115: {  	v9 =	vld [tilespmem:s2+$0x610];
	_ =	sdelay $0x1  }
0x116: {  	v10 =	vld [tilespmem:s2+$0xA10];
	_ =	sdelay $0x1  }
0x117: {  	v8 =	vmul.f32 v8, v6;
	v11 =	vld [tilespmem:s2+$0xE10]  }
0x118: {  	v9 =	vmul.f32 v9, v5;
	_ =	sdelay $0x1  }
0x119: {  	v8 =	vadd.f32 v9, v8;
	v9 =	vmul.f32 v10, v7;
	_ =	sdelay $0x1  }
0x11a: {  	v8 =	vadd.f32 v9, v8;
	v9 =	vmul.f32 v11, v4;
	_ =	sdelay $0x1  }
0x11b: {  	v8 =	vadd.f32 v9, v8;
	_ =	sdelay $0x1  }
0x11c: {  	[tilespmem:s9+$0x5210] =	vst v8  }
0x11d: {  	v8 =	vld [tilespmem:s2+$0x220]  }
0x11e: {  	v9 =	vld [tilespmem:s2+$0x620];
	_ =	sdelay $0x1  }
0x11f: {  	v10 =	vld [tilespmem:s2+$0xA20];
	_ =	sdelay $0x1  }
0x120: {  	v8 =	vmul.f32 v8, v6;
	v11 =	vld [tilespmem:s2+$0xE20]  }
0x121: {  	v9 =	vmul.f32 v9, v5;
	_ =	sdelay $0x1  }
0x122: {  	v8 =	vadd.f32 v9, v8;
	v9 =	vmul.f32 v10, v7;
	_ =	sdelay $0x1  }
0x123: {  	v8 =	vadd.f32 v9, v8;
	v9 =	vmul.f32 v11, v4;
	_ =	sdelay $0x1  }
0x124: {  	v8 =	vadd.f32 v9, v8;
	_ =	sdelay $0x1  }
0x125: {  	[tilespmem:s9+$0x5220] =	vst v8  }
0x126: {  	v8 =	vld [tilespmem:s2+$0x630]  }
0x127: {  	v9 =	vld [tilespmem:s2+$0x230];
	_ =	sdelay $0x1  }
0x128: {  	v10 =	vld [tilespmem:s2+$0xA30];
	_ =	sdelay $0x1  }
0x129: {  	v8 =	vmul.f32 v8, v5;
	v11 =	vld [tilespmem:s2+$0xE30]  }
0x12a: {  	v9 =	vmul.f32 v9, v6;
	_ =	sdelay $0x1  }
0x12b: {  	v8 =	vadd.f32 v8, v9;
	v9 =	vmul.f32 v10, v7;
	_ =	sdelay $0x1  }
0x12c: {  	v8 =	vadd.f32 v9, v8;
	v9 =	vmul.f32 v11, v4;
	_ =	sdelay $0x1  }
0x12d: {  	v8 =	vadd.f32 v9, v8;
	_ =	sdelay $0x1  }
0x12e: {  	[tilespmem:s9+$0x5230] =	vst v8  }
0x12f: {  	v8 =	vld [tilespmem:s2+$0x240]  }
0x130: {  	v9 =	vld [tilespmem:s2+$0x640]  }
0x131: {  	v10 =	vld [tilespmem:s2+$0xA40];
	_ =	sdelay $0x2  }
0x132: {  	v8 =	vmul.f32 v8, v6;
	v11 =	vld [tilespmem:s2+$0xE40]  }
0x133: {  	v9 =	vmul.f32 v9, v5;
	_ =	sdelay $0x1  }
0x134: {  	v8 =	vadd.f32 v9, v8;
	v9 =	vmul.f32 v10, v7;
	_ =	sdelay $0x1  }
0x135: {  	v8 =	vadd.f32 v9, v8;
	v9 =	vmul.f32 v11, v4;
	_ =	sdelay $0x1  }
0x136: {  	v8 =	vadd.f32 v9, v8;
	_ =	sdelay $0x1  }
0x137: {  	[tilespmem:s9+$0x5240] =	vst v8  }
0x138: {  	v8 =	vld [tilespmem:s2+$0x250]  }
0x139: {  	v9 =	vld [tilespmem:s2+$0x650]  }
0x13a: {  	v10 =	vld [tilespmem:s2+$0xA50]  }
0x13b: {  	v11 =	vld [tilespmem:s2+$0xE50];
	_ =	sdelay $0x1  }
0x13c: {  	v8 =	vmul.f32 v8, v6  }
0x13d: {  	v9 =	vmul.f32 v9, v5  }
0x13e: {  	v10 =	vmul.f32 v10, v7  }
0x13f: {  	v8 =	vadd.f32 v9, v8;
	_ =	sdelay $0x1  }
0x140: {  	v9 =	vmul.f32 v11, v4;
	v8 =	vadd.f32 v10, v8;
	_ =	sdelay $0x1  }
0x141: {  	v8 =	vadd.f32 v9, v8;
	_ =	sdelay $0x1  }
0x142: {  	[tilespmem:s9+$0x5250] =	vst v8  }
0x143: {  	v8 =	vld [tilespmem:s2+$0x660]  }
0x144: {  	v9 =	vld [tilespmem:s2+$0xA60]  }
0x145: {  	v10 =	vld [tilespmem:s2+$0x260]  }
0x146: {  	v11 =	vld [tilespmem:s2+$0xE60];
	_ =	sdelay $0x1  }
0x147: {  	v8 =	vmul.f32 v8, v5  }
0x148: {  	v9 =	vmul.f32 v9, v7  }
0x149: {  	v10 =	vmul.f32 v10, v6  }
0x14a: {  	v11 =	vmul.f32 v11, v4  }
0x14b: {  	v8 =	vadd.f32 v8, v10;
	_ =	sdelay $0x1  }
0x14c: {  	v8 =	vadd.f32 v9, v8;
	_ =	sdelay $0x1  }
0x14d: {  	v8 =	vadd.f32 v11, v8;
	_ =	sdelay $0x1  }
.Ltmp1:
0x14e: {  	[tilespmem:s9+$0x5260] =	vst v8;
	(pc) =	sbr.rel @p1 .LBB2_5-.Ltmp1, $4  }
0x14f: {  	v11 =	vld [tilespmem:s2+$0x270]  }
0x150: {  	v10 =	vld [tilespmem:s2+$0x670]  }
0x151: {  	v9 =	vld [tilespmem:s2+$0xA70]  }
0x152: {  	s10 =	sadd.s32 $0x80, s10;
	s13 =	smov.u32 s1;
	v8 =	vld [tilespmem:s2+$0xE70]  }
0x153: {  	_ =	sdelay $0x1  }
0x154: {  	v6 =	vmul.f32 v11, v6;
	v5 =	vmul.f32 v10, v5;
	_ =	sdelay $0x1  }
0x155: {  	v7 =	vmul.f32 v9, v7;
	v5 =	vadd.f32 v5, v6;
	_ =	sdelay $0x1  }
0x156: {  	v4 =	vmul.f32 v8, v4;
	v5 =	vadd.f32 v7, v5;
	_ =	sdelay $0x1  }
0x157: {  	s31 =	sadd.s32 $0x1, s31;
	v4 =	vadd.f32 v4, v5  }
0x158: {  	p1 =	sne.s32 s31, $0xFA  }
.Ltmp2:
0x159: {  	s1 =	rddreg [dreg:$0x1];
	[tilespmem:s9+$0x5270] =	vst v4;
	(pc) =	sbr.rel @p1 .LBB2_4-.Ltmp2, $4  }
0x15a: {  	[spmem:s1] =	stream.indirect.scatter.add.f32 [tilespmem:s0], [sflag:$0x2], $0x80, s12, s29, $0xb8;
	[tilespmem:$0x19E80] =	vst v63  }
0x15b: {  	_ =	swait.ge [sflag:s6], $0x1400  }
0x15c: {  	[sflag:s6] =	ssyncset.done $0x0  }
0x15d: {  	[sflag:s6] =	ssyncadd.s32 $0xFFFFEC00  }
0x15e: {  	[bflag:$0x0] =	sbarrier.arrive $0xFFFF;
	s1 =	stileid.u32  }
0x15f: {  	s1 =	sshll.u32 s1, $0x6;
	s31 =	rddreg [dreg:$0x7]  }
0x160: {  	s9 =	sadd.s32 $0x0, s24;
	s2 =	sor.u32 $0x1C02, s1;
	s30 =	sshrl.u32 s31, $0x3  }
0x161: {  	[hbm:s9], [sflag:s2] =	dma.local [spmem:s30], $0x280  }
0x162: {  	_ =	swait.ge [sflag:s6], $0x280  }
0x163: {  	s9 =	simm.s32 $0x280;
	s10 =	rddreg [dreg:$0xa]  }
.LBB2_8:
0x164: {  	s1 =	sadd.s32 s9, s24;
	[sflag:s6] =	ssyncset.done $0x0;
	p1 =	sne.s32 s9, $0x2300  }
.Ltmp3:
0x165: {  	s13 =	sshrl.u32 s10, $0x3;
	[sflag:s6] =	ssyncadd.s32 $0xFFFFFD80;
	(pc) =	sbr.rel @p1 .LBB2_8-.Ltmp3, $3  }
0x166: {  	[hbm:s1], [sflag:s2] =	dma.local [spmem:s13], $0x280  }
0x167: {  	s9 =	sadd.s32 $0x280, s9;
	_ =	sdelay $0x1  }
0x168: {  	s10 =	sadd.s32 $0x1400, s10;
	_ =	swait.ge [sflag:s6], $0x280  }
0x169: {  	[sflag:s6] =	ssyncset.done $0x0;
	s16 =	rddreg [dreg:$0x4]  }
0x16a: {  	s9 =	rddreg [dreg:$0x6];
	[sflag:s6] =	ssyncadd.s32 $0xFFFFFD80;
	s1 =	sshrl.u32 s16, $0x3  }
0x16b: {  	[hbm:s9], [sflag:s2] =	dma.local [spmem:s1], $0x180  }
0x16c: {  	_ =	swait.ge [sflag:s6], $0x180  }
0x16d: {  	[sflag:s6] =	ssyncset.done $0x0;
	s30 =	rddreg [dreg:$0x5]  }
0x16e: {  	s9 =	rddreg [dreg:$0x8];
	[sflag:s6] =	ssyncadd.s32 $0xFFFFFE80;
	s1 =	sshrl.u32 @!p0 s30, $0x3  }
0x16f: {  	[hbm:s9], [sflag:s2] =	dma.local @!p0 [spmem:s1], $0x100  }
0x170: {  	s1 =	simm.s32 @!p0 $0x2  }
0x171: {  	_ =	swait.ge @!p0 [sflag:s1], $0x100  }
0x172: {  	s15 =	rddreg [dreg:$0x3]  }
0x173: {  	s13 =	rddreg [dreg:$0x9];
	s15 =	sadd.s32 $0x1, s15  }
0x174: {  	p1 =	sne.s32 s15, s13  }
.Ltmp4:
0x175: {  	_ = 	snop;
	(pc) =	sbr.rel @p1 .LBB2_1-.Ltmp4, $3  }
0x176: {  	_ =	sdelay $0x1  }
0x177: {  	[sflag:s1] =	ssyncset.done @!p0 $0x0  }
0x178: {  	[sflag:s1] =	ssyncadd.s32 @!p0 $0xFFFFFF00  }
0x179: {  	_ =	sfence.sel $0x180000  }
0x17a: {  	[bflag:$0x0] =	sbarrier.arrive $0xFFFF  }
0x17b: {  	_ =	strace $0x9000005C  }
0x17c: {  	[bflag:$0x2] =	sbarrier.arrive $0xFFFF  }
0x17d: {  	s0 =	rddreg [dreg:$0x2]  }
0x17e: {  	s0 =	sadd.s32 @!p0 $0x100000, s0  }
0x17f: {  	[sflag:s0] =	ssyncadd.tile.s32 @!p0 $0x1;
	_ =	shalt  }
.Lfunc_end2:
_tile_overlayer_lowered:
.L_overlay_start_2:
0x180: {  	(tag) =	ssettag $0x2  }
0x181: {  	s0 =	rddreg [dreg:$0x0];
	s2 =	stileid.u32  }
0x182: {  	s1 =	rddreg [dreg:$0x1];
	p0 =	sne.s32 s2, $0x0  }
0x183: {  	s3 =	rddreg [dreg:$0x2];
	[bflag:$0x3] =	sbarrier.arrive $0xFFFF;
	s2 =	simm.s32 @!p0 $0x1C02  }
0x184: {  	[timem:s3], [sflag:s2] =	dma.local @!p0 [hbm:s0], s1  }
0x185: {  	s0 =	simm.s32 @!p0 $0x2  }
0x186: {  	_ =	swait.ge @!p0 [sflag:s0], s1  }
0x187: {  	s1 =	ssub.s32 @!p0 $0x0, s1;
	[sflag:s0] =	ssyncset.done @!p0 $0x0  }
0x188: {  	[sflag:s0] =	ssyncadd.s32 @!p0 s1  }
0x189: {  	[bflag:$0x3] =	sbarrier.arrive $0xFFFF  }
0x18a: {  	_ =	shalt  }

</sc_bundles>
